<compile_context>
chip_gen: v7x
topology: tpu7x:2x2x1
jax: 0.10.2.dev20260603
libtpu: 0.0.44.dev20260713+nightly
codegen_flags: <defaults>
</compile_context>

<pallas_src>
import functools

import jax
import jax.numpy as jnp
from jax import lax
from jax.experimental import pallas as pl
from jax.experimental.pallas import tpu as pltpu
from jax.experimental.pallas import tpu_sc as plsc

N = 10000
D = 128
E = 320000
NPAD = 10240
NSUB = 16
NCORE = 2
NW = NCORE * NSUB
CK = 128
CH = 80
SGC = 16
EP = NW * CH * CK
RPS = NPAD // NSUB
WCH = 128

_mesh = plsc.VectorSubcoreMesh(core_axis_name="c", subcore_axis_name="s")


@functools.partial(
    pl.kernel,
    out_type=jax.ShapeDtypeStruct((NCORE, NPAD, D), jnp.float32),
    mesh=_mesh,
    scratch_types=[
        pltpu.VMEM((SGC, CK), jnp.int32),
        pltpu.VMEM((CK, D), jnp.float32),
        pltpu.VMEM_SHARED((NPAD, D), jnp.float32),
    ],
)
def _deg_kernel(dst_hbm, deg_hbm, dst_v, buf_v, deg_sh):
    c = lax.axis_index("c")
    s = lax.axis_index("s")
    w = c * NSUB + s

    def _zero(i, carry):
        buf_v[i // 8, pl.ds((i % 8) * 16, 16)] = jnp.zeros((16,), jnp.float32)
        return carry

    lax.fori_loop(0, WCH * 8, _zero, 0)

    def _init(k, carry):
        pltpu.sync_copy(buf_v.at[pl.ds(0, WCH)],
                        deg_sh.at[pl.ds(s * RPS + k * WCH, WCH)])
        return carry

    lax.fori_loop(0, RPS // WCH, _init, 0)

    def _ones(i, carry):
        buf_v[i // 8, pl.ds((i % 8) * 16, 16)] = jnp.full((16,), 1.0, jnp.float32)
        return carry

    lax.fori_loop(0, CK * 8, _ones, 0)
    plsc.subcore_barrier()

    def _sg(g, carry):
        pltpu.sync_copy(dst_hbm.at[pl.ds(w * CH + g * SGC, SGC)], dst_v)
        for j in range(SGC):
            pltpu.sync_copy(buf_v, deg_sh.at[dst_v.at[j]], add=True)
        return carry

    lax.fori_loop(0, CH // SGC, _sg, 0)
    plsc.subcore_barrier()

    def _wout(k, carry):
        pltpu.sync_copy(deg_sh.at[pl.ds(s * RPS + k * WCH, WCH)],
                        buf_v.at[pl.ds(0, WCH)])
        pltpu.sync_copy(buf_v.at[pl.ds(0, WCH)],
                        deg_hbm.at[c, pl.ds(s * RPS + k * WCH, WCH)])
        return carry

    lax.fori_loop(0, RPS // WCH, _wout, 0)


@functools.partial(
    pl.kernel,
    out_type=jax.ShapeDtypeStruct((NCORE, NPAD, D), jnp.float32),
    mesh=_mesh,
    scratch_types=[
        pltpu.VMEM((SGC, CK), jnp.int32),
        pltpu.VMEM((SGC, CK), jnp.int32),
        pltpu.VMEM((CK, D), jnp.float32),
        pltpu.VMEM((CK, D), jnp.float32),
        pltpu.VMEM_SHARED((NPAD, D), jnp.float32),
        pltpu.SemaphoreType.DMA,
        pltpu.SemaphoreType.DMA,
        pltpu.SemaphoreType.DMA,
        pltpu.SemaphoreType.DMA,
    ],
)
def _agg_kernel(src_hbm, dst_hbm, xs_hbm, out_hbm,
                src_v, dst_v, rows0, rows1, acc_sh, sem0, sem1, sem2, sem3):
    c = lax.axis_index("c")
    s = lax.axis_index("s")
    w = c * NSUB + s

    def _zero(i, carry):
        rows0[i // 8, pl.ds((i % 8) * 16, 16)] = jnp.zeros((16,), jnp.float32)
        return carry

    lax.fori_loop(0, CK * 8, _zero, 0)

    def _init(k, carry):
        pltpu.sync_copy(rows0, acc_sh.at[pl.ds(s * RPS + k * CK, CK)])
        return carry

    lax.fori_loop(0, RPS // CK, _init, 0)
    plsc.subcore_barrier()

    def _sg(g, carry):
        base = w * CH + g * SGC
        pltpu.sync_copy(src_hbm.at[pl.ds(base, SGC)], src_v)
        pltpu.sync_copy(dst_hbm.at[pl.ds(base, SGC)], dst_v)
        rbuf = (rows0, rows1)
        gsem = (sem0, sem1)
        ssem = (sem2, sem3)
        gd = [pltpu.async_copy(xs_hbm.at[src_v.at[0]], rows0, sem0), None]
        sd = [None, None]
        for j in range(SGC):
            b = j % 2
            o = 1 - b
            if j + 1 < SGC:
                if sd[o] is not None:
                    sd[o].wait()
                    sd[o] = None
                gd[o] = pltpu.async_copy(
                    xs_hbm.at[src_v.at[j + 1]], rbuf[o], gsem[o])
            gd[b].wait()
            sd[b] = pltpu.async_copy(
                rbuf[b], acc_sh.at[dst_v.at[j]], ssem[b], add=True)
        for b in range(2):
            if sd[b] is not None:
                sd[b].wait()
        return carry

    lax.fori_loop(0, CH // SGC, _sg, 0)
    plsc.subcore_barrier()

    def _wout(k, carry):
        pltpu.sync_copy(acc_sh.at[pl.ds(s * RPS + k * CK, CK)], rows0)
        pltpu.sync_copy(rows0, out_hbm.at[c, pl.ds(s * RPS + k * CK, CK)])
        return carry

    lax.fori_loop(0, RPS // CK, _wout, 0)


BLK = 512
GRID = NPAD // BLK

_deg_spec = pl.BlockSpec((NCORE, BLK, D), lambda i: (0, i, 0))
_row_spec = pl.BlockSpec((BLK, D), lambda i: (i, 0))
_par_spec = pl.BlockSpec((NCORE, BLK, D), lambda i: (0, i, 0))
_mat_spec = pl.BlockSpec((D, D), lambda i: (0, 0))
_vec_spec = pl.BlockSpec((1, D), lambda i: (0, 0))
_row_out = jax.ShapeDtypeStruct((NPAD, D), jnp.float32)


def _dinv(deg_ref):
    deg = deg_ref[0, :, 0:1] + deg_ref[1, :, 0:1] + 1.0
    return lax.rsqrt(deg)


def _xs1_body(deg_ref, x_ref, w_ref, o_ref):
    o_ref[...] = _dinv(deg_ref) * jnp.dot(
        x_ref[...], w_ref[...], preferred_element_type=jnp.float32)


_xs1_call = pl.pallas_call(
    _xs1_body,
    grid=(GRID,),
    in_specs=[_deg_spec, _row_spec, _mat_spec],
    out_specs=_row_spec,
    out_shape=_row_out,
)


def _mid_body(deg_ref, p_ref, xs1_ref, w_ref, b_ref, o_ref):
    dinv = _dinv(deg_ref)
    agg = p_ref[0] + p_ref[1] + xs1_ref[...]
    h = jnp.maximum(dinv * agg + b_ref[...], 0.0)
    o_ref[...] = dinv * jnp.dot(h, w_ref[...],
                                preferred_element_type=jnp.float32)


_mid_call = pl.pallas_call(
    _mid_body,
    grid=(GRID,),
    in_specs=[_deg_spec, _par_spec, _row_spec, _mat_spec, _vec_spec],
    out_specs=_row_spec,
    out_shape=_row_out,
)


def _fin_body(deg_ref, q_ref, xs2_ref, b_ref, o_ref):
    dinv = _dinv(deg_ref)
    o_ref[...] = dinv * (q_ref[0] + q_ref[1] + xs2_ref[...]) + b_ref[...]


_fin_call = pl.pallas_call(
    _fin_body,
    grid=(GRID,),
    in_specs=[_deg_spec, _par_spec, _row_spec, _vec_spec],
    out_specs=_row_spec,
    out_shape=_row_out,
)


def kernel(x, edge_index, W1, b1, W2, b2):
    src = edge_index[0]
    dst = edge_index[1]
    pad = EP - E
    srcb = jnp.concatenate(
        [src, jnp.full((pad,), N, jnp.int32)]).reshape(NW * CH, CK)
    dstb = jnp.concatenate(
        [dst, jnp.full((pad,), N, jnp.int32)]).reshape(NW * CH, CK)
    xp = jnp.pad(x, ((0, NPAD - N), (0, 0)))

    degp = _deg_kernel(dstb)
    xs1 = _xs1_call(degp, xp, W1)
    p = _agg_kernel(srcb, dstb, xs1)
    xs2 = _mid_call(degp, p, xs1, W2, b1.reshape(1, D))
    q = _agg_kernel(srcb, dstb, xs2)
    out = _fin_call(degp, q, xs2, b2.reshape(1, D))
    return out[:N]

# --- scband reference (transcript-rebuilt; emitter-appended) ---
"""Pipeline reference for scband-net-67027259622057 (READ-ONLY COPY).

The authoritative reference and input builder live on the scoring server;
editing this copy changes nothing except your own understanding.
"""

import jax, jax.numpy as jnp
import numpy as np

N = 10000
E = 320000
D_IN = 128
D_HID = 128
D_OUT = 128


def setup_inputs(seed: int = 0) -> dict:
    key = jax.random.key(seed)
    k1, k2, k3, k4, k5, k6 = jax.random.split(key, 6)
    x = jax.random.normal(k1, (N, D_IN), dtype=jnp.float32)
    edge_index = jax.random.randint(k2, (2, E), 0, N, dtype=jnp.int32)
    W1 = jax.random.normal(k3, (D_IN, D_HID), dtype=jnp.float32) * (1.0 / np.sqrt(D_IN))
    b1 = jnp.zeros((D_HID,), dtype=jnp.float32)
    W2 = jax.random.normal(k4, (D_HID, D_OUT), dtype=jnp.float32) * (1.0 / np.sqrt(D_HID))
    b2 = jnp.zeros((D_OUT,), dtype=jnp.float32)
    return {"x": x, "edge_index": edge_index, "W1": W1, "b1": b1, "W2": W2, "b2": b2}


def gcn_conv(x, edge_index, W, b):
    # PyG GCNConv: linear transform, add self-loops, symmetric normalization, scatter-add, bias
    n = x.shape[0]
    x = x @ W
    loop = jnp.arange(n, dtype=edge_index.dtype)
    src = jnp.concatenate([edge_index[0], loop])
    dst = jnp.concatenate([edge_index[1], loop])
    deg = jnp.zeros((n,), dtype=x.dtype).at[dst].add(1.0)
    dinv = jnp.where(deg > 0, 1.0 / jnp.sqrt(deg), 0.0)
    norm = dinv[src] * dinv[dst]
    msgs = x[src] * norm[:, None]
    out = jax.ops.segment_sum(msgs, dst, num_segments=n)
    return out + b


def reference(x, edge_index, W1, b1, W2, b2):
    h = jax.nn.relu(gcn_conv(x, edge_index, W1, b1))
    out = gcn_conv(h, edge_index, W2, b2)
    return out

if __name__ == "__main__":
    import jax
    _d = setup_inputs()
    print(jax.jit(kernel)(*tuple(_d.values())))

</pallas_src>

<mosaic_0001>
#map = affine_map<(d0, d1) -> (0, 0)>
#map1 = affine_map<(d0, d1) -> (0, 0, 0)>
module attributes {stable_mosaic.version = 14 : i64} {
  func.func @_deg_kernel(%arg0: i32, %arg1: i32, %arg2: memref<2560x128xi32, #tpu.memory_space<hbm>>, %arg3: memref<2x10240x128xf32, #tpu.memory_space<hbm>>, %arg4: memref<16x128xi32, #tpu.memory_space<vmem>>, %arg5: memref<128x128xf32, #tpu.memory_space<vmem>>, %arg6: memref<10240x128xf32, #tpu.memory_space<vmem_shared>>) attributes {dimension_semantics = [#tpu.dimension_semantics<core_parallel>, #tpu.dimension_semantics<subcore_parallel>], iteration_bounds = array<i64: 2, 16>, scalar_prefetch = 0 : i64, scratch_operands = 3 : i64, tpu.core_type = #tpu.core_type<sc_vector_subcore>, window_params = [{transform_indices = #map}, {transform_indices = #map1}]} {
    %mul3A = arith.constant 16 : i32
    %mul3A_0 = arith.muli %arg0, %mul3A : i32
    %add3A = arith.addi %mul3A_0, %arg1 : i32
    %scan3A = arith.constant 0 : i32
    %scan3A_1 = arith.constant 0 : i32
    %scan3A_2 = arith.constant 1024 : i32
    %scan3A_3 = arith.addi %scan3A_1, %scan3A_2 : i32
    %scan3A_4 = arith.constant 1 : i32
    scf.for %scan3A_31 = %scan3A_1 to %scan3A_3 step %scan3A_4  : i32 {
      %broadcast_in_dim3A = arith.constant 0.000000e+00 : f32
      %broadcast_in_dim3A_32 = vector.broadcast %broadcast_in_dim3A : f32 to vector<16xf32>
      %jit3A = arith.constant 8 : i32
      %div3A = arith.divsi %scan3A_31, %jit3A : i32
      %sign3A = arith.constant 0 : i32
      %sign3A_33 = arith.cmpi sgt, %scan3A_31, %sign3A : i32
      %sign3A_34 = arith.extui %sign3A_33 : i1 to i32
      %sign3A_35 = arith.constant 0 : i32
      %sign3A_36 = arith.cmpi slt, %scan3A_31, %sign3A_35 : i32
      %sign3A_37 = arith.extui %sign3A_36 : i1 to i32
      %sign3A_38 = arith.subi %sign3A_34, %sign3A_37 : i32
      %sign3A_39 = arith.constant 0 : i32
      %sign3A_40 = arith.cmpi sgt, %jit3A, %sign3A_39 : i32
      %sign3A_41 = arith.extui %sign3A_40 : i1 to i32
      %sign3A_42 = arith.constant 0 : i32
      %sign3A_43 = arith.cmpi slt, %jit3A, %sign3A_42 : i32
      %sign3A_44 = arith.extui %sign3A_43 : i1 to i32
      %sign3A_45 = arith.subi %sign3A_41, %sign3A_44 : i32
      %ne3A = arith.cmpi ne, %sign3A_38, %sign3A_45 : i32
      %rem3A = arith.remsi %scan3A_31, %jit3A : i32
      %ne3A_46 = arith.constant 0 : i32
      %ne3A_47 = arith.cmpi ne, %rem3A, %ne3A_46 : i32
      %and3A = arith.andi %ne3A, %ne3A_47 : i1
      %sub3A = arith.constant 1 : i32
      %sub3A_48 = arith.subi %div3A, %sub3A : i32
      %select_n3A = arith.select %and3A, %sub3A_48, %div3A : i32
      %jit3A_49 = arith.constant 8 : i32
      %eq3A = arith.constant 0 : i32
      %eq3A_50 = arith.cmpi eq, %jit3A_49, %eq3A : i32
      %jit3A_51 = arith.constant 1 : i32
      %select_n3A_52 = arith.select %eq3A_50, %jit3A_51, %jit3A_49 : i32
      %rem3A_53 = arith.remsi %scan3A_31, %select_n3A_52 : i32
      %ne3A_54 = arith.constant 0 : i32
      %ne3A_55 = arith.cmpi ne, %rem3A_53, %ne3A_54 : i32
      %lt3A = arith.constant 0 : i32
      %lt3A_56 = arith.cmpi slt, %rem3A_53, %lt3A : i32
      %lt3A_57 = arith.constant 0 : i32
      %lt3A_58 = arith.cmpi slt, %select_n3A_52, %lt3A_57 : i32
      %ne3A_59 = arith.xori %lt3A_56, %lt3A_58 : i1
      %and3A_60 = arith.andi %ne3A_59, %ne3A_55 : i1
      %add3A_61 = arith.addi %rem3A_53, %select_n3A_52 : i32
      %select_n3A_62 = arith.select %and3A_60, %add3A_61, %rem3A_53 : i32
      %mul3A_63 = arith.constant 16 : i32
      %mul3A_64 = arith.muli %select_n3A_62, %mul3A_63 : i32
      %swap3A = arith.index_cast %select_n3A : i32 to index
      %swap3A_65 = arith.index_cast %mul3A_64 : i32 to index
      %swap3A_66 = tpu.vector_load %arg5[%swap3A, %swap3A_65] {strides = array<i32>} : memref<128x128xf32, #tpu.memory_space<vmem>>, vector<1x16xf32>,
      %swap3A_67 = vector.shape_cast %swap3A_66 : vector<1x16xf32> to vector<16xf32>
      %swap3A_68 = vector.shape_cast %broadcast_in_dim3A_32 : vector<16xf32> to vector<1x16xf32>
      tpu.vector_store %arg5[%swap3A, %swap3A_65], %swap3A_68 {strides = array<i32>} : memref<128x128xf32, #tpu.memory_space<vmem>>, vector<1x16xf32>,
    }
    %scan3A_5 = arith.constant 1024 : i32
    %scan3A_6 = arith.constant 0 : i32
    %scan3A_7 = arith.constant 0 : i32
    %scan3A_8 = arith.constant 5 : i32
    %scan3A_9 = arith.addi %scan3A_7, %scan3A_8 : i32
    %scan3A_10 = arith.constant 1 : i32
    scf.for %scan3A_31 = %scan3A_7 to %scan3A_9 step %scan3A_10  : i32 {
      %mul3A_32 = arith.constant 640 : i32
      %mul3A_33 = arith.muli %arg1, %mul3A_32 : i32
      %mul3A_34 = arith.constant 128 : i32
      %mul3A_35 = arith.muli %scan3A_31, %mul3A_34 : i32
      %add3A_36 = arith.addi %mul3A_33, %mul3A_35 : i32
      "tpu.region"() ({
        %run_scoped3A = tpu.sem_alloc : memref<!tpu.dma_semaphore, #tpu.memory_space<semaphore_mem>>
        %dma_start3A = arith.constant 0 : i32
        %dma_start3A_37 = arith.constant 0 : i32
        %dma_start3A_38 = tpu.memref_slice %arg5[%dma_start3A, %dma_start3A_37] : memref<128x128xf32, #tpu.memory_space<vmem>> -> memref<128x128xf32, #tpu.memory_space<vmem>>
        %dma_start3A_39 = arith.constant 0 : i32
        %dma_start3A_40 = tpu.memref_slice %arg6[%add3A_36, %dma_start3A_39] : memref<10240x128xf32, #tpu.memory_space<vmem_shared>> -> memref<128x128xf32, #tpu.memory_space<vmem_shared>>
        %dma_start3A_41 = arith.constant 0 : i32
        %dma_start3A_42 = tpu.memref_slice %arg6[%add3A_36, %dma_start3A_41] : memref<10240x128xf32, #tpu.memory_space<vmem_shared>> -> memref<128x128xf32, #tpu.memory_space<vmem_shared>>
        %dma_start3A_43 = arith.constant 0 : i32
        %dma_start3A_44 = arith.constant 0 : i32
        %dma_start3A_45 = tpu.memref_slice %arg5[%dma_start3A_43, %dma_start3A_44] : memref<128x128xf32, #tpu.memory_space<vmem>> -> memref<128x128xf32, #tpu.memory_space<vmem>>
        tpu.enqueue_dma source(%dma_start3A_45 : memref<128x128xf32, #tpu.memory_space<vmem>>) target(%dma_start3A_42 : memref<128x128xf32, #tpu.memory_space<vmem_shared>>) target_semaphore(%run_scoped3A : memref<!tpu.dma_semaphore, #tpu.memory_space<semaphore_mem>>)
        %dma_wait3A = arith.constant 0 : i32
        %dma_wait3A_46 = arith.constant 0 : i32
        %dma_wait3A_47 = tpu.memref_slice %arg5[%dma_wait3A, %dma_wait3A_46] : memref<128x128xf32, #tpu.memory_space<vmem>> -> memref<128x128xf32, #tpu.memory_space<vmem>>
        %dma_wait3A_48 = arith.constant 0 : i32
        %dma_wait3A_49 = tpu.memref_slice %arg6[%add3A_36, %dma_wait3A_48] : memref<10240x128xf32, #tpu.memory_space<vmem_shared>> -> memref<128x128xf32, #tpu.memory_space<vmem_shared>>
        %dma_wait3A_50 = arith.constant 0 : i32
        %dma_wait3A_51 = tpu.memref_slice %arg6[%add3A_36, %dma_wait3A_50] : memref<10240x128xf32, #tpu.memory_space<vmem_shared>> -> memref<128x128xf32, #tpu.memory_space<vmem_shared>>
        %dma_wait3A_52 = arith.constant 0 : i32
        %dma_wait3A_53 = arith.constant 0 : i32
        %dma_wait3A_54 = tpu.memref_slice %arg5[%dma_wait3A_52, %dma_wait3A_53] : memref<128x128xf32, #tpu.memory_space<vmem>> -> memref<128x128xf32, #tpu.memory_space<vmem>>
        tpu.wait_dma2 semaphore(%run_scoped3A : memref<!tpu.dma_semaphore, #tpu.memory_space<semaphore_mem>>) src(%dma_wait3A_54 : memref<128x128xf32, #tpu.memory_space<vmem>>) dst(%dma_wait3A_51 : memref<128x128xf32, #tpu.memory_space<vmem_shared>>)
        tpu.yield
      }) : () -> ()
    }
    %scan3A_11 = arith.constant 5 : i32
    %scan3A_12 = arith.constant 0 : i32
    %scan3A_13 = arith.constant 0 : i32
    %scan3A_14 = arith.constant 1024 : i32
    %scan3A_15 = arith.addi %scan3A_13, %scan3A_14 : i32
    %scan3A_16 = arith.constant 1 : i32
    scf.for %scan3A_31 = %scan3A_13 to %scan3A_15 step %scan3A_16  : i32 {
      %broadcast_in_dim3A = arith.constant 1.000000e+00 : f32
      %broadcast_in_dim3A_32 = vector.broadcast %broadcast_in_dim3A : f32 to vector<16xf32>
      %jit3A = arith.constant 8 : i32
      %div3A = arith.divsi %scan3A_31, %jit3A : i32
      %sign3A = arith.constant 0 : i32
      %sign3A_33 = arith.cmpi sgt, %scan3A_31, %sign3A : i32
      %sign3A_34 = arith.extui %sign3A_33 : i1 to i32
      %sign3A_35 = arith.constant 0 : i32
      %sign3A_36 = arith.cmpi slt, %scan3A_31, %sign3A_35 : i32
      %sign3A_37 = arith.extui %sign3A_36 : i1 to i32
      %sign3A_38 = arith.subi %sign3A_34, %sign3A_37 : i32
      %sign3A_39 = arith.constant 0 : i32
      %sign3A_40 = arith.cmpi sgt, %jit3A, %sign3A_39 : i32
      %sign3A_41 = arith.extui %sign3A_40 : i1 to i32
      %sign3A_42 = arith.constant 0 : i32
      %sign3A_43 = arith.cmpi slt, %jit3A, %sign3A_42 : i32
      %sign3A_44 = arith.extui %sign3A_43 : i1 to i32
      %sign3A_45 = arith.subi %sign3A_41, %sign3A_44 : i32
      %ne3A = arith.cmpi ne, %sign3A_38, %sign3A_45 : i32
      %rem3A = arith.remsi %scan3A_31, %jit3A : i32
      %ne3A_46 = arith.constant 0 : i32
      %ne3A_47 = arith.cmpi ne, %rem3A, %ne3A_46 : i32
      %and3A = arith.andi %ne3A, %ne3A_47 : i1
      %sub3A = arith.constant 1 : i32
      %sub3A_48 = arith.subi %div3A, %sub3A : i32
      %select_n3A = arith.select %and3A, %sub3A_48, %div3A : i32
      %jit3A_49 = arith.constant 8 : i32
      %eq3A = arith.constant 0 : i32
      %eq3A_50 = arith.cmpi eq, %jit3A_49, %eq3A : i32
      %jit3A_51 = arith.constant 1 : i32
      %select_n3A_52 = arith.select %eq3A_50, %jit3A_51, %jit3A_49 : i32
      %rem3A_53 = arith.remsi %scan3A_31, %select_n3A_52 : i32
      %ne3A_54 = arith.constant 0 : i32
      %ne3A_55 = arith.cmpi ne, %rem3A_53, %ne3A_54 : i32
      %lt3A = arith.constant 0 : i32
      %lt3A_56 = arith.cmpi slt, %rem3A_53, %lt3A : i32
      %lt3A_57 = arith.constant 0 : i32
      %lt3A_58 = arith.cmpi slt, %select_n3A_52, %lt3A_57 : i32
      %ne3A_59 = arith.xori %lt3A_56, %lt3A_58 : i1
      %and3A_60 = arith.andi %ne3A_59, %ne3A_55 : i1
      %add3A_61 = arith.addi %rem3A_53, %select_n3A_52 : i32
      %select_n3A_62 = arith.select %and3A_60, %add3A_61, %rem3A_53 : i32
      %mul3A_63 = arith.constant 16 : i32
      %mul3A_64 = arith.muli %select_n3A_62, %mul3A_63 : i32
      %swap3A = arith.index_cast %select_n3A : i32 to index
      %swap3A_65 = arith.index_cast %mul3A_64 : i32 to index
      %swap3A_66 = tpu.vector_load %arg5[%swap3A, %swap3A_65] {strides = array<i32>} : memref<128x128xf32, #tpu.memory_space<vmem>>, vector<1x16xf32>,
      %swap3A_67 = vector.shape_cast %swap3A_66 : vector<1x16xf32> to vector<16xf32>
      %swap3A_68 = vector.shape_cast %broadcast_in_dim3A_32 : vector<16xf32> to vector<1x16xf32>
      tpu.vector_store %arg5[%swap3A, %swap3A_65], %swap3A_68 {strides = array<i32>} : memref<128x128xf32, #tpu.memory_space<vmem>>, vector<1x16xf32>,
    }
    %scan3A_17 = arith.constant 1024 : i32
    %barrier3A = arith.constant 0 : index
    tpu.barrier barrier_id(%barrier3A)
    %scan3A_18 = arith.constant 0 : i32
    %scan3A_19 = arith.constant 0 : i32
    %scan3A_20 = arith.constant 5 : i32
    %scan3A_21 = arith.addi %scan3A_19, %scan3A_20 : i32
    %scan3A_22 = arith.constant 1 : i32
    scf.for %scan3A_31 = %scan3A_19 to %scan3A_21 step %scan3A_22  : i32 {
      %mul3A_32 = arith.constant 80 : i32
      %mul3A_33 = arith.muli %add3A, %mul3A_32 : i32
      %mul3A_34 = arith.constant 16 : i32
      %mul3A_35 = arith.muli %scan3A_31, %mul3A_34 : i32
      %add3A_36 = arith.addi %mul3A_33, %mul3A_35 : i32
      "tpu.region"() ({
        %run_scoped3A_52 = tpu.sem_alloc : memref<!tpu.dma_semaphore, #tpu.memory_space<semaphore_mem>>
        %dma_start3A = arith.constant 0 : i32
        %dma_start3A_53 = tpu.memref_slice %arg2[%add3A_36, %dma_start3A] : memref<2560x128xi32, #tpu.memory_space<hbm>> -> memref<16x128xi32, #tpu.memory_space<hbm>>
        %dma_start3A_54 = arith.constant 0 : i32
        %dma_start3A_55 = tpu.memref_slice %arg2[%add3A_36, %dma_start3A_54] : memref<2560x128xi32, #tpu.memory_space<hbm>> -> memref<16x128xi32, #tpu.memory_space<hbm>>
        tpu.enqueue_dma source(%dma_start3A_55 : memref<16x128xi32, #tpu.memory_space<hbm>>) target(%arg4 : memref<16x128xi32, #tpu.memory_space<vmem>>) target_semaphore(%run_scoped3A_52 : memref<!tpu.dma_semaphore, #tpu.memory_space<semaphore_mem>>)
        %dma_wait3A = arith.constant 0 : i32
        %dma_wait3A_56 = tpu.memref_slice %arg2[%add3A_36, %dma_wait3A] : memref<2560x128xi32, #tpu.memory_space<hbm>> -> memref<16x128xi32, #tpu.memory_space<hbm>>
        %dma_wait3A_57 = arith.constant 0 : i32
        %dma_wait3A_58 = tpu.memref_slice %arg2[%add3A_36, %dma_wait3A_57] : memref<2560x128xi32, #tpu.memory_space<hbm>> -> memref<16x128xi32, #tpu.memory_space<hbm>>
        tpu.wait_dma2 semaphore(%run_scoped3A_52 : memref<!tpu.dma_semaphore, #tpu.memory_space<semaphore_mem>>) src(%dma_wait3A_58 : memref<16x128xi32, #tpu.memory_space<hbm>>) dst(%arg4 : memref<16x128xi32, #tpu.memory_space<vmem>>)
        tpu.yield
      }) : () -> ()
      %run_scoped3A = arith.constant 0 : i32
      "tpu.region"() ({
        %run_scoped3A_52 = tpu.sem_alloc : memref<!tpu.dma_semaphore, #tpu.memory_space<semaphore_mem>>
        %dma_start3A = arith.constant 0 : i32
        %dma_start3A_53 = tpu.memref_slice %arg4[%run_scoped3A, %dma_start3A] : memref<16x128xi32, #tpu.memory_space<vmem>> -> memref<1x128xi32, #tpu.memory_space<vmem>>
        %dma_start3A_54 = tpu.memref_squeeze %dma_start3A_53 : memref<1x128xi32, #tpu.memory_space<vmem>> -> memref<128xi32, #tpu.memory_space<vmem>>
        %dma_start3A_55 = arith.constant 0 : i32
        %dma_start3A_56 = arith.constant 0 : i32
        %dma_start3A_57 = tpu.memref_slice %arg6[%dma_start3A_55, %dma_start3A_56] : memref<10240x128xf32, #tpu.memory_space<vmem_shared>> -> memref<10240x128xf32, #tpu.memory_space<vmem_shared>>
        tpu.enqueue_indirect_dma source(%arg5 : memref<128x128xf32, #tpu.memory_space<vmem>>) target(%dma_start3A_57 : memref<10240x128xf32, #tpu.memory_space<vmem_shared>>) offsets(%dma_start3A_54 : memref<128xi32, #tpu.memory_space<vmem>>) semaphore(%run_scoped3A_52 : memref<!tpu.dma_semaphore, #tpu.memory_space<semaphore_mem>>) {add = true}
        %dma_wait3A = arith.constant 0 : i32
        %dma_wait3A_58 = tpu.memref_slice %arg4[%run_scoped3A, %dma_wait3A] : memref<16x128xi32, #tpu.memory_space<vmem>> -> memref<1x128xi32, #tpu.memory_space<vmem>>
        %dma_wait3A_59 = tpu.memref_squeeze %dma_wait3A_58 : memref<1x128xi32, #tpu.memory_space<vmem>> -> memref<128xi32, #tpu.memory_space<vmem>>
        %dma_wait3A_60 = arith.constant 0 : i32
        %dma_wait3A_61 = arith.constant 0 : i32
        %dma_wait3A_62 = tpu.memref_slice %arg6[%dma_wait3A_60, %dma_wait3A_61] : memref<10240x128xf32, #tpu.memory_space<vmem_shared>> -> memref<10240x128xf32, #tpu.memory_space<vmem_shared>>
        tpu.wait_indirect_dma semaphore(%run_scoped3A_52 : memref<!tpu.dma_semaphore, #tpu.memory_space<semaphore_mem>>) src(%arg5 : memref<128x128xf32, #tpu.memory_space<vmem>>) dst(%dma_wait3A_62 : memref<10240x128xf32, #tpu.memory_space<vmem_shared>>)
        tpu.yield
      }) : () -> ()
      %run_scoped3A_37 = arith.constant 1 : i32
      "tpu.region"() ({
        %run_scoped3A_52 = tpu.sem_alloc : memref<!tpu.dma_semaphore, #tpu.memory_space<semaphore_mem>>
        %dma_start3A = arith.constant 0 : i32
        %dma_start3A_53 = tpu.memref_slice %arg4[%run_scoped3A_37, %dma_start3A] : memref<16x128xi32, #tpu.memory_space<vmem>> -> memref<1x128xi32, #tpu.memory_space<vmem>>
        %dma_start3A_54 = tpu.memref_squeeze %dma_start3A_53 : memref<1x128xi32, #tpu.memory_space<vmem>> -> memref<128xi32, #tpu.memory_space<vmem>>
        %dma_start3A_55 = arith.constant 0 : i32
        %dma_start3A_56 = arith.constant 0 : i32
        %dma_start3A_57 = tpu.memref_slice %arg6[%dma_start3A_55, %dma_start3A_56] : memref<10240x128xf32, #tpu.memory_space<vmem_shared>> -> memref<10240x128xf32, #tpu.memory_space<vmem_shared>>
        tpu.enqueue_indirect_dma source(%arg5 : memref<128x128xf32, #tpu.memory_space<vmem>>) target(%dma_start3A_57 : memref<10240x128xf32, #tpu.memory_space<vmem_shared>>) offsets(%dma_start3A_54 : memref<128xi32, #tpu.memory_space<vmem>>) semaphore(%run_scoped3A_52 : memref<!tpu.dma_semaphore, #tpu.memory_space<semaphore_mem>>) {add = true}
        %dma_wait3A = arith.constant 0 : i32
        %dma_wait3A_58 = tpu.memref_slice %arg4[%run_scoped3A_37, %dma_wait3A] : memref<16x128xi32, #tpu.memory_space<vmem>> -> memref<1x128xi32, #tpu.memory_space<vmem>>
        %dma_wait3A_59 = tpu.memref_squeeze %dma_wait3A_58 : memref<1x128xi32, #tpu.memory_space<vmem>> -> memref<128xi32, #tpu.memory_space<vmem>>
        %dma_wait3A_60 = arith.constant 0 : i32
        %dma_wait3A_61 = arith.constant 0 : i32
        %dma_wait3A_62 = tpu.memref_slice %arg6[%dma_wait3A_60, %dma_wait3A_61] : memref<10240x128xf32, #tpu.memory_space<vmem_shared>> -> memref<10240x128xf32, #tpu.memory_space<vmem_shared>>
        tpu.wait_indirect_dma semaphore(%run_scoped3A_52 : memref<!tpu.dma_semaphore, #tpu.memory_space<semaphore_mem>>) src(%arg5 : memref<128x128xf32, #tpu.memory_space<vmem>>) dst(%dma_wait3A_62 : memref<10240x128xf32, #tpu.memory_space<vmem_shared>>)
        tpu.yield
      }) : () -> ()
      %run_scoped3A_38 = arith.constant 2 : i32
      "tpu.region"() ({
        %run_scoped3A_52 = tpu.sem_alloc : memref<!tpu.dma_semaphore, #tpu.memory_space<semaphore_mem>>
        %dma_start3A = arith.constant 0 : i32
        %dma_start3A_53 = tpu.memref_slice %arg4[%run_scoped3A_38, %dma_start3A] : memref<16x128xi32, #tpu.memory_space<vmem>> -> memref<1x128xi32, #tpu.memory_space<vmem>>
        %dma_start3A_54 = tpu.memref_squeeze %dma_start3A_53 : memref<1x128xi32, #tpu.memory_space<vmem>> -> memref<128xi32, #tpu.memory_space<vmem>>
        %dma_start3A_55 = arith.constant 0 : i32
        %dma_start3A_56 = arith.constant 0 : i32
        %dma_start3A_57 = tpu.memref_slice %arg6[%dma_start3A_55, %dma_start3A_56] : memref<10240x128xf32, #tpu.memory_space<vmem_shared>> -> memref<10240x128xf32, #tpu.memory_space<vmem_shared>>
        tpu.enqueue_indirect_dma source(%arg5 : memref<128x128xf32, #tpu.memory_space<vmem>>) target(%dma_start3A_57 : memref<10240x128xf32, #tpu.memory_space<vmem_shared>>) offsets(%dma_start3A_54 : memref<128xi32, #tpu.memory_space<vmem>>) semaphore(%run_scoped3A_52 : memref<!tpu.dma_semaphore, #tpu.memory_space<semaphore_mem>>) {add = true}
        %dma_wait3A = arith.constant 0 : i32
        %dma_wait3A_58 = tpu.memref_slice %arg4[%run_scoped3A_38, %dma_wait3A] : memref<16x128xi32, #tpu.memory_space<vmem>> -> memref<1x128xi32, #tpu.memory_space<vmem>>
        %dma_wait3A_59 = tpu.memref_squeeze %dma_wait3A_58 : memref<1x128xi32, #tpu.memory_space<vmem>> -> memref<128xi32, #tpu.memory_space<vmem>>
        %dma_wait3A_60 = arith.constant 0 : i32
        %dma_wait3A_61 = arith.constant 0 : i32
        %dma_wait3A_62 = tpu.memref_slice %arg6[%dma_wait3A_60, %dma_wait3A_61] : memref<10240x128xf32, #tpu.memory_space<vmem_shared>> -> memref<10240x128xf32, #tpu.memory_space<vmem_shared>>
        tpu.wait_indirect_dma semaphore(%run_scoped3A_52 : memref<!tpu.dma_semaphore, #tpu.memory_space<semaphore_mem>>) src(%arg5 : memref<128x128xf32, #tpu.memory_space<vmem>>) dst(%dma_wait3A_62 : memref<10240x128xf32, #tpu.memory_space<vmem_shared>>)
        tpu.yield
      }) : () -> ()
      %run_scoped3A_39 = arith.constant 3 : i32
      "tpu.region"() ({
        %run_scoped3A_52 = tpu.sem_alloc : memref<!tpu.dma_semaphore, #tpu.memory_space<semaphore_mem>>
        %dma_start3A = arith.constant 0 : i32
        %dma_start3A_53 = tpu.memref_slice %arg4[%run_scoped3A_39, %dma_start3A] : memref<16x128xi32, #tpu.memory_space<vmem>> -> memref<1x128xi32, #tpu.memory_space<vmem>>
        %dma_start3A_54 = tpu.memref_squeeze %dma_start3A_53 : memref<1x128xi32, #tpu.memory_space<vmem>> -> memref<128xi32, #tpu.memory_space<vmem>>
        %dma_start3A_55 = arith.constant 0 : i32
        %dma_start3A_56 = arith.constant 0 : i32
        %dma_start3A_57 = tpu.memref_slice %arg6[%dma_start3A_55, %dma_start3A_56] : memref<10240x128xf32, #tpu.memory_space<vmem_shared>> -> memref<10240x128xf32, #tpu.memory_space<vmem_shared>>
        tpu.enqueue_indirect_dma source(%arg5 : memref<128x128xf32, #tpu.memory_space<vmem>>) target(%dma_start3A_57 : memref<10240x128xf32, #tpu.memory_space<vmem_shared>>) offsets(%dma_start3A_54 : memref<128xi32, #tpu.memory_space<vmem>>) semaphore(%run_scoped3A_52 : memref<!tpu.dma_semaphore, #tpu.memory_space<semaphore_mem>>) {add = true}
        %dma_wait3A = arith.constant 0 : i32
        %dma_wait3A_58 = tpu.memref_slice %arg4[%run_scoped3A_39, %dma_wait3A] : memref<16x128xi32, #tpu.memory_space<vmem>> -> memref<1x128xi32, #tpu.memory_space<vmem>>
        %dma_wait3A_59 = tpu.memref_squeeze %dma_wait3A_58 : memref<1x128xi32, #tpu.memory_space<vmem>> -> memref<128xi32, #tpu.memory_space<vmem>>
        %dma_wait3A_60 = arith.constant 0 : i32
        %dma_wait3A_61 = arith.constant 0 : i32
        %dma_wait3A_62 = tpu.memref_slice %arg6[%dma_wait3A_60, %dma_wait3A_61] : memref<10240x128xf32, #tpu.memory_space<vmem_shared>> -> memref<10240x128xf32, #tpu.memory_space<vmem_shared>>
        tpu.wait_indirect_dma semaphore(%run_scoped3A_52 : memref<!tpu.dma_semaphore, #tpu.memory_space<semaphore_mem>>) src(%arg5 : memref<128x128xf32, #tpu.memory_space<vmem>>) dst(%dma_wait3A_62 : memref<10240x128xf32, #tpu.memory_space<vmem_shared>>)
        tpu.yield
      }) : () -> ()
      %run_scoped3A_40 = arith.constant 4 : i32
      "tpu.region"() ({
        %run_scoped3A_52 = tpu.sem_alloc : memref<!tpu.dma_semaphore, #tpu.memory_space<semaphore_mem>>
        %dma_start3A = arith.constant 0 : i32
        %dma_start3A_53 = tpu.memref_slice %arg4[%run_scoped3A_40, %dma_start3A] : memref<16x128xi32, #tpu.memory_space<vmem>> -> memref<1x128xi32, #tpu.memory_space<vmem>>
        %dma_start3A_54 = tpu.memref_squeeze %dma_start3A_53 : memref<1x128xi32, #tpu.memory_space<vmem>> -> memref<128xi32, #tpu.memory_space<vmem>>
        %dma_start3A_55 = arith.constant 0 : i32
        %dma_start3A_56 = arith.constant 0 : i32
        %dma_start3A_57 = tpu.memref_slice %arg6[%dma_start3A_55, %dma_start3A_56] : memref<10240x128xf32, #tpu.memory_space<vmem_shared>> -> memref<10240x128xf32, #tpu.memory_space<vmem_shared>>
        tpu.enqueue_indirect_dma source(%arg5 : memref<128x128xf32, #tpu.memory_space<vmem>>) target(%dma_start3A_57 : memref<10240x128xf32, #tpu.memory_space<vmem_shared>>) offsets(%dma_start3A_54 : memref<128xi32, #tpu.memory_space<vmem>>) semaphore(%run_scoped3A_52 : memref<!tpu.dma_semaphore, #tpu.memory_space<semaphore_mem>>) {add = true}
        %dma_wait3A = arith.constant 0 : i32
        %dma_wait3A_58 = tpu.memref_slice %arg4[%run_scoped3A_40, %dma_wait3A] : memref<16x128xi32, #tpu.memory_space<vmem>> -> memref<1x128xi32, #tpu.memory_space<vmem>>
        %dma_wait3A_59 = tpu.memref_squeeze %dma_wait3A_58 : memref<1x128xi32, #tpu.memory_space<vmem>> -> memref<128xi32, #tpu.memory_space<vmem>>
        %dma_wait3A_60 = arith.constant 0 : i32
        %dma_wait3A_61 = arith.constant 0 : i32
        %dma_wait3A_62 = tpu.memref_slice %arg6[%dma_wait3A_60, %dma_wait3A_61] : memref<10240x128xf32, #tpu.memory_space<vmem_shared>> -> memref<10240x128xf32, #tpu.memory_space<vmem_shared>>
        tpu.wait_indirect_dma semaphore(%run_scoped3A_52 : memref<!tpu.dma_semaphore, #tpu.memory_space<semaphore_mem>>) src(%arg5 : memref<128x128xf32, #tpu.memory_space<vmem>>) dst(%dma_wait3A_62 : memref<10240x128xf32, #tpu.memory_space<vmem_shared>>)
        tpu.yield
      }) : () -> ()
      %run_scoped3A_41 = arith.constant 5 : i32
      "tpu.region"() ({
        %run_scoped3A_52 = tpu.sem_alloc : memref<!tpu.dma_semaphore, #tpu.memory_space<semaphore_mem>>
        %dma_start3A = arith.constant 0 : i32
        %dma_start3A_53 = tpu.memref_slice %arg4[%run_scoped3A_41, %dma_start3A] : memref<16x128xi32, #tpu.memory_space<vmem>> -> memref<1x128xi32, #tpu.memory_space<vmem>>
        %dma_start3A_54 = tpu.memref_squeeze %dma_start3A_53 : memref<1x128xi32, #tpu.memory_space<vmem>> -> memref<128xi32, #tpu.memory_space<vmem>>
        %dma_start3A_55 = arith.constant 0 : i32
        %dma_start3A_56 = arith.constant 0 : i32
        %dma_start3A_57 = tpu.memref_slice %arg6[%dma_start3A_55, %dma_start3A_56] : memref<10240x128xf32, #tpu.memory_space<vmem_shared>> -> memref<10240x128xf32, #tpu.memory_space<vmem_shared>>
        tpu.enqueue_indirect_dma source(%arg5 : memref<128x128xf32, #tpu.memory_space<vmem>>) target(%dma_start3A_57 : memref<10240x128xf32, #tpu.memory_space<vmem_shared>>) offsets(%dma_start3A_54 : memref<128xi32, #tpu.memory_space<vmem>>) semaphore(%run_scoped3A_52 : memref<!tpu.dma_semaphore, #tpu.memory_space<semaphore_mem>>) {add = true}
        %dma_wait3A = arith.constant 0 : i32
        %dma_wait3A_58 = tpu.memref_slice %arg4[%run_scoped3A_41, %dma_wait3A] : memref<16x128xi32, #tpu.memory_space<vmem>> -> memref<1x128xi32, #tpu.memory_space<vmem>>
        %dma_wait3A_59 = tpu.memref_squeeze %dma_wait3A_58 : memref<1x128xi32, #tpu.memory_space<vmem>> -> memref<128xi32, #tpu.memory_space<vmem>>
        %dma_wait3A_60 = arith.constant 0 : i32
        %dma_wait3A_61 = arith.constant 0 : i32
        %dma_wait3A_62 = tpu.memref_slice %arg6[%dma_wait3A_60, %dma_wait3A_61] : memref<10240x128xf32, #tpu.memory_space<vmem_shared>> -> memref<10240x128xf32, #tpu.memory_space<vmem_shared>>
        tpu.wait_indirect_dma semaphore(%run_scoped3A_52 : memref<!tpu.dma_semaphore, #tpu.memory_space<semaphore_mem>>) src(%arg5 : memref<128x128xf32, #tpu.memory_space<vmem>>) dst(%dma_wait3A_62 : memref<10240x128xf32, #tpu.memory_space<vmem_shared>>)
        tpu.yield
      }) : () -> ()
      %run_scoped3A_42 = arith.constant 6 : i32
      "tpu.region"() ({
        %run_scoped3A_52 = tpu.sem_alloc : memref<!tpu.dma_semaphore, #tpu.memory_space<semaphore_mem>>
        %dma_start3A = arith.constant 0 : i32
        %dma_start3A_53 = tpu.memref_slice %arg4[%run_scoped3A_42, %dma_start3A] : memref<16x128xi32, #tpu.memory_space<vmem>> -> memref<1x128xi32, #tpu.memory_space<vmem>>
        %dma_start3A_54 = tpu.memref_squeeze %dma_start3A_53 : memref<1x128xi32, #tpu.memory_space<vmem>> -> memref<128xi32, #tpu.memory_space<vmem>>
        %dma_start3A_55 = arith.constant 0 : i32
        %dma_start3A_56 = arith.constant 0 : i32
        %dma_start3A_57 = tpu.memref_slice %arg6[%dma_start3A_55, %dma_start3A_56] : memref<10240x128xf32, #tpu.memory_space<vmem_shared>> -> memref<10240x128xf32, #tpu.memory_space<vmem_shared>>
        tpu.enqueue_indirect_dma source(%arg5 : memref<128x128xf32, #tpu.memory_space<vmem>>) target(%dma_start3A_57 : memref<10240x128xf32, #tpu.memory_space<vmem_shared>>) offsets(%dma_start3A_54 : memref<128xi32, #tpu.memory_space<vmem>>) semaphore(%run_scoped3A_52 : memref<!tpu.dma_semaphore, #tpu.memory_space<semaphore_mem>>) {add = true}
        %dma_wait3A = arith.constant 0 : i32
        %dma_wait3A_58 = tpu.memref_slice %arg4[%run_scoped3A_42, %dma_wait3A] : memref<16x128xi32, #tpu.memory_space<vmem>> -> memref<1x128xi32, #tpu.memory_space<vmem>>
        %dma_wait3A_59 = tpu.memref_squeeze %dma_wait3A_58 : memref<1x128xi32, #tpu.memory_space<vmem>> -> memref<128xi32, #tpu.memory_space<vmem>>
        %dma_wait3A_60 = arith.constant 0 : i32
        %dma_wait3A_61 = arith.constant 0 : i32
        %dma_wait3A_62 = tpu.memref_slice %arg6[%dma_wait3A_60, %dma_wait3A_61] : memref<10240x128xf32, #tpu.memory_space<vmem_shared>> -> memref<10240x128xf32, #tpu.memory_space<vmem_shared>>
        tpu.wait_indirect_dma semaphore(%run_scoped3A_52 : memref<!tpu.dma_semaphore, #tpu.memory_space<semaphore_mem>>) src(%arg5 : memref<128x128xf32, #tpu.memory_space<vmem>>) dst(%dma_wait3A_62 : memref<10240x128xf32, #tpu.memory_space<vmem_shared>>)
        tpu.yield
      }) : () -> ()
      %run_scoped3A_43 = arith.constant 7 : i32
      "tpu.region"() ({
        %run_scoped3A_52 = tpu.sem_alloc : memref<!tpu.dma_semaphore, #tpu.memory_space<semaphore_mem>>
        %dma_start3A = arith.constant 0 : i32
        %dma_start3A_53 = tpu.memref_slice %arg4[%run_scoped3A_43, %dma_start3A] : memref<16x128xi32, #tpu.memory_space<vmem>> -> memref<1x128xi32, #tpu.memory_space<vmem>>
        %dma_start3A_54 = tpu.memref_squeeze %dma_start3A_53 : memref<1x128xi32, #tpu.memory_space<vmem>> -> memref<128xi32, #tpu.memory_space<vmem>>
        %dma_start3A_55 = arith.constant 0 : i32
        %dma_start3A_56 = arith.constant 0 : i32
        %dma_start3A_57 = tpu.memref_slice %arg6[%dma_start3A_55, %dma_start3A_56] : memref<10240x128xf32, #tpu.memory_space<vmem_shared>> -> memref<10240x128xf32, #tpu.memory_space<vmem_shared>>
        tpu.enqueue_indirect_dma source(%arg5 : memref<128x128xf32, #tpu.memory_space<vmem>>) target(%dma_start3A_57 : memref<10240x128xf32, #tpu.memory_space<vmem_shared>>) offsets(%dma_start3A_54 : memref<128xi32, #tpu.memory_space<vmem>>) semaphore(%run_scoped3A_52 : memref<!tpu.dma_semaphore, #tpu.memory_space<semaphore_mem>>) {add = true}
        %dma_wait3A = arith.constant 0 : i32
        %dma_wait3A_58 = tpu.memref_slice %arg4[%run_scoped3A_43, %dma_wait3A] : memref<16x128xi32, #tpu.memory_space<vmem>> -> memref<1x128xi32, #tpu.memory_space<vmem>>
        %dma_wait3A_59 = tpu.memref_squeeze %dma_wait3A_58 : memref<1x128xi32, #tpu.memory_space<vmem>> -> memref<128xi32, #tpu.memory_space<vmem>>
        %dma_wait3A_60 = arith.constant 0 : i32
        %dma_wait3A_61 = arith.constant 0 : i32
        %dma_wait3A_62 = tpu.memref_slice %arg6[%dma_wait3A_60, %dma_wait3A_61] : memref<10240x128xf32, #tpu.memory_space<vmem_shared>> -> memref<10240x128xf32, #tpu.memory_space<vmem_shared>>
        tpu.wait_indirect_dma semaphore(%run_scoped3A_52 : memref<!tpu.dma_semaphore, #tpu.memory_space<semaphore_mem>>) src(%arg5 : memref<128x128xf32, #tpu.memory_space<vmem>>) dst(%dma_wait3A_62 : memref<10240x128xf32, #tpu.memory_space<vmem_shared>>)
        tpu.yield
      }) : () -> ()
      %run_scoped3A_44 = arith.constant 8 : i32
      "tpu.region"() ({
        %run_scoped3A_52 = tpu.sem_alloc : memref<!tpu.dma_semaphore, #tpu.memory_space<semaphore_mem>>
        %dma_start3A = arith.constant 0 : i32
        %dma_start3A_53 = tpu.memref_slice %arg4[%run_scoped3A_44, %dma_start3A] : memref<16x128xi32, #tpu.memory_space<vmem>> -> memref<1x128xi32, #tpu.memory_space<vmem>>
        %dma_start3A_54 = tpu.memref_squeeze %dma_start3A_53 : memref<1x128xi32, #tpu.memory_space<vmem>> -> memref<128xi32, #tpu.memory_space<vmem>>
        %dma_start3A_55 = arith.constant 0 : i32
        %dma_start3A_56 = arith.constant 0 : i32
        %dma_start3A_57 = tpu.memref_slice %arg6[%dma_start3A_55, %dma_start3A_56] : memref<10240x128xf32, #tpu.memory_space<vmem_shared>> -> memref<10240x128xf32, #tpu.memory_space<vmem_shared>>
        tpu.enqueue_indirect_dma source(%arg5 : memref<128x128xf32, #tpu.memory_space<vmem>>) target(%dma_start3A_57 : memref<10240x128xf32, #tpu.memory_space<vmem_shared>>) offsets(%dma_start3A_54 : memref<128xi32, #tpu.memory_space<vmem>>) semaphore(%run_scoped3A_52 : memref<!tpu.dma_semaphore, #tpu.memory_space<semaphore_mem>>) {add = true}
        %dma_wait3A = arith.constant 0 : i32
        %dma_wait3A_58 = tpu.memref_slice %arg4[%run_scoped3A_44, %dma_wait3A] : memref<16x128xi32, #tpu.memory_space<vmem>> -> memref<1x128xi32, #tpu.memory_space<vmem>>
        %dma_wait3A_59 = tpu.memref_squeeze %dma_wait3A_58 : memref<1x128xi32, #tpu.memory_space<vmem>> -> memref<128xi32, #tpu.memory_space<vmem>>
        %dma_wait3A_60 = arith.constant 0 : i32
        %dma_wait3A_61 = arith.constant 0 : i32
        %dma_wait3A_62 = tpu.memref_slice %arg6[%dma_wait3A_60, %dma_wait3A_61] : memref<10240x128xf32, #tpu.memory_space<vmem_shared>> -> memref<10240x128xf32, #tpu.memory_space<vmem_shared>>
        tpu.wait_indirect_dma semaphore(%run_scoped3A_52 : memref<!tpu.dma_semaphore, #tpu.memory_space<semaphore_mem>>) src(%arg5 : memref<128x128xf32, #tpu.memory_space<vmem>>) dst(%dma_wait3A_62 : memref<10240x128xf32, #tpu.memory_space<vmem_shared>>)
        tpu.yield
      }) : () -> ()
      %run_scoped3A_45 = arith.constant 9 : i32
      "tpu.region"() ({
        %run_scoped3A_52 = tpu.sem_alloc : memref<!tpu.dma_semaphore, #tpu.memory_space<semaphore_mem>>
        %dma_start3A = arith.constant 0 : i32
        %dma_start3A_53 = tpu.memref_slice %arg4[%run_scoped3A_45, %dma_start3A] : memref<16x128xi32, #tpu.memory_space<vmem>> -> memref<1x128xi32, #tpu.memory_space<vmem>>
        %dma_start3A_54 = tpu.memref_squeeze %dma_start3A_53 : memref<1x128xi32, #tpu.memory_space<vmem>> -> memref<128xi32, #tpu.memory_space<vmem>>
        %dma_start3A_55 = arith.constant 0 : i32
        %dma_start3A_56 = arith.constant 0 : i32
        %dma_start3A_57 = tpu.memref_slice %arg6[%dma_start3A_55, %dma_start3A_56] : memref<10240x128xf32, #tpu.memory_space<vmem_shared>> -> memref<10240x128xf32, #tpu.memory_space<vmem_shared>>
        tpu.enqueue_indirect_dma source(%arg5 : memref<128x128xf32, #tpu.memory_space<vmem>>) target(%dma_start3A_57 : memref<10240x128xf32, #tpu.memory_space<vmem_shared>>) offsets(%dma_start3A_54 : memref<128xi32, #tpu.memory_space<vmem>>) semaphore(%run_scoped3A_52 : memref<!tpu.dma_semaphore, #tpu.memory_space<semaphore_mem>>) {add = true}
        %dma_wait3A = arith.constant 0 : i32
        %dma_wait3A_58 = tpu.memref_slice %arg4[%run_scoped3A_45, %dma_wait3A] : memref<16x128xi32, #tpu.memory_space<vmem>> -> memref<1x128xi32, #tpu.memory_space<vmem>>
        %dma_wait3A_59 = tpu.memref_squeeze %dma_wait3A_58 : memref<1x128xi32, #tpu.memory_space<vmem>> -> memref<128xi32, #tpu.memory_space<vmem>>
        %dma_wait3A_60 = arith.constant 0 : i32
        %dma_wait3A_61 = arith.constant 0 : i32
        %dma_wait3A_62 = tpu.memref_slice %arg6[%dma_wait3A_60, %dma_wait3A_61] : memref<10240x128xf32, #tpu.memory_space<vmem_shared>> -> memref<10240x128xf32, #tpu.memory_space<vmem_shared>>
        tpu.wait_indirect_dma semaphore(%run_scoped3A_52 : memref<!tpu.dma_semaphore, #tpu.memory_space<semaphore_mem>>) src(%arg5 : memref<128x128xf32, #tpu.memory_space<vmem>>) dst(%dma_wait3A_62 : memref<10240x128xf32, #tpu.memory_space<vmem_shared>>)
        tpu.yield
      }) : () -> ()
      %run_scoped3A_46 = arith.constant 10 : i32
      "tpu.region"() ({
        %run_scoped3A_52 = tpu.sem_alloc : memref<!tpu.dma_semaphore, #tpu.memory_space<semaphore_mem>>
        %dma_start3A = arith.constant 0 : i32
        %dma_start3A_53 = tpu.memref_slice %arg4[%run_scoped3A_46, %dma_start3A] : memref<16x128xi32, #tpu.memory_space<vmem>> -> memref<1x128xi32, #tpu.memory_space<vmem>>
        %dma_start3A_54 = tpu.memref_squeeze %dma_start3A_53 : memref<1x128xi32, #tpu.memory_space<vmem>> -> memref<128xi32, #tpu.memory_space<vmem>>
        %dma_start3A_55 = arith.constant 0 : i32
        %dma_start3A_56 = arith.constant 0 : i32
        %dma_start3A_57 = tpu.memref_slice %arg6[%dma_start3A_55, %dma_start3A_56] : memref<10240x128xf32, #tpu.memory_space<vmem_shared>> -> memref<10240x128xf32, #tpu.memory_space<vmem_shared>>
        tpu.enqueue_indirect_dma source(%arg5 : memref<128x128xf32, #tpu.memory_space<vmem>>) target(%dma_start3A_57 : memref<10240x128xf32, #tpu.memory_space<vmem_shared>>) offsets(%dma_start3A_54 : memref<128xi32, #tpu.memory_space<vmem>>) semaphore(%run_scoped3A_52 : memref<!tpu.dma_semaphore, #tpu.memory_space<semaphore_mem>>) {add = true}
        %dma_wait3A = arith.constant 0 : i32
        %dma_wait3A_58 = tpu.memref_slice %arg4[%run_scoped3A_46, %dma_wait3A] : memref<16x128xi32, #tpu.memory_space<vmem>> -> memref<1x128xi32, #tpu.memory_space<vmem>>
        %dma_wait3A_59 = tpu.memref_squeeze %dma_wait3A_58 : memref<1x128xi32, #tpu.memory_space<vmem>> -> memref<128xi32, #tpu.memory_space<vmem>>
        %dma_wait3A_60 = arith.constant 0 : i32
        %dma_wait3A_61 = arith.constant 0 : i32
        %dma_wait3A_62 = tpu.memref_slice %arg6[%dma_wait3A_60, %dma_wait3A_61] : memref<10240x128xf32, #tpu.memory_space<vmem_shared>> -> memref<10240x128xf32, #tpu.memory_space<vmem_shared>>
        tpu.wait_indirect_dma semaphore(%run_scoped3A_52 : memref<!tpu.dma_semaphore, #tpu.memory_space<semaphore_mem>>) src(%arg5 : memref<128x128xf32, #tpu.memory_space<vmem>>) dst(%dma_wait3A_62 : memref<10240x128xf32, #tpu.memory_space<vmem_shared>>)
        tpu.yield
      }) : () -> ()
      %run_scoped3A_47 = arith.constant 11 : i32
      "tpu.region"() ({
        %run_scoped3A_52 = tpu.sem_alloc : memref<!tpu.dma_semaphore, #tpu.memory_space<semaphore_mem>>
        %dma_start3A = arith.constant 0 : i32
        %dma_start3A_53 = tpu.memref_slice %arg4[%run_scoped3A_47, %dma_start3A] : memref<16x128xi32, #tpu.memory_space<vmem>> -> memref<1x128xi32, #tpu.memory_space<vmem>>
        %dma_start3A_54 = tpu.memref_squeeze %dma_start3A_53 : memref<1x128xi32, #tpu.memory_space<vmem>> -> memref<128xi32, #tpu.memory_space<vmem>>
        %dma_start3A_55 = arith.constant 0 : i32
        %dma_start3A_56 = arith.constant 0 : i32
        %dma_start3A_57 = tpu.memref_slice %arg6[%dma_start3A_55, %dma_start3A_56] : memref<10240x128xf32, #tpu.memory_space<vmem_shared>> -> memref<10240x128xf32, #tpu.memory_space<vmem_shared>>
        tpu.enqueue_indirect_dma source(%arg5 : memref<128x128xf32, #tpu.memory_space<vmem>>) target(%dma_start3A_57 : memref<10240x128xf32, #tpu.memory_space<vmem_shared>>) offsets(%dma_start3A_54 : memref<128xi32, #tpu.memory_space<vmem>>) semaphore(%run_scoped3A_52 : memref<!tpu.dma_semaphore, #tpu.memory_space<semaphore_mem>>) {add = true}
        %dma_wait3A = arith.constant 0 : i32
        %dma_wait3A_58 = tpu.memref_slice %arg4[%run_scoped3A_47, %dma_wait3A] : memref<16x128xi32, #tpu.memory_space<vmem>> -> memref<1x128xi32, #tpu.memory_space<vmem>>
        %dma_wait3A_59 = tpu.memref_squeeze %dma_wait3A_58 : memref<1x128xi32, #tpu.memory_space<vmem>> -> memref<128xi32, #tpu.memory_space<vmem>>
        %dma_wait3A_60 = arith.constant 0 : i32
        %dma_wait3A_61 = arith.constant 0 : i32
        %dma_wait3A_62 = tpu.memref_slice %arg6[%dma_wait3A_60, %dma_wait3A_61] : memref<10240x128xf32, #tpu.memory_space<vmem_shared>> -> memref<10240x128xf32, #tpu.memory_space<vmem_shared>>
        tpu.wait_indirect_dma semaphore(%run_scoped3A_52 : memref<!tpu.dma_semaphore, #tpu.memory_space<semaphore_mem>>) src(%arg5 : memref<128x128xf32, #tpu.memory_space<vmem>>) dst(%dma_wait3A_62 : memref<10240x128xf32, #tpu.memory_space<vmem_shared>>)
        tpu.yield
      }) : () -> ()
      %run_scoped3A_48 = arith.constant 12 : i32
      "tpu.region"() ({
        %run_scoped3A_52 = tpu.sem_alloc : memref<!tpu.dma_semaphore, #tpu.memory_space<semaphore_mem>>
        %dma_start3A = arith.constant 0 : i32
        %dma_start3A_53 = tpu.memref_slice %arg4[%run_scoped3A_48, %dma_start3A] : memref<16x128xi32, #tpu.memory_space<vmem>> -> memref<1x128xi32, #tpu.memory_space<vmem>>
        %dma_start3A_54 = tpu.memref_squeeze %dma_start3A_53 : memref<1x128xi32, #tpu.memory_space<vmem>> -> memref<128xi32, #tpu.memory_space<vmem>>
        %dma_start3A_55 = arith.constant 0 : i32
        %dma_start3A_56 = arith.constant 0 : i32
        %dma_start3A_57 = tpu.memref_slice %arg6[%dma_start3A_55, %dma_start3A_56] : memref<10240x128xf32, #tpu.memory_space<vmem_shared>> -> memref<10240x128xf32, #tpu.memory_space<vmem_shared>>
        tpu.enqueue_indirect_dma source(%arg5 : memref<128x128xf32, #tpu.memory_space<vmem>>) target(%dma_start3A_57 : memref<10240x128xf32, #tpu.memory_space<vmem_shared>>) offsets(%dma_start3A_54 : memref<128xi32, #tpu.memory_space<vmem>>) semaphore(%run_scoped3A_52 : memref<!tpu.dma_semaphore, #tpu.memory_space<semaphore_mem>>) {add = true}
        %dma_wait3A = arith.constant 0 : i32
        %dma_wait3A_58 = tpu.memref_slice %arg4[%run_scoped3A_48, %dma_wait3A] : memref<16x128xi32, #tpu.memory_space<vmem>> -> memref<1x128xi32, #tpu.memory_space<vmem>>
        %dma_wait3A_59 = tpu.memref_squeeze %dma_wait3A_58 : memref<1x128xi32, #tpu.memory_space<vmem>> -> memref<128xi32, #tpu.memory_space<vmem>>
        %dma_wait3A_60 = arith.constant 0 : i32
        %dma_wait3A_61 = arith.constant 0 : i32
        %dma_wait3A_62 = tpu.memref_slice %arg6[%dma_wait3A_60, %dma_wait3A_61] : memref<10240x128xf32, #tpu.memory_space<vmem_shared>> -> memref<10240x128xf32, #tpu.memory_space<vmem_shared>>
        tpu.wait_indirect_dma semaphore(%run_scoped3A_52 : memref<!tpu.dma_semaphore, #tpu.memory_space<semaphore_mem>>) src(%arg5 : memref<128x128xf32, #tpu.memory_space<vmem>>) dst(%dma_wait3A_62 : memref<10240x128xf32, #tpu.memory_space<vmem_shared>>)
        tpu.yield
      }) : () -> ()
      %run_scoped3A_49 = arith.constant 13 : i32
      "tpu.region"() ({
        %run_scoped3A_52 = tpu.sem_alloc : memref<!tpu.dma_semaphore, #tpu.memory_space<semaphore_mem>>
        %dma_start3A = arith.constant 0 : i32
        %dma_start3A_53 = tpu.memref_slice %arg4[%run_scoped3A_49, %dma_start3A] : memref<16x128xi32, #tpu.memory_space<vmem>> -> memref<1x128xi32, #tpu.memory_space<vmem>>
        %dma_start3A_54 = tpu.memref_squeeze %dma_start3A_53 : memref<1x128xi32, #tpu.memory_space<vmem>> -> memref<128xi32, #tpu.memory_space<vmem>>
        %dma_start3A_55 = arith.constant 0 : i32
        %dma_start3A_56 = arith.constant 0 : i32
        %dma_start3A_57 = tpu.memref_slice %arg6[%dma_start3A_55, %dma_start3A_56] : memref<10240x128xf32, #tpu.memory_space<vmem_shared>> -> memref<10240x128xf32, #tpu.memory_space<vmem_shared>>
        tpu.enqueue_indirect_dma source(%arg5 : memref<128x128xf32, #tpu.memory_space<vmem>>) target(%dma_start3A_57 : memref<10240x128xf32, #tpu.memory_space<vmem_shared>>) offsets(%dma_start3A_54 : memref<128xi32, #tpu.memory_space<vmem>>) semaphore(%run_scoped3A_52 : memref<!tpu.dma_semaphore, #tpu.memory_space<semaphore_mem>>) {add = true}
        %dma_wait3A = arith.constant 0 : i32
        %dma_wait3A_58 = tpu.memref_slice %arg4[%run_scoped3A_49, %dma_wait3A] : memref<16x128xi32, #tpu.memory_space<vmem>> -> memref<1x128xi32, #tpu.memory_space<vmem>>
        %dma_wait3A_59 = tpu.memref_squeeze %dma_wait3A_58 : memref<1x128xi32, #tpu.memory_space<vmem>> -> memref<128xi32, #tpu.memory_space<vmem>>
        %dma_wait3A_60 = arith.constant 0 : i32
        %dma_wait3A_61 = arith.constant 0 : i32
        %dma_wait3A_62 = tpu.memref_slice %arg6[%dma_wait3A_60, %dma_wait3A_61] : memref<10240x128xf32, #tpu.memory_space<vmem_shared>> -> memref<10240x128xf32, #tpu.memory_space<vmem_shared>>
        tpu.wait_indirect_dma semaphore(%run_scoped3A_52 : memref<!tpu.dma_semaphore, #tpu.memory_space<semaphore_mem>>) src(%arg5 : memref<128x128xf32, #tpu.memory_space<vmem>>) dst(%dma_wait3A_62 : memref<10240x128xf32, #tpu.memory_space<vmem_shared>>)
        tpu.yield
      }) : () -> ()
      %run_scoped3A_50 = arith.constant 14 : i32
      "tpu.region"() ({
        %run_scoped3A_52 = tpu.sem_alloc : memref<!tpu.dma_semaphore, #tpu.memory_space<semaphore_mem>>
        %dma_start3A = arith.constant 0 : i32
        %dma_start3A_53 = tpu.memref_slice %arg4[%run_scoped3A_50, %dma_start3A] : memref<16x128xi32, #tpu.memory_space<vmem>> -> memref<1x128xi32, #tpu.memory_space<vmem>>
        %dma_start3A_54 = tpu.memref_squeeze %dma_start3A_53 : memref<1x128xi32, #tpu.memory_space<vmem>> -> memref<128xi32, #tpu.memory_space<vmem>>
        %dma_start3A_55 = arith.constant 0 : i32
        %dma_start3A_56 = arith.constant 0 : i32
        %dma_start3A_57 = tpu.memref_slice %arg6[%dma_start3A_55, %dma_start3A_56] : memref<10240x128xf32, #tpu.memory_space<vmem_shared>> -> memref<10240x128xf32, #tpu.memory_space<vmem_shared>>
        tpu.enqueue_indirect_dma source(%arg5 : memref<128x128xf32, #tpu.memory_space<vmem>>) target(%dma_start3A_57 : memref<10240x128xf32, #tpu.memory_space<vmem_shared>>) offsets(%dma_start3A_54 : memref<128xi32, #tpu.memory_space<vmem>>) semaphore(%run_scoped3A_52 : memref<!tpu.dma_semaphore, #tpu.memory_space<semaphore_mem>>) {add = true}
        %dma_wait3A = arith.constant 0 : i32
        %dma_wait3A_58 = tpu.memref_slice %arg4[%run_scoped3A_50, %dma_wait3A] : memref<16x128xi32, #tpu.memory_space<vmem>> -> memref<1x128xi32, #tpu.memory_space<vmem>>
        %dma_wait3A_59 = tpu.memref_squeeze %dma_wait3A_58 : memref<1x128xi32, #tpu.memory_space<vmem>> -> memref<128xi32, #tpu.memory_space<vmem>>
        %dma_wait3A_60 = arith.constant 0 : i32
        %dma_wait3A_61 = arith.constant 0 : i32
        %dma_wait3A_62 = tpu.memref_slice %arg6[%dma_wait3A_60, %dma_wait3A_61] : memref<10240x128xf32, #tpu.memory_space<vmem_shared>> -> memref<10240x128xf32, #tpu.memory_space<vmem_shared>>
        tpu.wait_indirect_dma semaphore(%run_scoped3A_52 : memref<!tpu.dma_semaphore, #tpu.memory_space<semaphore_mem>>) src(%arg5 : memref<128x128xf32, #tpu.memory_space<vmem>>) dst(%dma_wait3A_62 : memref<10240x128xf32, #tpu.memory_space<vmem_shared>>)
        tpu.yield
      }) : () -> ()
      %run_scoped3A_51 = arith.constant 15 : i32
      "tpu.region"() ({
        %run_scoped3A_52 = tpu.sem_alloc : memref<!tpu.dma_semaphore, #tpu.memory_space<semaphore_mem>>
        %dma_start3A = arith.constant 0 : i32
        %dma_start3A_53 = tpu.memref_slice %arg4[%run_scoped3A_51, %dma_start3A] : memref<16x128xi32, #tpu.memory_space<vmem>> -> memref<1x128xi32, #tpu.memory_space<vmem>>
        %dma_start3A_54 = tpu.memref_squeeze %dma_start3A_53 : memref<1x128xi32, #tpu.memory_space<vmem>> -> memref<128xi32, #tpu.memory_space<vmem>>
        %dma_start3A_55 = arith.constant 0 : i32
        %dma_start3A_56 = arith.constant 0 : i32
        %dma_start3A_57 = tpu.memref_slice %arg6[%dma_start3A_55, %dma_start3A_56] : memref<10240x128xf32, #tpu.memory_space<vmem_shared>> -> memref<10240x128xf32, #tpu.memory_space<vmem_shared>>
        tpu.enqueue_indirect_dma source(%arg5 : memref<128x128xf32, #tpu.memory_space<vmem>>) target(%dma_start3A_57 : memref<10240x128xf32, #tpu.memory_space<vmem_shared>>) offsets(%dma_start3A_54 : memref<128xi32, #tpu.memory_space<vmem>>) semaphore(%run_scoped3A_52 : memref<!tpu.dma_semaphore, #tpu.memory_space<semaphore_mem>>) {add = true}
        %dma_wait3A = arith.constant 0 : i32
        %dma_wait3A_58 = tpu.memref_slice %arg4[%run_scoped3A_51, %dma_wait3A] : memref<16x128xi32, #tpu.memory_space<vmem>> -> memref<1x128xi32, #tpu.memory_space<vmem>>
        %dma_wait3A_59 = tpu.memref_squeeze %dma_wait3A_58 : memref<1x128xi32, #tpu.memory_space<vmem>> -> memref<128xi32, #tpu.memory_space<vmem>>
        %dma_wait3A_60 = arith.constant 0 : i32
        %dma_wait3A_61 = arith.constant 0 : i32
        %dma_wait3A_62 = tpu.memref_slice %arg6[%dma_wait3A_60, %dma_wait3A_61] : memref<10240x128xf32, #tpu.memory_space<vmem_shared>> -> memref<10240x128xf32, #tpu.memory_space<vmem_shared>>
        tpu.wait_indirect_dma semaphore(%run_scoped3A_52 : memref<!tpu.dma_semaphore, #tpu.memory_space<semaphore_mem>>) src(%arg5 : memref<128x128xf32, #tpu.memory_space<vmem>>) dst(%dma_wait3A_62 : memref<10240x128xf32, #tpu.memory_space<vmem_shared>>)
        tpu.yield
      }) : () -> ()
    }
    %scan3A_23 = arith.constant 5 : i32
    %barrier3A_24 = arith.constant 0 : index
    tpu.barrier barrier_id(%barrier3A_24)
    %scan3A_25 = arith.constant 0 : i32
    %scan3A_26 = arith.constant 0 : i32
    %scan3A_27 = arith.constant 5 : i32
    %scan3A_28 = arith.addi %scan3A_26, %scan3A_27 : i32
    %scan3A_29 = arith.constant 1 : i32
    scf.for %scan3A_31 = %scan3A_26 to %scan3A_28 step %scan3A_29  : i32 {
      %mul3A_32 = arith.constant 640 : i32
      %mul3A_33 = arith.muli %arg1, %mul3A_32 : i32
      %mul3A_34 = arith.constant 128 : i32
      %mul3A_35 = arith.muli %scan3A_31, %mul3A_34 : i32
      %add3A_36 = arith.addi %mul3A_33, %mul3A_35 : i32
      "tpu.region"() ({
        %run_scoped3A = tpu.sem_alloc : memref<!tpu.dma_semaphore, #tpu.memory_space<semaphore_mem>>
        %dma_start3A = arith.constant 0 : i32
        %dma_start3A_42 = arith.constant 0 : i32
        %dma_start3A_43 = tpu.memref_slice %arg5[%dma_start3A, %dma_start3A_42] : memref<128x128xf32, #tpu.memory_space<vmem>> -> memref<128x128xf32, #tpu.memory_space<vmem>>
        %dma_start3A_44 = arith.constant 0 : i32
        %dma_start3A_45 = tpu.memref_slice %arg6[%add3A_36, %dma_start3A_44] : memref<10240x128xf32, #tpu.memory_space<vmem_shared>> -> memref<128x128xf32, #tpu.memory_space<vmem_shared>>
        %dma_start3A_46 = arith.constant 0 : i32
        %dma_start3A_47 = arith.constant 0 : i32
        %dma_start3A_48 = tpu.memref_slice %arg5[%dma_start3A_46, %dma_start3A_47] : memref<128x128xf32, #tpu.memory_space<vmem>> -> memref<128x128xf32, #tpu.memory_space<vmem>>
        %dma_start3A_49 = arith.constant 0 : i32
        %dma_start3A_50 = tpu.memref_slice %arg6[%add3A_36, %dma_start3A_49] : memref<10240x128xf32, #tpu.memory_space<vmem_shared>> -> memref<128x128xf32, #tpu.memory_space<vmem_shared>>
        tpu.enqueue_dma source(%dma_start3A_50 : memref<128x128xf32, #tpu.memory_space<vmem_shared>>) target(%dma_start3A_48 : memref<128x128xf32, #tpu.memory_space<vmem>>) target_semaphore(%run_scoped3A : memref<!tpu.dma_semaphore, #tpu.memory_space<semaphore_mem>>)
        %dma_wait3A = arith.constant 0 : i32
        %dma_wait3A_51 = arith.constant 0 : i32
        %dma_wait3A_52 = tpu.memref_slice %arg5[%dma_wait3A, %dma_wait3A_51] : memref<128x128xf32, #tpu.memory_space<vmem>> -> memref<128x128xf32, #tpu.memory_space<vmem>>
        %dma_wait3A_53 = arith.constant 0 : i32
        %dma_wait3A_54 = tpu.memref_slice %arg6[%add3A_36, %dma_wait3A_53] : memref<10240x128xf32, #tpu.memory_space<vmem_shared>> -> memref<128x128xf32, #tpu.memory_space<vmem_shared>>
        %dma_wait3A_55 = arith.constant 0 : i32
        %dma_wait3A_56 = arith.constant 0 : i32
        %dma_wait3A_57 = tpu.memref_slice %arg5[%dma_wait3A_55, %dma_wait3A_56] : memref<128x128xf32, #tpu.memory_space<vmem>> -> memref<128x128xf32, #tpu.memory_space<vmem>>
        %dma_wait3A_58 = arith.constant 0 : i32
        %dma_wait3A_59 = tpu.memref_slice %arg6[%add3A_36, %dma_wait3A_58] : memref<10240x128xf32, #tpu.memory_space<vmem_shared>> -> memref<128x128xf32, #tpu.memory_space<vmem_shared>>
        tpu.wait_dma2 semaphore(%run_scoped3A : memref<!tpu.dma_semaphore, #tpu.memory_space<semaphore_mem>>) src(%dma_wait3A_59 : memref<128x128xf32, #tpu.memory_space<vmem_shared>>) dst(%dma_wait3A_57 : memref<128x128xf32, #tpu.memory_space<vmem>>)
        tpu.yield
      }) : () -> ()
      %mul3A_37 = arith.constant 640 : i32
      %mul3A_38 = arith.muli %arg1, %mul3A_37 : i32
      %mul3A_39 = arith.constant 128 : i32
      %mul3A_40 = arith.muli %scan3A_31, %mul3A_39 : i32
      %add3A_41 = arith.addi %mul3A_38, %mul3A_40 : i32
      "tpu.region"() ({
        %run_scoped3A = tpu.sem_alloc : memref<!tpu.dma_semaphore, #tpu.memory_space<semaphore_mem>>
        %dma_start3A = arith.constant 0 : i32
        %dma_start3A_42 = arith.constant 0 : i32
        %dma_start3A_43 = tpu.memref_slice %arg5[%dma_start3A, %dma_start3A_42] : memref<128x128xf32, #tpu.memory_space<vmem>> -> memref<128x128xf32, #tpu.memory_space<vmem>>
        %dma_start3A_44 = arith.constant 0 : i32
        %dma_start3A_45 = tpu.memref_slice %arg3[%arg0, %add3A_41, %dma_start3A_44] : memref<2x10240x128xf32, #tpu.memory_space<hbm>> -> memref<1x128x128xf32, #tpu.memory_space<hbm>>
        %dma_start3A_46 = tpu.memref_squeeze %dma_start3A_45 : memref<1x128x128xf32, #tpu.memory_space<hbm>> -> memref<128x128xf32, #tpu.memory_space<hbm>>
        %dma_start3A_47 = arith.constant 0 : i32
        %dma_start3A_48 = tpu.memref_slice %arg3[%arg0, %add3A_41, %dma_start3A_47] : memref<2x10240x128xf32, #tpu.memory_space<hbm>> -> memref<1x128x128xf32, #tpu.memory_space<hbm>>
        %dma_start3A_49 = tpu.memref_squeeze %dma_start3A_48 : memref<1x128x128xf32, #tpu.memory_space<hbm>> -> memref<128x128xf32, #tpu.memory_space<hbm>>
        %dma_start3A_50 = arith.constant 0 : i32
        %dma_start3A_51 = arith.constant 0 : i32
        %dma_start3A_52 = tpu.memref_slice %arg5[%dma_start3A_50, %dma_start3A_51] : memref<128x128xf32, #tpu.memory_space<vmem>> -> memref<128x128xf32, #tpu.memory_space<vmem>>
        tpu.enqueue_dma source(%dma_start3A_52 : memref<128x128xf32, #tpu.memory_space<vmem>>) target(%dma_start3A_49 : memref<128x128xf32, #tpu.memory_space<hbm>>) target_semaphore(%run_scoped3A : memref<!tpu.dma_semaphore, #tpu.memory_space<semaphore_mem>>)
        %dma_wait3A = arith.constant 0 : i32
        %dma_wait3A_53 = arith.constant 0 : i32
        %dma_wait3A_54 = tpu.memref_slice %arg5[%dma_wait3A, %dma_wait3A_53] : memref<128x128xf32, #tpu.memory_space<vmem>> -> memref<128x128xf32, #tpu.memory_space<vmem>>
        %dma_wait3A_55 = arith.constant 0 : i32
        %dma_wait3A_56 = tpu.memref_slice %arg3[%arg0, %add3A_41, %dma_wait3A_55] : memref<2x10240x128xf32, #tpu.memory_space<hbm>> -> memref<1x128x128xf32, #tpu.memory_space<hbm>>
        %dma_wait3A_57 = tpu.memref_squeeze %dma_wait3A_56 : memref<1x128x128xf32, #tpu.memory_space<hbm>> -> memref<128x128xf32, #tpu.memory_space<hbm>>
        %dma_wait3A_58 = arith.constant 0 : i32
        %dma_wait3A_59 = tpu.memref_slice %arg3[%arg0, %add3A_41, %dma_wait3A_58] : memref<2x10240x128xf32, #tpu.memory_space<hbm>> -> memref<1x128x128xf32, #tpu.memory_space<hbm>>
        %dma_wait3A_60 = tpu.memref_squeeze %dma_wait3A_59 : memref<1x128x128xf32, #tpu.memory_space<hbm>> -> memref<128x128xf32, #tpu.memory_space<hbm>>
        %dma_wait3A_61 = arith.constant 0 : i32
        %dma_wait3A_62 = arith.constant 0 : i32
        %dma_wait3A_63 = tpu.memref_slice %arg5[%dma_wait3A_61, %dma_wait3A_62] : memref<128x128xf32, #tpu.memory_space<vmem>> -> memref<128x128xf32, #tpu.memory_space<vmem>>
        tpu.wait_dma2 semaphore(%run_scoped3A : memref<!tpu.dma_semaphore, #tpu.memory_space<semaphore_mem>>) src(%dma_wait3A_63 : memref<128x128xf32, #tpu.memory_space<vmem>>) dst(%dma_wait3A_60 : memref<128x128xf32, #tpu.memory_space<hbm>>)
        tpu.yield
      }) : () -> ()
    }
    %scan3A_30 = arith.constant 5 : i32
    return
  }
}

#map = affine_map<(d0, d1) -> (0, 0)>
#map1 = affine_map<(d0, d1) -> (0, 0, 0)>
module attributes {stable_mosaic.version = 14 : i64} {
  func.func @_agg_kernel(%arg0: i32, %arg1: i32, %arg2: memref<2560x128xi32, #tpu.memory_space<hbm>>, %arg3: memref<2560x128xi32, #tpu.memory_space<hbm>>, %arg4: memref<10240x128xf32, #tpu.memory_space<hbm>>, %arg5: memref<2x10240x128xf32, #tpu.memory_space<hbm>>, %arg6: memref<16x128xi32, #tpu.memory_space<vmem>>, %arg7: memref<16x128xi32, #tpu.memory_space<vmem>>, %arg8: memref<128x128xf32, #tpu.memory_space<vmem>>, %arg9: memref<128x128xf32, #tpu.memory_space<vmem>>, %arg10: memref<10240x128xf32, #tpu.memory_space<vmem_shared>>, %arg11: memref<!tpu.dma_semaphore, #tpu.memory_space<semaphore_mem>>, %arg12: memref<!tpu.dma_semaphore, #tpu.memory_space<semaphore_mem>>, %arg13: memref<!tpu.dma_semaphore, #tpu.memory_space<semaphore_mem>>, %arg14: memref<!tpu.dma_semaphore, #tpu.memory_space<semaphore_mem>>) attributes {dimension_semantics = [#tpu.dimension_semantics<core_parallel>, #tpu.dimension_semantics<subcore_parallel>], iteration_bounds = array<i64: 2, 16>, scalar_prefetch = 0 : i64, scratch_operands = 9 : i64, tpu.core_type = #tpu.core_type<sc_vector_subcore>, window_params = [{transform_indices = #map}, {transform_indices = #map}, {transform_indices = #map}, {transform_indices = #map1}]} {
    %mul3A = arith.constant 16 : i32
    %mul3A_0 = arith.muli %arg0, %mul3A : i32
    %add3A = arith.addi %mul3A_0, %arg1 : i32
    %scan3A = arith.constant 0 : i32
    %scan3A_1 = arith.constant 0 : i32
    %scan3A_2 = arith.constant 1024 : i32
    %scan3A_3 = arith.addi %scan3A_1, %scan3A_2 : i32
    %scan3A_4 = arith.constant 1 : i32
    scf.for %scan3A_25 = %scan3A_1 to %scan3A_3 step %scan3A_4  : i32 {
      %broadcast_in_dim3A = arith.constant 0.000000e+00 : f32
      %broadcast_in_dim3A_26 = vector.broadcast %broadcast_in_dim3A : f32 to vector<16xf32>
      %jit3A = arith.constant 8 : i32
      %div3A = arith.divsi %scan3A_25, %jit3A : i32
      %sign3A = arith.constant 0 : i32
      %sign3A_27 = arith.cmpi sgt, %scan3A_25, %sign3A : i32
      %sign3A_28 = arith.extui %sign3A_27 : i1 to i32
      %sign3A_29 = arith.constant 0 : i32
      %sign3A_30 = arith.cmpi slt, %scan3A_25, %sign3A_29 : i32
      %sign3A_31 = arith.extui %sign3A_30 : i1 to i32
      %sign3A_32 = arith.subi %sign3A_28, %sign3A_31 : i32
      %sign3A_33 = arith.constant 0 : i32
      %sign3A_34 = arith.cmpi sgt, %jit3A, %sign3A_33 : i32
      %sign3A_35 = arith.extui %sign3A_34 : i1 to i32
      %sign3A_36 = arith.constant 0 : i32
      %sign3A_37 = arith.cmpi slt, %jit3A, %sign3A_36 : i32
      %sign3A_38 = arith.extui %sign3A_37 : i1 to i32
      %sign3A_39 = arith.subi %sign3A_35, %sign3A_38 : i32
      %ne3A = arith.cmpi ne, %sign3A_32, %sign3A_39 : i32
      %rem3A = arith.remsi %scan3A_25, %jit3A : i32
      %ne3A_40 = arith.constant 0 : i32
      %ne3A_41 = arith.cmpi ne, %rem3A, %ne3A_40 : i32
      %and3A = arith.andi %ne3A, %ne3A_41 : i1
      %sub3A = arith.constant 1 : i32
      %sub3A_42 = arith.subi %div3A, %sub3A : i32
      %select_n3A = arith.select %and3A, %sub3A_42, %div3A : i32
      %jit3A_43 = arith.constant 8 : i32
      %eq3A = arith.constant 0 : i32
      %eq3A_44 = arith.cmpi eq, %jit3A_43, %eq3A : i32
      %jit3A_45 = arith.constant 1 : i32
      %select_n3A_46 = arith.select %eq3A_44, %jit3A_45, %jit3A_43 : i32
      %rem3A_47 = arith.remsi %scan3A_25, %select_n3A_46 : i32
      %ne3A_48 = arith.constant 0 : i32
      %ne3A_49 = arith.cmpi ne, %rem3A_47, %ne3A_48 : i32
      %lt3A = arith.constant 0 : i32
      %lt3A_50 = arith.cmpi slt, %rem3A_47, %lt3A : i32
      %lt3A_51 = arith.constant 0 : i32
      %lt3A_52 = arith.cmpi slt, %select_n3A_46, %lt3A_51 : i32
      %ne3A_53 = arith.xori %lt3A_50, %lt3A_52 : i1
      %and3A_54 = arith.andi %ne3A_53, %ne3A_49 : i1
      %add3A_55 = arith.addi %rem3A_47, %select_n3A_46 : i32
      %select_n3A_56 = arith.select %and3A_54, %add3A_55, %rem3A_47 : i32
      %mul3A_57 = arith.constant 16 : i32
      %mul3A_58 = arith.muli %select_n3A_56, %mul3A_57 : i32
      %swap3A = arith.index_cast %select_n3A : i32 to index
      %swap3A_59 = arith.index_cast %mul3A_58 : i32 to index
      %swap3A_60 = tpu.vector_load %arg8[%swap3A, %swap3A_59] {strides = array<i32>} : memref<128x128xf32, #tpu.memory_space<vmem>>, vector<1x16xf32>,
      %swap3A_61 = vector.shape_cast %swap3A_60 : vector<1x16xf32> to vector<16xf32>
      %swap3A_62 = vector.shape_cast %broadcast_in_dim3A_26 : vector<16xf32> to vector<1x16xf32>
      tpu.vector_store %arg8[%swap3A, %swap3A_59], %swap3A_62 {strides = array<i32>} : memref<128x128xf32, #tpu.memory_space<vmem>>, vector<1x16xf32>,
    }
    %scan3A_5 = arith.constant 1024 : i32
    %scan3A_6 = arith.constant 0 : i32
    %scan3A_7 = arith.constant 0 : i32
    %scan3A_8 = arith.constant 5 : i32
    %scan3A_9 = arith.addi %scan3A_7, %scan3A_8 : i32
    %scan3A_10 = arith.constant 1 : i32
    scf.for %scan3A_25 = %scan3A_7 to %scan3A_9 step %scan3A_10  : i32 {
      %mul3A_26 = arith.constant 640 : i32
      %mul3A_27 = arith.muli %arg1, %mul3A_26 : i32
      %mul3A_28 = arith.constant 128 : i32
      %mul3A_29 = arith.muli %scan3A_25, %mul3A_28 : i32
      %add3A_30 = arith.addi %mul3A_27, %mul3A_29 : i32
      "tpu.region"() ({
        %run_scoped3A = tpu.sem_alloc : memref<!tpu.dma_semaphore, #tpu.memory_space<semaphore_mem>>
        %dma_start3A = arith.constant 0 : i32
        %dma_start3A_31 = tpu.memref_slice %arg10[%add3A_30, %dma_start3A] : memref<10240x128xf32, #tpu.memory_space<vmem_shared>> -> memref<128x128xf32, #tpu.memory_space<vmem_shared>>
        %dma_start3A_32 = arith.constant 0 : i32
        %dma_start3A_33 = tpu.memref_slice %arg10[%add3A_30, %dma_start3A_32] : memref<10240x128xf32, #tpu.memory_space<vmem_shared>> -> memref<128x128xf32, #tpu.memory_space<vmem_shared>>
        tpu.enqueue_dma source(%arg8 : memref<128x128xf32, #tpu.memory_space<vmem>>) target(%dma_start3A_33 : memref<128x128xf32, #tpu.memory_space<vmem_shared>>) target_semaphore(%run_scoped3A : memref<!tpu.dma_semaphore, #tpu.memory_space<semaphore_mem>>)
        %dma_wait3A = arith.constant 0 : i32
        %dma_wait3A_34 = tpu.memref_slice %arg10[%add3A_30, %dma_wait3A] : memref<10240x128xf32, #tpu.memory_space<vmem_shared>> -> memref<128x128xf32, #tpu.memory_space<vmem_shared>>
        %dma_wait3A_35 = arith.constant 0 : i32
        %dma_wait3A_36 = tpu.memref_slice %arg10[%add3A_30, %dma_wait3A_35] : memref<10240x128xf32, #tpu.memory_space<vmem_shared>> -> memref<128x128xf32, #tpu.memory_space<vmem_shared>>
        tpu.wait_dma2 semaphore(%run_scoped3A : memref<!tpu.dma_semaphore, #tpu.memory_space<semaphore_mem>>) src(%arg8 : memref<128x128xf32, #tpu.memory_space<vmem>>) dst(%dma_wait3A_36 : memref<128x128xf32, #tpu.memory_space<vmem_shared>>)
        tpu.yield
      }) : () -> ()
    }
    %scan3A_11 = arith.constant 5 : i32
    %barrier3A = arith.constant 0 : index
    tpu.barrier barrier_id(%barrier3A)
    %scan3A_12 = arith.constant 0 : i32
    %scan3A_13 = arith.constant 0 : i32
    %scan3A_14 = arith.constant 5 : i32
    %scan3A_15 = arith.addi %scan3A_13, %scan3A_14 : i32
    %scan3A_16 = arith.constant 1 : i32
    scf.for %scan3A_25 = %scan3A_13 to %scan3A_15 step %scan3A_16  : i32 {
      %mul3A_26 = arith.constant 80 : i32
      %mul3A_27 = arith.muli %add3A, %mul3A_26 : i32
      %mul3A_28 = arith.constant 16 : i32
      %mul3A_29 = arith.muli %scan3A_25, %mul3A_28 : i32
      %add3A_30 = arith.addi %mul3A_27, %mul3A_29 : i32
      "tpu.region"() ({
        %run_scoped3A = tpu.sem_alloc : memref<!tpu.dma_semaphore, #tpu.memory_space<semaphore_mem>>
        %dma_start3A_477 = arith.constant 0 : i32
        %dma_start3A_478 = tpu.memref_slice %arg2[%add3A_30, %dma_start3A_477] : memref<2560x128xi32, #tpu.memory_space<hbm>> -> memref<16x128xi32, #tpu.memory_space<hbm>>
        %dma_start3A_479 = arith.constant 0 : i32
        %dma_start3A_480 = tpu.memref_slice %arg2[%add3A_30, %dma_start3A_479] : memref<2560x128xi32, #tpu.memory_space<hbm>> -> memref<16x128xi32, #tpu.memory_space<hbm>>
        tpu.enqueue_dma source(%dma_start3A_480 : memref<16x128xi32, #tpu.memory_space<hbm>>) target(%arg6 : memref<16x128xi32, #tpu.memory_space<vmem>>) target_semaphore(%run_scoped3A : memref<!tpu.dma_semaphore, #tpu.memory_space<semaphore_mem>>)
        %dma_wait3A_481 = arith.constant 0 : i32
        %dma_wait3A_482 = tpu.memref_slice %arg2[%add3A_30, %dma_wait3A_481] : memref<2560x128xi32, #tpu.memory_space<hbm>> -> memref<16x128xi32, #tpu.memory_space<hbm>>
        %dma_wait3A_483 = arith.constant 0 : i32
        %dma_wait3A_484 = tpu.memref_slice %arg2[%add3A_30, %dma_wait3A_483] : memref<2560x128xi32, #tpu.memory_space<hbm>> -> memref<16x128xi32, #tpu.memory_space<hbm>>
        tpu.wait_dma2 semaphore(%run_scoped3A : memref<!tpu.dma_semaphore, #tpu.memory_space<semaphore_mem>>) src(%dma_wait3A_484 : memref<16x128xi32, #tpu.memory_space<hbm>>) dst(%arg6 : memref<16x128xi32, #tpu.memory_space<vmem>>)
        tpu.yield
      }) : () -> ()
      "tpu.region"() ({
        %run_scoped3A = tpu.sem_alloc : memref<!tpu.dma_semaphore, #tpu.memory_space<semaphore_mem>>
        %dma_start3A_477 = arith.constant 0 : i32
        %dma_start3A_478 = tpu.memref_slice %arg3[%add3A_30, %dma_start3A_477] : memref<2560x128xi32, #tpu.memory_space<hbm>> -> memref<16x128xi32, #tpu.memory_space<hbm>>
        %dma_start3A_479 = arith.constant 0 : i32
        %dma_start3A_480 = tpu.memref_slice %arg3[%add3A_30, %dma_start3A_479] : memref<2560x128xi32, #tpu.memory_space<hbm>> -> memref<16x128xi32, #tpu.memory_space<hbm>>
        tpu.enqueue_dma source(%dma_start3A_480 : memref<16x128xi32, #tpu.memory_space<hbm>>) target(%arg7 : memref<16x128xi32, #tpu.memory_space<vmem>>) target_semaphore(%run_scoped3A : memref<!tpu.dma_semaphore, #tpu.memory_space<semaphore_mem>>)
        %dma_wait3A_481 = arith.constant 0 : i32
        %dma_wait3A_482 = tpu.memref_slice %arg3[%add3A_30, %dma_wait3A_481] : memref<2560x128xi32, #tpu.memory_space<hbm>> -> memref<16x128xi32, #tpu.memory_space<hbm>>
        %dma_wait3A_483 = arith.constant 0 : i32
        %dma_wait3A_484 = tpu.memref_slice %arg3[%add3A_30, %dma_wait3A_483] : memref<2560x128xi32, #tpu.memory_space<hbm>> -> memref<16x128xi32, #tpu.memory_space<hbm>>
        tpu.wait_dma2 semaphore(%run_scoped3A : memref<!tpu.dma_semaphore, #tpu.memory_space<semaphore_mem>>) src(%dma_wait3A_484 : memref<16x128xi32, #tpu.memory_space<hbm>>) dst(%arg7 : memref<16x128xi32, #tpu.memory_space<vmem>>)
        tpu.yield
      }) : () -> ()
      %dma_start3A = arith.constant 0 : i32
      %dma_start3A_31 = arith.constant 0 : i32
      %dma_start3A_32 = tpu.memref_slice %arg6[%dma_start3A, %dma_start3A_31] : memref<16x128xi32, #tpu.memory_space<vmem>> -> memref<1x128xi32, #tpu.memory_space<vmem>>
      %dma_start3A_33 = tpu.memref_squeeze %dma_start3A_32 : memref<1x128xi32, #tpu.memory_space<vmem>> -> memref<128xi32, #tpu.memory_space<vmem>>
      %dma_start3A_34 = arith.constant 0 : i32
      %dma_start3A_35 = arith.constant 0 : i32
      %dma_start3A_36 = tpu.memref_slice %arg4[%dma_start3A_34, %dma_start3A_35] : memref<10240x128xf32, #tpu.memory_space<hbm>> -> memref<10240x128xf32, #tpu.memory_space<hbm>>
      tpu.enqueue_indirect_dma source(%dma_start3A_36 : memref<10240x128xf32, #tpu.memory_space<hbm>>) target(%arg8 : memref<128x128xf32, #tpu.memory_space<vmem>>) offsets(%dma_start3A_33 : memref<128xi32, #tpu.memory_space<vmem>>) semaphore(%arg11 : memref<!tpu.dma_semaphore, #tpu.memory_space<semaphore_mem>>)
      %dma_start3A_37 = arith.constant 1 : i32
      %dma_start3A_38 = arith.constant 0 : i32
      %dma_start3A_39 = tpu.memref_slice %arg6[%dma_start3A_37, %dma_start3A_38] : memref<16x128xi32, #tpu.memory_space<vmem>> -> memref<1x128xi32, #tpu.memory_space<vmem>>
      %dma_start3A_40 = tpu.memref_squeeze %dma_start3A_39 : memref<1x128xi32, #tpu.memory_space<vmem>> -> memref<128xi32, #tpu.memory_space<vmem>>
      %dma_start3A_41 = arith.constant 0 : i32
      %dma_start3A_42 = arith.constant 0 : i32
      %dma_start3A_43 = tpu.memref_slice %arg4[%dma_start3A_41, %dma_start3A_42] : memref<10240x128xf32, #tpu.memory_space<hbm>> -> memref<10240x128xf32, #tpu.memory_space<hbm>>
      tpu.enqueue_indirect_dma source(%dma_start3A_43 : memref<10240x128xf32, #tpu.memory_space<hbm>>) target(%arg9 : memref<128x128xf32, #tpu.memory_space<vmem>>) offsets(%dma_start3A_40 : memref<128xi32, #tpu.memory_space<vmem>>) semaphore(%arg12 : memref<!tpu.dma_semaphore, #tpu.memory_space<semaphore_mem>>)
      %dma_wait3A = arith.constant 0 : i32
      %dma_wait3A_44 = arith.constant 0 : i32
      %dma_wait3A_45 = tpu.memref_slice %arg6[%dma_wait3A, %dma_wait3A_44] : memref<16x128xi32, #tpu.memory_space<vmem>> -> memref<1x128xi32, #tpu.memory_space<vmem>>
      %dma_wait3A_46 = tpu.memref_squeeze %dma_wait3A_45 : memref<1x128xi32, #tpu.memory_space<vmem>> -> memref<128xi32, #tpu.memory_space<vmem>>
      %dma_wait3A_47 = arith.constant 0 : i32
      %dma_wait3A_48 = arith.constant 0 : i32
      %dma_wait3A_49 = tpu.memref_slice %arg4[%dma_wait3A_47, %dma_wait3A_48] : memref<10240x128xf32, #tpu.memory_space<hbm>> -> memref<10240x128xf32, #tpu.memory_space<hbm>>
      tpu.wait_indirect_dma semaphore(%arg11 : memref<!tpu.dma_semaphore, #tpu.memory_space<semaphore_mem>>) src(%dma_wait3A_49 : memref<10240x128xf32, #tpu.memory_space<hbm>>) dst(%arg8 : memref<128x128xf32, #tpu.memory_space<vmem>>)
      %dma_start3A_50 = arith.constant 0 : i32
      %dma_start3A_51 = arith.constant 0 : i32
      %dma_start3A_52 = tpu.memref_slice %arg7[%dma_start3A_50, %dma_start3A_51] : memref<16x128xi32, #tpu.memory_space<vmem>> -> memref<1x128xi32, #tpu.memory_space<vmem>>
      %dma_start3A_53 = tpu.memref_squeeze %dma_start3A_52 : memref<1x128xi32, #tpu.memory_space<vmem>> -> memref<128xi32, #tpu.memory_space<vmem>>
      %dma_start3A_54 = arith.constant 0 : i32
      %dma_start3A_55 = arith.constant 0 : i32
      %dma_start3A_56 = tpu.memref_slice %arg10[%dma_start3A_54, %dma_start3A_55] : memref<10240x128xf32, #tpu.memory_space<vmem_shared>> -> memref<10240x128xf32, #tpu.memory_space<vmem_shared>>
      tpu.enqueue_indirect_dma source(%arg8 : memref<128x128xf32, #tpu.memory_space<vmem>>) target(%dma_start3A_56 : memref<10240x128xf32, #tpu.memory_space<vmem_shared>>) offsets(%dma_start3A_53 : memref<128xi32, #tpu.memory_space<vmem>>) semaphore(%arg13 : memref<!tpu.dma_semaphore, #tpu.memory_space<semaphore_mem>>) {add = true}
      %dma_wait3A_57 = arith.constant 0 : i32
      %dma_wait3A_58 = arith.constant 0 : i32
      %dma_wait3A_59 = tpu.memref_slice %arg7[%dma_wait3A_57, %dma_wait3A_58] : memref<16x128xi32, #tpu.memory_space<vmem>> -> memref<1x128xi32, #tpu.memory_space<vmem>>
      %dma_wait3A_60 = tpu.memref_squeeze %dma_wait3A_59 : memref<1x128xi32, #tpu.memory_space<vmem>> -> memref<128xi32, #tpu.memory_space<vmem>>
      %dma_wait3A_61 = arith.constant 0 : i32
      %dma_wait3A_62 = arith.constant 0 : i32
      %dma_wait3A_63 = tpu.memref_slice %arg10[%dma_wait3A_61, %dma_wait3A_62] : memref<10240x128xf32, #tpu.memory_space<vmem_shared>> -> memref<10240x128xf32, #tpu.memory_space<vmem_shared>>
      tpu.wait_indirect_dma semaphore(%arg13 : memref<!tpu.dma_semaphore, #tpu.memory_space<semaphore_mem>>) src(%arg8 : memref<128x128xf32, #tpu.memory_space<vmem>>) dst(%dma_wait3A_63 : memref<10240x128xf32, #tpu.memory_space<vmem_shared>>)
      %dma_start3A_64 = arith.constant 2 : i32
      %dma_start3A_65 = arith.constant 0 : i32
      %dma_start3A_66 = tpu.memref_slice %arg6[%dma_start3A_64, %dma_start3A_65] : memref<16x128xi32, #tpu.memory_space<vmem>> -> memref<1x128xi32, #tpu.memory_space<vmem>>
      %dma_start3A_67 = tpu.memref_squeeze %dma_start3A_66 : memref<1x128xi32, #tpu.memory_space<vmem>> -> memref<128xi32, #tpu.memory_space<vmem>>
      %dma_start3A_68 = arith.constant 0 : i32
      %dma_start3A_69 = arith.constant 0 : i32
      %dma_start3A_70 = tpu.memref_slice %arg4[%dma_start3A_68, %dma_start3A_69] : memref<10240x128xf32, #tpu.memory_space<hbm>> -> memref<10240x128xf32, #tpu.memory_space<hbm>>
      tpu.enqueue_indirect_dma source(%dma_start3A_70 : memref<10240x128xf32, #tpu.memory_space<hbm>>) target(%arg8 : memref<128x128xf32, #tpu.memory_space<vmem>>) offsets(%dma_start3A_67 : memref<128xi32, #tpu.memory_space<vmem>>) semaphore(%arg11 : memref<!tpu.dma_semaphore, #tpu.memory_space<semaphore_mem>>)
      %dma_wait3A_71 = arith.constant 1 : i32
      %dma_wait3A_72 = arith.constant 0 : i32
      %dma_wait3A_73 = tpu.memref_slice %arg6[%dma_wait3A_71, %dma_wait3A_72] : memref<16x128xi32, #tpu.memory_space<vmem>> -> memref<1x128xi32, #tpu.memory_space<vmem>>
      %dma_wait3A_74 = tpu.memref_squeeze %dma_wait3A_73 : memref<1x128xi32, #tpu.memory_space<vmem>> -> memref<128xi32, #tpu.memory_space<vmem>>
      %dma_wait3A_75 = arith.constant 0 : i32
      %dma_wait3A_76 = arith.constant 0 : i32
      %dma_wait3A_77 = tpu.memref_slice %arg4[%dma_wait3A_75, %dma_wait3A_76] : memref<10240x128xf32, #tpu.memory_space<hbm>> -> memref<10240x128xf32, #tpu.memory_space<hbm>>
      tpu.wait_indirect_dma semaphore(%arg12 : memref<!tpu.dma_semaphore, #tpu.memory_space<semaphore_mem>>) src(%dma_wait3A_77 : memref<10240x128xf32, #tpu.memory_space<hbm>>) dst(%arg9 : memref<128x128xf32, #tpu.memory_space<vmem>>)
      %dma_start3A_78 = arith.constant 1 : i32
      %dma_start3A_79 = arith.constant 0 : i32
      %dma_start3A_80 = tpu.memref_slice %arg7[%dma_start3A_78, %dma_start3A_79] : memref<16x128xi32, #tpu.memory_space<vmem>> -> memref<1x128xi32, #tpu.memory_space<vmem>>
      %dma_start3A_81 = tpu.memref_squeeze %dma_start3A_80 : memref<1x128xi32, #tpu.memory_space<vmem>> -> memref<128xi32, #tpu.memory_space<vmem>>
      %dma_start3A_82 = arith.constant 0 : i32
      %dma_start3A_83 = arith.constant 0 : i32
      %dma_start3A_84 = tpu.memref_slice %arg10[%dma_start3A_82, %dma_start3A_83] : memref<10240x128xf32, #tpu.memory_space<vmem_shared>> -> memref<10240x128xf32, #tpu.memory_space<vmem_shared>>
      tpu.enqueue_indirect_dma source(%arg9 : memref<128x128xf32, #tpu.memory_space<vmem>>) target(%dma_start3A_84 : memref<10240x128xf32, #tpu.memory_space<vmem_shared>>) offsets(%dma_start3A_81 : memref<128xi32, #tpu.memory_space<vmem>>) semaphore(%arg14 : memref<!tpu.dma_semaphore, #tpu.memory_space<semaphore_mem>>) {add = true}
      %dma_wait3A_85 = arith.constant 1 : i32
      %dma_wait3A_86 = arith.constant 0 : i32
      %dma_wait3A_87 = tpu.memref_slice %arg7[%dma_wait3A_85, %dma_wait3A_86] : memref<16x128xi32, #tpu.memory_space<vmem>> -> memref<1x128xi32, #tpu.memory_space<vmem>>
      %dma_wait3A_88 = tpu.memref_squeeze %dma_wait3A_87 : memref<1x128xi32, #tpu.memory_space<vmem>> -> memref<128xi32, #tpu.memory_space<vmem>>
      %dma_wait3A_89 = arith.constant 0 : i32
      %dma_wait3A_90 = arith.constant 0 : i32
      %dma_wait3A_91 = tpu.memref_slice %arg10[%dma_wait3A_89, %dma_wait3A_90] : memref<10240x128xf32, #tpu.memory_space<vmem_shared>> -> memref<10240x128xf32, #tpu.memory_space<vmem_shared>>
      tpu.wait_indirect_dma semaphore(%arg14 : memref<!tpu.dma_semaphore, #tpu.memory_space<semaphore_mem>>) src(%arg9 : memref<128x128xf32, #tpu.memory_space<vmem>>) dst(%dma_wait3A_91 : memref<10240x128xf32, #tpu.memory_space<vmem_shared>>)
      %dma_start3A_92 = arith.constant 3 : i32
      %dma_start3A_93 = arith.constant 0 : i32
      %dma_start3A_94 = tpu.memref_slice %arg6[%dma_start3A_92, %dma_start3A_93] : memref<16x128xi32, #tpu.memory_space<vmem>> -> memref<1x128xi32, #tpu.memory_space<vmem>>
      %dma_start3A_95 = tpu.memref_squeeze %dma_start3A_94 : memref<1x128xi32, #tpu.memory_space<vmem>> -> memref<128xi32, #tpu.memory_space<vmem>>
      %dma_start3A_96 = arith.constant 0 : i32
      %dma_start3A_97 = arith.constant 0 : i32
      %dma_start3A_98 = tpu.memref_slice %arg4[%dma_start3A_96, %dma_start3A_97] : memref<10240x128xf32, #tpu.memory_space<hbm>> -> memref<10240x128xf32, #tpu.memory_space<hbm>>
      tpu.enqueue_indirect_dma source(%dma_start3A_98 : memref<10240x128xf32, #tpu.memory_space<hbm>>) target(%arg9 : memref<128x128xf32, #tpu.memory_space<vmem>>) offsets(%dma_start3A_95 : memref<128xi32, #tpu.memory_space<vmem>>) semaphore(%arg12 : memref<!tpu.dma_semaphore, #tpu.memory_space<semaphore_mem>>)
      %dma_wait3A_99 = arith.constant 2 : i32
      %dma_wait3A_100 = arith.constant 0 : i32
      %dma_wait3A_101 = tpu.memref_slice %arg6[%dma_wait3A_99, %dma_wait3A_100] : memref<16x128xi32, #tpu.memory_space<vmem>> -> memref<1x128xi32, #tpu.memory_space<vmem>>
      %dma_wait3A_102 = tpu.memref_squeeze %dma_wait3A_101 : memref<1x128xi32, #tpu.memory_space<vmem>> -> memref<128xi32, #tpu.memory_space<vmem>>
      %dma_wait3A_103 = arith.constant 0 : i32
      %dma_wait3A_104 = arith.constant 0 : i32
      %dma_wait3A_105 = tpu.memref_slice %arg4[%dma_wait3A_103, %dma_wait3A_104] : memref<10240x128xf32, #tpu.memory_space<hbm>> -> memref<10240x128xf32, #tpu.memory_space<hbm>>
      tpu.wait_indirect_dma semaphore(%arg11 : memref<!tpu.dma_semaphore, #tpu.memory_space<semaphore_mem>>) src(%dma_wait3A_105 : memref<10240x128xf32, #tpu.memory_space<hbm>>) dst(%arg8 : memref<128x128xf32, #tpu.memory_space<vmem>>)
      %dma_start3A_106 = arith.constant 2 : i32
      %dma_start3A_107 = arith.constant 0 : i32
      %dma_start3A_108 = tpu.memref_slice %arg7[%dma_start3A_106, %dma_start3A_107] : memref<16x128xi32, #tpu.memory_space<vmem>> -> memref<1x128xi32, #tpu.memory_space<vmem>>
      %dma_start3A_109 = tpu.memref_squeeze %dma_start3A_108 : memref<1x128xi32, #tpu.memory_space<vmem>> -> memref<128xi32, #tpu.memory_space<vmem>>
      %dma_start3A_110 = arith.constant 0 : i32
      %dma_start3A_111 = arith.constant 0 : i32
      %dma_start3A_112 = tpu.memref_slice %arg10[%dma_start3A_110, %dma_start3A_111] : memref<10240x128xf32, #tpu.memory_space<vmem_shared>> -> memref<10240x128xf32, #tpu.memory_space<vmem_shared>>
      tpu.enqueue_indirect_dma source(%arg8 : memref<128x128xf32, #tpu.memory_space<vmem>>) target(%dma_start3A_112 : memref<10240x128xf32, #tpu.memory_space<vmem_shared>>) offsets(%dma_start3A_109 : memref<128xi32, #tpu.memory_space<vmem>>) semaphore(%arg13 : memref<!tpu.dma_semaphore, #tpu.memory_space<semaphore_mem>>) {add = true}
      %dma_wait3A_113 = arith.constant 2 : i32
      %dma_wait3A_114 = arith.constant 0 : i32
      %dma_wait3A_115 = tpu.memref_slice %arg7[%dma_wait3A_113, %dma_wait3A_114] : memref<16x128xi32, #tpu.memory_space<vmem>> -> memref<1x128xi32, #tpu.memory_space<vmem>>
      %dma_wait3A_116 = tpu.memref_squeeze %dma_wait3A_115 : memref<1x128xi32, #tpu.memory_space<vmem>> -> memref<128xi32, #tpu.memory_space<vmem>>
      %dma_wait3A_117 = arith.constant 0 : i32
      %dma_wait3A_118 = arith.constant 0 : i32
      %dma_wait3A_119 = tpu.memref_slice %arg10[%dma_wait3A_117, %dma_wait3A_118] : memref<10240x128xf32, #tpu.memory_space<vmem_shared>> -> memref<10240x128xf32, #tpu.memory_space<vmem_shared>>
      tpu.wait_indirect_dma semaphore(%arg13 : memref<!tpu.dma_semaphore, #tpu.memory_space<semaphore_mem>>) src(%arg8 : memref<128x128xf32, #tpu.memory_space<vmem>>) dst(%dma_wait3A_119 : memref<10240x128xf32, #tpu.memory_space<vmem_shared>>)
      %dma_start3A_120 = arith.constant 4 : i32
      %dma_start3A_121 = arith.constant 0 : i32
      %dma_start3A_122 = tpu.memref_slice %arg6[%dma_start3A_120, %dma_start3A_121] : memref<16x128xi32, #tpu.memory_space<vmem>> -> memref<1x128xi32, #tpu.memory_space<vmem>>
      %dma_start3A_123 = tpu.memref_squeeze %dma_start3A_122 : memref<1x128xi32, #tpu.memory_space<vmem>> -> memref<128xi32, #tpu.memory_space<vmem>>
      %dma_start3A_124 = arith.constant 0 : i32
      %dma_start3A_125 = arith.constant 0 : i32
      %dma_start3A_126 = tpu.memref_slice %arg4[%dma_start3A_124, %dma_start3A_125] : memref<10240x128xf32, #tpu.memory_space<hbm>> -> memref<10240x128xf32, #tpu.memory_space<hbm>>
      tpu.enqueue_indirect_dma source(%dma_start3A_126 : memref<10240x128xf32, #tpu.memory_space<hbm>>) target(%arg8 : memref<128x128xf32, #tpu.memory_space<vmem>>) offsets(%dma_start3A_123 : memref<128xi32, #tpu.memory_space<vmem>>) semaphore(%arg11 : memref<!tpu.dma_semaphore, #tpu.memory_space<semaphore_mem>>)
      %dma_wait3A_127 = arith.constant 3 : i32
      %dma_wait3A_128 = arith.constant 0 : i32
      %dma_wait3A_129 = tpu.memref_slice %arg6[%dma_wait3A_127, %dma_wait3A_128] : memref<16x128xi32, #tpu.memory_space<vmem>> -> memref<1x128xi32, #tpu.memory_space<vmem>>
      %dma_wait3A_130 = tpu.memref_squeeze %dma_wait3A_129 : memref<1x128xi32, #tpu.memory_space<vmem>> -> memref<128xi32, #tpu.memory_space<vmem>>
      %dma_wait3A_131 = arith.constant 0 : i32
      %dma_wait3A_132 = arith.constant 0 : i32
      %dma_wait3A_133 = tpu.memref_slice %arg4[%dma_wait3A_131, %dma_wait3A_132] : memref<10240x128xf32, #tpu.memory_space<hbm>> -> memref<10240x128xf32, #tpu.memory_space<hbm>>
      tpu.wait_indirect_dma semaphore(%arg12 : memref<!tpu.dma_semaphore, #tpu.memory_space<semaphore_mem>>) src(%dma_wait3A_133 : memref<10240x128xf32, #tpu.memory_space<hbm>>) dst(%arg9 : memref<128x128xf32, #tpu.memory_space<vmem>>)
      %dma_start3A_134 = arith.constant 3 : i32
      %dma_start3A_135 = arith.constant 0 : i32
      %dma_start3A_136 = tpu.memref_slice %arg7[%dma_start3A_134, %dma_start3A_135] : memref<16x128xi32, #tpu.memory_space<vmem>> -> memref<1x128xi32, #tpu.memory_space<vmem>>
      %dma_start3A_137 = tpu.memref_squeeze %dma_start3A_136 : memref<1x128xi32, #tpu.memory_space<vmem>> -> memref<128xi32, #tpu.memory_space<vmem>>
      %dma_start3A_138 = arith.constant 0 : i32
      %dma_start3A_139 = arith.constant 0 : i32
      %dma_start3A_140 = tpu.memref_slice %arg10[%dma_start3A_138, %dma_start3A_139] : memref<10240x128xf32, #tpu.memory_space<vmem_shared>> -> memref<10240x128xf32, #tpu.memory_space<vmem_shared>>
      tpu.enqueue_indirect_dma source(%arg9 : memref<128x128xf32, #tpu.memory_space<vmem>>) target(%dma_start3A_140 : memref<10240x128xf32, #tpu.memory_space<vmem_shared>>) offsets(%dma_start3A_137 : memref<128xi32, #tpu.memory_space<vmem>>) semaphore(%arg14 : memref<!tpu.dma_semaphore, #tpu.memory_space<semaphore_mem>>) {add = true}
      %dma_wait3A_141 = arith.constant 3 : i32
      %dma_wait3A_142 = arith.constant 0 : i32
      %dma_wait3A_143 = tpu.memref_slice %arg7[%dma_wait3A_141, %dma_wait3A_142] : memref<16x128xi32, #tpu.memory_space<vmem>> -> memref<1x128xi32, #tpu.memory_space<vmem>>
      %dma_wait3A_144 = tpu.memref_squeeze %dma_wait3A_143 : memref<1x128xi32, #tpu.memory_space<vmem>> -> memref<128xi32, #tpu.memory_space<vmem>>
      %dma_wait3A_145 = arith.constant 0 : i32
      %dma_wait3A_146 = arith.constant 0 : i32
      %dma_wait3A_147 = tpu.memref_slice %arg10[%dma_wait3A_145, %dma_wait3A_146] : memref<10240x128xf32, #tpu.memory_space<vmem_shared>> -> memref<10240x128xf32, #tpu.memory_space<vmem_shared>>
      tpu.wait_indirect_dma semaphore(%arg14 : memref<!tpu.dma_semaphore, #tpu.memory_space<semaphore_mem>>) src(%arg9 : memref<128x128xf32, #tpu.memory_space<vmem>>) dst(%dma_wait3A_147 : memref<10240x128xf32, #tpu.memory_space<vmem_shared>>)
      %dma_start3A_148 = arith.constant 5 : i32
      %dma_start3A_149 = arith.constant 0 : i32
      %dma_start3A_150 = tpu.memref_slice %arg6[%dma_start3A_148, %dma_start3A_149] : memref<16x128xi32, #tpu.memory_space<vmem>> -> memref<1x128xi32, #tpu.memory_space<vmem>>
      %dma_start3A_151 = tpu.memref_squeeze %dma_start3A_150 : memref<1x128xi32, #tpu.memory_space<vmem>> -> memref<128xi32, #tpu.memory_space<vmem>>
      %dma_start3A_152 = arith.constant 0 : i32
      %dma_start3A_153 = arith.constant 0 : i32
      %dma_start3A_154 = tpu.memref_slice %arg4[%dma_start3A_152, %dma_start3A_153] : memref<10240x128xf32, #tpu.memory_space<hbm>> -> memref<10240x128xf32, #tpu.memory_space<hbm>>
      tpu.enqueue_indirect_dma source(%dma_start3A_154 : memref<10240x128xf32, #tpu.memory_space<hbm>>) target(%arg9 : memref<128x128xf32, #tpu.memory_space<vmem>>) offsets(%dma_start3A_151 : memref<128xi32, #tpu.memory_space<vmem>>) semaphore(%arg12 : memref<!tpu.dma_semaphore, #tpu.memory_space<semaphore_mem>>)
      %dma_wait3A_155 = arith.constant 4 : i32
      %dma_wait3A_156 = arith.constant 0 : i32
      %dma_wait3A_157 = tpu.memref_slice %arg6[%dma_wait3A_155, %dma_wait3A_156] : memref<16x128xi32, #tpu.memory_space<vmem>> -> memref<1x128xi32, #tpu.memory_space<vmem>>
      %dma_wait3A_158 = tpu.memref_squeeze %dma_wait3A_157 : memref<1x128xi32, #tpu.memory_space<vmem>> -> memref<128xi32, #tpu.memory_space<vmem>>
      %dma_wait3A_159 = arith.constant 0 : i32
      %dma_wait3A_160 = arith.constant 0 : i32
      %dma_wait3A_161 = tpu.memref_slice %arg4[%dma_wait3A_159, %dma_wait3A_160] : memref<10240x128xf32, #tpu.memory_space<hbm>> -> memref<10240x128xf32, #tpu.memory_space<hbm>>
      tpu.wait_indirect_dma semaphore(%arg11 : memref<!tpu.dma_semaphore, #tpu.memory_space<semaphore_mem>>) src(%dma_wait3A_161 : memref<10240x128xf32, #tpu.memory_space<hbm>>) dst(%arg8 : memref<128x128xf32, #tpu.memory_space<vmem>>)
      %dma_start3A_162 = arith.constant 4 : i32
      %dma_start3A_163 = arith.constant 0 : i32
      %dma_start3A_164 = tpu.memref_slice %arg7[%dma_start3A_162, %dma_start3A_163] : memref<16x128xi32, #tpu.memory_space<vmem>> -> memref<1x128xi32, #tpu.memory_space<vmem>>
      %dma_start3A_165 = tpu.memref_squeeze %dma_start3A_164 : memref<1x128xi32, #tpu.memory_space<vmem>> -> memref<128xi32, #tpu.memory_space<vmem>>
      %dma_start3A_166 = arith.constant 0 : i32
      %dma_start3A_167 = arith.constant 0 : i32
      %dma_start3A_168 = tpu.memref_slice %arg10[%dma_start3A_166, %dma_start3A_167] : memref<10240x128xf32, #tpu.memory_space<vmem_shared>> -> memref<10240x128xf32, #tpu.memory_space<vmem_shared>>
      tpu.enqueue_indirect_dma source(%arg8 : memref<128x128xf32, #tpu.memory_space<vmem>>) target(%dma_start3A_168 : memref<10240x128xf32, #tpu.memory_space<vmem_shared>>) offsets(%dma_start3A_165 : memref<128xi32, #tpu.memory_space<vmem>>) semaphore(%arg13 : memref<!tpu.dma_semaphore, #tpu.memory_space<semaphore_mem>>) {add = true}
      %dma_wait3A_169 = arith.constant 4 : i32
      %dma_wait3A_170 = arith.constant 0 : i32
      %dma_wait3A_171 = tpu.memref_slice %arg7[%dma_wait3A_169, %dma_wait3A_170] : memref<16x128xi32, #tpu.memory_space<vmem>> -> memref<1x128xi32, #tpu.memory_space<vmem>>
      %dma_wait3A_172 = tpu.memref_squeeze %dma_wait3A_171 : memref<1x128xi32, #tpu.memory_space<vmem>> -> memref<128xi32, #tpu.memory_space<vmem>>
      %dma_wait3A_173 = arith.constant 0 : i32
      %dma_wait3A_174 = arith.constant 0 : i32
      %dma_wait3A_175 = tpu.memref_slice %arg10[%dma_wait3A_173, %dma_wait3A_174] : memref<10240x128xf32, #tpu.memory_space<vmem_shared>> -> memref<10240x128xf32, #tpu.memory_space<vmem_shared>>
      tpu.wait_indirect_dma semaphore(%arg13 : memref<!tpu.dma_semaphore, #tpu.memory_space<semaphore_mem>>) src(%arg8 : memref<128x128xf32, #tpu.memory_space<vmem>>) dst(%dma_wait3A_175 : memref<10240x128xf32, #tpu.memory_space<vmem_shared>>)
      %dma_start3A_176 = arith.constant 6 : i32
      %dma_start3A_177 = arith.constant 0 : i32
      %dma_start3A_178 = tpu.memref_slice %arg6[%dma_start3A_176, %dma_start3A_177] : memref<16x128xi32, #tpu.memory_space<vmem>> -> memref<1x128xi32, #tpu.memory_space<vmem>>
      %dma_start3A_179 = tpu.memref_squeeze %dma_start3A_178 : memref<1x128xi32, #tpu.memory_space<vmem>> -> memref<128xi32, #tpu.memory_space<vmem>>
      %dma_start3A_180 = arith.constant 0 : i32
      %dma_start3A_181 = arith.constant 0 : i32
      %dma_start3A_182 = tpu.memref_slice %arg4[%dma_start3A_180, %dma_start3A_181] : memref<10240x128xf32, #tpu.memory_space<hbm>> -> memref<10240x128xf32, #tpu.memory_space<hbm>>
      tpu.enqueue_indirect_dma source(%dma_start3A_182 : memref<10240x128xf32, #tpu.memory_space<hbm>>) target(%arg8 : memref<128x128xf32, #tpu.memory_space<vmem>>) offsets(%dma_start3A_179 : memref<128xi32, #tpu.memory_space<vmem>>) semaphore(%arg11 : memref<!tpu.dma_semaphore, #tpu.memory_space<semaphore_mem>>)
      %dma_wait3A_183 = arith.constant 5 : i32
      %dma_wait3A_184 = arith.constant 0 : i32
      %dma_wait3A_185 = tpu.memref_slice %arg6[%dma_wait3A_183, %dma_wait3A_184] : memref<16x128xi32, #tpu.memory_space<vmem>> -> memref<1x128xi32, #tpu.memory_space<vmem>>
      %dma_wait3A_186 = tpu.memref_squeeze %dma_wait3A_185 : memref<1x128xi32, #tpu.memory_space<vmem>> -> memref<128xi32, #tpu.memory_space<vmem>>
      %dma_wait3A_187 = arith.constant 0 : i32
      %dma_wait3A_188 = arith.constant 0 : i32
      %dma_wait3A_189 = tpu.memref_slice %arg4[%dma_wait3A_187, %dma_wait3A_188] : memref<10240x128xf32, #tpu.memory_space<hbm>> -> memref<10240x128xf32, #tpu.memory_space<hbm>>
      tpu.wait_indirect_dma semaphore(%arg12 : memref<!tpu.dma_semaphore, #tpu.memory_space<semaphore_mem>>) src(%dma_wait3A_189 : memref<10240x128xf32, #tpu.memory_space<hbm>>) dst(%arg9 : memref<128x128xf32, #tpu.memory_space<vmem>>)
      %dma_start3A_190 = arith.constant 5 : i32
      %dma_start3A_191 = arith.constant 0 : i32
      %dma_start3A_192 = tpu.memref_slice %arg7[%dma_start3A_190, %dma_start3A_191] : memref<16x128xi32, #tpu.memory_space<vmem>> -> memref<1x128xi32, #tpu.memory_space<vmem>>
      %dma_start3A_193 = tpu.memref_squeeze %dma_start3A_192 : memref<1x128xi32, #tpu.memory_space<vmem>> -> memref<128xi32, #tpu.memory_space<vmem>>
      %dma_start3A_194 = arith.constant 0 : i32
      %dma_start3A_195 = arith.constant 0 : i32
      %dma_start3A_196 = tpu.memref_slice %arg10[%dma_start3A_194, %dma_start3A_195] : memref<10240x128xf32, #tpu.memory_space<vmem_shared>> -> memref<10240x128xf32, #tpu.memory_space<vmem_shared>>
      tpu.enqueue_indirect_dma source(%arg9 : memref<128x128xf32, #tpu.memory_space<vmem>>) target(%dma_start3A_196 : memref<10240x128xf32, #tpu.memory_space<vmem_shared>>) offsets(%dma_start3A_193 : memref<128xi32, #tpu.memory_space<vmem>>) semaphore(%arg14 : memref<!tpu.dma_semaphore, #tpu.memory_space<semaphore_mem>>) {add = true}
      %dma_wait3A_197 = arith.constant 5 : i32
      %dma_wait3A_198 = arith.constant 0 : i32
      %dma_wait3A_199 = tpu.memref_slice %arg7[%dma_wait3A_197, %dma_wait3A_198] : memref<16x128xi32, #tpu.memory_space<vmem>> -> memref<1x128xi32, #tpu.memory_space<vmem>>
      %dma_wait3A_200 = tpu.memref_squeeze %dma_wait3A_199 : memref<1x128xi32, #tpu.memory_space<vmem>> -> memref<128xi32, #tpu.memory_space<vmem>>
      %dma_wait3A_201 = arith.constant 0 : i32
      %dma_wait3A_202 = arith.constant 0 : i32
      %dma_wait3A_203 = tpu.memref_slice %arg10[%dma_wait3A_201, %dma_wait3A_202] : memref<10240x128xf32, #tpu.memory_space<vmem_shared>> -> memref<10240x128xf32, #tpu.memory_space<vmem_shared>>
      tpu.wait_indirect_dma semaphore(%arg14 : memref<!tpu.dma_semaphore, #tpu.memory_space<semaphore_mem>>) src(%arg9 : memref<128x128xf32, #tpu.memory_space<vmem>>) dst(%dma_wait3A_203 : memref<10240x128xf32, #tpu.memory_space<vmem_shared>>)
      %dma_start3A_204 = arith.constant 7 : i32
      %dma_start3A_205 = arith.constant 0 : i32
      %dma_start3A_206 = tpu.memref_slice %arg6[%dma_start3A_204, %dma_start3A_205] : memref<16x128xi32, #tpu.memory_space<vmem>> -> memref<1x128xi32, #tpu.memory_space<vmem>>
      %dma_start3A_207 = tpu.memref_squeeze %dma_start3A_206 : memref<1x128xi32, #tpu.memory_space<vmem>> -> memref<128xi32, #tpu.memory_space<vmem>>
      %dma_start3A_208 = arith.constant 0 : i32
      %dma_start3A_209 = arith.constant 0 : i32
      %dma_start3A_210 = tpu.memref_slice %arg4[%dma_start3A_208, %dma_start3A_209] : memref<10240x128xf32, #tpu.memory_space<hbm>> -> memref<10240x128xf32, #tpu.memory_space<hbm>>
      tpu.enqueue_indirect_dma source(%dma_start3A_210 : memref<10240x128xf32, #tpu.memory_space<hbm>>) target(%arg9 : memref<128x128xf32, #tpu.memory_space<vmem>>) offsets(%dma_start3A_207 : memref<128xi32, #tpu.memory_space<vmem>>) semaphore(%arg12 : memref<!tpu.dma_semaphore, #tpu.memory_space<semaphore_mem>>)
      %dma_wait3A_211 = arith.constant 6 : i32
      %dma_wait3A_212 = arith.constant 0 : i32
      %dma_wait3A_213 = tpu.memref_slice %arg6[%dma_wait3A_211, %dma_wait3A_212] : memref<16x128xi32, #tpu.memory_space<vmem>> -> memref<1x128xi32, #tpu.memory_space<vmem>>
      %dma_wait3A_214 = tpu.memref_squeeze %dma_wait3A_213 : memref<1x128xi32, #tpu.memory_space<vmem>> -> memref<128xi32, #tpu.memory_space<vmem>>
      %dma_wait3A_215 = arith.constant 0 : i32
      %dma_wait3A_216 = arith.constant 0 : i32
      %dma_wait3A_217 = tpu.memref_slice %arg4[%dma_wait3A_215, %dma_wait3A_216] : memref<10240x128xf32, #tpu.memory_space<hbm>> -> memref<10240x128xf32, #tpu.memory_space<hbm>>
      tpu.wait_indirect_dma semaphore(%arg11 : memref<!tpu.dma_semaphore, #tpu.memory_space<semaphore_mem>>) src(%dma_wait3A_217 : memref<10240x128xf32, #tpu.memory_space<hbm>>) dst(%arg8 : memref<128x128xf32, #tpu.memory_space<vmem>>)
      %dma_start3A_218 = arith.constant 6 : i32
      %dma_start3A_219 = arith.constant 0 : i32
      %dma_start3A_220 = tpu.memref_slice %arg7[%dma_start3A_218, %dma_start3A_219] : memref<16x128xi32, #tpu.memory_space<vmem>> -> memref<1x128xi32, #tpu.memory_space<vmem>>
      %dma_start3A_221 = tpu.memref_squeeze %dma_start3A_220 : memref<1x128xi32, #tpu.memory_space<vmem>> -> memref<128xi32, #tpu.memory_space<vmem>>
      %dma_start3A_222 = arith.constant 0 : i32
      %dma_start3A_223 = arith.constant 0 : i32
      %dma_start3A_224 = tpu.memref_slice %arg10[%dma_start3A_222, %dma_start3A_223] : memref<10240x128xf32, #tpu.memory_space<vmem_shared>> -> memref<10240x128xf32, #tpu.memory_space<vmem_shared>>
      tpu.enqueue_indirect_dma source(%arg8 : memref<128x128xf32, #tpu.memory_space<vmem>>) target(%dma_start3A_224 : memref<10240x128xf32, #tpu.memory_space<vmem_shared>>) offsets(%dma_start3A_221 : memref<128xi32, #tpu.memory_space<vmem>>) semaphore(%arg13 : memref<!tpu.dma_semaphore, #tpu.memory_space<semaphore_mem>>) {add = true}
      %dma_wait3A_225 = arith.constant 6 : i32
      %dma_wait3A_226 = arith.constant 0 : i32
      %dma_wait3A_227 = tpu.memref_slice %arg7[%dma_wait3A_225, %dma_wait3A_226] : memref<16x128xi32, #tpu.memory_space<vmem>> -> memref<1x128xi32, #tpu.memory_space<vmem>>
      %dma_wait3A_228 = tpu.memref_squeeze %dma_wait3A_227 : memref<1x128xi32, #tpu.memory_space<vmem>> -> memref<128xi32, #tpu.memory_space<vmem>>
      %dma_wait3A_229 = arith.constant 0 : i32
      %dma_wait3A_230 = arith.constant 0 : i32
      %dma_wait3A_231 = tpu.memref_slice %arg10[%dma_wait3A_229, %dma_wait3A_230] : memref<10240x128xf32, #tpu.memory_space<vmem_shared>> -> memref<10240x128xf32, #tpu.memory_space<vmem_shared>>
      tpu.wait_indirect_dma semaphore(%arg13 : memref<!tpu.dma_semaphore, #tpu.memory_space<semaphore_mem>>) src(%arg8 : memref<128x128xf32, #tpu.memory_space<vmem>>) dst(%dma_wait3A_231 : memref<10240x128xf32, #tpu.memory_space<vmem_shared>>)
      %dma_start3A_232 = arith.constant 8 : i32
      %dma_start3A_233 = arith.constant 0 : i32
      %dma_start3A_234 = tpu.memref_slice %arg6[%dma_start3A_232, %dma_start3A_233] : memref<16x128xi32, #tpu.memory_space<vmem>> -> memref<1x128xi32, #tpu.memory_space<vmem>>
      %dma_start3A_235 = tpu.memref_squeeze %dma_start3A_234 : memref<1x128xi32, #tpu.memory_space<vmem>> -> memref<128xi32, #tpu.memory_space<vmem>>
      %dma_start3A_236 = arith.constant 0 : i32
      %dma_start3A_237 = arith.constant 0 : i32
      %dma_start3A_238 = tpu.memref_slice %arg4[%dma_start3A_236, %dma_start3A_237] : memref<10240x128xf32, #tpu.memory_space<hbm>> -> memref<10240x128xf32, #tpu.memory_space<hbm>>
      tpu.enqueue_indirect_dma source(%dma_start3A_238 : memref<10240x128xf32, #tpu.memory_space<hbm>>) target(%arg8 : memref<128x128xf32, #tpu.memory_space<vmem>>) offsets(%dma_start3A_235 : memref<128xi32, #tpu.memory_space<vmem>>) semaphore(%arg11 : memref<!tpu.dma_semaphore, #tpu.memory_space<semaphore_mem>>)
      %dma_wait3A_239 = arith.constant 7 : i32
      %dma_wait3A_240 = arith.constant 0 : i32
      %dma_wait3A_241 = tpu.memref_slice %arg6[%dma_wait3A_239, %dma_wait3A_240] : memref<16x128xi32, #tpu.memory_space<vmem>> -> memref<1x128xi32, #tpu.memory_space<vmem>>
      %dma_wait3A_242 = tpu.memref_squeeze %dma_wait3A_241 : memref<1x128xi32, #tpu.memory_space<vmem>> -> memref<128xi32, #tpu.memory_space<vmem>>
      %dma_wait3A_243 = arith.constant 0 : i32
      %dma_wait3A_244 = arith.constant 0 : i32
      %dma_wait3A_245 = tpu.memref_slice %arg4[%dma_wait3A_243, %dma_wait3A_244] : memref<10240x128xf32, #tpu.memory_space<hbm>> -> memref<10240x128xf32, #tpu.memory_space<hbm>>
      tpu.wait_indirect_dma semaphore(%arg12 : memref<!tpu.dma_semaphore, #tpu.memory_space<semaphore_mem>>) src(%dma_wait3A_245 : memref<10240x128xf32, #tpu.memory_space<hbm>>) dst(%arg9 : memref<128x128xf32, #tpu.memory_space<vmem>>)
      %dma_start3A_246 = arith.constant 7 : i32
      %dma_start3A_247 = arith.constant 0 : i32
      %dma_start3A_248 = tpu.memref_slice %arg7[%dma_start3A_246, %dma_start3A_247] : memref<16x128xi32, #tpu.memory_space<vmem>> -> memref<1x128xi32, #tpu.memory_space<vmem>>
      %dma_start3A_249 = tpu.memref_squeeze %dma_start3A_248 : memref<1x128xi32, #tpu.memory_space<vmem>> -> memref<128xi32, #tpu.memory_space<vmem>>
      %dma_start3A_250 = arith.constant 0 : i32
      %dma_start3A_251 = arith.constant 0 : i32
      %dma_start3A_252 = tpu.memref_slice %arg10[%dma_start3A_250, %dma_start3A_251] : memref<10240x128xf32, #tpu.memory_space<vmem_shared>> -> memref<10240x128xf32, #tpu.memory_space<vmem_shared>>
      tpu.enqueue_indirect_dma source(%arg9 : memref<128x128xf32, #tpu.memory_space<vmem>>) target(%dma_start3A_252 : memref<10240x128xf32, #tpu.memory_space<vmem_shared>>) offsets(%dma_start3A_249 : memref<128xi32, #tpu.memory_space<vmem>>) semaphore(%arg14 : memref<!tpu.dma_semaphore, #tpu.memory_space<semaphore_mem>>) {add = true}
      %dma_wait3A_253 = arith.constant 7 : i32
      %dma_wait3A_254 = arith.constant 0 : i32
      %dma_wait3A_255 = tpu.memref_slice %arg7[%dma_wait3A_253, %dma_wait3A_254] : memref<16x128xi32, #tpu.memory_space<vmem>> -> memref<1x128xi32, #tpu.memory_space<vmem>>
      %dma_wait3A_256 = tpu.memref_squeeze %dma_wait3A_255 : memref<1x128xi32, #tpu.memory_space<vmem>> -> memref<128xi32, #tpu.memory_space<vmem>>
      %dma_wait3A_257 = arith.constant 0 : i32
      %dma_wait3A_258 = arith.constant 0 : i32
      %dma_wait3A_259 = tpu.memref_slice %arg10[%dma_wait3A_257, %dma_wait3A_258] : memref<10240x128xf32, #tpu.memory_space<vmem_shared>> -> memref<10240x128xf32, #tpu.memory_space<vmem_shared>>
      tpu.wait_indirect_dma semaphore(%arg14 : memref<!tpu.dma_semaphore, #tpu.memory_space<semaphore_mem>>) src(%arg9 : memref<128x128xf32, #tpu.memory_space<vmem>>) dst(%dma_wait3A_259 : memref<10240x128xf32, #tpu.memory_space<vmem_shared>>)
      %dma_start3A_260 = arith.constant 9 : i32
      %dma_start3A_261 = arith.constant 0 : i32
      %dma_start3A_262 = tpu.memref_slice %arg6[%dma_start3A_260, %dma_start3A_261] : memref<16x128xi32, #tpu.memory_space<vmem>> -> memref<1x128xi32, #tpu.memory_space<vmem>>
      %dma_start3A_263 = tpu.memref_squeeze %dma_start3A_262 : memref<1x128xi32, #tpu.memory_space<vmem>> -> memref<128xi32, #tpu.memory_space<vmem>>
      %dma_start3A_264 = arith.constant 0 : i32
      %dma_start3A_265 = arith.constant 0 : i32
      %dma_start3A_266 = tpu.memref_slice %arg4[%dma_start3A_264, %dma_start3A_265] : memref<10240x128xf32, #tpu.memory_space<hbm>> -> memref<10240x128xf32, #tpu.memory_space<hbm>>
      tpu.enqueue_indirect_dma source(%dma_start3A_266 : memref<10240x128xf32, #tpu.memory_space<hbm>>) target(%arg9 : memref<128x128xf32, #tpu.memory_space<vmem>>) offsets(%dma_start3A_263 : memref<128xi32, #tpu.memory_space<vmem>>) semaphore(%arg12 : memref<!tpu.dma_semaphore, #tpu.memory_space<semaphore_mem>>)
      %dma_wait3A_267 = arith.constant 8 : i32
      %dma_wait3A_268 = arith.constant 0 : i32
      %dma_wait3A_269 = tpu.memref_slice %arg6[%dma_wait3A_267, %dma_wait3A_268] : memref<16x128xi32, #tpu.memory_space<vmem>> -> memref<1x128xi32, #tpu.memory_space<vmem>>
      %dma_wait3A_270 = tpu.memref_squeeze %dma_wait3A_269 : memref<1x128xi32, #tpu.memory_space<vmem>> -> memref<128xi32, #tpu.memory_space<vmem>>
      %dma_wait3A_271 = arith.constant 0 : i32
      %dma_wait3A_272 = arith.constant 0 : i32
      %dma_wait3A_273 = tpu.memref_slice %arg4[%dma_wait3A_271, %dma_wait3A_272] : memref<10240x128xf32, #tpu.memory_space<hbm>> -> memref<10240x128xf32, #tpu.memory_space<hbm>>
      tpu.wait_indirect_dma semaphore(%arg11 : memref<!tpu.dma_semaphore, #tpu.memory_space<semaphore_mem>>) src(%dma_wait3A_273 : memref<10240x128xf32, #tpu.memory_space<hbm>>) dst(%arg8 : memref<128x128xf32, #tpu.memory_space<vmem>>)
      %dma_start3A_274 = arith.constant 8 : i32
      %dma_start3A_275 = arith.constant 0 : i32
      %dma_start3A_276 = tpu.memref_slice %arg7[%dma_start3A_274, %dma_start3A_275] : memref<16x128xi32, #tpu.memory_space<vmem>> -> memref<1x128xi32, #tpu.memory_space<vmem>>
      %dma_start3A_277 = tpu.memref_squeeze %dma_start3A_276 : memref<1x128xi32, #tpu.memory_space<vmem>> -> memref<128xi32, #tpu.memory_space<vmem>>
      %dma_start3A_278 = arith.constant 0 : i32
      %dma_start3A_279 = arith.constant 0 : i32
      %dma_start3A_280 = tpu.memref_slice %arg10[%dma_start3A_278, %dma_start3A_279] : memref<10240x128xf32, #tpu.memory_space<vmem_shared>> -> memref<10240x128xf32, #tpu.memory_space<vmem_shared>>
      tpu.enqueue_indirect_dma source(%arg8 : memref<128x128xf32, #tpu.memory_space<vmem>>) target(%dma_start3A_280 : memref<10240x128xf32, #tpu.memory_space<vmem_shared>>) offsets(%dma_start3A_277 : memref<128xi32, #tpu.memory_space<vmem>>) semaphore(%arg13 : memref<!tpu.dma_semaphore, #tpu.memory_space<semaphore_mem>>) {add = true}
      %dma_wait3A_281 = arith.constant 8 : i32
      %dma_wait3A_282 = arith.constant 0 : i32
      %dma_wait3A_283 = tpu.memref_slice %arg7[%dma_wait3A_281, %dma_wait3A_282] : memref<16x128xi32, #tpu.memory_space<vmem>> -> memref<1x128xi32, #tpu.memory_space<vmem>>
      %dma_wait3A_284 = tpu.memref_squeeze %dma_wait3A_283 : memref<1x128xi32, #tpu.memory_space<vmem>> -> memref<128xi32, #tpu.memory_space<vmem>>
      %dma_wait3A_285 = arith.constant 0 : i32
      %dma_wait3A_286 = arith.constant 0 : i32
      %dma_wait3A_287 = tpu.memref_slice %arg10[%dma_wait3A_285, %dma_wait3A_286] : memref<10240x128xf32, #tpu.memory_space<vmem_shared>> -> memref<10240x128xf32, #tpu.memory_space<vmem_shared>>
      tpu.wait_indirect_dma semaphore(%arg13 : memref<!tpu.dma_semaphore, #tpu.memory_space<semaphore_mem>>) src(%arg8 : memref<128x128xf32, #tpu.memory_space<vmem>>) dst(%dma_wait3A_287 : memref<10240x128xf32, #tpu.memory_space<vmem_shared>>)
      %dma_start3A_288 = arith.constant 10 : i32
      %dma_start3A_289 = arith.constant 0 : i32
      %dma_start3A_290 = tpu.memref_slice %arg6[%dma_start3A_288, %dma_start3A_289] : memref<16x128xi32, #tpu.memory_space<vmem>> -> memref<1x128xi32, #tpu.memory_space<vmem>>
      %dma_start3A_291 = tpu.memref_squeeze %dma_start3A_290 : memref<1x128xi32, #tpu.memory_space<vmem>> -> memref<128xi32, #tpu.memory_space<vmem>>
      %dma_start3A_292 = arith.constant 0 : i32
      %dma_start3A_293 = arith.constant 0 : i32
      %dma_start3A_294 = tpu.memref_slice %arg4[%dma_start3A_292, %dma_start3A_293] : memref<10240x128xf32, #tpu.memory_space<hbm>> -> memref<10240x128xf32, #tpu.memory_space<hbm>>
      tpu.enqueue_indirect_dma source(%dma_start3A_294 : memref<10240x128xf32, #tpu.memory_space<hbm>>) target(%arg8 : memref<128x128xf32, #tpu.memory_space<vmem>>) offsets(%dma_start3A_291 : memref<128xi32, #tpu.memory_space<vmem>>) semaphore(%arg11 : memref<!tpu.dma_semaphore, #tpu.memory_space<semaphore_mem>>)
      %dma_wait3A_295 = arith.constant 9 : i32
      %dma_wait3A_296 = arith.constant 0 : i32
      %dma_wait3A_297 = tpu.memref_slice %arg6[%dma_wait3A_295, %dma_wait3A_296] : memref<16x128xi32, #tpu.memory_space<vmem>> -> memref<1x128xi32, #tpu.memory_space<vmem>>
      %dma_wait3A_298 = tpu.memref_squeeze %dma_wait3A_297 : memref<1x128xi32, #tpu.memory_space<vmem>> -> memref<128xi32, #tpu.memory_space<vmem>>
      %dma_wait3A_299 = arith.constant 0 : i32
      %dma_wait3A_300 = arith.constant 0 : i32
      %dma_wait3A_301 = tpu.memref_slice %arg4[%dma_wait3A_299, %dma_wait3A_300] : memref<10240x128xf32, #tpu.memory_space<hbm>> -> memref<10240x128xf32, #tpu.memory_space<hbm>>
      tpu.wait_indirect_dma semaphore(%arg12 : memref<!tpu.dma_semaphore, #tpu.memory_space<semaphore_mem>>) src(%dma_wait3A_301 : memref<10240x128xf32, #tpu.memory_space<hbm>>) dst(%arg9 : memref<128x128xf32, #tpu.memory_space<vmem>>)
      %dma_start3A_302 = arith.constant 9 : i32
      %dma_start3A_303 = arith.constant 0 : i32
      %dma_start3A_304 = tpu.memref_slice %arg7[%dma_start3A_302, %dma_start3A_303] : memref<16x128xi32, #tpu.memory_space<vmem>> -> memref<1x128xi32, #tpu.memory_space<vmem>>
      %dma_start3A_305 = tpu.memref_squeeze %dma_start3A_304 : memref<1x128xi32, #tpu.memory_space<vmem>> -> memref<128xi32, #tpu.memory_space<vmem>>
      %dma_start3A_306 = arith.constant 0 : i32
      %dma_start3A_307 = arith.constant 0 : i32
      %dma_start3A_308 = tpu.memref_slice %arg10[%dma_start3A_306, %dma_start3A_307] : memref<10240x128xf32, #tpu.memory_space<vmem_shared>> -> memref<10240x128xf32, #tpu.memory_space<vmem_shared>>
      tpu.enqueue_indirect_dma source(%arg9 : memref<128x128xf32, #tpu.memory_space<vmem>>) target(%dma_start3A_308 : memref<10240x128xf32, #tpu.memory_space<vmem_shared>>) offsets(%dma_start3A_305 : memref<128xi32, #tpu.memory_space<vmem>>) semaphore(%arg14 : memref<!tpu.dma_semaphore, #tpu.memory_space<semaphore_mem>>) {add = true}
      %dma_wait3A_309 = arith.constant 9 : i32
      %dma_wait3A_310 = arith.constant 0 : i32
      %dma_wait3A_311 = tpu.memref_slice %arg7[%dma_wait3A_309, %dma_wait3A_310] : memref<16x128xi32, #tpu.memory_space<vmem>> -> memref<1x128xi32, #tpu.memory_space<vmem>>
      %dma_wait3A_312 = tpu.memref_squeeze %dma_wait3A_311 : memref<1x128xi32, #tpu.memory_space<vmem>> -> memref<128xi32, #tpu.memory_space<vmem>>
      %dma_wait3A_313 = arith.constant 0 : i32
      %dma_wait3A_314 = arith.constant 0 : i32
      %dma_wait3A_315 = tpu.memref_slice %arg10[%dma_wait3A_313, %dma_wait3A_314] : memref<10240x128xf32, #tpu.memory_space<vmem_shared>> -> memref<10240x128xf32, #tpu.memory_space<vmem_shared>>
      tpu.wait_indirect_dma semaphore(%arg14 : memref<!tpu.dma_semaphore, #tpu.memory_space<semaphore_mem>>) src(%arg9 : memref<128x128xf32, #tpu.memory_space<vmem>>) dst(%dma_wait3A_315 : memref<10240x128xf32, #tpu.memory_space<vmem_shared>>)
      %dma_start3A_316 = arith.constant 11 : i32
      %dma_start3A_317 = arith.constant 0 : i32
      %dma_start3A_318 = tpu.memref_slice %arg6[%dma_start3A_316, %dma_start3A_317] : memref<16x128xi32, #tpu.memory_space<vmem>> -> memref<1x128xi32, #tpu.memory_space<vmem>>
      %dma_start3A_319 = tpu.memref_squeeze %dma_start3A_318 : memref<1x128xi32, #tpu.memory_space<vmem>> -> memref<128xi32, #tpu.memory_space<vmem>>
      %dma_start3A_320 = arith.constant 0 : i32
      %dma_start3A_321 = arith.constant 0 : i32
      %dma_start3A_322 = tpu.memref_slice %arg4[%dma_start3A_320, %dma_start3A_321] : memref<10240x128xf32, #tpu.memory_space<hbm>> -> memref<10240x128xf32, #tpu.memory_space<hbm>>
      tpu.enqueue_indirect_dma source(%dma_start3A_322 : memref<10240x128xf32, #tpu.memory_space<hbm>>) target(%arg9 : memref<128x128xf32, #tpu.memory_space<vmem>>) offsets(%dma_start3A_319 : memref<128xi32, #tpu.memory_space<vmem>>) semaphore(%arg12 : memref<!tpu.dma_semaphore, #tpu.memory_space<semaphore_mem>>)
      %dma_wait3A_323 = arith.constant 10 : i32
      %dma_wait3A_324 = arith.constant 0 : i32
      %dma_wait3A_325 = tpu.memref_slice %arg6[%dma_wait3A_323, %dma_wait3A_324] : memref<16x128xi32, #tpu.memory_space<vmem>> -> memref<1x128xi32, #tpu.memory_space<vmem>>
      %dma_wait3A_326 = tpu.memref_squeeze %dma_wait3A_325 : memref<1x128xi32, #tpu.memory_space<vmem>> -> memref<128xi32, #tpu.memory_space<vmem>>
      %dma_wait3A_327 = arith.constant 0 : i32
      %dma_wait3A_328 = arith.constant 0 : i32
      %dma_wait3A_329 = tpu.memref_slice %arg4[%dma_wait3A_327, %dma_wait3A_328] : memref<10240x128xf32, #tpu.memory_space<hbm>> -> memref<10240x128xf32, #tpu.memory_space<hbm>>
      tpu.wait_indirect_dma semaphore(%arg11 : memref<!tpu.dma_semaphore, #tpu.memory_space<semaphore_mem>>) src(%dma_wait3A_329 : memref<10240x128xf32, #tpu.memory_space<hbm>>) dst(%arg8 : memref<128x128xf32, #tpu.memory_space<vmem>>)
      %dma_start3A_330 = arith.constant 10 : i32
      %dma_start3A_331 = arith.constant 0 : i32
      %dma_start3A_332 = tpu.memref_slice %arg7[%dma_start3A_330, %dma_start3A_331] : memref<16x128xi32, #tpu.memory_space<vmem>> -> memref<1x128xi32, #tpu.memory_space<vmem>>
      %dma_start3A_333 = tpu.memref_squeeze %dma_start3A_332 : memref<1x128xi32, #tpu.memory_space<vmem>> -> memref<128xi32, #tpu.memory_space<vmem>>
      %dma_start3A_334 = arith.constant 0 : i32
      %dma_start3A_335 = arith.constant 0 : i32
      %dma_start3A_336 = tpu.memref_slice %arg10[%dma_start3A_334, %dma_start3A_335] : memref<10240x128xf32, #tpu.memory_space<vmem_shared>> -> memref<10240x128xf32, #tpu.memory_space<vmem_shared>>
      tpu.enqueue_indirect_dma source(%arg8 : memref<128x128xf32, #tpu.memory_space<vmem>>) target(%dma_start3A_336 : memref<10240x128xf32, #tpu.memory_space<vmem_shared>>) offsets(%dma_start3A_333 : memref<128xi32, #tpu.memory_space<vmem>>) semaphore(%arg13 : memref<!tpu.dma_semaphore, #tpu.memory_space<semaphore_mem>>) {add = true}
      %dma_wait3A_337 = arith.constant 10 : i32
      %dma_wait3A_338 = arith.constant 0 : i32
      %dma_wait3A_339 = tpu.memref_slice %arg7[%dma_wait3A_337, %dma_wait3A_338] : memref<16x128xi32, #tpu.memory_space<vmem>> -> memref<1x128xi32, #tpu.memory_space<vmem>>
      %dma_wait3A_340 = tpu.memref_squeeze %dma_wait3A_339 : memref<1x128xi32, #tpu.memory_space<vmem>> -> memref<128xi32, #tpu.memory_space<vmem>>
      %dma_wait3A_341 = arith.constant 0 : i32
      %dma_wait3A_342 = arith.constant 0 : i32
      %dma_wait3A_343 = tpu.memref_slice %arg10[%dma_wait3A_341, %dma_wait3A_342] : memref<10240x128xf32, #tpu.memory_space<vmem_shared>> -> memref<10240x128xf32, #tpu.memory_space<vmem_shared>>
      tpu.wait_indirect_dma semaphore(%arg13 : memref<!tpu.dma_semaphore, #tpu.memory_space<semaphore_mem>>) src(%arg8 : memref<128x128xf32, #tpu.memory_space<vmem>>) dst(%dma_wait3A_343 : memref<10240x128xf32, #tpu.memory_space<vmem_shared>>)
      %dma_start3A_344 = arith.constant 12 : i32
      %dma_start3A_345 = arith.constant 0 : i32
      %dma_start3A_346 = tpu.memref_slice %arg6[%dma_start3A_344, %dma_start3A_345] : memref<16x128xi32, #tpu.memory_space<vmem>> -> memref<1x128xi32, #tpu.memory_space<vmem>>
      %dma_start3A_347 = tpu.memref_squeeze %dma_start3A_346 : memref<1x128xi32, #tpu.memory_space<vmem>> -> memref<128xi32, #tpu.memory_space<vmem>>
      %dma_start3A_348 = arith.constant 0 : i32
      %dma_start3A_349 = arith.constant 0 : i32
      %dma_start3A_350 = tpu.memref_slice %arg4[%dma_start3A_348, %dma_start3A_349] : memref<10240x128xf32, #tpu.memory_space<hbm>> -> memref<10240x128xf32, #tpu.memory_space<hbm>>
      tpu.enqueue_indirect_dma source(%dma_start3A_350 : memref<10240x128xf32, #tpu.memory_space<hbm>>) target(%arg8 : memref<128x128xf32, #tpu.memory_space<vmem>>) offsets(%dma_start3A_347 : memref<128xi32, #tpu.memory_space<vmem>>) semaphore(%arg11 : memref<!tpu.dma_semaphore, #tpu.memory_space<semaphore_mem>>)
      %dma_wait3A_351 = arith.constant 11 : i32
      %dma_wait3A_352 = arith.constant 0 : i32
      %dma_wait3A_353 = tpu.memref_slice %arg6[%dma_wait3A_351, %dma_wait3A_352] : memref<16x128xi32, #tpu.memory_space<vmem>> -> memref<1x128xi32, #tpu.memory_space<vmem>>
      %dma_wait3A_354 = tpu.memref_squeeze %dma_wait3A_353 : memref<1x128xi32, #tpu.memory_space<vmem>> -> memref<128xi32, #tpu.memory_space<vmem>>
      %dma_wait3A_355 = arith.constant 0 : i32
      %dma_wait3A_356 = arith.constant 0 : i32
      %dma_wait3A_357 = tpu.memref_slice %arg4[%dma_wait3A_355, %dma_wait3A_356] : memref<10240x128xf32, #tpu.memory_space<hbm>> -> memref<10240x128xf32, #tpu.memory_space<hbm>>
      tpu.wait_indirect_dma semaphore(%arg12 : memref<!tpu.dma_semaphore, #tpu.memory_space<semaphore_mem>>) src(%dma_wait3A_357 : memref<10240x128xf32, #tpu.memory_space<hbm>>) dst(%arg9 : memref<128x128xf32, #tpu.memory_space<vmem>>)
      %dma_start3A_358 = arith.constant 11 : i32
      %dma_start3A_359 = arith.constant 0 : i32
      %dma_start3A_360 = tpu.memref_slice %arg7[%dma_start3A_358, %dma_start3A_359] : memref<16x128xi32, #tpu.memory_space<vmem>> -> memref<1x128xi32, #tpu.memory_space<vmem>>
      %dma_start3A_361 = tpu.memref_squeeze %dma_start3A_360 : memref<1x128xi32, #tpu.memory_space<vmem>> -> memref<128xi32, #tpu.memory_space<vmem>>
      %dma_start3A_362 = arith.constant 0 : i32
      %dma_start3A_363 = arith.constant 0 : i32
      %dma_start3A_364 = tpu.memref_slice %arg10[%dma_start3A_362, %dma_start3A_363] : memref<10240x128xf32, #tpu.memory_space<vmem_shared>> -> memref<10240x128xf32, #tpu.memory_space<vmem_shared>>
      tpu.enqueue_indirect_dma source(%arg9 : memref<128x128xf32, #tpu.memory_space<vmem>>) target(%dma_start3A_364 : memref<10240x128xf32, #tpu.memory_space<vmem_shared>>) offsets(%dma_start3A_361 : memref<128xi32, #tpu.memory_space<vmem>>) semaphore(%arg14 : memref<!tpu.dma_semaphore, #tpu.memory_space<semaphore_mem>>) {add = true}
      %dma_wait3A_365 = arith.constant 11 : i32
      %dma_wait3A_366 = arith.constant 0 : i32
      %dma_wait3A_367 = tpu.memref_slice %arg7[%dma_wait3A_365, %dma_wait3A_366] : memref<16x128xi32, #tpu.memory_space<vmem>> -> memref<1x128xi32, #tpu.memory_space<vmem>>
      %dma_wait3A_368 = tpu.memref_squeeze %dma_wait3A_367 : memref<1x128xi32, #tpu.memory_space<vmem>> -> memref<128xi32, #tpu.memory_space<vmem>>
      %dma_wait3A_369 = arith.constant 0 : i32
      %dma_wait3A_370 = arith.constant 0 : i32
      %dma_wait3A_371 = tpu.memref_slice %arg10[%dma_wait3A_369, %dma_wait3A_370] : memref<10240x128xf32, #tpu.memory_space<vmem_shared>> -> memref<10240x128xf32, #tpu.memory_space<vmem_shared>>
      tpu.wait_indirect_dma semaphore(%arg14 : memref<!tpu.dma_semaphore, #tpu.memory_space<semaphore_mem>>) src(%arg9 : memref<128x128xf32, #tpu.memory_space<vmem>>) dst(%dma_wait3A_371 : memref<10240x128xf32, #tpu.memory_space<vmem_shared>>)
      %dma_start3A_372 = arith.constant 13 : i32
      %dma_start3A_373 = arith.constant 0 : i32
      %dma_start3A_374 = tpu.memref_slice %arg6[%dma_start3A_372, %dma_start3A_373] : memref<16x128xi32, #tpu.memory_space<vmem>> -> memref<1x128xi32, #tpu.memory_space<vmem>>
      %dma_start3A_375 = tpu.memref_squeeze %dma_start3A_374 : memref<1x128xi32, #tpu.memory_space<vmem>> -> memref<128xi32, #tpu.memory_space<vmem>>
      %dma_start3A_376 = arith.constant 0 : i32
      %dma_start3A_377 = arith.constant 0 : i32
      %dma_start3A_378 = tpu.memref_slice %arg4[%dma_start3A_376, %dma_start3A_377] : memref<10240x128xf32, #tpu.memory_space<hbm>> -> memref<10240x128xf32, #tpu.memory_space<hbm>>
      tpu.enqueue_indirect_dma source(%dma_start3A_378 : memref<10240x128xf32, #tpu.memory_space<hbm>>) target(%arg9 : memref<128x128xf32, #tpu.memory_space<vmem>>) offsets(%dma_start3A_375 : memref<128xi32, #tpu.memory_space<vmem>>) semaphore(%arg12 : memref<!tpu.dma_semaphore, #tpu.memory_space<semaphore_mem>>)
      %dma_wait3A_379 = arith.constant 12 : i32
      %dma_wait3A_380 = arith.constant 0 : i32
      %dma_wait3A_381 = tpu.memref_slice %arg6[%dma_wait3A_379, %dma_wait3A_380] : memref<16x128xi32, #tpu.memory_space<vmem>> -> memref<1x128xi32, #tpu.memory_space<vmem>>
      %dma_wait3A_382 = tpu.memref_squeeze %dma_wait3A_381 : memref<1x128xi32, #tpu.memory_space<vmem>> -> memref<128xi32, #tpu.memory_space<vmem>>
      %dma_wait3A_383 = arith.constant 0 : i32
      %dma_wait3A_384 = arith.constant 0 : i32
      %dma_wait3A_385 = tpu.memref_slice %arg4[%dma_wait3A_383, %dma_wait3A_384] : memref<10240x128xf32, #tpu.memory_space<hbm>> -> memref<10240x128xf32, #tpu.memory_space<hbm>>
      tpu.wait_indirect_dma semaphore(%arg11 : memref<!tpu.dma_semaphore, #tpu.memory_space<semaphore_mem>>) src(%dma_wait3A_385 : memref<10240x128xf32, #tpu.memory_space<hbm>>) dst(%arg8 : memref<128x128xf32, #tpu.memory_space<vmem>>)
      %dma_start3A_386 = arith.constant 12 : i32
      %dma_start3A_387 = arith.constant 0 : i32
      %dma_start3A_388 = tpu.memref_slice %arg7[%dma_start3A_386, %dma_start3A_387] : memref<16x128xi32, #tpu.memory_space<vmem>> -> memref<1x128xi32, #tpu.memory_space<vmem>>
      %dma_start3A_389 = tpu.memref_squeeze %dma_start3A_388 : memref<1x128xi32, #tpu.memory_space<vmem>> -> memref<128xi32, #tpu.memory_space<vmem>>
      %dma_start3A_390 = arith.constant 0 : i32
      %dma_start3A_391 = arith.constant 0 : i32
      %dma_start3A_392 = tpu.memref_slice %arg10[%dma_start3A_390, %dma_start3A_391] : memref<10240x128xf32, #tpu.memory_space<vmem_shared>> -> memref<10240x128xf32, #tpu.memory_space<vmem_shared>>
      tpu.enqueue_indirect_dma source(%arg8 : memref<128x128xf32, #tpu.memory_space<vmem>>) target(%dma_start3A_392 : memref<10240x128xf32, #tpu.memory_space<vmem_shared>>) offsets(%dma_start3A_389 : memref<128xi32, #tpu.memory_space<vmem>>) semaphore(%arg13 : memref<!tpu.dma_semaphore, #tpu.memory_space<semaphore_mem>>) {add = true}
      %dma_wait3A_393 = arith.constant 12 : i32
      %dma_wait3A_394 = arith.constant 0 : i32
      %dma_wait3A_395 = tpu.memref_slice %arg7[%dma_wait3A_393, %dma_wait3A_394] : memref<16x128xi32, #tpu.memory_space<vmem>> -> memref<1x128xi32, #tpu.memory_space<vmem>>
      %dma_wait3A_396 = tpu.memref_squeeze %dma_wait3A_395 : memref<1x128xi32, #tpu.memory_space<vmem>> -> memref<128xi32, #tpu.memory_space<vmem>>
      %dma_wait3A_397 = arith.constant 0 : i32
      %dma_wait3A_398 = arith.constant 0 : i32
      %dma_wait3A_399 = tpu.memref_slice %arg10[%dma_wait3A_397, %dma_wait3A_398] : memref<10240x128xf32, #tpu.memory_space<vmem_shared>> -> memref<10240x128xf32, #tpu.memory_space<vmem_shared>>
      tpu.wait_indirect_dma semaphore(%arg13 : memref<!tpu.dma_semaphore, #tpu.memory_space<semaphore_mem>>) src(%arg8 : memref<128x128xf32, #tpu.memory_space<vmem>>) dst(%dma_wait3A_399 : memref<10240x128xf32, #tpu.memory_space<vmem_shared>>)
      %dma_start3A_400 = arith.constant 14 : i32
      %dma_start3A_401 = arith.constant 0 : i32
      %dma_start3A_402 = tpu.memref_slice %arg6[%dma_start3A_400, %dma_start3A_401] : memref<16x128xi32, #tpu.memory_space<vmem>> -> memref<1x128xi32, #tpu.memory_space<vmem>>
      %dma_start3A_403 = tpu.memref_squeeze %dma_start3A_402 : memref<1x128xi32, #tpu.memory_space<vmem>> -> memref<128xi32, #tpu.memory_space<vmem>>
      %dma_start3A_404 = arith.constant 0 : i32
      %dma_start3A_405 = arith.constant 0 : i32
      %dma_start3A_406 = tpu.memref_slice %arg4[%dma_start3A_404, %dma_start3A_405] : memref<10240x128xf32, #tpu.memory_space<hbm>> -> memref<10240x128xf32, #tpu.memory_space<hbm>>
      tpu.enqueue_indirect_dma source(%dma_start3A_406 : memref<10240x128xf32, #tpu.memory_space<hbm>>) target(%arg8 : memref<128x128xf32, #tpu.memory_space<vmem>>) offsets(%dma_start3A_403 : memref<128xi32, #tpu.memory_space<vmem>>) semaphore(%arg11 : memref<!tpu.dma_semaphore, #tpu.memory_space<semaphore_mem>>)
      %dma_wait3A_407 = arith.constant 13 : i32
      %dma_wait3A_408 = arith.constant 0 : i32
      %dma_wait3A_409 = tpu.memref_slice %arg6[%dma_wait3A_407, %dma_wait3A_408] : memref<16x128xi32, #tpu.memory_space<vmem>> -> memref<1x128xi32, #tpu.memory_space<vmem>>
      %dma_wait3A_410 = tpu.memref_squeeze %dma_wait3A_409 : memref<1x128xi32, #tpu.memory_space<vmem>> -> memref<128xi32, #tpu.memory_space<vmem>>
      %dma_wait3A_411 = arith.constant 0 : i32
      %dma_wait3A_412 = arith.constant 0 : i32
      %dma_wait3A_413 = tpu.memref_slice %arg4[%dma_wait3A_411, %dma_wait3A_412] : memref<10240x128xf32, #tpu.memory_space<hbm>> -> memref<10240x128xf32, #tpu.memory_space<hbm>>
      tpu.wait_indirect_dma semaphore(%arg12 : memref<!tpu.dma_semaphore, #tpu.memory_space<semaphore_mem>>) src(%dma_wait3A_413 : memref<10240x128xf32, #tpu.memory_space<hbm>>) dst(%arg9 : memref<128x128xf32, #tpu.memory_space<vmem>>)
      %dma_start3A_414 = arith.constant 13 : i32
      %dma_start3A_415 = arith.constant 0 : i32
      %dma_start3A_416 = tpu.memref_slice %arg7[%dma_start3A_414, %dma_start3A_415] : memref<16x128xi32, #tpu.memory_space<vmem>> -> memref<1x128xi32, #tpu.memory_space<vmem>>
      %dma_start3A_417 = tpu.memref_squeeze %dma_start3A_416 : memref<1x128xi32, #tpu.memory_space<vmem>> -> memref<128xi32, #tpu.memory_space<vmem>>
      %dma_start3A_418 = arith.constant 0 : i32
      %dma_start3A_419 = arith.constant 0 : i32
      %dma_start3A_420 = tpu.memref_slice %arg10[%dma_start3A_418, %dma_start3A_419] : memref<10240x128xf32, #tpu.memory_space<vmem_shared>> -> memref<10240x128xf32, #tpu.memory_space<vmem_shared>>
      tpu.enqueue_indirect_dma source(%arg9 : memref<128x128xf32, #tpu.memory_space<vmem>>) target(%dma_start3A_420 : memref<10240x128xf32, #tpu.memory_space<vmem_shared>>) offsets(%dma_start3A_417 : memref<128xi32, #tpu.memory_space<vmem>>) semaphore(%arg14 : memref<!tpu.dma_semaphore, #tpu.memory_space<semaphore_mem>>) {add = true}
      %dma_wait3A_421 = arith.constant 13 : i32
      %dma_wait3A_422 = arith.constant 0 : i32
      %dma_wait3A_423 = tpu.memref_slice %arg7[%dma_wait3A_421, %dma_wait3A_422] : memref<16x128xi32, #tpu.memory_space<vmem>> -> memref<1x128xi32, #tpu.memory_space<vmem>>
      %dma_wait3A_424 = tpu.memref_squeeze %dma_wait3A_423 : memref<1x128xi32, #tpu.memory_space<vmem>> -> memref<128xi32, #tpu.memory_space<vmem>>
      %dma_wait3A_425 = arith.constant 0 : i32
      %dma_wait3A_426 = arith.constant 0 : i32
      %dma_wait3A_427 = tpu.memref_slice %arg10[%dma_wait3A_425, %dma_wait3A_426] : memref<10240x128xf32, #tpu.memory_space<vmem_shared>> -> memref<10240x128xf32, #tpu.memory_space<vmem_shared>>
      tpu.wait_indirect_dma semaphore(%arg14 : memref<!tpu.dma_semaphore, #tpu.memory_space<semaphore_mem>>) src(%arg9 : memref<128x128xf32, #tpu.memory_space<vmem>>) dst(%dma_wait3A_427 : memref<10240x128xf32, #tpu.memory_space<vmem_shared>>)
      %dma_start3A_428 = arith.constant 15 : i32
      %dma_start3A_429 = arith.constant 0 : i32
      %dma_start3A_430 = tpu.memref_slice %arg6[%dma_start3A_428, %dma_start3A_429] : memref<16x128xi32, #tpu.memory_space<vmem>> -> memref<1x128xi32, #tpu.memory_space<vmem>>
      %dma_start3A_431 = tpu.memref_squeeze %dma_start3A_430 : memref<1x128xi32, #tpu.memory_space<vmem>> -> memref<128xi32, #tpu.memory_space<vmem>>
      %dma_start3A_432 = arith.constant 0 : i32
      %dma_start3A_433 = arith.constant 0 : i32
      %dma_start3A_434 = tpu.memref_slice %arg4[%dma_start3A_432, %dma_start3A_433] : memref<10240x128xf32, #tpu.memory_space<hbm>> -> memref<10240x128xf32, #tpu.memory_space<hbm>>
      tpu.enqueue_indirect_dma source(%dma_start3A_434 : memref<10240x128xf32, #tpu.memory_space<hbm>>) target(%arg9 : memref<128x128xf32, #tpu.memory_space<vmem>>) offsets(%dma_start3A_431 : memref<128xi32, #tpu.memory_space<vmem>>) semaphore(%arg12 : memref<!tpu.dma_semaphore, #tpu.memory_space<semaphore_mem>>)
      %dma_wait3A_435 = arith.constant 14 : i32
      %dma_wait3A_436 = arith.constant 0 : i32
      %dma_wait3A_437 = tpu.memref_slice %arg6[%dma_wait3A_435, %dma_wait3A_436] : memref<16x128xi32, #tpu.memory_space<vmem>> -> memref<1x128xi32, #tpu.memory_space<vmem>>
      %dma_wait3A_438 = tpu.memref_squeeze %dma_wait3A_437 : memref<1x128xi32, #tpu.memory_space<vmem>> -> memref<128xi32, #tpu.memory_space<vmem>>
      %dma_wait3A_439 = arith.constant 0 : i32
      %dma_wait3A_440 = arith.constant 0 : i32
      %dma_wait3A_441 = tpu.memref_slice %arg4[%dma_wait3A_439, %dma_wait3A_440] : memref<10240x128xf32, #tpu.memory_space<hbm>> -> memref<10240x128xf32, #tpu.memory_space<hbm>>
      tpu.wait_indirect_dma semaphore(%arg11 : memref<!tpu.dma_semaphore, #tpu.memory_space<semaphore_mem>>) src(%dma_wait3A_441 : memref<10240x128xf32, #tpu.memory_space<hbm>>) dst(%arg8 : memref<128x128xf32, #tpu.memory_space<vmem>>)
      %dma_start3A_442 = arith.constant 14 : i32
      %dma_start3A_443 = arith.constant 0 : i32
      %dma_start3A_444 = tpu.memref_slice %arg7[%dma_start3A_442, %dma_start3A_443] : memref<16x128xi32, #tpu.memory_space<vmem>> -> memref<1x128xi32, #tpu.memory_space<vmem>>
      %dma_start3A_445 = tpu.memref_squeeze %dma_start3A_444 : memref<1x128xi32, #tpu.memory_space<vmem>> -> memref<128xi32, #tpu.memory_space<vmem>>
      %dma_start3A_446 = arith.constant 0 : i32
      %dma_start3A_447 = arith.constant 0 : i32
      %dma_start3A_448 = tpu.memref_slice %arg10[%dma_start3A_446, %dma_start3A_447] : memref<10240x128xf32, #tpu.memory_space<vmem_shared>> -> memref<10240x128xf32, #tpu.memory_space<vmem_shared>>
      tpu.enqueue_indirect_dma source(%arg8 : memref<128x128xf32, #tpu.memory_space<vmem>>) target(%dma_start3A_448 : memref<10240x128xf32, #tpu.memory_space<vmem_shared>>) offsets(%dma_start3A_445 : memref<128xi32, #tpu.memory_space<vmem>>) semaphore(%arg13 : memref<!tpu.dma_semaphore, #tpu.memory_space<semaphore_mem>>) {add = true}
      %dma_wait3A_449 = arith.constant 15 : i32
      %dma_wait3A_450 = arith.constant 0 : i32
      %dma_wait3A_451 = tpu.memref_slice %arg6[%dma_wait3A_449, %dma_wait3A_450] : memref<16x128xi32, #tpu.memory_space<vmem>> -> memref<1x128xi32, #tpu.memory_space<vmem>>
      %dma_wait3A_452 = tpu.memref_squeeze %dma_wait3A_451 : memref<1x128xi32, #tpu.memory_space<vmem>> -> memref<128xi32, #tpu.memory_space<vmem>>
      %dma_wait3A_453 = arith.constant 0 : i32
      %dma_wait3A_454 = arith.constant 0 : i32
      %dma_wait3A_455 = tpu.memref_slice %arg4[%dma_wait3A_453, %dma_wait3A_454] : memref<10240x128xf32, #tpu.memory_space<hbm>> -> memref<10240x128xf32, #tpu.memory_space<hbm>>
      tpu.wait_indirect_dma semaphore(%arg12 : memref<!tpu.dma_semaphore, #tpu.memory_space<semaphore_mem>>) src(%dma_wait3A_455 : memref<10240x128xf32, #tpu.memory_space<hbm>>) dst(%arg9 : memref<128x128xf32, #tpu.memory_space<vmem>>)
      %dma_start3A_456 = arith.constant 15 : i32
      %dma_start3A_457 = arith.constant 0 : i32
      %dma_start3A_458 = tpu.memref_slice %arg7[%dma_start3A_456, %dma_start3A_457] : memref<16x128xi32, #tpu.memory_space<vmem>> -> memref<1x128xi32, #tpu.memory_space<vmem>>
      %dma_start3A_459 = tpu.memref_squeeze %dma_start3A_458 : memref<1x128xi32, #tpu.memory_space<vmem>> -> memref<128xi32, #tpu.memory_space<vmem>>
      %dma_start3A_460 = arith.constant 0 : i32
      %dma_start3A_461 = arith.constant 0 : i32
      %dma_start3A_462 = tpu.memref_slice %arg10[%dma_start3A_460, %dma_start3A_461] : memref<10240x128xf32, #tpu.memory_space<vmem_shared>> -> memref<10240x128xf32, #tpu.memory_space<vmem_shared>>
      tpu.enqueue_indirect_dma source(%arg9 : memref<128x128xf32, #tpu.memory_space<vmem>>) target(%dma_start3A_462 : memref<10240x128xf32, #tpu.memory_space<vmem_shared>>) offsets(%dma_start3A_459 : memref<128xi32, #tpu.memory_space<vmem>>) semaphore(%arg14 : memref<!tpu.dma_semaphore, #tpu.memory_space<semaphore_mem>>) {add = true}
      %dma_wait3A_463 = arith.constant 14 : i32
      %dma_wait3A_464 = arith.constant 0 : i32
      %dma_wait3A_465 = tpu.memref_slice %arg7[%dma_wait3A_463, %dma_wait3A_464] : memref<16x128xi32, #tpu.memory_space<vmem>> -> memref<1x128xi32, #tpu.memory_space<vmem>>
      %dma_wait3A_466 = tpu.memref_squeeze %dma_wait3A_465 : memref<1x128xi32, #tpu.memory_space<vmem>> -> memref<128xi32, #tpu.memory_space<vmem>>
      %dma_wait3A_467 = arith.constant 0 : i32
      %dma_wait3A_468 = arith.constant 0 : i32
      %dma_wait3A_469 = tpu.memref_slice %arg10[%dma_wait3A_467, %dma_wait3A_468] : memref<10240x128xf32, #tpu.memory_space<vmem_shared>> -> memref<10240x128xf32, #tpu.memory_space<vmem_shared>>
      tpu.wait_indirect_dma semaphore(%arg13 : memref<!tpu.dma_semaphore, #tpu.memory_space<semaphore_mem>>) src(%arg8 : memref<128x128xf32, #tpu.memory_space<vmem>>) dst(%dma_wait3A_469 : memref<10240x128xf32, #tpu.memory_space<vmem_shared>>)
      %dma_wait3A_470 = arith.constant 15 : i32
      %dma_wait3A_471 = arith.constant 0 : i32
      %dma_wait3A_472 = tpu.memref_slice %arg7[%dma_wait3A_470, %dma_wait3A_471] : memref<16x128xi32, #tpu.memory_space<vmem>> -> memref<1x128xi32, #tpu.memory_space<vmem>>
      %dma_wait3A_473 = tpu.memref_squeeze %dma_wait3A_472 : memref<1x128xi32, #tpu.memory_space<vmem>> -> memref<128xi32, #tpu.memory_space<vmem>>
      %dma_wait3A_474 = arith.constant 0 : i32
      %dma_wait3A_475 = arith.constant 0 : i32
      %dma_wait3A_476 = tpu.memref_slice %arg10[%dma_wait3A_474, %dma_wait3A_475] : memref<10240x128xf32, #tpu.memory_space<vmem_shared>> -> memref<10240x128xf32, #tpu.memory_space<vmem_shared>>
      tpu.wait_indirect_dma semaphore(%arg14 : memref<!tpu.dma_semaphore, #tpu.memory_space<semaphore_mem>>) src(%arg9 : memref<128x128xf32, #tpu.memory_space<vmem>>) dst(%dma_wait3A_476 : memref<10240x128xf32, #tpu.memory_space<vmem_shared>>)
    }
    %scan3A_17 = arith.constant 5 : i32
    %barrier3A_18 = arith.constant 0 : index
    tpu.barrier barrier_id(%barrier3A_18)
    %scan3A_19 = arith.constant 0 : i32
    %scan3A_20 = arith.constant 0 : i32
    %scan3A_21 = arith.constant 5 : i32
    %scan3A_22 = arith.addi %scan3A_20, %scan3A_21 : i32
    %scan3A_23 = arith.constant 1 : i32
    scf.for %scan3A_25 = %scan3A_20 to %scan3A_22 step %scan3A_23  : i32 {
      %mul3A_26 = arith.constant 640 : i32
      %mul3A_27 = arith.muli %arg1, %mul3A_26 : i32
      %mul3A_28 = arith.constant 128 : i32
      %mul3A_29 = arith.muli %scan3A_25, %mul3A_28 : i32
      %add3A_30 = arith.addi %mul3A_27, %mul3A_29 : i32
      "tpu.region"() ({
        %run_scoped3A = tpu.sem_alloc : memref<!tpu.dma_semaphore, #tpu.memory_space<semaphore_mem>>
        %dma_start3A = arith.constant 0 : i32
        %dma_start3A_36 = tpu.memref_slice %arg10[%add3A_30, %dma_start3A] : memref<10240x128xf32, #tpu.memory_space<vmem_shared>> -> memref<128x128xf32, #tpu.memory_space<vmem_shared>>
        %dma_start3A_37 = arith.constant 0 : i32
        %dma_start3A_38 = tpu.memref_slice %arg10[%add3A_30, %dma_start3A_37] : memref<10240x128xf32, #tpu.memory_space<vmem_shared>> -> memref<128x128xf32, #tpu.memory_space<vmem_shared>>
        tpu.enqueue_dma source(%dma_start3A_38 : memref<128x128xf32, #tpu.memory_space<vmem_shared>>) target(%arg8 : memref<128x128xf32, #tpu.memory_space<vmem>>) target_semaphore(%run_scoped3A : memref<!tpu.dma_semaphore, #tpu.memory_space<semaphore_mem>>)
        %dma_wait3A = arith.constant 0 : i32
        %dma_wait3A_39 = tpu.memref_slice %arg10[%add3A_30, %dma_wait3A] : memref<10240x128xf32, #tpu.memory_space<vmem_shared>> -> memref<128x128xf32, #tpu.memory_space<vmem_shared>>
        %dma_wait3A_40 = arith.constant 0 : i32
        %dma_wait3A_41 = tpu.memref_slice %arg10[%add3A_30, %dma_wait3A_40] : memref<10240x128xf32, #tpu.memory_space<vmem_shared>> -> memref<128x128xf32, #tpu.memory_space<vmem_shared>>
        tpu.wait_dma2 semaphore(%run_scoped3A : memref<!tpu.dma_semaphore, #tpu.memory_space<semaphore_mem>>) src(%dma_wait3A_41 : memref<128x128xf32, #tpu.memory_space<vmem_shared>>) dst(%arg8 : memref<128x128xf32, #tpu.memory_space<vmem>>)
        tpu.yield
      }) : () -> ()
      %mul3A_31 = arith.constant 640 : i32
      %mul3A_32 = arith.muli %arg1, %mul3A_31 : i32
      %mul3A_33 = arith.constant 128 : i32
      %mul3A_34 = arith.muli %scan3A_25, %mul3A_33 : i32
      %add3A_35 = arith.addi %mul3A_32, %mul3A_34 : i32
      "tpu.region"() ({
        %run_scoped3A = tpu.sem_alloc : memref<!tpu.dma_semaphore, #tpu.memory_space<semaphore_mem>>
        %dma_start3A = arith.constant 0 : i32
        %dma_start3A_36 = tpu.memref_slice %arg5[%arg0, %add3A_35, %dma_start3A] : memref<2x10240x128xf32, #tpu.memory_space<hbm>> -> memref<1x128x128xf32, #tpu.memory_space<hbm>>
        %dma_start3A_37 = tpu.memref_squeeze %dma_start3A_36 : memref<1x128x128xf32, #tpu.memory_space<hbm>> -> memref<128x128xf32, #tpu.memory_space<hbm>>
        %dma_start3A_38 = arith.constant 0 : i32
        %dma_start3A_39 = tpu.memref_slice %arg5[%arg0, %add3A_35, %dma_start3A_38] : memref<2x10240x128xf32, #tpu.memory_space<hbm>> -> memref<1x128x128xf32, #tpu.memory_space<hbm>>
        %dma_start3A_40 = tpu.memref_squeeze %dma_start3A_39 : memref<1x128x128xf32, #tpu.memory_space<hbm>> -> memref<128x128xf32, #tpu.memory_space<hbm>>
        tpu.enqueue_dma source(%arg8 : memref<128x128xf32, #tpu.memory_space<vmem>>) target(%dma_start3A_40 : memref<128x128xf32, #tpu.memory_space<hbm>>) target_semaphore(%run_scoped3A : memref<!tpu.dma_semaphore, #tpu.memory_space<semaphore_mem>>)
        %dma_wait3A = arith.constant 0 : i32
        %dma_wait3A_41 = tpu.memref_slice %arg5[%arg0, %add3A_35, %dma_wait3A] : memref<2x10240x128xf32, #tpu.memory_space<hbm>> -> memref<1x128x128xf32, #tpu.memory_space<hbm>>
        %dma_wait3A_42 = tpu.memref_squeeze %dma_wait3A_41 : memref<1x128x128xf32, #tpu.memory_space<hbm>> -> memref<128x128xf32, #tpu.memory_space<hbm>>
        %dma_wait3A_43 = arith.constant 0 : i32
        %dma_wait3A_44 = tpu.memref_slice %arg5[%arg0, %add3A_35, %dma_wait3A_43] : memref<2x10240x128xf32, #tpu.memory_space<hbm>> -> memref<1x128x128xf32, #tpu.memory_space<hbm>>
        %dma_wait3A_45 = tpu.memref_squeeze %dma_wait3A_44 : memref<1x128x128xf32, #tpu.memory_space<hbm>> -> memref<128x128xf32, #tpu.memory_space<hbm>>
        tpu.wait_dma2 semaphore(%run_scoped3A : memref<!tpu.dma_semaphore, #tpu.memory_space<semaphore_mem>>) src(%arg8 : memref<128x128xf32, #tpu.memory_space<vmem>>) dst(%dma_wait3A_45 : memref<128x128xf32, #tpu.memory_space<hbm>>)
        tpu.yield
      }) : () -> ()
    }
    %scan3A_24 = arith.constant 5 : i32
    return
  }
}

#map = affine_map<(d0, d1) -> (0, 0)>
#map1 = affine_map<(d0, d1) -> (0, 0, 0)>
module attributes {stable_mosaic.version = 14 : i64} {
  func.func @_agg_kernel(%arg0: i32, %arg1: i32, %arg2: memref<2560x128xi32, #tpu.memory_space<hbm>>, %arg3: memref<2560x128xi32, #tpu.memory_space<hbm>>, %arg4: memref<10240x128xf32, #tpu.memory_space<hbm>>, %arg5: memref<2x10240x128xf32, #tpu.memory_space<hbm>>, %arg6: memref<16x128xi32, #tpu.memory_space<vmem>>, %arg7: memref<16x128xi32, #tpu.memory_space<vmem>>, %arg8: memref<128x128xf32, #tpu.memory_space<vmem>>, %arg9: memref<128x128xf32, #tpu.memory_space<vmem>>, %arg10: memref<10240x128xf32, #tpu.memory_space<vmem_shared>>, %arg11: memref<!tpu.dma_semaphore, #tpu.memory_space<semaphore_mem>>, %arg12: memref<!tpu.dma_semaphore, #tpu.memory_space<semaphore_mem>>, %arg13: memref<!tpu.dma_semaphore, #tpu.memory_space<semaphore_mem>>, %arg14: memref<!tpu.dma_semaphore, #tpu.memory_space<semaphore_mem>>) attributes {dimension_semantics = [#tpu.dimension_semantics<core_parallel>, #tpu.dimension_semantics<subcore_parallel>], iteration_bounds = array<i64: 2, 16>, scalar_prefetch = 0 : i64, scratch_operands = 9 : i64, tpu.core_type = #tpu.core_type<sc_vector_subcore>, window_params = [{transform_indices = #map}, {transform_indices = #map}, {transform_indices = #map}, {transform_indices = #map1}]} {
    %mul3A = arith.constant 16 : i32
    %mul3A_0 = arith.muli %arg0, %mul3A : i32
    %add3A = arith.addi %mul3A_0, %arg1 : i32
    %scan3A = arith.constant 0 : i32
    %scan3A_1 = arith.constant 0 : i32
    %scan3A_2 = arith.constant 1024 : i32
    %scan3A_3 = arith.addi %scan3A_1, %scan3A_2 : i32
    %scan3A_4 = arith.constant 1 : i32
    scf.for %scan3A_25 = %scan3A_1 to %scan3A_3 step %scan3A_4  : i32 {
      %broadcast_in_dim3A = arith.constant 0.000000e+00 : f32
      %broadcast_in_dim3A_26 = vector.broadcast %broadcast_in_dim3A : f32 to vector<16xf32>
      %jit3A = arith.constant 8 : i32
      %div3A = arith.divsi %scan3A_25, %jit3A : i32
      %sign3A = arith.constant 0 : i32
      %sign3A_27 = arith.cmpi sgt, %scan3A_25, %sign3A : i32
      %sign3A_28 = arith.extui %sign3A_27 : i1 to i32
      %sign3A_29 = arith.constant 0 : i32
      %sign3A_30 = arith.cmpi slt, %scan3A_25, %sign3A_29 : i32
      %sign3A_31 = arith.extui %sign3A_30 : i1 to i32
      %sign3A_32 = arith.subi %sign3A_28, %sign3A_31 : i32
      %sign3A_33 = arith.constant 0 : i32
      %sign3A_34 = arith.cmpi sgt, %jit3A, %sign3A_33 : i32
      %sign3A_35 = arith.extui %sign3A_34 : i1 to i32
      %sign3A_36 = arith.constant 0 : i32
      %sign3A_37 = arith.cmpi slt, %jit3A, %sign3A_36 : i32
      %sign3A_38 = arith.extui %sign3A_37 : i1 to i32
      %sign3A_39 = arith.subi %sign3A_35, %sign3A_38 : i32
      %ne3A = arith.cmpi ne, %sign3A_32, %sign3A_39 : i32
      %rem3A = arith.remsi %scan3A_25, %jit3A : i32
      %ne3A_40 = arith.constant 0 : i32
      %ne3A_41 = arith.cmpi ne, %rem3A, %ne3A_40 : i32
      %and3A = arith.andi %ne3A, %ne3A_41 : i1
      %sub3A = arith.constant 1 : i32
      %sub3A_42 = arith.subi %div3A, %sub3A : i32
      %select_n3A = arith.select %and3A, %sub3A_42, %div3A : i32
      %jit3A_43 = arith.constant 8 : i32
      %eq3A = arith.constant 0 : i32
      %eq3A_44 = arith.cmpi eq, %jit3A_43, %eq3A : i32
      %jit3A_45 = arith.constant 1 : i32
      %select_n3A_46 = arith.select %eq3A_44, %jit3A_45, %jit3A_43 : i32
      %rem3A_47 = arith.remsi %scan3A_25, %select_n3A_46 : i32
      %ne3A_48 = arith.constant 0 : i32
      %ne3A_49 = arith.cmpi ne, %rem3A_47, %ne3A_48 : i32
      %lt3A = arith.constant 0 : i32
      %lt3A_50 = arith.cmpi slt, %rem3A_47, %lt3A : i32
      %lt3A_51 = arith.constant 0 : i32
      %lt3A_52 = arith.cmpi slt, %select_n3A_46, %lt3A_51 : i32
      %ne3A_53 = arith.xori %lt3A_50, %lt3A_52 : i1
      %and3A_54 = arith.andi %ne3A_53, %ne3A_49 : i1
      %add3A_55 = arith.addi %rem3A_47, %select_n3A_46 : i32
      %select_n3A_56 = arith.select %and3A_54, %add3A_55, %rem3A_47 : i32
      %mul3A_57 = arith.constant 16 : i32
      %mul3A_58 = arith.muli %select_n3A_56, %mul3A_57 : i32
      %swap3A = arith.index_cast %select_n3A : i32 to index
      %swap3A_59 = arith.index_cast %mul3A_58 : i32 to index
      %swap3A_60 = tpu.vector_load %arg8[%swap3A, %swap3A_59] {strides = array<i32>} : memref<128x128xf32, #tpu.memory_space<vmem>>, vector<1x16xf32>,
      %swap3A_61 = vector.shape_cast %swap3A_60 : vector<1x16xf32> to vector<16xf32>
      %swap3A_62 = vector.shape_cast %broadcast_in_dim3A_26 : vector<16xf32> to vector<1x16xf32>
      tpu.vector_store %arg8[%swap3A, %swap3A_59], %swap3A_62 {strides = array<i32>} : memref<128x128xf32, #tpu.memory_space<vmem>>, vector<1x16xf32>,
    }
    %scan3A_5 = arith.constant 1024 : i32
    %scan3A_6 = arith.constant 0 : i32
    %scan3A_7 = arith.constant 0 : i32
    %scan3A_8 = arith.constant 5 : i32
    %scan3A_9 = arith.addi %scan3A_7, %scan3A_8 : i32
    %scan3A_10 = arith.constant 1 : i32
    scf.for %scan3A_25 = %scan3A_7 to %scan3A_9 step %scan3A_10  : i32 {
      %mul3A_26 = arith.constant 640 : i32
      %mul3A_27 = arith.muli %arg1, %mul3A_26 : i32
      %mul3A_28 = arith.constant 128 : i32
      %mul3A_29 = arith.muli %scan3A_25, %mul3A_28 : i32
      %add3A_30 = arith.addi %mul3A_27, %mul3A_29 : i32
      "tpu.region"() ({
        %run_scoped3A = tpu.sem_alloc : memref<!tpu.dma_semaphore, #tpu.memory_space<semaphore_mem>>
        %dma_start3A = arith.constant 0 : i32
        %dma_start3A_31 = tpu.memref_slice %arg10[%add3A_30, %dma_start3A] : memref<10240x128xf32, #tpu.memory_space<vmem_shared>> -> memref<128x128xf32, #tpu.memory_space<vmem_shared>>
        %dma_start3A_32 = arith.constant 0 : i32
        %dma_start3A_33 = tpu.memref_slice %arg10[%add3A_30, %dma_start3A_32] : memref<10240x128xf32, #tpu.memory_space<vmem_shared>> -> memref<128x128xf32, #tpu.memory_space<vmem_shared>>
        tpu.enqueue_dma source(%arg8 : memref<128x128xf32, #tpu.memory_space<vmem>>) target(%dma_start3A_33 : memref<128x128xf32, #tpu.memory_space<vmem_shared>>) target_semaphore(%run_scoped3A : memref<!tpu.dma_semaphore, #tpu.memory_space<semaphore_mem>>)
        %dma_wait3A = arith.constant 0 : i32
        %dma_wait3A_34 = tpu.memref_slice %arg10[%add3A_30, %dma_wait3A] : memref<10240x128xf32, #tpu.memory_space<vmem_shared>> -> memref<128x128xf32, #tpu.memory_space<vmem_shared>>
        %dma_wait3A_35 = arith.constant 0 : i32
        %dma_wait3A_36 = tpu.memref_slice %arg10[%add3A_30, %dma_wait3A_35] : memref<10240x128xf32, #tpu.memory_space<vmem_shared>> -> memref<128x128xf32, #tpu.memory_space<vmem_shared>>
        tpu.wait_dma2 semaphore(%run_scoped3A : memref<!tpu.dma_semaphore, #tpu.memory_space<semaphore_mem>>) src(%arg8 : memref<128x128xf32, #tpu.memory_space<vmem>>) dst(%dma_wait3A_36 : memref<128x128xf32, #tpu.memory_space<vmem_shared>>)
        tpu.yield
      }) : () -> ()
    }
    %scan3A_11 = arith.constant 5 : i32
    %barrier3A = arith.constant 0 : index
    tpu.barrier barrier_id(%barrier3A)
    %scan3A_12 = arith.constant 0 : i32
    %scan3A_13 = arith.constant 0 : i32
    %scan3A_14 = arith.constant 5 : i32
    %scan3A_15 = arith.addi %scan3A_13, %scan3A_14 : i32
    %scan3A_16 = arith.constant 1 : i32
    scf.for %scan3A_25 = %scan3A_13 to %scan3A_15 step %scan3A_16  : i32 {
      %mul3A_26 = arith.constant 80 : i32
      %mul3A_27 = arith.muli %add3A, %mul3A_26 : i32
      %mul3A_28 = arith.constant 16 : i32
      %mul3A_29 = arith.muli %scan3A_25, %mul3A_28 : i32
      %add3A_30 = arith.addi %mul3A_27, %mul3A_29 : i32
      "tpu.region"() ({
        %run_scoped3A = tpu.sem_alloc : memref<!tpu.dma_semaphore, #tpu.memory_space<semaphore_mem>>
        %dma_start3A_477 = arith.constant 0 : i32
        %dma_start3A_478 = tpu.memref_slice %arg2[%add3A_30, %dma_start3A_477] : memref<2560x128xi32, #tpu.memory_space<hbm>> -> memref<16x128xi32, #tpu.memory_space<hbm>>
        %dma_start3A_479 = arith.constant 0 : i32
        %dma_start3A_480 = tpu.memref_slice %arg2[%add3A_30, %dma_start3A_479] : memref<2560x128xi32, #tpu.memory_space<hbm>> -> memref<16x128xi32, #tpu.memory_space<hbm>>
        tpu.enqueue_dma source(%dma_start3A_480 : memref<16x128xi32, #tpu.memory_space<hbm>>) target(%arg6 : memref<16x128xi32, #tpu.memory_space<vmem>>) target_semaphore(%run_scoped3A : memref<!tpu.dma_semaphore, #tpu.memory_space<semaphore_mem>>)
        %dma_wait3A_481 = arith.constant 0 : i32
        %dma_wait3A_482 = tpu.memref_slice %arg2[%add3A_30, %dma_wait3A_481] : memref<2560x128xi32, #tpu.memory_space<hbm>> -> memref<16x128xi32, #tpu.memory_space<hbm>>
        %dma_wait3A_483 = arith.constant 0 : i32
        %dma_wait3A_484 = tpu.memref_slice %arg2[%add3A_30, %dma_wait3A_483] : memref<2560x128xi32, #tpu.memory_space<hbm>> -> memref<16x128xi32, #tpu.memory_space<hbm>>
        tpu.wait_dma2 semaphore(%run_scoped3A : memref<!tpu.dma_semaphore, #tpu.memory_space<semaphore_mem>>) src(%dma_wait3A_484 : memref<16x128xi32, #tpu.memory_space<hbm>>) dst(%arg6 : memref<16x128xi32, #tpu.memory_space<vmem>>)
        tpu.yield
      }) : () -> ()
      "tpu.region"() ({
        %run_scoped3A = tpu.sem_alloc : memref<!tpu.dma_semaphore, #tpu.memory_space<semaphore_mem>>
        %dma_start3A_477 = arith.constant 0 : i32
        %dma_start3A_478 = tpu.memref_slice %arg3[%add3A_30, %dma_start3A_477] : memref<2560x128xi32, #tpu.memory_space<hbm>> -> memref<16x128xi32, #tpu.memory_space<hbm>>
        %dma_start3A_479 = arith.constant 0 : i32
        %dma_start3A_480 = tpu.memref_slice %arg3[%add3A_30, %dma_start3A_479] : memref<2560x128xi32, #tpu.memory_space<hbm>> -> memref<16x128xi32, #tpu.memory_space<hbm>>
        tpu.enqueue_dma source(%dma_start3A_480 : memref<16x128xi32, #tpu.memory_space<hbm>>) target(%arg7 : memref<16x128xi32, #tpu.memory_space<vmem>>) target_semaphore(%run_scoped3A : memref<!tpu.dma_semaphore, #tpu.memory_space<semaphore_mem>>)
        %dma_wait3A_481 = arith.constant 0 : i32
        %dma_wait3A_482 = tpu.memref_slice %arg3[%add3A_30, %dma_wait3A_481] : memref<2560x128xi32, #tpu.memory_space<hbm>> -> memref<16x128xi32, #tpu.memory_space<hbm>>
        %dma_wait3A_483 = arith.constant 0 : i32
        %dma_wait3A_484 = tpu.memref_slice %arg3[%add3A_30, %dma_wait3A_483] : memref<2560x128xi32, #tpu.memory_space<hbm>> -> memref<16x128xi32, #tpu.memory_space<hbm>>
        tpu.wait_dma2 semaphore(%run_scoped3A : memref<!tpu.dma_semaphore, #tpu.memory_space<semaphore_mem>>) src(%dma_wait3A_484 : memref<16x128xi32, #tpu.memory_space<hbm>>) dst(%arg7 : memref<16x128xi32, #tpu.memory_space<vmem>>)
        tpu.yield
      }) : () -> ()
      %dma_start3A = arith.constant 0 : i32
      %dma_start3A_31 = arith.constant 0 : i32
      %dma_start3A_32 = tpu.memref_slice %arg6[%dma_start3A, %dma_start3A_31] : memref<16x128xi32, #tpu.memory_space<vmem>> -> memref<1x128xi32, #tpu.memory_space<vmem>>
      %dma_start3A_33 = tpu.memref_squeeze %dma_start3A_32 : memref<1x128xi32, #tpu.memory_space<vmem>> -> memref<128xi32, #tpu.memory_space<vmem>>
      %dma_start3A_34 = arith.constant 0 : i32
      %dma_start3A_35 = arith.constant 0 : i32
      %dma_start3A_36 = tpu.memref_slice %arg4[%dma_start3A_34, %dma_start3A_35] : memref<10240x128xf32, #tpu.memory_space<hbm>> -> memref<10240x128xf32, #tpu.memory_space<hbm>>
      tpu.enqueue_indirect_dma source(%dma_start3A_36 : memref<10240x128xf32, #tpu.memory_space<hbm>>) target(%arg8 : memref<128x128xf32, #tpu.memory_space<vmem>>) offsets(%dma_start3A_33 : memref<128xi32, #tpu.memory_space<vmem>>) semaphore(%arg11 : memref<!tpu.dma_semaphore, #tpu.memory_space<semaphore_mem>>)
      %dma_start3A_37 = arith.constant 1 : i32
      %dma_start3A_38 = arith.constant 0 : i32
      %dma_start3A_39 = tpu.memref_slice %arg6[%dma_start3A_37, %dma_start3A_38] : memref<16x128xi32, #tpu.memory_space<vmem>> -> memref<1x128xi32, #tpu.memory_space<vmem>>
      %dma_start3A_40 = tpu.memref_squeeze %dma_start3A_39 : memref<1x128xi32, #tpu.memory_space<vmem>> -> memref<128xi32, #tpu.memory_space<vmem>>
      %dma_start3A_41 = arith.constant 0 : i32
      %dma_start3A_42 = arith.constant 0 : i32
      %dma_start3A_43 = tpu.memref_slice %arg4[%dma_start3A_41, %dma_start3A_42] : memref<10240x128xf32, #tpu.memory_space<hbm>> -> memref<10240x128xf32, #tpu.memory_space<hbm>>
      tpu.enqueue_indirect_dma source(%dma_start3A_43 : memref<10240x128xf32, #tpu.memory_space<hbm>>) target(%arg9 : memref<128x128xf32, #tpu.memory_space<vmem>>) offsets(%dma_start3A_40 : memref<128xi32, #tpu.memory_space<vmem>>) semaphore(%arg12 : memref<!tpu.dma_semaphore, #tpu.memory_space<semaphore_mem>>)
      %dma_wait3A = arith.constant 0 : i32
      %dma_wait3A_44 = arith.constant 0 : i32
      %dma_wait3A_45 = tpu.memref_slice %arg6[%dma_wait3A, %dma_wait3A_44] : memref<16x128xi32, #tpu.memory_space<vmem>> -> memref<1x128xi32, #tpu.memory_space<vmem>>
      %dma_wait3A_46 = tpu.memref_squeeze %dma_wait3A_45 : memref<1x128xi32, #tpu.memory_space<vmem>> -> memref<128xi32, #tpu.memory_space<vmem>>
      %dma_wait3A_47 = arith.constant 0 : i32
      %dma_wait3A_48 = arith.constant 0 : i32
      %dma_wait3A_49 = tpu.memref_slice %arg4[%dma_wait3A_47, %dma_wait3A_48] : memref<10240x128xf32, #tpu.memory_space<hbm>> -> memref<10240x128xf32, #tpu.memory_space<hbm>>
      tpu.wait_indirect_dma semaphore(%arg11 : memref<!tpu.dma_semaphore, #tpu.memory_space<semaphore_mem>>) src(%dma_wait3A_49 : memref<10240x128xf32, #tpu.memory_space<hbm>>) dst(%arg8 : memref<128x128xf32, #tpu.memory_space<vmem>>)
      %dma_start3A_50 = arith.constant 0 : i32
      %dma_start3A_51 = arith.constant 0 : i32
      %dma_start3A_52 = tpu.memref_slice %arg7[%dma_start3A_50, %dma_start3A_51] : memref<16x128xi32, #tpu.memory_space<vmem>> -> memref<1x128xi32, #tpu.memory_space<vmem>>
      %dma_start3A_53 = tpu.memref_squeeze %dma_start3A_52 : memref<1x128xi32, #tpu.memory_space<vmem>> -> memref<128xi32, #tpu.memory_space<vmem>>
      %dma_start3A_54 = arith.constant 0 : i32
      %dma_start3A_55 = arith.constant 0 : i32
      %dma_start3A_56 = tpu.memref_slice %arg10[%dma_start3A_54, %dma_start3A_55] : memref<10240x128xf32, #tpu.memory_space<vmem_shared>> -> memref<10240x128xf32, #tpu.memory_space<vmem_shared>>
      tpu.enqueue_indirect_dma source(%arg8 : memref<128x128xf32, #tpu.memory_space<vmem>>) target(%dma_start3A_56 : memref<10240x128xf32, #tpu.memory_space<vmem_shared>>) offsets(%dma_start3A_53 : memref<128xi32, #tpu.memory_space<vmem>>) semaphore(%arg13 : memref<!tpu.dma_semaphore, #tpu.memory_space<semaphore_mem>>) {add = true}
      %dma_wait3A_57 = arith.constant 0 : i32
      %dma_wait3A_58 = arith.constant 0 : i32
      %dma_wait3A_59 = tpu.memref_slice %arg7[%dma_wait3A_57, %dma_wait3A_58] : memref<16x128xi32, #tpu.memory_space<vmem>> -> memref<1x128xi32, #tpu.memory_space<vmem>>
      %dma_wait3A_60 = tpu.memref_squeeze %dma_wait3A_59 : memref<1x128xi32, #tpu.memory_space<vmem>> -> memref<128xi32, #tpu.memory_space<vmem>>
      %dma_wait3A_61 = arith.constant 0 : i32
      %dma_wait3A_62 = arith.constant 0 : i32
      %dma_wait3A_63 = tpu.memref_slice %arg10[%dma_wait3A_61, %dma_wait3A_62] : memref<10240x128xf32, #tpu.memory_space<vmem_shared>> -> memref<10240x128xf32, #tpu.memory_space<vmem_shared>>
      tpu.wait_indirect_dma semaphore(%arg13 : memref<!tpu.dma_semaphore, #tpu.memory_space<semaphore_mem>>) src(%arg8 : memref<128x128xf32, #tpu.memory_space<vmem>>) dst(%dma_wait3A_63 : memref<10240x128xf32, #tpu.memory_space<vmem_shared>>)
      %dma_start3A_64 = arith.constant 2 : i32
      %dma_start3A_65 = arith.constant 0 : i32
      %dma_start3A_66 = tpu.memref_slice %arg6[%dma_start3A_64, %dma_start3A_65] : memref<16x128xi32, #tpu.memory_space<vmem>> -> memref<1x128xi32, #tpu.memory_space<vmem>>
      %dma_start3A_67 = tpu.memref_squeeze %dma_start3A_66 : memref<1x128xi32, #tpu.memory_space<vmem>> -> memref<128xi32, #tpu.memory_space<vmem>>
      %dma_start3A_68 = arith.constant 0 : i32
      %dma_start3A_69 = arith.constant 0 : i32
      %dma_start3A_70 = tpu.memref_slice %arg4[%dma_start3A_68, %dma_start3A_69] : memref<10240x128xf32, #tpu.memory_space<hbm>> -> memref<10240x128xf32, #tpu.memory_space<hbm>>
      tpu.enqueue_indirect_dma source(%dma_start3A_70 : memref<10240x128xf32, #tpu.memory_space<hbm>>) target(%arg8 : memref<128x128xf32, #tpu.memory_space<vmem>>) offsets(%dma_start3A_67 : memref<128xi32, #tpu.memory_space<vmem>>) semaphore(%arg11 : memref<!tpu.dma_semaphore, #tpu.memory_space<semaphore_mem>>)
      %dma_wait3A_71 = arith.constant 1 : i32
      %dma_wait3A_72 = arith.constant 0 : i32
      %dma_wait3A_73 = tpu.memref_slice %arg6[%dma_wait3A_71, %dma_wait3A_72] : memref<16x128xi32, #tpu.memory_space<vmem>> -> memref<1x128xi32, #tpu.memory_space<vmem>>
      %dma_wait3A_74 = tpu.memref_squeeze %dma_wait3A_73 : memref<1x128xi32, #tpu.memory_space<vmem>> -> memref<128xi32, #tpu.memory_space<vmem>>
      %dma_wait3A_75 = arith.constant 0 : i32
      %dma_wait3A_76 = arith.constant 0 : i32
      %dma_wait3A_77 = tpu.memref_slice %arg4[%dma_wait3A_75, %dma_wait3A_76] : memref<10240x128xf32, #tpu.memory_space<hbm>> -> memref<10240x128xf32, #tpu.memory_space<hbm>>
      tpu.wait_indirect_dma semaphore(%arg12 : memref<!tpu.dma_semaphore, #tpu.memory_space<semaphore_mem>>) src(%dma_wait3A_77 : memref<10240x128xf32, #tpu.memory_space<hbm>>) dst(%arg9 : memref<128x128xf32, #tpu.memory_space<vmem>>)
      %dma_start3A_78 = arith.constant 1 : i32
      %dma_start3A_79 = arith.constant 0 : i32
      %dma_start3A_80 = tpu.memref_slice %arg7[%dma_start3A_78, %dma_start3A_79] : memref<16x128xi32, #tpu.memory_space<vmem>> -> memref<1x128xi32, #tpu.memory_space<vmem>>
      %dma_start3A_81 = tpu.memref_squeeze %dma_start3A_80 : memref<1x128xi32, #tpu.memory_space<vmem>> -> memref<128xi32, #tpu.memory_space<vmem>>
      %dma_start3A_82 = arith.constant 0 : i32
      %dma_start3A_83 = arith.constant 0 : i32
      %dma_start3A_84 = tpu.memref_slice %arg10[%dma_start3A_82, %dma_start3A_83] : memref<10240x128xf32, #tpu.memory_space<vmem_shared>> -> memref<10240x128xf32, #tpu.memory_space<vmem_shared>>
      tpu.enqueue_indirect_dma source(%arg9 : memref<128x128xf32, #tpu.memory_space<vmem>>) target(%dma_start3A_84 : memref<10240x128xf32, #tpu.memory_space<vmem_shared>>) offsets(%dma_start3A_81 : memref<128xi32, #tpu.memory_space<vmem>>) semaphore(%arg14 : memref<!tpu.dma_semaphore, #tpu.memory_space<semaphore_mem>>) {add = true}
      %dma_wait3A_85 = arith.constant 1 : i32
      %dma_wait3A_86 = arith.constant 0 : i32
      %dma_wait3A_87 = tpu.memref_slice %arg7[%dma_wait3A_85, %dma_wait3A_86] : memref<16x128xi32, #tpu.memory_space<vmem>> -> memref<1x128xi32, #tpu.memory_space<vmem>>
      %dma_wait3A_88 = tpu.memref_squeeze %dma_wait3A_87 : memref<1x128xi32, #tpu.memory_space<vmem>> -> memref<128xi32, #tpu.memory_space<vmem>>
      %dma_wait3A_89 = arith.constant 0 : i32
      %dma_wait3A_90 = arith.constant 0 : i32
      %dma_wait3A_91 = tpu.memref_slice %arg10[%dma_wait3A_89, %dma_wait3A_90] : memref<10240x128xf32, #tpu.memory_space<vmem_shared>> -> memref<10240x128xf32, #tpu.memory_space<vmem_shared>>
      tpu.wait_indirect_dma semaphore(%arg14 : memref<!tpu.dma_semaphore, #tpu.memory_space<semaphore_mem>>) src(%arg9 : memref<128x128xf32, #tpu.memory_space<vmem>>) dst(%dma_wait3A_91 : memref<10240x128xf32, #tpu.memory_space<vmem_shared>>)
      %dma_start3A_92 = arith.constant 3 : i32
      %dma_start3A_93 = arith.constant 0 : i32
      %dma_start3A_94 = tpu.memref_slice %arg6[%dma_start3A_92, %dma_start3A_93] : memref<16x128xi32, #tpu.memory_space<vmem>> -> memref<1x128xi32, #tpu.memory_space<vmem>>
      %dma_start3A_95 = tpu.memref_squeeze %dma_start3A_94 : memref<1x128xi32, #tpu.memory_space<vmem>> -> memref<128xi32, #tpu.memory_space<vmem>>
      %dma_start3A_96 = arith.constant 0 : i32
      %dma_start3A_97 = arith.constant 0 : i32
      %dma_start3A_98 = tpu.memref_slice %arg4[%dma_start3A_96, %dma_start3A_97] : memref<10240x128xf32, #tpu.memory_space<hbm>> -> memref<10240x128xf32, #tpu.memory_space<hbm>>
      tpu.enqueue_indirect_dma source(%dma_start3A_98 : memref<10240x128xf32, #tpu.memory_space<hbm>>) target(%arg9 : memref<128x128xf32, #tpu.memory_space<vmem>>) offsets(%dma_start3A_95 : memref<128xi32, #tpu.memory_space<vmem>>) semaphore(%arg12 : memref<!tpu.dma_semaphore, #tpu.memory_space<semaphore_mem>>)
      %dma_wait3A_99 = arith.constant 2 : i32
      %dma_wait3A_100 = arith.constant 0 : i32
      %dma_wait3A_101 = tpu.memref_slice %arg6[%dma_wait3A_99, %dma_wait3A_100] : memref<16x128xi32, #tpu.memory_space<vmem>> -> memref<1x128xi32, #tpu.memory_space<vmem>>
      %dma_wait3A_102 = tpu.memref_squeeze %dma_wait3A_101 : memref<1x128xi32, #tpu.memory_space<vmem>> -> memref<128xi32, #tpu.memory_space<vmem>>
      %dma_wait3A_103 = arith.constant 0 : i32
      %dma_wait3A_104 = arith.constant 0 : i32
      %dma_wait3A_105 = tpu.memref_slice %arg4[%dma_wait3A_103, %dma_wait3A_104] : memref<10240x128xf32, #tpu.memory_space<hbm>> -> memref<10240x128xf32, #tpu.memory_space<hbm>>
      tpu.wait_indirect_dma semaphore(%arg11 : memref<!tpu.dma_semaphore, #tpu.memory_space<semaphore_mem>>) src(%dma_wait3A_105 : memref<10240x128xf32, #tpu.memory_space<hbm>>) dst(%arg8 : memref<128x128xf32, #tpu.memory_space<vmem>>)
      %dma_start3A_106 = arith.constant 2 : i32
      %dma_start3A_107 = arith.constant 0 : i32
      %dma_start3A_108 = tpu.memref_slice %arg7[%dma_start3A_106, %dma_start3A_107] : memref<16x128xi32, #tpu.memory_space<vmem>> -> memref<1x128xi32, #tpu.memory_space<vmem>>
      %dma_start3A_109 = tpu.memref_squeeze %dma_start3A_108 : memref<1x128xi32, #tpu.memory_space<vmem>> -> memref<128xi32, #tpu.memory_space<vmem>>
      %dma_start3A_110 = arith.constant 0 : i32
      %dma_start3A_111 = arith.constant 0 : i32
      %dma_start3A_112 = tpu.memref_slice %arg10[%dma_start3A_110, %dma_start3A_111] : memref<10240x128xf32, #tpu.memory_space<vmem_shared>> -> memref<10240x128xf32, #tpu.memory_space<vmem_shared>>
      tpu.enqueue_indirect_dma source(%arg8 : memref<128x128xf32, #tpu.memory_space<vmem>>) target(%dma_start3A_112 : memref<10240x128xf32, #tpu.memory_space<vmem_shared>>) offsets(%dma_start3A_109 : memref<128xi32, #tpu.memory_space<vmem>>) semaphore(%arg13 : memref<!tpu.dma_semaphore, #tpu.memory_space<semaphore_mem>>) {add = true}
      %dma_wait3A_113 = arith.constant 2 : i32
      %dma_wait3A_114 = arith.constant 0 : i32
      %dma_wait3A_115 = tpu.memref_slice %arg7[%dma_wait3A_113, %dma_wait3A_114] : memref<16x128xi32, #tpu.memory_space<vmem>> -> memref<1x128xi32, #tpu.memory_space<vmem>>
      %dma_wait3A_116 = tpu.memref_squeeze %dma_wait3A_115 : memref<1x128xi32, #tpu.memory_space<vmem>> -> memref<128xi32, #tpu.memory_space<vmem>>
      %dma_wait3A_117 = arith.constant 0 : i32
      %dma_wait3A_118 = arith.constant 0 : i32
      %dma_wait3A_119 = tpu.memref_slice %arg10[%dma_wait3A_117, %dma_wait3A_118] : memref<10240x128xf32, #tpu.memory_space<vmem_shared>> -> memref<10240x128xf32, #tpu.memory_space<vmem_shared>>
      tpu.wait_indirect_dma semaphore(%arg13 : memref<!tpu.dma_semaphore, #tpu.memory_space<semaphore_mem>>) src(%arg8 : memref<128x128xf32, #tpu.memory_space<vmem>>) dst(%dma_wait3A_119 : memref<10240x128xf32, #tpu.memory_space<vmem_shared>>)
      %dma_start3A_120 = arith.constant 4 : i32
      %dma_start3A_121 = arith.constant 0 : i32
      %dma_start3A_122 = tpu.memref_slice %arg6[%dma_start3A_120, %dma_start3A_121] : memref<16x128xi32, #tpu.memory_space<vmem>> -> memref<1x128xi32, #tpu.memory_space<vmem>>
      %dma_start3A_123 = tpu.memref_squeeze %dma_start3A_122 : memref<1x128xi32, #tpu.memory_space<vmem>> -> memref<128xi32, #tpu.memory_space<vmem>>
      %dma_start3A_124 = arith.constant 0 : i32
      %dma_start3A_125 = arith.constant 0 : i32
      %dma_start3A_126 = tpu.memref_slice %arg4[%dma_start3A_124, %dma_start3A_125] : memref<10240x128xf32, #tpu.memory_space<hbm>> -> memref<10240x128xf32, #tpu.memory_space<hbm>>
      tpu.enqueue_indirect_dma source(%dma_start3A_126 : memref<10240x128xf32, #tpu.memory_space<hbm>>) target(%arg8 : memref<128x128xf32, #tpu.memory_space<vmem>>) offsets(%dma_start3A_123 : memref<128xi32, #tpu.memory_space<vmem>>) semaphore(%arg11 : memref<!tpu.dma_semaphore, #tpu.memory_space<semaphore_mem>>)
      %dma_wait3A_127 = arith.constant 3 : i32
      %dma_wait3A_128 = arith.constant 0 : i32
      %dma_wait3A_129 = tpu.memref_slice %arg6[%dma_wait3A_127, %dma_wait3A_128] : memref<16x128xi32, #tpu.memory_space<vmem>> -> memref<1x128xi32, #tpu.memory_space<vmem>>
      %dma_wait3A_130 = tpu.memref_squeeze %dma_wait3A_129 : memref<1x128xi32, #tpu.memory_space<vmem>> -> memref<128xi32, #tpu.memory_space<vmem>>
      %dma_wait3A_131 = arith.constant 0 : i32
      %dma_wait3A_132 = arith.constant 0 : i32
      %dma_wait3A_133 = tpu.memref_slice %arg4[%dma_wait3A_131, %dma_wait3A_132] : memref<10240x128xf32, #tpu.memory_space<hbm>> -> memref<10240x128xf32, #tpu.memory_space<hbm>>
      tpu.wait_indirect_dma semaphore(%arg12 : memref<!tpu.dma_semaphore, #tpu.memory_space<semaphore_mem>>) src(%dma_wait3A_133 : memref<10240x128xf32, #tpu.memory_space<hbm>>) dst(%arg9 : memref<128x128xf32, #tpu.memory_space<vmem>>)
      %dma_start3A_134 = arith.constant 3 : i32
      %dma_start3A_135 = arith.constant 0 : i32
      %dma_start3A_136 = tpu.memref_slice %arg7[%dma_start3A_134, %dma_start3A_135] : memref<16x128xi32, #tpu.memory_space<vmem>> -> memref<1x128xi32, #tpu.memory_space<vmem>>
      %dma_start3A_137 = tpu.memref_squeeze %dma_start3A_136 : memref<1x128xi32, #tpu.memory_space<vmem>> -> memref<128xi32, #tpu.memory_space<vmem>>
      %dma_start3A_138 = arith.constant 0 : i32
      %dma_start3A_139 = arith.constant 0 : i32
      %dma_start3A_140 = tpu.memref_slice %arg10[%dma_start3A_138, %dma_start3A_139] : memref<10240x128xf32, #tpu.memory_space<vmem_shared>> -> memref<10240x128xf32, #tpu.memory_space<vmem_shared>>
      tpu.enqueue_indirect_dma source(%arg9 : memref<128x128xf32, #tpu.memory_space<vmem>>) target(%dma_start3A_140 : memref<10240x128xf32, #tpu.memory_space<vmem_shared>>) offsets(%dma_start3A_137 : memref<128xi32, #tpu.memory_space<vmem>>) semaphore(%arg14 : memref<!tpu.dma_semaphore, #tpu.memory_space<semaphore_mem>>) {add = true}
      %dma_wait3A_141 = arith.constant 3 : i32
      %dma_wait3A_142 = arith.constant 0 : i32
      %dma_wait3A_143 = tpu.memref_slice %arg7[%dma_wait3A_141, %dma_wait3A_142] : memref<16x128xi32, #tpu.memory_space<vmem>> -> memref<1x128xi32, #tpu.memory_space<vmem>>
      %dma_wait3A_144 = tpu.memref_squeeze %dma_wait3A_143 : memref<1x128xi32, #tpu.memory_space<vmem>> -> memref<128xi32, #tpu.memory_space<vmem>>
      %dma_wait3A_145 = arith.constant 0 : i32
      %dma_wait3A_146 = arith.constant 0 : i32
      %dma_wait3A_147 = tpu.memref_slice %arg10[%dma_wait3A_145, %dma_wait3A_146] : memref<10240x128xf32, #tpu.memory_space<vmem_shared>> -> memref<10240x128xf32, #tpu.memory_space<vmem_shared>>
      tpu.wait_indirect_dma semaphore(%arg14 : memref<!tpu.dma_semaphore, #tpu.memory_space<semaphore_mem>>) src(%arg9 : memref<128x128xf32, #tpu.memory_space<vmem>>) dst(%dma_wait3A_147 : memref<10240x128xf32, #tpu.memory_space<vmem_shared>>)
      %dma_start3A_148 = arith.constant 5 : i32
      %dma_start3A_149 = arith.constant 0 : i32
      %dma_start3A_150 = tpu.memref_slice %arg6[%dma_start3A_148, %dma_start3A_149] : memref<16x128xi32, #tpu.memory_space<vmem>> -> memref<1x128xi32, #tpu.memory_space<vmem>>
      %dma_start3A_151 = tpu.memref_squeeze %dma_start3A_150 : memref<1x128xi32, #tpu.memory_space<vmem>> -> memref<128xi32, #tpu.memory_space<vmem>>
      %dma_start3A_152 = arith.constant 0 : i32
      %dma_start3A_153 = arith.constant 0 : i32
      %dma_start3A_154 = tpu.memref_slice %arg4[%dma_start3A_152, %dma_start3A_153] : memref<10240x128xf32, #tpu.memory_space<hbm>> -> memref<10240x128xf32, #tpu.memory_space<hbm>>
      tpu.enqueue_indirect_dma source(%dma_start3A_154 : memref<10240x128xf32, #tpu.memory_space<hbm>>) target(%arg9 : memref<128x128xf32, #tpu.memory_space<vmem>>) offsets(%dma_start3A_151 : memref<128xi32, #tpu.memory_space<vmem>>) semaphore(%arg12 : memref<!tpu.dma_semaphore, #tpu.memory_space<semaphore_mem>>)
      %dma_wait3A_155 = arith.constant 4 : i32
      %dma_wait3A_156 = arith.constant 0 : i32
      %dma_wait3A_157 = tpu.memref_slice %arg6[%dma_wait3A_155, %dma_wait3A_156] : memref<16x128xi32, #tpu.memory_space<vmem>> -> memref<1x128xi32, #tpu.memory_space<vmem>>
      %dma_wait3A_158 = tpu.memref_squeeze %dma_wait3A_157 : memref<1x128xi32, #tpu.memory_space<vmem>> -> memref<128xi32, #tpu.memory_space<vmem>>
      %dma_wait3A_159 = arith.constant 0 : i32
      %dma_wait3A_160 = arith.constant 0 : i32
      %dma_wait3A_161 = tpu.memref_slice %arg4[%dma_wait3A_159, %dma_wait3A_160] : memref<10240x128xf32, #tpu.memory_space<hbm>> -> memref<10240x128xf32, #tpu.memory_space<hbm>>
      tpu.wait_indirect_dma semaphore(%arg11 : memref<!tpu.dma_semaphore, #tpu.memory_space<semaphore_mem>>) src(%dma_wait3A_161 : memref<10240x128xf32, #tpu.memory_space<hbm>>) dst(%arg8 : memref<128x128xf32, #tpu.memory_space<vmem>>)
      %dma_start3A_162 = arith.constant 4 : i32
      %dma_start3A_163 = arith.constant 0 : i32
      %dma_start3A_164 = tpu.memref_slice %arg7[%dma_start3A_162, %dma_start3A_163] : memref<16x128xi32, #tpu.memory_space<vmem>> -> memref<1x128xi32, #tpu.memory_space<vmem>>
      %dma_start3A_165 = tpu.memref_squeeze %dma_start3A_164 : memref<1x128xi32, #tpu.memory_space<vmem>> -> memref<128xi32, #tpu.memory_space<vmem>>
      %dma_start3A_166 = arith.constant 0 : i32
      %dma_start3A_167 = arith.constant 0 : i32
      %dma_start3A_168 = tpu.memref_slice %arg10[%dma_start3A_166, %dma_start3A_167] : memref<10240x128xf32, #tpu.memory_space<vmem_shared>> -> memref<10240x128xf32, #tpu.memory_space<vmem_shared>>
      tpu.enqueue_indirect_dma source(%arg8 : memref<128x128xf32, #tpu.memory_space<vmem>>) target(%dma_start3A_168 : memref<10240x128xf32, #tpu.memory_space<vmem_shared>>) offsets(%dma_start3A_165 : memref<128xi32, #tpu.memory_space<vmem>>) semaphore(%arg13 : memref<!tpu.dma_semaphore, #tpu.memory_space<semaphore_mem>>) {add = true}
      %dma_wait3A_169 = arith.constant 4 : i32
      %dma_wait3A_170 = arith.constant 0 : i32
      %dma_wait3A_171 = tpu.memref_slice %arg7[%dma_wait3A_169, %dma_wait3A_170] : memref<16x128xi32, #tpu.memory_space<vmem>> -> memref<1x128xi32, #tpu.memory_space<vmem>>
      %dma_wait3A_172 = tpu.memref_squeeze %dma_wait3A_171 : memref<1x128xi32, #tpu.memory_space<vmem>> -> memref<128xi32, #tpu.memory_space<vmem>>
      %dma_wait3A_173 = arith.constant 0 : i32
      %dma_wait3A_174 = arith.constant 0 : i32
      %dma_wait3A_175 = tpu.memref_slice %arg10[%dma_wait3A_173, %dma_wait3A_174] : memref<10240x128xf32, #tpu.memory_space<vmem_shared>> -> memref<10240x128xf32, #tpu.memory_space<vmem_shared>>
      tpu.wait_indirect_dma semaphore(%arg13 : memref<!tpu.dma_semaphore, #tpu.memory_space<semaphore_mem>>) src(%arg8 : memref<128x128xf32, #tpu.memory_space<vmem>>) dst(%dma_wait3A_175 : memref<10240x128xf32, #tpu.memory_space<vmem_shared>>)
      %dma_start3A_176 = arith.constant 6 : i32
      %dma_start3A_177 = arith.constant 0 : i32
      %dma_start3A_178 = tpu.memref_slice %arg6[%dma_start3A_176, %dma_start3A_177] : memref<16x128xi32, #tpu.memory_space<vmem>> -> memref<1x128xi32, #tpu.memory_space<vmem>>
      %dma_start3A_179 = tpu.memref_squeeze %dma_start3A_178 : memref<1x128xi32, #tpu.memory_space<vmem>> -> memref<128xi32, #tpu.memory_space<vmem>>
      %dma_start3A_180 = arith.constant 0 : i32
      %dma_start3A_181 = arith.constant 0 : i32
      %dma_start3A_182 = tpu.memref_slice %arg4[%dma_start3A_180, %dma_start3A_181] : memref<10240x128xf32, #tpu.memory_space<hbm>> -> memref<10240x128xf32, #tpu.memory_space<hbm>>
      tpu.enqueue_indirect_dma source(%dma_start3A_182 : memref<10240x128xf32, #tpu.memory_space<hbm>>) target(%arg8 : memref<128x128xf32, #tpu.memory_space<vmem>>) offsets(%dma_start3A_179 : memref<128xi32, #tpu.memory_space<vmem>>) semaphore(%arg11 : memref<!tpu.dma_semaphore, #tpu.memory_space<semaphore_mem>>)
      %dma_wait3A_183 = arith.constant 5 : i32
      %dma_wait3A_184 = arith.constant 0 : i32
      %dma_wait3A_185 = tpu.memref_slice %arg6[%dma_wait3A_183, %dma_wait3A_184] : memref<16x128xi32, #tpu.memory_space<vmem>> -> memref<1x128xi32, #tpu.memory_space<vmem>>
      %dma_wait3A_186 = tpu.memref_squeeze %dma_wait3A_185 : memref<1x128xi32, #tpu.memory_space<vmem>> -> memref<128xi32, #tpu.memory_space<vmem>>
      %dma_wait3A_187 = arith.constant 0 : i32
      %dma_wait3A_188 = arith.constant 0 : i32
      %dma_wait3A_189 = tpu.memref_slice %arg4[%dma_wait3A_187, %dma_wait3A_188] : memref<10240x128xf32, #tpu.memory_space<hbm>> -> memref<10240x128xf32, #tpu.memory_space<hbm>>
      tpu.wait_indirect_dma semaphore(%arg12 : memref<!tpu.dma_semaphore, #tpu.memory_space<semaphore_mem>>) src(%dma_wait3A_189 : memref<10240x128xf32, #tpu.memory_space<hbm>>) dst(%arg9 : memref<128x128xf32, #tpu.memory_space<vmem>>)
      %dma_start3A_190 = arith.constant 5 : i32
      %dma_start3A_191 = arith.constant 0 : i32
      %dma_start3A_192 = tpu.memref_slice %arg7[%dma_start3A_190, %dma_start3A_191] : memref<16x128xi32, #tpu.memory_space<vmem>> -> memref<1x128xi32, #tpu.memory_space<vmem>>
      %dma_start3A_193 = tpu.memref_squeeze %dma_start3A_192 : memref<1x128xi32, #tpu.memory_space<vmem>> -> memref<128xi32, #tpu.memory_space<vmem>>
      %dma_start3A_194 = arith.constant 0 : i32
      %dma_start3A_195 = arith.constant 0 : i32
      %dma_start3A_196 = tpu.memref_slice %arg10[%dma_start3A_194, %dma_start3A_195] : memref<10240x128xf32, #tpu.memory_space<vmem_shared>> -> memref<10240x128xf32, #tpu.memory_space<vmem_shared>>
      tpu.enqueue_indirect_dma source(%arg9 : memref<128x128xf32, #tpu.memory_space<vmem>>) target(%dma_start3A_196 : memref<10240x128xf32, #tpu.memory_space<vmem_shared>>) offsets(%dma_start3A_193 : memref<128xi32, #tpu.memory_space<vmem>>) semaphore(%arg14 : memref<!tpu.dma_semaphore, #tpu.memory_space<semaphore_mem>>) {add = true}
      %dma_wait3A_197 = arith.constant 5 : i32
      %dma_wait3A_198 = arith.constant 0 : i32
      %dma_wait3A_199 = tpu.memref_slice %arg7[%dma_wait3A_197, %dma_wait3A_198] : memref<16x128xi32, #tpu.memory_space<vmem>> -> memref<1x128xi32, #tpu.memory_space<vmem>>
      %dma_wait3A_200 = tpu.memref_squeeze %dma_wait3A_199 : memref<1x128xi32, #tpu.memory_space<vmem>> -> memref<128xi32, #tpu.memory_space<vmem>>
      %dma_wait3A_201 = arith.constant 0 : i32
      %dma_wait3A_202 = arith.constant 0 : i32
      %dma_wait3A_203 = tpu.memref_slice %arg10[%dma_wait3A_201, %dma_wait3A_202] : memref<10240x128xf32, #tpu.memory_space<vmem_shared>> -> memref<10240x128xf32, #tpu.memory_space<vmem_shared>>
      tpu.wait_indirect_dma semaphore(%arg14 : memref<!tpu.dma_semaphore, #tpu.memory_space<semaphore_mem>>) src(%arg9 : memref<128x128xf32, #tpu.memory_space<vmem>>) dst(%dma_wait3A_203 : memref<10240x128xf32, #tpu.memory_space<vmem_shared>>)
      %dma_start3A_204 = arith.constant 7 : i32
      %dma_start3A_205 = arith.constant 0 : i32
      %dma_start3A_206 = tpu.memref_slice %arg6[%dma_start3A_204, %dma_start3A_205] : memref<16x128xi32, #tpu.memory_space<vmem>> -> memref<1x128xi32, #tpu.memory_space<vmem>>
      %dma_start3A_207 = tpu.memref_squeeze %dma_start3A_206 : memref<1x128xi32, #tpu.memory_space<vmem>> -> memref<128xi32, #tpu.memory_space<vmem>>
      %dma_start3A_208 = arith.constant 0 : i32
      %dma_start3A_209 = arith.constant 0 : i32
      %dma_start3A_210 = tpu.memref_slice %arg4[%dma_start3A_208, %dma_start3A_209] : memref<10240x128xf32, #tpu.memory_space<hbm>> -> memref<10240x128xf32, #tpu.memory_space<hbm>>
      tpu.enqueue_indirect_dma source(%dma_start3A_210 : memref<10240x128xf32, #tpu.memory_space<hbm>>) target(%arg9 : memref<128x128xf32, #tpu.memory_space<vmem>>) offsets(%dma_start3A_207 : memref<128xi32, #tpu.memory_space<vmem>>) semaphore(%arg12 : memref<!tpu.dma_semaphore, #tpu.memory_space<semaphore_mem>>)
      %dma_wait3A_211 = arith.constant 6 : i32
      %dma_wait3A_212 = arith.constant 0 : i32
      %dma_wait3A_213 = tpu.memref_slice %arg6[%dma_wait3A_211, %dma_wait3A_212] : memref<16x128xi32, #tpu.memory_space<vmem>> -> memref<1x128xi32, #tpu.memory_space<vmem>>
      %dma_wait3A_214 = tpu.memref_squeeze %dma_wait3A_213 : memref<1x128xi32, #tpu.memory_space<vmem>> -> memref<128xi32, #tpu.memory_space<vmem>>
      %dma_wait3A_215 = arith.constant 0 : i32
      %dma_wait3A_216 = arith.constant 0 : i32
      %dma_wait3A_217 = tpu.memref_slice %arg4[%dma_wait3A_215, %dma_wait3A_216] : memref<10240x128xf32, #tpu.memory_space<hbm>> -> memref<10240x128xf32, #tpu.memory_space<hbm>>
      tpu.wait_indirect_dma semaphore(%arg11 : memref<!tpu.dma_semaphore, #tpu.memory_space<semaphore_mem>>) src(%dma_wait3A_217 : memref<10240x128xf32, #tpu.memory_space<hbm>>) dst(%arg8 : memref<128x128xf32, #tpu.memory_space<vmem>>)
      %dma_start3A_218 = arith.constant 6 : i32
      %dma_start3A_219 = arith.constant 0 : i32
      %dma_start3A_220 = tpu.memref_slice %arg7[%dma_start3A_218, %dma_start3A_219] : memref<16x128xi32, #tpu.memory_space<vmem>> -> memref<1x128xi32, #tpu.memory_space<vmem>>
      %dma_start3A_221 = tpu.memref_squeeze %dma_start3A_220 : memref<1x128xi32, #tpu.memory_space<vmem>> -> memref<128xi32, #tpu.memory_space<vmem>>
      %dma_start3A_222 = arith.constant 0 : i32
      %dma_start3A_223 = arith.constant 0 : i32
      %dma_start3A_224 = tpu.memref_slice %arg10[%dma_start3A_222, %dma_start3A_223] : memref<10240x128xf32, #tpu.memory_space<vmem_shared>> -> memref<10240x128xf32, #tpu.memory_space<vmem_shared>>
      tpu.enqueue_indirect_dma source(%arg8 : memref<128x128xf32, #tpu.memory_space<vmem>>) target(%dma_start3A_224 : memref<10240x128xf32, #tpu.memory_space<vmem_shared>>) offsets(%dma_start3A_221 : memref<128xi32, #tpu.memory_space<vmem>>) semaphore(%arg13 : memref<!tpu.dma_semaphore, #tpu.memory_space<semaphore_mem>>) {add = true}
      %dma_wait3A_225 = arith.constant 6 : i32
      %dma_wait3A_226 = arith.constant 0 : i32
      %dma_wait3A_227 = tpu.memref_slice %arg7[%dma_wait3A_225, %dma_wait3A_226] : memref<16x128xi32, #tpu.memory_space<vmem>> -> memref<1x128xi32, #tpu.memory_space<vmem>>
      %dma_wait3A_228 = tpu.memref_squeeze %dma_wait3A_227 : memref<1x128xi32, #tpu.memory_space<vmem>> -> memref<128xi32, #tpu.memory_space<vmem>>
      %dma_wait3A_229 = arith.constant 0 : i32
      %dma_wait3A_230 = arith.constant 0 : i32
      %dma_wait3A_231 = tpu.memref_slice %arg10[%dma_wait3A_229, %dma_wait3A_230] : memref<10240x128xf32, #tpu.memory_space<vmem_shared>> -> memref<10240x128xf32, #tpu.memory_space<vmem_shared>>
      tpu.wait_indirect_dma semaphore(%arg13 : memref<!tpu.dma_semaphore, #tpu.memory_space<semaphore_mem>>) src(%arg8 : memref<128x128xf32, #tpu.memory_space<vmem>>) dst(%dma_wait3A_231 : memref<10240x128xf32, #tpu.memory_space<vmem_shared>>)
      %dma_start3A_232 = arith.constant 8 : i32
      %dma_start3A_233 = arith.constant 0 : i32
      %dma_start3A_234 = tpu.memref_slice %arg6[%dma_start3A_232, %dma_start3A_233] : memref<16x128xi32, #tpu.memory_space<vmem>> -> memref<1x128xi32, #tpu.memory_space<vmem>>
      %dma_start3A_235 = tpu.memref_squeeze %dma_start3A_234 : memref<1x128xi32, #tpu.memory_space<vmem>> -> memref<128xi32, #tpu.memory_space<vmem>>
      %dma_start3A_236 = arith.constant 0 : i32
      %dma_start3A_237 = arith.constant 0 : i32
      %dma_start3A_238 = tpu.memref_slice %arg4[%dma_start3A_236, %dma_start3A_237] : memref<10240x128xf32, #tpu.memory_space<hbm>> -> memref<10240x128xf32, #tpu.memory_space<hbm>>
      tpu.enqueue_indirect_dma source(%dma_start3A_238 : memref<10240x128xf32, #tpu.memory_space<hbm>>) target(%arg8 : memref<128x128xf32, #tpu.memory_space<vmem>>) offsets(%dma_start3A_235 : memref<128xi32, #tpu.memory_space<vmem>>) semaphore(%arg11 : memref<!tpu.dma_semaphore, #tpu.memory_space<semaphore_mem>>)
      %dma_wait3A_239 = arith.constant 7 : i32
      %dma_wait3A_240 = arith.constant 0 : i32
      %dma_wait3A_241 = tpu.memref_slice %arg6[%dma_wait3A_239, %dma_wait3A_240] : memref<16x128xi32, #tpu.memory_space<vmem>> -> memref<1x128xi32, #tpu.memory_space<vmem>>
      %dma_wait3A_242 = tpu.memref_squeeze %dma_wait3A_241 : memref<1x128xi32, #tpu.memory_space<vmem>> -> memref<128xi32, #tpu.memory_space<vmem>>
      %dma_wait3A_243 = arith.constant 0 : i32
      %dma_wait3A_244 = arith.constant 0 : i32
      %dma_wait3A_245 = tpu.memref_slice %arg4[%dma_wait3A_243, %dma_wait3A_244] : memref<10240x128xf32, #tpu.memory_space<hbm>> -> memref<10240x128xf32, #tpu.memory_space<hbm>>
      tpu.wait_indirect_dma semaphore(%arg12 : memref<!tpu.dma_semaphore, #tpu.memory_space<semaphore_mem>>) src(%dma_wait3A_245 : memref<10240x128xf32, #tpu.memory_space<hbm>>) dst(%arg9 : memref<128x128xf32, #tpu.memory_space<vmem>>)
      %dma_start3A_246 = arith.constant 7 : i32
      %dma_start3A_247 = arith.constant 0 : i32
      %dma_start3A_248 = tpu.memref_slice %arg7[%dma_start3A_246, %dma_start3A_247] : memref<16x128xi32, #tpu.memory_space<vmem>> -> memref<1x128xi32, #tpu.memory_space<vmem>>
      %dma_start3A_249 = tpu.memref_squeeze %dma_start3A_248 : memref<1x128xi32, #tpu.memory_space<vmem>> -> memref<128xi32, #tpu.memory_space<vmem>>
      %dma_start3A_250 = arith.constant 0 : i32
      %dma_start3A_251 = arith.constant 0 : i32
      %dma_start3A_252 = tpu.memref_slice %arg10[%dma_start3A_250, %dma_start3A_251] : memref<10240x128xf32, #tpu.memory_space<vmem_shared>> -> memref<10240x128xf32, #tpu.memory_space<vmem_shared>>
      tpu.enqueue_indirect_dma source(%arg9 : memref<128x128xf32, #tpu.memory_space<vmem>>) target(%dma_start3A_252 : memref<10240x128xf32, #tpu.memory_space<vmem_shared>>) offsets(%dma_start3A_249 : memref<128xi32, #tpu.memory_space<vmem>>) semaphore(%arg14 : memref<!tpu.dma_semaphore, #tpu.memory_space<semaphore_mem>>) {add = true}
      %dma_wait3A_253 = arith.constant 7 : i32
      %dma_wait3A_254 = arith.constant 0 : i32
      %dma_wait3A_255 = tpu.memref_slice %arg7[%dma_wait3A_253, %dma_wait3A_254] : memref<16x128xi32, #tpu.memory_space<vmem>> -> memref<1x128xi32, #tpu.memory_space<vmem>>
      %dma_wait3A_256 = tpu.memref_squeeze %dma_wait3A_255 : memref<1x128xi32, #tpu.memory_space<vmem>> -> memref<128xi32, #tpu.memory_space<vmem>>
      %dma_wait3A_257 = arith.constant 0 : i32
      %dma_wait3A_258 = arith.constant 0 : i32
      %dma_wait3A_259 = tpu.memref_slice %arg10[%dma_wait3A_257, %dma_wait3A_258] : memref<10240x128xf32, #tpu.memory_space<vmem_shared>> -> memref<10240x128xf32, #tpu.memory_space<vmem_shared>>
      tpu.wait_indirect_dma semaphore(%arg14 : memref<!tpu.dma_semaphore, #tpu.memory_space<semaphore_mem>>) src(%arg9 : memref<128x128xf32, #tpu.memory_space<vmem>>) dst(%dma_wait3A_259 : memref<10240x128xf32, #tpu.memory_space<vmem_shared>>)
      %dma_start3A_260 = arith.constant 9 : i32
      %dma_start3A_261 = arith.constant 0 : i32
      %dma_start3A_262 = tpu.memref_slice %arg6[%dma_start3A_260, %dma_start3A_261] : memref<16x128xi32, #tpu.memory_space<vmem>> -> memref<1x128xi32, #tpu.memory_space<vmem>>
      %dma_start3A_263 = tpu.memref_squeeze %dma_start3A_262 : memref<1x128xi32, #tpu.memory_space<vmem>> -> memref<128xi32, #tpu.memory_space<vmem>>
      %dma_start3A_264 = arith.constant 0 : i32
      %dma_start3A_265 = arith.constant 0 : i32
      %dma_start3A_266 = tpu.memref_slice %arg4[%dma_start3A_264, %dma_start3A_265] : memref<10240x128xf32, #tpu.memory_space<hbm>> -> memref<10240x128xf32, #tpu.memory_space<hbm>>
      tpu.enqueue_indirect_dma source(%dma_start3A_266 : memref<10240x128xf32, #tpu.memory_space<hbm>>) target(%arg9 : memref<128x128xf32, #tpu.memory_space<vmem>>) offsets(%dma_start3A_263 : memref<128xi32, #tpu.memory_space<vmem>>) semaphore(%arg12 : memref<!tpu.dma_semaphore, #tpu.memory_space<semaphore_mem>>)
      %dma_wait3A_267 = arith.constant 8 : i32
      %dma_wait3A_268 = arith.constant 0 : i32
      %dma_wait3A_269 = tpu.memref_slice %arg6[%dma_wait3A_267, %dma_wait3A_268] : memref<16x128xi32, #tpu.memory_space<vmem>> -> memref<1x128xi32, #tpu.memory_space<vmem>>
      %dma_wait3A_270 = tpu.memref_squeeze %dma_wait3A_269 : memref<1x128xi32, #tpu.memory_space<vmem>> -> memref<128xi32, #tpu.memory_space<vmem>>
      %dma_wait3A_271 = arith.constant 0 : i32
      %dma_wait3A_272 = arith.constant 0 : i32
      %dma_wait3A_273 = tpu.memref_slice %arg4[%dma_wait3A_271, %dma_wait3A_272] : memref<10240x128xf32, #tpu.memory_space<hbm>> -> memref<10240x128xf32, #tpu.memory_space<hbm>>
      tpu.wait_indirect_dma semaphore(%arg11 : memref<!tpu.dma_semaphore, #tpu.memory_space<semaphore_mem>>) src(%dma_wait3A_273 : memref<10240x128xf32, #tpu.memory_space<hbm>>) dst(%arg8 : memref<128x128xf32, #tpu.memory_space<vmem>>)
      %dma_start3A_274 = arith.constant 8 : i32
      %dma_start3A_275 = arith.constant 0 : i32
      %dma_start3A_276 = tpu.memref_slice %arg7[%dma_start3A_274, %dma_start3A_275] : memref<16x128xi32, #tpu.memory_space<vmem>> -> memref<1x128xi32, #tpu.memory_space<vmem>>
      %dma_start3A_277 = tpu.memref_squeeze %dma_start3A_276 : memref<1x128xi32, #tpu.memory_space<vmem>> -> memref<128xi32, #tpu.memory_space<vmem>>
      %dma_start3A_278 = arith.constant 0 : i32
      %dma_start3A_279 = arith.constant 0 : i32
      %dma_start3A_280 = tpu.memref_slice %arg10[%dma_start3A_278, %dma_start3A_279] : memref<10240x128xf32, #tpu.memory_space<vmem_shared>> -> memref<10240x128xf32, #tpu.memory_space<vmem_shared>>
      tpu.enqueue_indirect_dma source(%arg8 : memref<128x128xf32, #tpu.memory_space<vmem>>) target(%dma_start3A_280 : memref<10240x128xf32, #tpu.memory_space<vmem_shared>>) offsets(%dma_start3A_277 : memref<128xi32, #tpu.memory_space<vmem>>) semaphore(%arg13 : memref<!tpu.dma_semaphore, #tpu.memory_space<semaphore_mem>>) {add = true}
      %dma_wait3A_281 = arith.constant 8 : i32
      %dma_wait3A_282 = arith.constant 0 : i32
      %dma_wait3A_283 = tpu.memref_slice %arg7[%dma_wait3A_281, %dma_wait3A_282] : memref<16x128xi32, #tpu.memory_space<vmem>> -> memref<1x128xi32, #tpu.memory_space<vmem>>
      %dma_wait3A_284 = tpu.memref_squeeze %dma_wait3A_283 : memref<1x128xi32, #tpu.memory_space<vmem>> -> memref<128xi32, #tpu.memory_space<vmem>>
      %dma_wait3A_285 = arith.constant 0 : i32
      %dma_wait3A_286 = arith.constant 0 : i32
      %dma_wait3A_287 = tpu.memref_slice %arg10[%dma_wait3A_285, %dma_wait3A_286] : memref<10240x128xf32, #tpu.memory_space<vmem_shared>> -> memref<10240x128xf32, #tpu.memory_space<vmem_shared>>
      tpu.wait_indirect_dma semaphore(%arg13 : memref<!tpu.dma_semaphore, #tpu.memory_space<semaphore_mem>>) src(%arg8 : memref<128x128xf32, #tpu.memory_space<vmem>>) dst(%dma_wait3A_287 : memref<10240x128xf32, #tpu.memory_space<vmem_shared>>)
      %dma_start3A_288 = arith.constant 10 : i32
      %dma_start3A_289 = arith.constant 0 : i32
      %dma_start3A_290 = tpu.memref_slice %arg6[%dma_start3A_288, %dma_start3A_289] : memref<16x128xi32, #tpu.memory_space<vmem>> -> memref<1x128xi32, #tpu.memory_space<vmem>>
      %dma_start3A_291 = tpu.memref_squeeze %dma_start3A_290 : memref<1x128xi32, #tpu.memory_space<vmem>> -> memref<128xi32, #tpu.memory_space<vmem>>
      %dma_start3A_292 = arith.constant 0 : i32
      %dma_start3A_293 = arith.constant 0 : i32
      %dma_start3A_294 = tpu.memref_slice %arg4[%dma_start3A_292, %dma_start3A_293] : memref<10240x128xf32, #tpu.memory_space<hbm>> -> memref<10240x128xf32, #tpu.memory_space<hbm>>
      tpu.enqueue_indirect_dma source(%dma_start3A_294 : memref<10240x128xf32, #tpu.memory_space<hbm>>) target(%arg8 : memref<128x128xf32, #tpu.memory_space<vmem>>) offsets(%dma_start3A_291 : memref<128xi32, #tpu.memory_space<vmem>>) semaphore(%arg11 : memref<!tpu.dma_semaphore, #tpu.memory_space<semaphore_mem>>)
      %dma_wait3A_295 = arith.constant 9 : i32
      %dma_wait3A_296 = arith.constant 0 : i32
      %dma_wait3A_297 = tpu.memref_slice %arg6[%dma_wait3A_295, %dma_wait3A_296] : memref<16x128xi32, #tpu.memory_space<vmem>> -> memref<1x128xi32, #tpu.memory_space<vmem>>
      %dma_wait3A_298 = tpu.memref_squeeze %dma_wait3A_297 : memref<1x128xi32, #tpu.memory_space<vmem>> -> memref<128xi32, #tpu.memory_space<vmem>>
      %dma_wait3A_299 = arith.constant 0 : i32
      %dma_wait3A_300 = arith.constant 0 : i32
      %dma_wait3A_301 = tpu.memref_slice %arg4[%dma_wait3A_299, %dma_wait3A_300] : memref<10240x128xf32, #tpu.memory_space<hbm>> -> memref<10240x128xf32, #tpu.memory_space<hbm>>
      tpu.wait_indirect_dma semaphore(%arg12 : memref<!tpu.dma_semaphore, #tpu.memory_space<semaphore_mem>>) src(%dma_wait3A_301 : memref<10240x128xf32, #tpu.memory_space<hbm>>) dst(%arg9 : memref<128x128xf32, #tpu.memory_space<vmem>>)
      %dma_start3A_302 = arith.constant 9 : i32
      %dma_start3A_303 = arith.constant 0 : i32
      %dma_start3A_304 = tpu.memref_slice %arg7[%dma_start3A_302, %dma_start3A_303] : memref<16x128xi32, #tpu.memory_space<vmem>> -> memref<1x128xi32, #tpu.memory_space<vmem>>
      %dma_start3A_305 = tpu.memref_squeeze %dma_start3A_304 : memref<1x128xi32, #tpu.memory_space<vmem>> -> memref<128xi32, #tpu.memory_space<vmem>>
      %dma_start3A_306 = arith.constant 0 : i32
      %dma_start3A_307 = arith.constant 0 : i32
      %dma_start3A_308 = tpu.memref_slice %arg10[%dma_start3A_306, %dma_start3A_307] : memref<10240x128xf32, #tpu.memory_space<vmem_shared>> -> memref<10240x128xf32, #tpu.memory_space<vmem_shared>>
      tpu.enqueue_indirect_dma source(%arg9 : memref<128x128xf32, #tpu.memory_space<vmem>>) target(%dma_start3A_308 : memref<10240x128xf32, #tpu.memory_space<vmem_shared>>) offsets(%dma_start3A_305 : memref<128xi32, #tpu.memory_space<vmem>>) semaphore(%arg14 : memref<!tpu.dma_semaphore, #tpu.memory_space<semaphore_mem>>) {add = true}
      %dma_wait3A_309 = arith.constant 9 : i32
      %dma_wait3A_310 = arith.constant 0 : i32
      %dma_wait3A_311 = tpu.memref_slice %arg7[%dma_wait3A_309, %dma_wait3A_310] : memref<16x128xi32, #tpu.memory_space<vmem>> -> memref<1x128xi32, #tpu.memory_space<vmem>>
      %dma_wait3A_312 = tpu.memref_squeeze %dma_wait3A_311 : memref<1x128xi32, #tpu.memory_space<vmem>> -> memref<128xi32, #tpu.memory_space<vmem>>
      %dma_wait3A_313 = arith.constant 0 : i32
      %dma_wait3A_314 = arith.constant 0 : i32
      %dma_wait3A_315 = tpu.memref_slice %arg10[%dma_wait3A_313, %dma_wait3A_314] : memref<10240x128xf32, #tpu.memory_space<vmem_shared>> -> memref<10240x128xf32, #tpu.memory_space<vmem_shared>>
      tpu.wait_indirect_dma semaphore(%arg14 : memref<!tpu.dma_semaphore, #tpu.memory_space<semaphore_mem>>) src(%arg9 : memref<128x128xf32, #tpu.memory_space<vmem>>) dst(%dma_wait3A_315 : memref<10240x128xf32, #tpu.memory_space<vmem_shared>>)
      %dma_start3A_316 = arith.constant 11 : i32
      %dma_start3A_317 = arith.constant 0 : i32
      %dma_start3A_318 = tpu.memref_slice %arg6[%dma_start3A_316, %dma_start3A_317] : memref<16x128xi32, #tpu.memory_space<vmem>> -> memref<1x128xi32, #tpu.memory_space<vmem>>
      %dma_start3A_319 = tpu.memref_squeeze %dma_start3A_318 : memref<1x128xi32, #tpu.memory_space<vmem>> -> memref<128xi32, #tpu.memory_space<vmem>>
      %dma_start3A_320 = arith.constant 0 : i32
      %dma_start3A_321 = arith.constant 0 : i32
      %dma_start3A_322 = tpu.memref_slice %arg4[%dma_start3A_320, %dma_start3A_321] : memref<10240x128xf32, #tpu.memory_space<hbm>> -> memref<10240x128xf32, #tpu.memory_space<hbm>>
      tpu.enqueue_indirect_dma source(%dma_start3A_322 : memref<10240x128xf32, #tpu.memory_space<hbm>>) target(%arg9 : memref<128x128xf32, #tpu.memory_space<vmem>>) offsets(%dma_start3A_319 : memref<128xi32, #tpu.memory_space<vmem>>) semaphore(%arg12 : memref<!tpu.dma_semaphore, #tpu.memory_space<semaphore_mem>>)
      %dma_wait3A_323 = arith.constant 10 : i32
      %dma_wait3A_324 = arith.constant 0 : i32
      %dma_wait3A_325 = tpu.memref_slice %arg6[%dma_wait3A_323, %dma_wait3A_324] : memref<16x128xi32, #tpu.memory_space<vmem>> -> memref<1x128xi32, #tpu.memory_space<vmem>>
      %dma_wait3A_326 = tpu.memref_squeeze %dma_wait3A_325 : memref<1x128xi32, #tpu.memory_space<vmem>> -> memref<128xi32, #tpu.memory_space<vmem>>
      %dma_wait3A_327 = arith.constant 0 : i32
      %dma_wait3A_328 = arith.constant 0 : i32
      %dma_wait3A_329 = tpu.memref_slice %arg4[%dma_wait3A_327, %dma_wait3A_328] : memref<10240x128xf32, #tpu.memory_space<hbm>> -> memref<10240x128xf32, #tpu.memory_space<hbm>>
      tpu.wait_indirect_dma semaphore(%arg11 : memref<!tpu.dma_semaphore, #tpu.memory_space<semaphore_mem>>) src(%dma_wait3A_329 : memref<10240x128xf32, #tpu.memory_space<hbm>>) dst(%arg8 : memref<128x128xf32, #tpu.memory_space<vmem>>)
      %dma_start3A_330 = arith.constant 10 : i32
      %dma_start3A_331 = arith.constant 0 : i32
      %dma_start3A_332 = tpu.memref_slice %arg7[%dma_start3A_330, %dma_start3A_331] : memref<16x128xi32, #tpu.memory_space<vmem>> -> memref<1x128xi32, #tpu.memory_space<vmem>>
      %dma_start3A_333 = tpu.memref_squeeze %dma_start3A_332 : memref<1x128xi32, #tpu.memory_space<vmem>> -> memref<128xi32, #tpu.memory_space<vmem>>
      %dma_start3A_334 = arith.constant 0 : i32
      %dma_start3A_335 = arith.constant 0 : i32
      %dma_start3A_336 = tpu.memref_slice %arg10[%dma_start3A_334, %dma_start3A_335] : memref<10240x128xf32, #tpu.memory_space<vmem_shared>> -> memref<10240x128xf32, #tpu.memory_space<vmem_shared>>
      tpu.enqueue_indirect_dma source(%arg8 : memref<128x128xf32, #tpu.memory_space<vmem>>) target(%dma_start3A_336 : memref<10240x128xf32, #tpu.memory_space<vmem_shared>>) offsets(%dma_start3A_333 : memref<128xi32, #tpu.memory_space<vmem>>) semaphore(%arg13 : memref<!tpu.dma_semaphore, #tpu.memory_space<semaphore_mem>>) {add = true}
      %dma_wait3A_337 = arith.constant 10 : i32
      %dma_wait3A_338 = arith.constant 0 : i32
      %dma_wait3A_339 = tpu.memref_slice %arg7[%dma_wait3A_337, %dma_wait3A_338] : memref<16x128xi32, #tpu.memory_space<vmem>> -> memref<1x128xi32, #tpu.memory_space<vmem>>
      %dma_wait3A_340 = tpu.memref_squeeze %dma_wait3A_339 : memref<1x128xi32, #tpu.memory_space<vmem>> -> memref<128xi32, #tpu.memory_space<vmem>>
      %dma_wait3A_341 = arith.constant 0 : i32
      %dma_wait3A_342 = arith.constant 0 : i32
      %dma_wait3A_343 = tpu.memref_slice %arg10[%dma_wait3A_341, %dma_wait3A_342] : memref<10240x128xf32, #tpu.memory_space<vmem_shared>> -> memref<10240x128xf32, #tpu.memory_space<vmem_shared>>
      tpu.wait_indirect_dma semaphore(%arg13 : memref<!tpu.dma_semaphore, #tpu.memory_space<semaphore_mem>>) src(%arg8 : memref<128x128xf32, #tpu.memory_space<vmem>>) dst(%dma_wait3A_343 : memref<10240x128xf32, #tpu.memory_space<vmem_shared>>)
      %dma_start3A_344 = arith.constant 12 : i32
      %dma_start3A_345 = arith.constant 0 : i32
      %dma_start3A_346 = tpu.memref_slice %arg6[%dma_start3A_344, %dma_start3A_345] : memref<16x128xi32, #tpu.memory_space<vmem>> -> memref<1x128xi32, #tpu.memory_space<vmem>>
      %dma_start3A_347 = tpu.memref_squeeze %dma_start3A_346 : memref<1x128xi32, #tpu.memory_space<vmem>> -> memref<128xi32, #tpu.memory_space<vmem>>
      %dma_start3A_348 = arith.constant 0 : i32
      %dma_start3A_349 = arith.constant 0 : i32
      %dma_start3A_350 = tpu.memref_slice %arg4[%dma_start3A_348, %dma_start3A_349] : memref<10240x128xf32, #tpu.memory_space<hbm>> -> memref<10240x128xf32, #tpu.memory_space<hbm>>
      tpu.enqueue_indirect_dma source(%dma_start3A_350 : memref<10240x128xf32, #tpu.memory_space<hbm>>) target(%arg8 : memref<128x128xf32, #tpu.memory_space<vmem>>) offsets(%dma_start3A_347 : memref<128xi32, #tpu.memory_space<vmem>>) semaphore(%arg11 : memref<!tpu.dma_semaphore, #tpu.memory_space<semaphore_mem>>)
      %dma_wait3A_351 = arith.constant 11 : i32
      %dma_wait3A_352 = arith.constant 0 : i32
      %dma_wait3A_353 = tpu.memref_slice %arg6[%dma_wait3A_351, %dma_wait3A_352] : memref<16x128xi32, #tpu.memory_space<vmem>> -> memref<1x128xi32, #tpu.memory_space<vmem>>
      %dma_wait3A_354 = tpu.memref_squeeze %dma_wait3A_353 : memref<1x128xi32, #tpu.memory_space<vmem>> -> memref<128xi32, #tpu.memory_space<vmem>>
      %dma_wait3A_355 = arith.constant 0 : i32
      %dma_wait3A_356 = arith.constant 0 : i32
      %dma_wait3A_357 = tpu.memref_slice %arg4[%dma_wait3A_355, %dma_wait3A_356] : memref<10240x128xf32, #tpu.memory_space<hbm>> -> memref<10240x128xf32, #tpu.memory_space<hbm>>
      tpu.wait_indirect_dma semaphore(%arg12 : memref<!tpu.dma_semaphore, #tpu.memory_space<semaphore_mem>>) src(%dma_wait3A_357 : memref<10240x128xf32, #tpu.memory_space<hbm>>) dst(%arg9 : memref<128x128xf32, #tpu.memory_space<vmem>>)
      %dma_start3A_358 = arith.constant 11 : i32
      %dma_start3A_359 = arith.constant 0 : i32
      %dma_start3A_360 = tpu.memref_slice %arg7[%dma_start3A_358, %dma_start3A_359] : memref<16x128xi32, #tpu.memory_space<vmem>> -> memref<1x128xi32, #tpu.memory_space<vmem>>
      %dma_start3A_361 = tpu.memref_squeeze %dma_start3A_360 : memref<1x128xi32, #tpu.memory_space<vmem>> -> memref<128xi32, #tpu.memory_space<vmem>>
      %dma_start3A_362 = arith.constant 0 : i32
      %dma_start3A_363 = arith.constant 0 : i32
      %dma_start3A_364 = tpu.memref_slice %arg10[%dma_start3A_362, %dma_start3A_363] : memref<10240x128xf32, #tpu.memory_space<vmem_shared>> -> memref<10240x128xf32, #tpu.memory_space<vmem_shared>>
      tpu.enqueue_indirect_dma source(%arg9 : memref<128x128xf32, #tpu.memory_space<vmem>>) target(%dma_start3A_364 : memref<10240x128xf32, #tpu.memory_space<vmem_shared>>) offsets(%dma_start3A_361 : memref<128xi32, #tpu.memory_space<vmem>>) semaphore(%arg14 : memref<!tpu.dma_semaphore, #tpu.memory_space<semaphore_mem>>) {add = true}
      %dma_wait3A_365 = arith.constant 11 : i32
      %dma_wait3A_366 = arith.constant 0 : i32
      %dma_wait3A_367 = tpu.memref_slice %arg7[%dma_wait3A_365, %dma_wait3A_366] : memref<16x128xi32, #tpu.memory_space<vmem>> -> memref<1x128xi32, #tpu.memory_space<vmem>>
      %dma_wait3A_368 = tpu.memref_squeeze %dma_wait3A_367 : memref<1x128xi32, #tpu.memory_space<vmem>> -> memref<128xi32, #tpu.memory_space<vmem>>
      %dma_wait3A_369 = arith.constant 0 : i32
      %dma_wait3A_370 = arith.constant 0 : i32
      %dma_wait3A_371 = tpu.memref_slice %arg10[%dma_wait3A_369, %dma_wait3A_370] : memref<10240x128xf32, #tpu.memory_space<vmem_shared>> -> memref<10240x128xf32, #tpu.memory_space<vmem_shared>>
      tpu.wait_indirect_dma semaphore(%arg14 : memref<!tpu.dma_semaphore, #tpu.memory_space<semaphore_mem>>) src(%arg9 : memref<128x128xf32, #tpu.memory_space<vmem>>) dst(%dma_wait3A_371 : memref<10240x128xf32, #tpu.memory_space<vmem_shared>>)
      %dma_start3A_372 = arith.constant 13 : i32
      %dma_start3A_373 = arith.constant 0 : i32
      %dma_start3A_374 = tpu.memref_slice %arg6[%dma_start3A_372, %dma_start3A_373] : memref<16x128xi32, #tpu.memory_space<vmem>> -> memref<1x128xi32, #tpu.memory_space<vmem>>
      %dma_start3A_375 = tpu.memref_squeeze %dma_start3A_374 : memref<1x128xi32, #tpu.memory_space<vmem>> -> memref<128xi32, #tpu.memory_space<vmem>>
      %dma_start3A_376 = arith.constant 0 : i32
      %dma_start3A_377 = arith.constant 0 : i32
      %dma_start3A_378 = tpu.memref_slice %arg4[%dma_start3A_376, %dma_start3A_377] : memref<10240x128xf32, #tpu.memory_space<hbm>> -> memref<10240x128xf32, #tpu.memory_space<hbm>>
      tpu.enqueue_indirect_dma source(%dma_start3A_378 : memref<10240x128xf32, #tpu.memory_space<hbm>>) target(%arg9 : memref<128x128xf32, #tpu.memory_space<vmem>>) offsets(%dma_start3A_375 : memref<128xi32, #tpu.memory_space<vmem>>) semaphore(%arg12 : memref<!tpu.dma_semaphore, #tpu.memory_space<semaphore_mem>>)
      %dma_wait3A_379 = arith.constant 12 : i32
      %dma_wait3A_380 = arith.constant 0 : i32
      %dma_wait3A_381 = tpu.memref_slice %arg6[%dma_wait3A_379, %dma_wait3A_380] : memref<16x128xi32, #tpu.memory_space<vmem>> -> memref<1x128xi32, #tpu.memory_space<vmem>>
      %dma_wait3A_382 = tpu.memref_squeeze %dma_wait3A_381 : memref<1x128xi32, #tpu.memory_space<vmem>> -> memref<128xi32, #tpu.memory_space<vmem>>
      %dma_wait3A_383 = arith.constant 0 : i32
      %dma_wait3A_384 = arith.constant 0 : i32
      %dma_wait3A_385 = tpu.memref_slice %arg4[%dma_wait3A_383, %dma_wait3A_384] : memref<10240x128xf32, #tpu.memory_space<hbm>> -> memref<10240x128xf32, #tpu.memory_space<hbm>>
      tpu.wait_indirect_dma semaphore(%arg11 : memref<!tpu.dma_semaphore, #tpu.memory_space<semaphore_mem>>) src(%dma_wait3A_385 : memref<10240x128xf32, #tpu.memory_space<hbm>>) dst(%arg8 : memref<128x128xf32, #tpu.memory_space<vmem>>)
      %dma_start3A_386 = arith.constant 12 : i32
      %dma_start3A_387 = arith.constant 0 : i32
      %dma_start3A_388 = tpu.memref_slice %arg7[%dma_start3A_386, %dma_start3A_387] : memref<16x128xi32, #tpu.memory_space<vmem>> -> memref<1x128xi32, #tpu.memory_space<vmem>>
      %dma_start3A_389 = tpu.memref_squeeze %dma_start3A_388 : memref<1x128xi32, #tpu.memory_space<vmem>> -> memref<128xi32, #tpu.memory_space<vmem>>
      %dma_start3A_390 = arith.constant 0 : i32
      %dma_start3A_391 = arith.constant 0 : i32
      %dma_start3A_392 = tpu.memref_slice %arg10[%dma_start3A_390, %dma_start3A_391] : memref<10240x128xf32, #tpu.memory_space<vmem_shared>> -> memref<10240x128xf32, #tpu.memory_space<vmem_shared>>
      tpu.enqueue_indirect_dma source(%arg8 : memref<128x128xf32, #tpu.memory_space<vmem>>) target(%dma_start3A_392 : memref<10240x128xf32, #tpu.memory_space<vmem_shared>>) offsets(%dma_start3A_389 : memref<128xi32, #tpu.memory_space<vmem>>) semaphore(%arg13 : memref<!tpu.dma_semaphore, #tpu.memory_space<semaphore_mem>>) {add = true}
      %dma_wait3A_393 = arith.constant 12 : i32
      %dma_wait3A_394 = arith.constant 0 : i32
      %dma_wait3A_395 = tpu.memref_slice %arg7[%dma_wait3A_393, %dma_wait3A_394] : memref<16x128xi32, #tpu.memory_space<vmem>> -> memref<1x128xi32, #tpu.memory_space<vmem>>
      %dma_wait3A_396 = tpu.memref_squeeze %dma_wait3A_395 : memref<1x128xi32, #tpu.memory_space<vmem>> -> memref<128xi32, #tpu.memory_space<vmem>>
      %dma_wait3A_397 = arith.constant 0 : i32
      %dma_wait3A_398 = arith.constant 0 : i32
      %dma_wait3A_399 = tpu.memref_slice %arg10[%dma_wait3A_397, %dma_wait3A_398] : memref<10240x128xf32, #tpu.memory_space<vmem_shared>> -> memref<10240x128xf32, #tpu.memory_space<vmem_shared>>
      tpu.wait_indirect_dma semaphore(%arg13 : memref<!tpu.dma_semaphore, #tpu.memory_space<semaphore_mem>>) src(%arg8 : memref<128x128xf32, #tpu.memory_space<vmem>>) dst(%dma_wait3A_399 : memref<10240x128xf32, #tpu.memory_space<vmem_shared>>)
      %dma_start3A_400 = arith.constant 14 : i32
      %dma_start3A_401 = arith.constant 0 : i32
      %dma_start3A_402 = tpu.memref_slice %arg6[%dma_start3A_400, %dma_start3A_401] : memref<16x128xi32, #tpu.memory_space<vmem>> -> memref<1x128xi32, #tpu.memory_space<vmem>>
      %dma_start3A_403 = tpu.memref_squeeze %dma_start3A_402 : memref<1x128xi32, #tpu.memory_space<vmem>> -> memref<128xi32, #tpu.memory_space<vmem>>
      %dma_start3A_404 = arith.constant 0 : i32
      %dma_start3A_405 = arith.constant 0 : i32
      %dma_start3A_406 = tpu.memref_slice %arg4[%dma_start3A_404, %dma_start3A_405] : memref<10240x128xf32, #tpu.memory_space<hbm>> -> memref<10240x128xf32, #tpu.memory_space<hbm>>
      tpu.enqueue_indirect_dma source(%dma_start3A_406 : memref<10240x128xf32, #tpu.memory_space<hbm>>) target(%arg8 : memref<128x128xf32, #tpu.memory_space<vmem>>) offsets(%dma_start3A_403 : memref<128xi32, #tpu.memory_space<vmem>>) semaphore(%arg11 : memref<!tpu.dma_semaphore, #tpu.memory_space<semaphore_mem>>)
      %dma_wait3A_407 = arith.constant 13 : i32
      %dma_wait3A_408 = arith.constant 0 : i32
      %dma_wait3A_409 = tpu.memref_slice %arg6[%dma_wait3A_407, %dma_wait3A_408] : memref<16x128xi32, #tpu.memory_space<vmem>> -> memref<1x128xi32, #tpu.memory_space<vmem>>
      %dma_wait3A_410 = tpu.memref_squeeze %dma_wait3A_409 : memref<1x128xi32, #tpu.memory_space<vmem>> -> memref<128xi32, #tpu.memory_space<vmem>>
      %dma_wait3A_411 = arith.constant 0 : i32
      %dma_wait3A_412 = arith.constant 0 : i32
      %dma_wait3A_413 = tpu.memref_slice %arg4[%dma_wait3A_411, %dma_wait3A_412] : memref<10240x128xf32, #tpu.memory_space<hbm>> -> memref<10240x128xf32, #tpu.memory_space<hbm>>
      tpu.wait_indirect_dma semaphore(%arg12 : memref<!tpu.dma_semaphore, #tpu.memory_space<semaphore_mem>>) src(%dma_wait3A_413 : memref<10240x128xf32, #tpu.memory_space<hbm>>) dst(%arg9 : memref<128x128xf32, #tpu.memory_space<vmem>>)
      %dma_start3A_414 = arith.constant 13 : i32
      %dma_start3A_415 = arith.constant 0 : i32
      %dma_start3A_416 = tpu.memref_slice %arg7[%dma_start3A_414, %dma_start3A_415] : memref<16x128xi32, #tpu.memory_space<vmem>> -> memref<1x128xi32, #tpu.memory_space<vmem>>
      %dma_start3A_417 = tpu.memref_squeeze %dma_start3A_416 : memref<1x128xi32, #tpu.memory_space<vmem>> -> memref<128xi32, #tpu.memory_space<vmem>>
      %dma_start3A_418 = arith.constant 0 : i32
      %dma_start3A_419 = arith.constant 0 : i32
      %dma_start3A_420 = tpu.memref_slice %arg10[%dma_start3A_418, %dma_start3A_419] : memref<10240x128xf32, #tpu.memory_space<vmem_shared>> -> memref<10240x128xf32, #tpu.memory_space<vmem_shared>>
      tpu.enqueue_indirect_dma source(%arg9 : memref<128x128xf32, #tpu.memory_space<vmem>>) target(%dma_start3A_420 : memref<10240x128xf32, #tpu.memory_space<vmem_shared>>) offsets(%dma_start3A_417 : memref<128xi32, #tpu.memory_space<vmem>>) semaphore(%arg14 : memref<!tpu.dma_semaphore, #tpu.memory_space<semaphore_mem>>) {add = true}
      %dma_wait3A_421 = arith.constant 13 : i32
      %dma_wait3A_422 = arith.constant 0 : i32
      %dma_wait3A_423 = tpu.memref_slice %arg7[%dma_wait3A_421, %dma_wait3A_422] : memref<16x128xi32, #tpu.memory_space<vmem>> -> memref<1x128xi32, #tpu.memory_space<vmem>>
      %dma_wait3A_424 = tpu.memref_squeeze %dma_wait3A_423 : memref<1x128xi32, #tpu.memory_space<vmem>> -> memref<128xi32, #tpu.memory_space<vmem>>
      %dma_wait3A_425 = arith.constant 0 : i32
      %dma_wait3A_426 = arith.constant 0 : i32
      %dma_wait3A_427 = tpu.memref_slice %arg10[%dma_wait3A_425, %dma_wait3A_426] : memref<10240x128xf32, #tpu.memory_space<vmem_shared>> -> memref<10240x128xf32, #tpu.memory_space<vmem_shared>>
      tpu.wait_indirect_dma semaphore(%arg14 : memref<!tpu.dma_semaphore, #tpu.memory_space<semaphore_mem>>) src(%arg9 : memref<128x128xf32, #tpu.memory_space<vmem>>) dst(%dma_wait3A_427 : memref<10240x128xf32, #tpu.memory_space<vmem_shared>>)
      %dma_start3A_428 = arith.constant 15 : i32
      %dma_start3A_429 = arith.constant 0 : i32
      %dma_start3A_430 = tpu.memref_slice %arg6[%dma_start3A_428, %dma_start3A_429] : memref<16x128xi32, #tpu.memory_space<vmem>> -> memref<1x128xi32, #tpu.memory_space<vmem>>
      %dma_start3A_431 = tpu.memref_squeeze %dma_start3A_430 : memref<1x128xi32, #tpu.memory_space<vmem>> -> memref<128xi32, #tpu.memory_space<vmem>>
      %dma_start3A_432 = arith.constant 0 : i32
      %dma_start3A_433 = arith.constant 0 : i32
      %dma_start3A_434 = tpu.memref_slice %arg4[%dma_start3A_432, %dma_start3A_433] : memref<10240x128xf32, #tpu.memory_space<hbm>> -> memref<10240x128xf32, #tpu.memory_space<hbm>>
      tpu.enqueue_indirect_dma source(%dma_start3A_434 : memref<10240x128xf32, #tpu.memory_space<hbm>>) target(%arg9 : memref<128x128xf32, #tpu.memory_space<vmem>>) offsets(%dma_start3A_431 : memref<128xi32, #tpu.memory_space<vmem>>) semaphore(%arg12 : memref<!tpu.dma_semaphore, #tpu.memory_space<semaphore_mem>>)
      %dma_wait3A_435 = arith.constant 14 : i32
      %dma_wait3A_436 = arith.constant 0 : i32
      %dma_wait3A_437 = tpu.memref_slice %arg6[%dma_wait3A_435, %dma_wait3A_436] : memref<16x128xi32, #tpu.memory_space<vmem>> -> memref<1x128xi32, #tpu.memory_space<vmem>>
      %dma_wait3A_438 = tpu.memref_squeeze %dma_wait3A_437 : memref<1x128xi32, #tpu.memory_space<vmem>> -> memref<128xi32, #tpu.memory_space<vmem>>
      %dma_wait3A_439 = arith.constant 0 : i32
      %dma_wait3A_440 = arith.constant 0 : i32
      %dma_wait3A_441 = tpu.memref_slice %arg4[%dma_wait3A_439, %dma_wait3A_440] : memref<10240x128xf32, #tpu.memory_space<hbm>> -> memref<10240x128xf32, #tpu.memory_space<hbm>>
      tpu.wait_indirect_dma semaphore(%arg11 : memref<!tpu.dma_semaphore, #tpu.memory_space<semaphore_mem>>) src(%dma_wait3A_441 : memref<10240x128xf32, #tpu.memory_space<hbm>>) dst(%arg8 : memref<128x128xf32, #tpu.memory_space<vmem>>)
      %dma_start3A_442 = arith.constant 14 : i32
      %dma_start3A_443 = arith.constant 0 : i32
      %dma_start3A_444 = tpu.memref_slice %arg7[%dma_start3A_442, %dma_start3A_443] : memref<16x128xi32, #tpu.memory_space<vmem>> -> memref<1x128xi32, #tpu.memory_space<vmem>>
      %dma_start3A_445 = tpu.memref_squeeze %dma_start3A_444 : memref<1x128xi32, #tpu.memory_space<vmem>> -> memref<128xi32, #tpu.memory_space<vmem>>
      %dma_start3A_446 = arith.constant 0 : i32
      %dma_start3A_447 = arith.constant 0 : i32
      %dma_start3A_448 = tpu.memref_slice %arg10[%dma_start3A_446, %dma_start3A_447] : memref<10240x128xf32, #tpu.memory_space<vmem_shared>> -> memref<10240x128xf32, #tpu.memory_space<vmem_shared>>
      tpu.enqueue_indirect_dma source(%arg8 : memref<128x128xf32, #tpu.memory_space<vmem>>) target(%dma_start3A_448 : memref<10240x128xf32, #tpu.memory_space<vmem_shared>>) offsets(%dma_start3A_445 : memref<128xi32, #tpu.memory_space<vmem>>) semaphore(%arg13 : memref<!tpu.dma_semaphore, #tpu.memory_space<semaphore_mem>>) {add = true}
      %dma_wait3A_449 = arith.constant 15 : i32
      %dma_wait3A_450 = arith.constant 0 : i32
      %dma_wait3A_451 = tpu.memref_slice %arg6[%dma_wait3A_449, %dma_wait3A_450] : memref<16x128xi32, #tpu.memory_space<vmem>> -> memref<1x128xi32, #tpu.memory_space<vmem>>
      %dma_wait3A_452 = tpu.memref_squeeze %dma_wait3A_451 : memref<1x128xi32, #tpu.memory_space<vmem>> -> memref<128xi32, #tpu.memory_space<vmem>>
      %dma_wait3A_453 = arith.constant 0 : i32
      %dma_wait3A_454 = arith.constant 0 : i32
      %dma_wait3A_455 = tpu.memref_slice %arg4[%dma_wait3A_453, %dma_wait3A_454] : memref<10240x128xf32, #tpu.memory_space<hbm>> -> memref<10240x128xf32, #tpu.memory_space<hbm>>
      tpu.wait_indirect_dma semaphore(%arg12 : memref<!tpu.dma_semaphore, #tpu.memory_space<semaphore_mem>>) src(%dma_wait3A_455 : memref<10240x128xf32, #tpu.memory_space<hbm>>) dst(%arg9 : memref<128x128xf32, #tpu.memory_space<vmem>>)
      %dma_start3A_456 = arith.constant 15 : i32
      %dma_start3A_457 = arith.constant 0 : i32
      %dma_start3A_458 = tpu.memref_slice %arg7[%dma_start3A_456, %dma_start3A_457] : memref<16x128xi32, #tpu.memory_space<vmem>> -> memref<1x128xi32, #tpu.memory_space<vmem>>
      %dma_start3A_459 = tpu.memref_squeeze %dma_start3A_458 : memref<1x128xi32, #tpu.memory_space<vmem>> -> memref<128xi32, #tpu.memory_space<vmem>>
      %dma_start3A_460 = arith.constant 0 : i32
      %dma_start3A_461 = arith.constant 0 : i32
      %dma_start3A_462 = tpu.memref_slice %arg10[%dma_start3A_460, %dma_start3A_461] : memref<10240x128xf32, #tpu.memory_space<vmem_shared>> -> memref<10240x128xf32, #tpu.memory_space<vmem_shared>>
      tpu.enqueue_indirect_dma source(%arg9 : memref<128x128xf32, #tpu.memory_space<vmem>>) target(%dma_start3A_462 : memref<10240x128xf32, #tpu.memory_space<vmem_shared>>) offsets(%dma_start3A_459 : memref<128xi32, #tpu.memory_space<vmem>>) semaphore(%arg14 : memref<!tpu.dma_semaphore, #tpu.memory_space<semaphore_mem>>) {add = true}
      %dma_wait3A_463 = arith.constant 14 : i32
      %dma_wait3A_464 = arith.constant 0 : i32
      %dma_wait3A_465 = tpu.memref_slice %arg7[%dma_wait3A_463, %dma_wait3A_464] : memref<16x128xi32, #tpu.memory_space<vmem>> -> memref<1x128xi32, #tpu.memory_space<vmem>>
      %dma_wait3A_466 = tpu.memref_squeeze %dma_wait3A_465 : memref<1x128xi32, #tpu.memory_space<vmem>> -> memref<128xi32, #tpu.memory_space<vmem>>
      %dma_wait3A_467 = arith.constant 0 : i32
      %dma_wait3A_468 = arith.constant 0 : i32
      %dma_wait3A_469 = tpu.memref_slice %arg10[%dma_wait3A_467, %dma_wait3A_468] : memref<10240x128xf32, #tpu.memory_space<vmem_shared>> -> memref<10240x128xf32, #tpu.memory_space<vmem_shared>>
      tpu.wait_indirect_dma semaphore(%arg13 : memref<!tpu.dma_semaphore, #tpu.memory_space<semaphore_mem>>) src(%arg8 : memref<128x128xf32, #tpu.memory_space<vmem>>) dst(%dma_wait3A_469 : memref<10240x128xf32, #tpu.memory_space<vmem_shared>>)
      %dma_wait3A_470 = arith.constant 15 : i32
      %dma_wait3A_471 = arith.constant 0 : i32
      %dma_wait3A_472 = tpu.memref_slice %arg7[%dma_wait3A_470, %dma_wait3A_471] : memref<16x128xi32, #tpu.memory_space<vmem>> -> memref<1x128xi32, #tpu.memory_space<vmem>>
      %dma_wait3A_473 = tpu.memref_squeeze %dma_wait3A_472 : memref<1x128xi32, #tpu.memory_space<vmem>> -> memref<128xi32, #tpu.memory_space<vmem>>
      %dma_wait3A_474 = arith.constant 0 : i32
      %dma_wait3A_475 = arith.constant 0 : i32
      %dma_wait3A_476 = tpu.memref_slice %arg10[%dma_wait3A_474, %dma_wait3A_475] : memref<10240x128xf32, #tpu.memory_space<vmem_shared>> -> memref<10240x128xf32, #tpu.memory_space<vmem_shared>>
      tpu.wait_indirect_dma semaphore(%arg14 : memref<!tpu.dma_semaphore, #tpu.memory_space<semaphore_mem>>) src(%arg9 : memref<128x128xf32, #tpu.memory_space<vmem>>) dst(%dma_wait3A_476 : memref<10240x128xf32, #tpu.memory_space<vmem_shared>>)
    }
    %scan3A_17 = arith.constant 5 : i32
    %barrier3A_18 = arith.constant 0 : index
    tpu.barrier barrier_id(%barrier3A_18)
    %scan3A_19 = arith.constant 0 : i32
    %scan3A_20 = arith.constant 0 : i32
    %scan3A_21 = arith.constant 5 : i32
    %scan3A_22 = arith.addi %scan3A_20, %scan3A_21 : i32
    %scan3A_23 = arith.constant 1 : i32
    scf.for %scan3A_25 = %scan3A_20 to %scan3A_22 step %scan3A_23  : i32 {
      %mul3A_26 = arith.constant 640 : i32
      %mul3A_27 = arith.muli %arg1, %mul3A_26 : i32
      %mul3A_28 = arith.constant 128 : i32
      %mul3A_29 = arith.muli %scan3A_25, %mul3A_28 : i32
      %add3A_30 = arith.addi %mul3A_27, %mul3A_29 : i32
      "tpu.region"() ({
        %run_scoped3A = tpu.sem_alloc : memref<!tpu.dma_semaphore, #tpu.memory_space<semaphore_mem>>
        %dma_start3A = arith.constant 0 : i32
        %dma_start3A_36 = tpu.memref_slice %arg10[%add3A_30, %dma_start3A] : memref<10240x128xf32, #tpu.memory_space<vmem_shared>> -> memref<128x128xf32, #tpu.memory_space<vmem_shared>>
        %dma_start3A_37 = arith.constant 0 : i32
        %dma_start3A_38 = tpu.memref_slice %arg10[%add3A_30, %dma_start3A_37] : memref<10240x128xf32, #tpu.memory_space<vmem_shared>> -> memref<128x128xf32, #tpu.memory_space<vmem_shared>>
        tpu.enqueue_dma source(%dma_start3A_38 : memref<128x128xf32, #tpu.memory_space<vmem_shared>>) target(%arg8 : memref<128x128xf32, #tpu.memory_space<vmem>>) target_semaphore(%run_scoped3A : memref<!tpu.dma_semaphore, #tpu.memory_space<semaphore_mem>>)
        %dma_wait3A = arith.constant 0 : i32
        %dma_wait3A_39 = tpu.memref_slice %arg10[%add3A_30, %dma_wait3A] : memref<10240x128xf32, #tpu.memory_space<vmem_shared>> -> memref<128x128xf32, #tpu.memory_space<vmem_shared>>
        %dma_wait3A_40 = arith.constant 0 : i32
        %dma_wait3A_41 = tpu.memref_slice %arg10[%add3A_30, %dma_wait3A_40] : memref<10240x128xf32, #tpu.memory_space<vmem_shared>> -> memref<128x128xf32, #tpu.memory_space<vmem_shared>>
        tpu.wait_dma2 semaphore(%run_scoped3A : memref<!tpu.dma_semaphore, #tpu.memory_space<semaphore_mem>>) src(%dma_wait3A_41 : memref<128x128xf32, #tpu.memory_space<vmem_shared>>) dst(%arg8 : memref<128x128xf32, #tpu.memory_space<vmem>>)
        tpu.yield
      }) : () -> ()
      %mul3A_31 = arith.constant 640 : i32
      %mul3A_32 = arith.muli %arg1, %mul3A_31 : i32
      %mul3A_33 = arith.constant 128 : i32
      %mul3A_34 = arith.muli %scan3A_25, %mul3A_33 : i32
      %add3A_35 = arith.addi %mul3A_32, %mul3A_34 : i32
      "tpu.region"() ({
        %run_scoped3A = tpu.sem_alloc : memref<!tpu.dma_semaphore, #tpu.memory_space<semaphore_mem>>
        %dma_start3A = arith.constant 0 : i32
        %dma_start3A_36 = tpu.memref_slice %arg5[%arg0, %add3A_35, %dma_start3A] : memref<2x10240x128xf32, #tpu.memory_space<hbm>> -> memref<1x128x128xf32, #tpu.memory_space<hbm>>
        %dma_start3A_37 = tpu.memref_squeeze %dma_start3A_36 : memref<1x128x128xf32, #tpu.memory_space<hbm>> -> memref<128x128xf32, #tpu.memory_space<hbm>>
        %dma_start3A_38 = arith.constant 0 : i32
        %dma_start3A_39 = tpu.memref_slice %arg5[%arg0, %add3A_35, %dma_start3A_38] : memref<2x10240x128xf32, #tpu.memory_space<hbm>> -> memref<1x128x128xf32, #tpu.memory_space<hbm>>
        %dma_start3A_40 = tpu.memref_squeeze %dma_start3A_39 : memref<1x128x128xf32, #tpu.memory_space<hbm>> -> memref<128x128xf32, #tpu.memory_space<hbm>>
        tpu.enqueue_dma source(%arg8 : memref<128x128xf32, #tpu.memory_space<vmem>>) target(%dma_start3A_40 : memref<128x128xf32, #tpu.memory_space<hbm>>) target_semaphore(%run_scoped3A : memref<!tpu.dma_semaphore, #tpu.memory_space<semaphore_mem>>)
        %dma_wait3A = arith.constant 0 : i32
        %dma_wait3A_41 = tpu.memref_slice %arg5[%arg0, %add3A_35, %dma_wait3A] : memref<2x10240x128xf32, #tpu.memory_space<hbm>> -> memref<1x128x128xf32, #tpu.memory_space<hbm>>
        %dma_wait3A_42 = tpu.memref_squeeze %dma_wait3A_41 : memref<1x128x128xf32, #tpu.memory_space<hbm>> -> memref<128x128xf32, #tpu.memory_space<hbm>>
        %dma_wait3A_43 = arith.constant 0 : i32
        %dma_wait3A_44 = tpu.memref_slice %arg5[%arg0, %add3A_35, %dma_wait3A_43] : memref<2x10240x128xf32, #tpu.memory_space<hbm>> -> memref<1x128x128xf32, #tpu.memory_space<hbm>>
        %dma_wait3A_45 = tpu.memref_squeeze %dma_wait3A_44 : memref<1x128x128xf32, #tpu.memory_space<hbm>> -> memref<128x128xf32, #tpu.memory_space<hbm>>
        tpu.wait_dma2 semaphore(%run_scoped3A : memref<!tpu.dma_semaphore, #tpu.memory_space<semaphore_mem>>) src(%arg8 : memref<128x128xf32, #tpu.memory_space<vmem>>) dst(%dma_wait3A_45 : memref<128x128xf32, #tpu.memory_space<hbm>>)
        tpu.yield
      }) : () -> ()
    }
    %scan3A_24 = arith.constant 5 : i32
    return
  }
}

module attributes {stable_mosaic.version = 14 : i64} {
  func.func @_xs1_body(%arg0: i32, %arg1: memref<2x512x128xf32, #tpu.memory_space<vmem>>, %arg2: memref<512x128xf32, #tpu.memory_space<vmem>>, %arg3: memref<128x128xf32, #tpu.memory_space<vmem>>, %arg4: memref<512x128xf32, #tpu.memory_space<vmem>>) attributes {dimension_semantics = [#tpu.dimension_semantics<arbitrary>], iteration_bounds = array<i64: 20>, scalar_prefetch = 0 : i64, scratch_operands = 0 : i64, tpu.core_type = #tpu.core_type<tc>, window_params = [{transform_indices = @transform_0, window_bounds = array<i64: 2, 512, 128>}, {transform_indices = @transform_1, window_bounds = array<i64: 512, 128>}, {pipeline_mode = #tpu.pipeline_mode<synchronous>, transform_indices = @transform_2, window_bounds = array<i64: 128, 128>}, {transform_indices = @transform_3, window_bounds = array<i64: 512, 128>}]} {
    %get3A = arith.constant 0 : index
    %get3A_0 = arith.constant 0 : index
    %get3A_1 = arith.constant 0 : index
    %get3A_2 = vector.load %arg1[%get3A, %get3A_0, %get3A_1] : memref<2x512x128xf32, #tpu.memory_space<vmem>>, vector<1x512x1xf32>
    %get3A_3 = vector.shape_cast %get3A_2 : vector<1x512x1xf32> to vector<512x1xf32>
    %get3A_4 = arith.constant 1 : index
    %get3A_5 = arith.constant 0 : index
    %get3A_6 = arith.constant 0 : index
    %get3A_7 = vector.load %arg1[%get3A_4, %get3A_5, %get3A_6] : memref<2x512x128xf32, #tpu.memory_space<vmem>>, vector<1x512x1xf32>
    %get3A_8 = vector.shape_cast %get3A_7 : vector<1x512x1xf32> to vector<512x1xf32>
    %add3A = arith.addf %get3A_3, %get3A_8 : vector<512x1xf32>
    %add3A_9 = arith.constant 1.000000e+00 : f32
    %add3A_10 = vector.broadcast %add3A_9 : f32 to vector<512x1xf32>
    %add3A_11 = arith.addf %add3A, %add3A_10 : vector<512x1xf32>
    %rsqrt3A = math.rsqrt %add3A_11 : vector<512x1xf32>
    %get3A_12 = arith.constant 0 : index
    %get3A_13 = arith.constant 0 : index
    %get3A_14 = vector.load %arg2[%get3A_12, %get3A_13] : memref<512x128xf32, #tpu.memory_space<vmem>>, vector<512x128xf32>
    %get3A_15 = arith.constant 0 : index
    %get3A_16 = arith.constant 0 : index
    %get3A_17 = vector.load %arg3[%get3A_15, %get3A_16] : memref<128x128xf32, #tpu.memory_space<vmem>>, vector<128x128xf32>
    %dot_general3A = arith.constant dense<0.000000e+00> : vector<512x128xf32>
    %dot_general3A_18 = tpu.matmul %get3A_14, %get3A_17, %dot_general3A {dimension_numbers = #tpu.dot_dimension_numbers<[1], [0], [0], [1], [0, 0, 1, 1], [], []>, transpose_lhs_hint = false} : vector<512x128xf32>, vector<128x128xf32>, vector<512x128xf32> -> vector<512x128xf32>
    %mul3A = vector.broadcast %rsqrt3A : vector<512x1xf32> to vector<512x128xf32>
    %mul3A_19 = arith.mulf %mul3A, %dot_general3A_18 : vector<512x128xf32>
    %swap3A = arith.constant 0 : index
    %swap3A_20 = arith.constant 0 : index
    %swap3A_21 = vector.load %arg4[%swap3A, %swap3A_20] : memref<512x128xf32, #tpu.memory_space<vmem>>, vector<512x128xf32>
    tpu.vector_store %arg4[%swap3A, %swap3A_20], %mul3A_19 {strides = array<i32>} : memref<512x128xf32, #tpu.memory_space<vmem>>, vector<512x128xf32>,
    return
  }
  func.func @transform_0(%arg0: i32) -> (i32, i32, i32) {
    %c0_i32 = arith.constant 0 : i32
    %c0_i32_0 = arith.constant 0 : i32
    %c0_i32_1 = arith.constant 0 : i32
    return %c0_i32, %arg0, %c0_i32_0 : i32, i32, i32
  }
  func.func @transform_1(%arg0: i32) -> (i32, i32) {
    %c0_i32 = arith.constant 0 : i32
    %c0_i32_0 = arith.constant 0 : i32
    return %arg0, %c0_i32 : i32, i32
  }
  func.func @transform_2(%arg0: i32) -> (i32, i32) {
    %c0_i32 = arith.constant 0 : i32
    %c0_i32_0 = arith.constant 0 : i32
    %c0_i32_1 = arith.constant 0 : i32
    return %c0_i32, %c0_i32_0 : i32, i32
  }
  func.func @transform_3(%arg0: i32) -> (i32, i32) {
    %c0_i32 = arith.constant 0 : i32
    %c0_i32_0 = arith.constant 0 : i32
    return %arg0, %c0_i32 : i32, i32
  }
}

module attributes {stable_mosaic.version = 14 : i64} {
  func.func @_mid_body(%arg0: i32, %arg1: memref<2x512x128xf32, #tpu.memory_space<vmem>>, %arg2: memref<2x512x128xf32, #tpu.memory_space<vmem>>, %arg3: memref<512x128xf32, #tpu.memory_space<vmem>>, %arg4: memref<128x128xf32, #tpu.memory_space<vmem>>, %arg5: memref<1x128xf32, #tpu.memory_space<vmem>>, %arg6: memref<512x128xf32, #tpu.memory_space<vmem>>) attributes {dimension_semantics = [#tpu.dimension_semantics<arbitrary>], iteration_bounds = array<i64: 20>, scalar_prefetch = 0 : i64, scratch_operands = 0 : i64, tpu.core_type = #tpu.core_type<tc>, window_params = [{transform_indices = @transform_0, window_bounds = array<i64: 2, 512, 128>}, {transform_indices = @transform_1, window_bounds = array<i64: 2, 512, 128>}, {transform_indices = @transform_2, window_bounds = array<i64: 512, 128>}, {pipeline_mode = #tpu.pipeline_mode<synchronous>, transform_indices = @transform_3, window_bounds = array<i64: 128, 128>}, {pipeline_mode = #tpu.pipeline_mode<synchronous>, transform_indices = @transform_4, window_bounds = array<i64: 1, 128>}, {transform_indices = @transform_5, window_bounds = array<i64: 512, 128>}]} {
    %get3A = arith.constant 0 : index
    %get3A_0 = arith.constant 0 : index
    %get3A_1 = arith.constant 0 : index
    %get3A_2 = vector.load %arg1[%get3A, %get3A_0, %get3A_1] : memref<2x512x128xf32, #tpu.memory_space<vmem>>, vector<1x512x1xf32>
    %get3A_3 = vector.shape_cast %get3A_2 : vector<1x512x1xf32> to vector<512x1xf32>
    %get3A_4 = arith.constant 1 : index
    %get3A_5 = arith.constant 0 : index
    %get3A_6 = arith.constant 0 : index
    %get3A_7 = vector.load %arg1[%get3A_4, %get3A_5, %get3A_6] : memref<2x512x128xf32, #tpu.memory_space<vmem>>, vector<1x512x1xf32>
    %get3A_8 = vector.shape_cast %get3A_7 : vector<1x512x1xf32> to vector<512x1xf32>
    %add3A = arith.addf %get3A_3, %get3A_8 : vector<512x1xf32>
    %add3A_9 = arith.constant 1.000000e+00 : f32
    %add3A_10 = vector.broadcast %add3A_9 : f32 to vector<512x1xf32>
    %add3A_11 = arith.addf %add3A, %add3A_10 : vector<512x1xf32>
    %rsqrt3A = math.rsqrt %add3A_11 : vector<512x1xf32>
    %get3A_12 = arith.constant 0 : index
    %get3A_13 = arith.constant 0 : index
    %get3A_14 = arith.constant 0 : index
    %get3A_15 = vector.load %arg2[%get3A_12, %get3A_13, %get3A_14] : memref<2x512x128xf32, #tpu.memory_space<vmem>>, vector<1x512x128xf32>
    %get3A_16 = vector.shape_cast %get3A_15 : vector<1x512x128xf32> to vector<512x128xf32>
    %get3A_17 = arith.constant 1 : index
    %get3A_18 = arith.constant 0 : index
    %get3A_19 = arith.constant 0 : index
    %get3A_20 = vector.load %arg2[%get3A_17, %get3A_18, %get3A_19] : memref<2x512x128xf32, #tpu.memory_space<vmem>>, vector<1x512x128xf32>
    %get3A_21 = vector.shape_cast %get3A_20 : vector<1x512x128xf32> to vector<512x128xf32>
    %add3A_22 = arith.addf %get3A_16, %get3A_21 : vector<512x128xf32>
    %get3A_23 = arith.constant 0 : index
    %get3A_24 = arith.constant 0 : index
    %get3A_25 = vector.load %arg3[%get3A_23, %get3A_24] : memref<512x128xf32, #tpu.memory_space<vmem>>, vector<512x128xf32>
    %add3A_26 = arith.addf %add3A_22, %get3A_25 : vector<512x128xf32>
    %mul3A = vector.broadcast %rsqrt3A : vector<512x1xf32> to vector<512x128xf32>
    %mul3A_27 = arith.mulf %mul3A, %add3A_26 : vector<512x128xf32>
    %get3A_28 = arith.constant 0 : index
    %get3A_29 = arith.constant 0 : index
    %get3A_30 = vector.load %arg5[%get3A_28, %get3A_29] : memref<1x128xf32, #tpu.memory_space<vmem>>, vector<1x128xf32>
    %add3A_31 = vector.broadcast %get3A_30 : vector<1x128xf32> to vector<512x128xf32>
    %add3A_32 = arith.addf %mul3A_27, %add3A_31 : vector<512x128xf32>
    %max3A = arith.constant 0.000000e+00 : f32
    %max3A_33 = vector.broadcast %max3A : f32 to vector<512x128xf32>
    %max3A_34 = arith.maximumf %add3A_32, %max3A_33 : vector<512x128xf32>
    %get3A_35 = arith.constant 0 : index
    %get3A_36 = arith.constant 0 : index
    %get3A_37 = vector.load %arg4[%get3A_35, %get3A_36] : memref<128x128xf32, #tpu.memory_space<vmem>>, vector<128x128xf32>
    %dot_general3A = arith.constant dense<0.000000e+00> : vector<512x128xf32>
    %dot_general3A_38 = tpu.matmul %max3A_34, %get3A_37, %dot_general3A {dimension_numbers = #tpu.dot_dimension_numbers<[1], [0], [0], [1], [0, 0, 1, 1], [], []>, transpose_lhs_hint = false} : vector<512x128xf32>, vector<128x128xf32>, vector<512x128xf32> -> vector<512x128xf32>
    %mul3A_39 = vector.broadcast %rsqrt3A : vector<512x1xf32> to vector<512x128xf32>
    %mul3A_40 = arith.mulf %mul3A_39, %dot_general3A_38 : vector<512x128xf32>
    %swap3A = arith.constant 0 : index
    %swap3A_41 = arith.constant 0 : index
    %swap3A_42 = vector.load %arg6[%swap3A, %swap3A_41] : memref<512x128xf32, #tpu.memory_space<vmem>>, vector<512x128xf32>
    tpu.vector_store %arg6[%swap3A, %swap3A_41], %mul3A_40 {strides = array<i32>} : memref<512x128xf32, #tpu.memory_space<vmem>>, vector<512x128xf32>,
    return
  }
  func.func @transform_0(%arg0: i32) -> (i32, i32, i32) {
    %c0_i32 = arith.constant 0 : i32
    %c0_i32_0 = arith.constant 0 : i32
    %c0_i32_1 = arith.constant 0 : i32
    return %c0_i32, %arg0, %c0_i32_0 : i32, i32, i32
  }
  func.func @transform_1(%arg0: i32) -> (i32, i32, i32) {
    %c0_i32 = arith.constant 0 : i32
    %c0_i32_0 = arith.constant 0 : i32
    %c0_i32_1 = arith.constant 0 : i32
    return %c0_i32, %arg0, %c0_i32_0 : i32, i32, i32
  }
  func.func @transform_2(%arg0: i32) -> (i32, i32) {
    %c0_i32 = arith.constant 0 : i32
    %c0_i32_0 = arith.constant 0 : i32
    return %arg0, %c0_i32 : i32, i32
  }
  func.func @transform_3(%arg0: i32) -> (i32, i32) {
    %c0_i32 = arith.constant 0 : i32
    %c0_i32_0 = arith.constant 0 : i32
    %c0_i32_1 = arith.constant 0 : i32
    return %c0_i32, %c0_i32_0 : i32, i32
  }
  func.func @transform_4(%arg0: i32) -> (i32, i32) {
    %c0_i32 = arith.constant 0 : i32
    %c0_i32_0 = arith.constant 0 : i32
    %c0_i32_1 = arith.constant 0 : i32
    return %c0_i32, %c0_i32_0 : i32, i32
  }
  func.func @transform_5(%arg0: i32) -> (i32, i32) {
    %c0_i32 = arith.constant 0 : i32
    %c0_i32_0 = arith.constant 0 : i32
    return %arg0, %c0_i32 : i32, i32
  }
}

module attributes {stable_mosaic.version = 14 : i64} {
  func.func @_fin_body(%arg0: i32, %arg1: memref<2x512x128xf32, #tpu.memory_space<vmem>>, %arg2: memref<2x512x128xf32, #tpu.memory_space<vmem>>, %arg3: memref<512x128xf32, #tpu.memory_space<vmem>>, %arg4: memref<1x128xf32, #tpu.memory_space<vmem>>, %arg5: memref<512x128xf32, #tpu.memory_space<vmem>>) attributes {dimension_semantics = [#tpu.dimension_semantics<arbitrary>], iteration_bounds = array<i64: 20>, scalar_prefetch = 0 : i64, scratch_operands = 0 : i64, tpu.core_type = #tpu.core_type<tc>, window_params = [{transform_indices = @transform_0, window_bounds = array<i64: 2, 512, 128>}, {transform_indices = @transform_1, window_bounds = array<i64: 2, 512, 128>}, {transform_indices = @transform_2, window_bounds = array<i64: 512, 128>}, {pipeline_mode = #tpu.pipeline_mode<synchronous>, transform_indices = @transform_3, window_bounds = array<i64: 1, 128>}, {transform_indices = @transform_4, window_bounds = array<i64: 512, 128>}]} {
    %get3A = arith.constant 0 : index
    %get3A_0 = arith.constant 0 : index
    %get3A_1 = arith.constant 0 : index
    %get3A_2 = vector.load %arg1[%get3A, %get3A_0, %get3A_1] : memref<2x512x128xf32, #tpu.memory_space<vmem>>, vector<1x512x1xf32>
    %get3A_3 = vector.shape_cast %get3A_2 : vector<1x512x1xf32> to vector<512x1xf32>
    %get3A_4 = arith.constant 1 : index
    %get3A_5 = arith.constant 0 : index
    %get3A_6 = arith.constant 0 : index
    %get3A_7 = vector.load %arg1[%get3A_4, %get3A_5, %get3A_6] : memref<2x512x128xf32, #tpu.memory_space<vmem>>, vector<1x512x1xf32>
    %get3A_8 = vector.shape_cast %get3A_7 : vector<1x512x1xf32> to vector<512x1xf32>
    %add3A = arith.addf %get3A_3, %get3A_8 : vector<512x1xf32>
    %add3A_9 = arith.constant 1.000000e+00 : f32
    %add3A_10 = vector.broadcast %add3A_9 : f32 to vector<512x1xf32>
    %add3A_11 = arith.addf %add3A, %add3A_10 : vector<512x1xf32>
    %rsqrt3A = math.rsqrt %add3A_11 : vector<512x1xf32>
    %get3A_12 = arith.constant 0 : index
    %get3A_13 = arith.constant 0 : index
    %get3A_14 = arith.constant 0 : index
    %get3A_15 = vector.load %arg2[%get3A_12, %get3A_13, %get3A_14] : memref<2x512x128xf32, #tpu.memory_space<vmem>>, vector<1x512x128xf32>
    %get3A_16 = vector.shape_cast %get3A_15 : vector<1x512x128xf32> to vector<512x128xf32>
    %get3A_17 = arith.constant 1 : index
    %get3A_18 = arith.constant 0 : index
    %get3A_19 = arith.constant 0 : index
    %get3A_20 = vector.load %arg2[%get3A_17, %get3A_18, %get3A_19] : memref<2x512x128xf32, #tpu.memory_space<vmem>>, vector<1x512x128xf32>
    %get3A_21 = vector.shape_cast %get3A_20 : vector<1x512x128xf32> to vector<512x128xf32>
    %add3A_22 = arith.addf %get3A_16, %get3A_21 : vector<512x128xf32>
    %get3A_23 = arith.constant 0 : index
    %get3A_24 = arith.constant 0 : index
    %get3A_25 = vector.load %arg3[%get3A_23, %get3A_24] : memref<512x128xf32, #tpu.memory_space<vmem>>, vector<512x128xf32>
    %add3A_26 = arith.addf %add3A_22, %get3A_25 : vector<512x128xf32>
    %mul3A = vector.broadcast %rsqrt3A : vector<512x1xf32> to vector<512x128xf32>
    %mul3A_27 = arith.mulf %mul3A, %add3A_26 : vector<512x128xf32>
    %get3A_28 = arith.constant 0 : index
    %get3A_29 = arith.constant 0 : index
    %get3A_30 = vector.load %arg4[%get3A_28, %get3A_29] : memref<1x128xf32, #tpu.memory_space<vmem>>, vector<1x128xf32>
    %add3A_31 = vector.broadcast %get3A_30 : vector<1x128xf32> to vector<512x128xf32>
    %add3A_32 = arith.addf %mul3A_27, %add3A_31 : vector<512x128xf32>
    %swap3A = arith.constant 0 : index
    %swap3A_33 = arith.constant 0 : index
    %swap3A_34 = vector.load %arg5[%swap3A, %swap3A_33] : memref<512x128xf32, #tpu.memory_space<vmem>>, vector<512x128xf32>
    tpu.vector_store %arg5[%swap3A, %swap3A_33], %add3A_32 {strides = array<i32>} : memref<512x128xf32, #tpu.memory_space<vmem>>, vector<512x128xf32>,
    return
  }
  func.func @transform_0(%arg0: i32) -> (i32, i32, i32) {
    %c0_i32 = arith.constant 0 : i32
    %c0_i32_0 = arith.constant 0 : i32
    %c0_i32_1 = arith.constant 0 : i32
    return %c0_i32, %arg0, %c0_i32_0 : i32, i32, i32
  }
  func.func @transform_1(%arg0: i32) -> (i32, i32, i32) {
    %c0_i32 = arith.constant 0 : i32
    %c0_i32_0 = arith.constant 0 : i32
    %c0_i32_1 = arith.constant 0 : i32
    return %c0_i32, %arg0, %c0_i32_0 : i32, i32, i32
  }
  func.func @transform_2(%arg0: i32) -> (i32, i32) {
    %c0_i32 = arith.constant 0 : i32
    %c0_i32_0 = arith.constant 0 : i32
    return %arg0, %c0_i32 : i32, i32
  }
  func.func @transform_3(%arg0: i32) -> (i32, i32) {
    %c0_i32 = arith.constant 0 : i32
    %c0_i32_0 = arith.constant 0 : i32
    %c0_i32_1 = arith.constant 0 : i32
    return %c0_i32, %c0_i32_0 : i32, i32
  }
  func.func @transform_4(%arg0: i32) -> (i32, i32) {
    %c0_i32 = arith.constant 0 : i32
    %c0_i32_0 = arith.constant 0 : i32
    return %arg0, %c0_i32 : i32, i32
  }
}

</mosaic_0001>

<sc_bundles>
// kernel: kernel.11.cloned.1.call-start
scs
__scs_entry_jumppad:
0x0: {  	(pc) =	sbr.rel $0x88, $3  }
0x1: {  	(tag) =	ssettag $0x0;
	lr =	simm.s32 $0x1  }
0x2: {  	[smem:$0x3F9B] =	sst lr;
	_ =	strace $0xD0000000  }
0x3: {  	_ = 	snop  }
0x4: {  	_ = 	snop  }
0x5: {  	_ = 	snop  }
0x6: {  	_ = 	snop  }
0x7: {  	_ = 	snop  }
__scs_overlays_trampoline_lowered:
0x8: {  	[smem:$0x3FAA] =	sst s0  }
0x9: {  	[smem:$0x3FAB] =	sst s1  }
0xa: {  	[smem:$0x3FAC] =	sst s2  }
0xb: {  	[smem:$0x3FAD] =	sst s3  }
0xc: {  	[smem:$0x3FAE] =	sst s4  }
0xd: {  	[smem:$0x3FAF] =	sst s5  }
0xe: {  	[smem:$0x3FB0] =	sst s6  }
0xf: {  	[smem:$0x3FB1] =	sst s7  }
0x10: {  	[smem:$0x3FB2] =	sst s8  }
0x11: {  	[smem:$0x3FB3] =	sst s9;
	s0 =	simm.s32 @!p0 $0x0  }
0x12: {  	s1 =	sld [smem:$0x3F99];
	s0 =	simm.s32 @p0 $0x1  }
0x13: {  	[smem:$0x3FB4] =	sst s0;
	s0 =	simm.s32 @!p1 $0x0  }
0x14: {  	s2 =	sld [smem:$0x3F98];
	s0 =	simm.s32 @p1 $0x1  }
0x15: {  	[smem:$0x3FB5] =	sst s0;
	s0 =	simm.s32 @!p2 $0x0  }
0x16: {  	s3 =	sld [smem:$0x3FDB];
	s0 =	simm.s32 @p2 $0x1  }
0x17: {  	s4 =	simm.s32 $0x1BF5;
	[smem:$0x3FB7] =	sst s0  }
0x18: {  	s0 =	sld [smem:$0x3F9A];
	_ =	swait.ge [sflag:s4], $0x0  }
0x19: {  	s7 =	sld [smem:$0x3F9B]  }
0x1a: {  	s8 =	sadd.s32 $0xFFFFE003, lr  }
0x1b: {  	s9 =	sadd.s32 $0xFFFFFEF7, lr;
	s5 =	simm.s32 $0xFFFFFFFF;
	p2 =	slt.u32 s8, $0xFFFFF086  }
0x1c: {  	p1 =	slt.u32 s9, $0xF7A;
	s5 =	simm.s32 @!p2 $0x0  }
0x1d: {  	s5 =	simm.s32 @p1 $0x1;
	p0 =	seq.s32 s7, s2  }
0x1e: {  	s7 =	smul.u32 @!p0 $0xF7A, s2;
	p2 =	seq.s32 @!p0 s5, $0x0  }
0x1f: {  	s9 =	smul.u32 $0xF7A, s1;
	s8 =	simm.s32 @!p0 $0x1BF5;
	p2 =	por !p2, p0  }
0x20: {  	[sflag:s8] =	ssyncset.s32 @!p0 $0xFFFFF086;
	s6 =	sadd.s32 @!p0 s3, s7;
	s7 =	simm.s32 @!p0 $0x108  }
0x21: {  	s3 =	sadd.s32 s3, s9;
	s6 =	sadd.s32 @!p0 $0x88, s6;
	s7 =	simm.s32 @p2 $0x1082  }
0x22: {  	[simem:s7], [sflag:s8] =	dma.local @!p0 [hbm:s6], $0xF7A  }
0x23: {  	s9 =	sor.u32 $0xD0000000, s2;
	s6 =	simm.s32 $0x108;
	_ =	swait.ge @!p0 [sflag:s8], $0x0  }
0x24: {  	s3 =	sadd.s32 $0x88, s3;
	s6 =	simm.s32 @!p1 $0x1082;
	[sflag:s4] =	ssyncset.s32 $0xFFFFF086  }
0x25: {  	[simem:s6], [sflag:s4] =	dma.local [hbm:s3], $0xF7A  }
0x26: {  	[smem:$0x3F9B] =	sst s1;
	(tag) =	ssettag s2;
	_ =	strace s9  }
0x27: {  	s1 =	sld [smem:$0x3FAB]  }
0x28: {  	s2 =	sld [smem:$0x3FAC]  }
0x29: {  	s4 =	sld [smem:$0x3FAE]  }
0x2a: {  	p0 =	seq.s32 s5, $0x0;
	s5 =	sld [smem:$0x3FAF]  }
0x2b: {  	s6 =	sld [smem:$0x3FB0]  }
0x2c: {  	s7 =	sld [smem:$0x3FB1]  }
0x2d: {  	s3 =	simm.s32 $0x108;
	s8 =	sld [smem:$0x3FB2]  }
0x2e: {  	s3 =	simm.s32 @!p0 $0x1082;
	s9 =	sld [smem:$0x3FB3]  }
0x2f: {  	lr =	sadd.s32 s0, s3;
	s0 =	sld [smem:$0x3FAA]  }
0x30: {  	s3 =	sld [smem:$0x3FAD]  }
0x31: {  	[smem:$0x3FB6] =	sst s10  }
0x32: {  	s10 =	sld [smem:$0x3FB4];
	_ =	sdelay $0x3  }
0x33: {  	p0 =	seq.s32 s10, $0x1;
	s10 =	sld [smem:$0x3FB6];
	_ =	sdelay $0x3  }
0x34: {  	[smem:$0x3FB6] =	sst s10  }
0x35: {  	s10 =	sld [smem:$0x3FB5];
	_ =	sdelay $0x3  }
0x36: {  	p1 =	seq.s32 s10, $0x1;
	s10 =	sld [smem:$0x3FB6];
	_ =	sdelay $0x3  }
0x37: {  	[smem:$0x3FB6] =	sst s10  }
0x38: {  	s10 =	sld [smem:$0x3FB7]  }
0x39: {  	_ = 	snop;
	(pc) =	sbr.ind lr, $3  }
0x3a: {  	_ = 	snop  }
0x3b: {  	_ = 	snop  }
0x3c: {  	p2 =	seq.s32 s10, $0x1;
	s10 =	sld [smem:$0x3FB6]  }
0x3d: {  	_ =	shalt  }
0x3e: {  	_ =	shalt  }
0x3f: {  	_ =	shalt  }
0x40: {  	_ =	shalt  }
0x41: {  	_ =	shalt  }
0x42: {  	_ =	shalt  }
0x43: {  	_ =	shalt  }
0x44: {  	_ =	shalt  }
0x45: {  	_ =	shalt  }
0x46: {  	_ =	shalt  }
0x47: {  	_ =	shalt  }
0x48: {  	_ =	shalt  }
0x49: {  	_ =	shalt  }
0x4a: {  	_ =	shalt  }
0x4b: {  	_ =	shalt  }
0x4c: {  	_ =	shalt  }
0x4d: {  	_ =	shalt  }
0x4e: {  	_ =	shalt  }
0x4f: {  	_ =	shalt  }
0x50: {  	_ =	shalt  }
0x51: {  	_ =	shalt  }
0x52: {  	_ =	shalt  }
0x53: {  	_ =	shalt  }
0x54: {  	_ =	shalt  }
0x55: {  	_ =	shalt  }
0x56: {  	_ =	shalt  }
0x57: {  	_ =	shalt  }
0x58: {  	_ =	shalt  }
0x59: {  	_ =	shalt  }
0x5a: {  	_ =	shalt  }
0x5b: {  	_ =	shalt  }
0x5c: {  	_ =	shalt  }
0x5d: {  	_ =	shalt  }
0x5e: {  	_ =	shalt  }
0x5f: {  	_ =	shalt  }
0x60: {  	_ =	shalt  }
0x61: {  	_ =	shalt  }
0x62: {  	_ =	shalt  }
0x63: {  	_ =	shalt  }
0x64: {  	_ =	shalt  }
0x65: {  	_ =	shalt  }
0x66: {  	_ =	shalt  }
0x67: {  	_ =	shalt  }
0x68: {  	_ =	shalt  }
0x69: {  	_ =	shalt  }
0x6a: {  	_ =	shalt  }
0x6b: {  	_ =	shalt  }
0x6c: {  	_ =	shalt  }
0x6d: {  	_ =	shalt  }
0x6e: {  	_ =	shalt  }
0x6f: {  	_ =	shalt  }
0x70: {  	_ =	shalt  }
0x71: {  	_ =	shalt  }
0x72: {  	_ =	shalt  }
0x73: {  	_ =	shalt  }
0x74: {  	_ =	shalt  }
0x75: {  	_ =	shalt  }
0x76: {  	_ =	shalt  }
0x77: {  	_ =	shalt  }
0x78: {  	_ =	shalt  }
0x79: {  	_ =	shalt  }
0x7a: {  	_ =	shalt  }
0x7b: {  	_ =	shalt  }
0x7c: {  	_ =	shalt  }
0x7d: {  	_ =	shalt  }
0x7e: {  	_ =	shalt  }
0x7f: {  	_ =	shalt  }
0x80: {  	_ =	shalt  }
0x81: {  	_ =	shalt  }
0x82: {  	_ =	shalt  }
0x83: {  	_ =	shalt  }
0x84: {  	_ =	shalt  }
0x85: {  	_ =	shalt  }
0x86: {  	_ =	shalt  }
0x87: {  	_ =	shalt  }
.Lfunc_end0:
.L_simem_size_0:
called_computation.1_lowered:
.L_overlay_start_0:
0x88: {  	s2 =	sld [smem:$0x3FD9]  }
0x89: {  	s3 =	sld [smem:$0x3FFE];
	_ =	sdelay $0x1  }
0x8a: {  	s1 =	srdreg.scid  }
0x8b: {  	s0 =	sand.u32 $0x1, s1  }
0x8c: {  	s17 =	sshll.u32 s0, $0xA;
	s2 =	sadd.s32 s3, s2  }
0x8d: {  	s2 =	sadd.s32 s2, s17  }
0x8e: {  	[smem:$0x3FC2] =	sst s2  }
0x8f: {  	_ = 	snop  }
0x90: {  	s2 =	sld [smem:$0x3FD0];
	(tm) =	ssettm $0x1  }
0x91: {  	s18 =	sld [smem:$0x3FFB];
	_ =	sdelay $0x3  }
0x92: {  	_ =	strace s18  }
0x93: {  	s3 =	sld [smem:$0x3FFC];
	_ =	sdelay $0x3  }
0x94: {  	_ =	strace s3  }
0x95: {  	s3 =	sld [smem:$0x3FFD];
	_ =	sdelay $0x3  }
0x96: {  	_ =	strace s3  }
0x97: {  	_ =	strace $0x8FFFFFFF  }
0x98: {  	s19 =	sld [smem:$0x3FDB];
	_ =	sdelay $0x1  }
0x99: {  	s4 =	simm.s32 $_scs_section_size  }
0x9a: {  	s5 =	simm.s32 $_size__tile_overlayer_lowered;
	s6 =	simm.s32 $_tile_overlayer_lowered  }
0x9b: {  	s22 =	simm.s32 $0x1BFF;
	s21 =	sshll.u32 s6, $0x1;
	s3 =	sadd.s32 s4, s19  }
0x9c: {  	s7 =	simm.s32 $0x0;
	s20 =	sshll.u32 s5, $0x1;
	s5 =	sadd.s32 s21, s3  }
0x9d: {  	[timem:s7], [sflag:s22] =	dma.local [hbm:s5], s20  }
0x9e: {  	_ =	swait.ge [sflag:s22], s20  }
0x9f: {  	s4 =	ssub.s32 $0x0, s20;
	[sflag:s22] =	ssyncset.done $0x0  }
0xa0: {  	[sflag:s22] =	ssyncadd.s32 s4;
	_ =	sdelay $0x1  }
0xa1: {  	s23 =	simm.s32 $0x1B8B  }
0xa2: {  	_ =	swait.ge [sflag:s23], $0x1  }
0xa3: {  	[sflag:s23] =	ssyncset.done $0x0  }
0xa4: {  	s25 =	simm.s32 $0x1B8E;
	s24 =	sld [smem:$0x3FFE];
	[sflag:s23] =	ssyncadd.s32 $0xFFFFFFFF  }
0xa5: {  	s26 =	simm.s32 $execute0_lowered;
	[smem:$0x3FD2] =	sst s25  }
0xa6: {  	s5 =	sshll.u32 s26, $0x1;
	_ =	strace $0x80000049;
	[dreg:$0x1] =	wrdreg $0xFFFFFFFF  }
0xa7: {  	s28 =	simm.s32 $_size_execute0_lowered;
	s3 =	sadd.s32 s3, s5;
	[dreg:$0x0] =	wrdreg $0x0  }
0xa8: {  	s5 =	sshll.u32 s28, $0x1;
	[dreg:$0x2] =	wrdreg s3  }
0xa9: {  	[dreg:$0x3] =	wrdreg s5  }
0xaa: {  	[dreg:$0x4] =	wrdreg $0xC0  }
0xab: {  	_ =	task [dreg:s7], $0x5FFFF  }
0xac: {  	[dreg:$0x1] =	wrdreg $0xFFFFFFFF  }
0xad: {  	[dreg:$0x0] =	wrdreg $0x60  }
0xae: {  	[dreg:$0x2] =	wrdreg s2  }
0xaf: {  	[dreg:$0x3] =	wrdreg s24  }
0xb0: {  	[dreg:$0x4] =	wrdreg $0x90000  }
0xb1: {  	[dreg:$0x5] =	wrdreg $0x9  }
0xb2: {  	_ =	task.clear_ibuf [dreg:s7], $0x6FFFF;
	_ =	strace $0x90000049  }
0xb3: {  	s29 =	simm.s32 $0x9;
	_ =	strace $0x8000004B  }
0xb4: {  	_ =	swait.ge [sflag:s29], $0x1  }
0xb5: {  	[sflag:s29] =	ssyncadd.s32 $0xFFFFFFFF  }
0xb6: {  	_ =	strace $0x9000004B  }
0xb7: {  	_ =	sfence  }
0xb8: {  	s30 =	sld [smem:$0x0];
	_ =	sdelay $0x2  }
0xb9: {  	s31 =	sshll.u32 s1, $0xD;
	s1 =	sshrl.u32 s1, $0x2  }
0xba: {  	s3 =	sand.u32 $0x4000, s31;
	s1 =	sadd.s32 s1, s30  }
0xbb: {  	s0 =	sor.u32 s3, s0;
	s1 =	sshll.u32 s1, $0x11  }
0xbc: {  	s0 =	sor.u32 s1, s0  }
0xbd: {  	s0 =	sadd.s32 $0x8F2B, s0  }
0xbe: {  	[sflag:s0] =	ssyncadd.remote.s32 $0x1  }
0xbf: {  	_ =	sfence.sel $0xFFFF  }
0xc0: {  	[dreg:$0x0] =	wrdreg $0xFFFFFFFF;
	(pc) =	sbr.abs _section_cstart, $3  }
0xc1: {  	[dreg:$0x1] =	wrdreg $0xFFFFFFFF  }
0xc2: {  	_ =	task.clear_ibuf [dreg:s7], $0x2FFFF;
	_ =	strace $0x9FFFFFFF  }
0xc3: {  	(tm) =	ssettm $0x7FFFFFFF  }
tec
execute0_lowered:
.L_overlay_start_1:
0x0: {  	(tag) =	ssettag $0x1  }
0x1: {  	s0 =	rddreg [dreg:$0x0];
	s1 =	srdreg.scid  }
0x2: {  	s5 =	rddreg [dreg:$0x1];
	s11 =	stileid.u32  }
0x3: {  	s2 =	rddreg [dreg:$0x2];
	s3 =	simm.s32 $0x0;
	s13 =	simm.s32 $0x180  }
0x4: {  	s14 =	simm.s32 $0x900;
	s28 =	simm.s32 $0x2;
	s6 =	smul.u32 $0x2800, s11  }
0x5: {  	s29 =	simm.s32 $0x4;
	s30 =	simm.s32 $0x480;
	s9 =	smul.u32 $0x50000, s11  }
0x6: {  	s1 =	sand.u32 $0x1, s1;
	[smem:$0x7FF] =	sst s3;
	s15 =	smul.u32 $0x14000, s11  }
0x7: {  	s31 =	simm.s32 $0xC00;
	s4 =	smul.u32 $0x28000, s1;
	_ =	strace $0x8000004A  }
0x8: {  	s8 =	ssub.s32 $0x2, s1;
	s1 =	smul.u32 $0x140000, s1;
	[dreg:$0x8] =	wrdreg s13  }
0x9: {  	[dreg:$0x9] =	wrdreg s14;
	s13 =	simm.s32 $0xE80;
	s14 =	simm.s32 $0x780  }
0xa: {  	s10 =	sshrl.u32 s8, $0x1;
	s9 =	sshrl.u32 s9, $0x2;
	s20 =	sadd.s32 $0x4000, s15  }
0xb: {  	s12 =	sadd.s32 $0x8000, s15;
	s26 =	sadd.s32 $0xC000, s15;
	s4 =	sadd.s32 s6, s4  }
0xc: {  	s8 =	ssub.s32 s8, s10;
	s9 =	sadd.s32 s9, s2;
	s19 =	sadd.s32 s1, s15  }
0xd: {  	s21 =	sadd.s32 s1, s20;
	s23 =	sadd.s32 s1, s12;
	s10 =	sadd.s32 s20, s2  }
0xe: {  	s25 =	sadd.s32 s12, s2;
	s11 =	sadd.s32 s1, s26;
	[dreg:$0x14] =	wrdreg s9  }
0xf: {  	s12 =	simm.s32 $0x880;
	s15 =	sadd.s32 $0x10000, s15;
	[dreg:$0x1b] =	wrdreg s10  }
0x10: {  	s20 =	simm.s32 $0xA00;
	s6 =	sshrl.u32 s4, $0x3;
	[dreg:$0x1d] =	wrdreg s25  }
0x11: {  	s4 =	sadd.s32 $0xC600, s5;
	s8 =	smax.u32 s8, $0x1;
	[dreg:$0x7] =	wrdreg s12  }
0x12: {  	s16 =	sadd.s32 $0x4000, s9;
	s17 =	sadd.s32 $0x8000, s9;
	[dreg:$0xd] =	wrdreg s20  }
0x13: {  	s18 =	sadd.s32 $0xC000, s9;
	s9 =	sadd.s32 $0x10000, s9;
	[dreg:$0x15] =	wrdreg s8  }
0x14: {  	s22 =	sshrl.u32 s21, $0x3;
	s24 =	sshrl.u32 s23, $0x3;
	[dreg:$0x16] =	wrdreg s16  }
0x15: {  	s10 =	simm.s32 $0x100;
	s1 =	sadd.s32 s1, s15;
	[dreg:$0x17] =	wrdreg s17  }
0x16: {  	s21 =	simm.s32 $0x300;
	s20 =	simm.s32 $0x1000;
	[dreg:$0x18] =	wrdreg s18  }
0x17: {  	s23 =	simm.s32 $0x380;
	s25 =	simm.s32 $0x400;
	[dreg:$0x19] =	wrdreg s9  }
0x18: {  	s12 =	simm.s32 $0x700;
	s7 =	sadd.s32 s6, s5;
	[dreg:$0x6] =	wrdreg s10  }
0x19: {  	s5 =	sadd.s32 $0x34600, s5;
	s9 =	sshrl.u32 s19, $0x3;
	[dreg:$0xe] =	wrdreg s21  }
0x1a: {  	s0 =	sadd.s32 s6, s0;
	s6 =	sshrl.u32 s11, $0x3;
	[dreg:$0x10] =	wrdreg s23  }
0x1b: {  	s16 =	simm.s32 $0x200;
	s17 =	sadd.s32 s15, s2;
	[dreg:$0x12] =	wrdreg s25  }
0x1c: {  	s18 =	simm.s32 $0x980;
	s19 =	simm.s32 $0x280;
	[dreg:$0x5] =	wrdreg s0  }
0x1d: {  	s1 =	sshrl.u32 s1, $0x3;
	s21 =	simm.s32 $0x5;
	[smem:$0x7FC] =	sst s17  }
0x1e: {  	s23 =	simm.s32 $0x80;
	s25 =	simm.s32 $0x1;
	[dreg:$0xa] =	wrdreg s16  }
0x1f: {  	s8 =	simm.s32 $0x600;
	s10 =	simm.s32 $0x680;
	[dreg:$0xb] =	wrdreg s18  }
0x20: {  	s11 =	simm.s32 $0xE00;
	s9 =	sadd.s32 s5, s9;
	[dreg:$0xc] =	wrdreg s19  }
0x21: {  	s15 =	simm.s32 $0xF00;
	s7 =	sadd.s32 $0x2600, s7;
	[dreg:$0x1a] =	wrdreg s9  }
0x22: {  	s6 =	sadd.s32 s5, s6;
	s1 =	sadd.s32 s5, s1;
	[dreg:$0x4] =	wrdreg s7  }
0x23: {  	s0 =	simm.s32 $0xC80;
	s16 =	simm.s32 $0xF80;
	[smem:$0x7FB] =	sst s6  }
0x24: {  	s17 =	simm.s32 $0x0;
	s9 =	sadd.s32 s5, s22;
	[smem:$0x7FD] =	sst s1  }
0x25: {  	s7 =	sadd.s32 s26, s2;
	s22 =	simm.s32 $0xA80;
	[dreg:$0x1c] =	wrdreg s9  }
0x26: {  	s26 =	simm.s32 $0xB80;
	s1 =	simm.s32 $0x500;
	[dreg:$0x1f] =	wrdreg s7  }
0x27: {  	s6 =	simm.s32 $0x580;
	s9 =	sadd.s32 s5, s24;
	[dreg:$0xf] =	wrdreg s22  }
0x28: {  	s22 =	simm.s32 $0x800;
	s24 =	simm.s32 $0xB00;
	[dreg:$0x13] =	wrdreg s26  }
0x29: {  	s26 =	simm.s32 $0x3;
	s7 =	simm.s32 $0xD00;
	[dreg:$0x1e] =	wrdreg s9  }
0x2a: {  	v0 =	vimm.f32 $0.0e+00;
	[dreg:$0x11] =	wrdreg s24;
	s24 =	simm.s32 $0x5000;
	s9 =	simm.s32 $0xD80  }
.LBB2_1:
0x2b: {  	s5 =	sand.u32 $0xFE00, s3  }
0x2c: {  	[smem:$0x7FA] =	sst s17;
	s19 =	sand.u32 $0x70, s3;
	s5 =	sshrl.u32 s5, $0x2  }
0x2d: {  	s18 =	simm.s32 $0x40;
	s5 =	sor.u32 s19, s5;
	s19 =	simm.s32 $0x0  }
.LBB2_2:
0x2e: {  	p0 =	sne.s32 s18, $0xFFC0  }
0x2f: {  	[tilespmem:s5+$0x1000] =	vst v0;
	s19 =	sadd.s32 $0x10, s19;
	s5 =	smov.u32 s18;
	s18 =	sadd.s32 $0x40, s18  }
.Ltmp0:
0x30: {  	(pc) =	sbr.rel @p0 .LBB2_2-.Ltmp0, $4  }
0x31: {  	_ = 	snop  }
0x32: {  	s5 =	sand.u32 $0xFE00, s5  }
0x33: {  	s17 =	sand.u32 $0x70, s19;
	s5 =	sshrl.u32 s5, $0x2  }
0x34: {  	s5 =	sor.u32 s17, s5  }
0x35: {  	[tilespmem:s5+$0x1000] =	vst v0;
	s17 =	rddreg [dreg:$0x14]  }
0x36: {  	[spmem:s17] =	stream.linear.scatter [tilespmem:s20], [sflag:$0x5], $0x4000, $0x38;
	[tilespmem:$0x1D000] =	vst v63  }
0x37: {  	_ =	swait.ge [sflag:s21], $0x4000  }
0x38: {  	[sflag:s21] =	ssyncset.done $0x0  }
0x39: {  	s18 =	rddreg [dreg:$0x16];
	[sflag:s21] =	ssyncadd.s32 $0xFFFFC000  }
0x3a: {  	[spmem:s18] =	stream.linear.scatter [tilespmem:s20], [sflag:$0x5], $0x4000, $0x38;
	[tilespmem:$0x1D000] =	vst v63  }
0x3b: {  	_ =	swait.ge [sflag:s21], $0x4000  }
0x3c: {  	[sflag:s21] =	ssyncset.done $0x0  }
0x3d: {  	s19 =	rddreg [dreg:$0x17];
	[sflag:s21] =	ssyncadd.s32 $0xFFFFC000  }
0x3e: {  	[spmem:s19] =	stream.linear.scatter [tilespmem:s20], [sflag:$0x5], $0x4000, $0x38;
	[tilespmem:$0x1D000] =	vst v63  }
0x3f: {  	_ =	swait.ge [sflag:s21], $0x4000  }
0x40: {  	[sflag:s21] =	ssyncset.done $0x0  }
0x41: {  	s17 =	rddreg [dreg:$0x18];
	[sflag:s21] =	ssyncadd.s32 $0xFFFFC000  }
0x42: {  	[spmem:s17] =	stream.linear.scatter [tilespmem:s20], [sflag:$0x5], $0x4000, $0x38;
	[tilespmem:$0x1D000] =	vst v63  }
0x43: {  	_ =	swait.ge [sflag:s21], $0x4000  }
0x44: {  	[sflag:s21] =	ssyncset.done $0x0  }
0x45: {  	s18 =	rddreg [dreg:$0x19];
	[sflag:s21] =	ssyncadd.s32 $0xFFFFC000  }
0x46: {  	[spmem:s18] =	stream.linear.scatter [tilespmem:s20], [sflag:$0x5], $0x4000, $0x38;
	[tilespmem:$0x1D000] =	vst v63  }
0x47: {  	_ =	swait.ge [sflag:s21], $0x4000  }
0x48: {  	[sflag:s21] =	ssyncset.done $0x0  }
0x49: {  	[sflag:s21] =	ssyncadd.s32 $0xFFFFC000  }
0x4a: {  	[bflag:$0x0] =	sbarrier.arrive $0xFFFF  }
0x4b: {  	s19 =	rddreg [dreg:$0x5]  }
0x4c: {  	s5 =	sadd.s32 $0x0, s19  }
0x4d: {  	[tilespmem:s3], [sflag:$0x5] =	stream.linear.gather [hbm4b:s5+s3], $0x800, $0x38;
	[tilespmem:$0x1D000] =	vst v63  }
0x4e: {  	_ =	swait.ge [sflag:s21], $0x800  }
0x4f: {  	s17 =	rddreg [dreg:$0x4];
	[sflag:s21] =	ssyncset.done $0x0  }
0x50: {  	[sflag:s21] =	ssyncadd.s32 $0xFFFFF800;
	s5 =	sadd.s32 $0x0, s17  }
0x51: {  	[tilespmem:s22], [sflag:$0x5] =	stream.linear.gather [hbm4b:s5+s3], $0x800, $0x38;
	[tilespmem:$0x1D000] =	vst v63  }
0x52: {  	_ =	swait.ge [sflag:s21], $0x800  }
0x53: {  	[sflag:s21] =	ssyncset.done $0x0  }
0x54: {  	[sflag:s21] =	ssyncadd.s32 $0xFFFFF800  }
0x55: {  	[tilespmem:s20], [sflag:$0x1] =	stream.indirect.gather [hbm4b:s4+s23], $0x80, s3, s23, $0xb8;
	[tilespmem:$0x1D000] =	vst v63  }
0x56: {  	_ = 	snop  }
0x57: {  	[tilespmem:s24], [sflag:$0x2] =	stream.indirect.gather [hbm4b:s4+s23], $0x80, s23, s23, $0xb8;
	[tilespmem:$0x1D000] =	vst v63  }
0x58: {  	_ =	swait.ge [sflag:s25], $0x4000  }
0x59: {  	[sflag:s25] =	ssyncset.done $0x0  }
0x5a: {  	[sflag:s25] =	ssyncadd.s32 $0xFFFFC000  }
0x5b: {  	[spmem:s2] =	stream.indirect.scatter.add.f32 [tilespmem:s20], [sflag:$0x3], $0x80, s22, s23, $0xb8;
	[tilespmem:$0x1D000] =	vst v63  }
0x5c: {  	_ =	swait.ge [sflag:s26], $0x4000  }
0x5d: {  	[sflag:s26] =	ssyncset.done $0x0  }
0x5e: {  	s18 =	rddreg [dreg:$0x6];
	[sflag:s26] =	ssyncadd.s32 $0xFFFFC000  }
0x5f: {  	[tilespmem:s20], [sflag:$0x1] =	stream.indirect.gather [hbm4b:s4+s23], $0x80, s18, s23, $0xb8;
	[tilespmem:$0x1D000] =	vst v63  }
0x60: {  	_ =	swait.ge [sflag:s28], $0x4000  }
0x61: {  	[sflag:s28] =	ssyncset.done $0x0  }
0x62: {  	s19 =	rddreg [dreg:$0x7];
	[sflag:s28] =	ssyncadd.s32 $0xFFFFC000  }
0x63: {  	[spmem:s2] =	stream.indirect.scatter.add.f32 [tilespmem:s24], [sflag:$0x4], $0x80, s19, s23, $0xb8;
	[tilespmem:$0x1D000] =	vst v63  }
0x64: {  	_ =	swait.ge [sflag:s29], $0x4000  }
0x65: {  	[sflag:s29] =	ssyncset.done $0x0  }
0x66: {  	s17 =	rddreg [dreg:$0x8];
	[sflag:s29] =	ssyncadd.s32 $0xFFFFC000  }
0x67: {  	[tilespmem:s24], [sflag:$0x2] =	stream.indirect.gather [hbm4b:s4+s23], $0x80, s17, s23, $0xb8;
	[tilespmem:$0x1D000] =	vst v63  }
0x68: {  	_ =	swait.ge [sflag:s25], $0x4000  }
0x69: {  	[sflag:s25] =	ssyncset.done $0x0  }
0x6a: {  	s18 =	rddreg [dreg:$0x9];
	[sflag:s25] =	ssyncadd.s32 $0xFFFFC000  }
0x6b: {  	[spmem:s2] =	stream.indirect.scatter.add.f32 [tilespmem:s20], [sflag:$0x3], $0x80, s18, s23, $0xb8;
	[tilespmem:$0x1D000] =	vst v63  }
0x6c: {  	_ =	swait.ge [sflag:s26], $0x4000  }
0x6d: {  	[sflag:s26] =	ssyncset.done $0x0  }
0x6e: {  	s19 =	rddreg [dreg:$0xa];
	[sflag:s26] =	ssyncadd.s32 $0xFFFFC000  }
0x6f: {  	[tilespmem:s20], [sflag:$0x1] =	stream.indirect.gather [hbm4b:s4+s23], $0x80, s19, s23, $0xb8;
	[tilespmem:$0x1D000] =	vst v63  }
0x70: {  	_ =	swait.ge [sflag:s28], $0x4000  }
0x71: {  	[sflag:s28] =	ssyncset.done $0x0  }
0x72: {  	s17 =	rddreg [dreg:$0xb];
	[sflag:s28] =	ssyncadd.s32 $0xFFFFC000  }
0x73: {  	[spmem:s2] =	stream.indirect.scatter.add.f32 [tilespmem:s24], [sflag:$0x4], $0x80, s17, s23, $0xb8;
	[tilespmem:$0x1D000] =	vst v63  }
0x74: {  	_ =	swait.ge [sflag:s29], $0x4000  }
0x75: {  	[sflag:s29] =	ssyncset.done $0x0  }
0x76: {  	s18 =	rddreg [dreg:$0xc];
	[sflag:s29] =	ssyncadd.s32 $0xFFFFC000  }
0x77: {  	[tilespmem:s24], [sflag:$0x2] =	stream.indirect.gather [hbm4b:s4+s23], $0x80, s18, s23, $0xb8;
	[tilespmem:$0x1D000] =	vst v63  }
0x78: {  	_ =	swait.ge [sflag:s25], $0x4000  }
0x79: {  	[sflag:s25] =	ssyncset.done $0x0  }
0x7a: {  	s19 =	rddreg [dreg:$0xd];
	[sflag:s25] =	ssyncadd.s32 $0xFFFFC000  }
0x7b: {  	[spmem:s2] =	stream.indirect.scatter.add.f32 [tilespmem:s20], [sflag:$0x3], $0x80, s19, s23, $0xb8;
	[tilespmem:$0x1D000] =	vst v63  }
0x7c: {  	_ =	swait.ge [sflag:s26], $0x4000  }
0x7d: {  	[sflag:s26] =	ssyncset.done $0x0  }
0x7e: {  	s17 =	rddreg [dreg:$0xe];
	[sflag:s26] =	ssyncadd.s32 $0xFFFFC000  }
0x7f: {  	[tilespmem:s20], [sflag:$0x1] =	stream.indirect.gather [hbm4b:s4+s23], $0x80, s17, s23, $0xb8;
	[tilespmem:$0x1D000] =	vst v63  }
0x80: {  	_ =	swait.ge [sflag:s28], $0x4000  }
0x81: {  	[sflag:s28] =	ssyncset.done $0x0  }
0x82: {  	s18 =	rddreg [dreg:$0xf];
	[sflag:s28] =	ssyncadd.s32 $0xFFFFC000  }
0x83: {  	[spmem:s2] =	stream.indirect.scatter.add.f32 [tilespmem:s24], [sflag:$0x4], $0x80, s18, s23, $0xb8;
	[tilespmem:$0x1D000] =	vst v63  }
0x84: {  	_ =	swait.ge [sflag:s29], $0x4000  }
0x85: {  	[sflag:s29] =	ssyncset.done $0x0  }
0x86: {  	s19 =	rddreg [dreg:$0x10];
	[sflag:s29] =	ssyncadd.s32 $0xFFFFC000  }
0x87: {  	[tilespmem:s24], [sflag:$0x2] =	stream.indirect.gather [hbm4b:s4+s23], $0x80, s19, s23, $0xb8;
	[tilespmem:$0x1D000] =	vst v63  }
0x88: {  	_ =	swait.ge [sflag:s25], $0x4000  }
0x89: {  	[sflag:s25] =	ssyncset.done $0x0  }
0x8a: {  	s17 =	rddreg [dreg:$0x11];
	[sflag:s25] =	ssyncadd.s32 $0xFFFFC000  }
0x8b: {  	[spmem:s2] =	stream.indirect.scatter.add.f32 [tilespmem:s20], [sflag:$0x3], $0x80, s17, s23, $0xb8;
	[tilespmem:$0x1D000] =	vst v63  }
0x8c: {  	_ =	swait.ge [sflag:s26], $0x4000  }
0x8d: {  	[sflag:s26] =	ssyncset.done $0x0  }
0x8e: {  	s18 =	rddreg [dreg:$0x12];
	[sflag:s26] =	ssyncadd.s32 $0xFFFFC000  }
0x8f: {  	[tilespmem:s20], [sflag:$0x1] =	stream.indirect.gather [hbm4b:s4+s23], $0x80, s18, s23, $0xb8;
	[tilespmem:$0x1D000] =	vst v63  }
0x90: {  	_ =	swait.ge [sflag:s28], $0x4000  }
0x91: {  	[sflag:s28] =	ssyncset.done $0x0  }
0x92: {  	s19 =	rddreg [dreg:$0x13];
	[sflag:s28] =	ssyncadd.s32 $0xFFFFC000  }
0x93: {  	[spmem:s2] =	stream.indirect.scatter.add.f32 [tilespmem:s24], [sflag:$0x4], $0x80, s19, s23, $0xb8;
	[tilespmem:$0x1D000] =	vst v63  }
0x94: {  	_ =	swait.ge [sflag:s29], $0x4000  }
0x95: {  	[sflag:s29] =	ssyncset.done $0x0  }
0x96: {  	[sflag:s29] =	ssyncadd.s32 $0xFFFFC000  }
0x97: {  	[tilespmem:s24], [sflag:$0x2] =	stream.indirect.gather [hbm4b:s4+s23], $0x80, s30, s23, $0xb8;
	[tilespmem:$0x1D000] =	vst v63  }
0x98: {  	_ =	swait.ge [sflag:s25], $0x4000  }
0x99: {  	[sflag:s25] =	ssyncset.done $0x0  }
0x9a: {  	[sflag:s25] =	ssyncadd.s32 $0xFFFFC000  }
0x9b: {  	[spmem:s2] =	stream.indirect.scatter.add.f32 [tilespmem:s20], [sflag:$0x3], $0x80, s31, s23, $0xb8;
	[tilespmem:$0x1D000] =	vst v63  }
0x9c: {  	_ =	swait.ge [sflag:s26], $0x4000  }
0x9d: {  	[sflag:s26] =	ssyncset.done $0x0  }
0x9e: {  	[sflag:s26] =	ssyncadd.s32 $0xFFFFC000  }
0x9f: {  	[tilespmem:s20], [sflag:$0x1] =	stream.indirect.gather [hbm4b:s4+s23], $0x80, s1, s23, $0xb8;
	[tilespmem:$0x1D000] =	vst v63  }
0xa0: {  	_ =	swait.ge [sflag:s28], $0x4000  }
0xa1: {  	[sflag:s28] =	ssyncset.done $0x0  }
0xa2: {  	[sflag:s28] =	ssyncadd.s32 $0xFFFFC000  }
0xa3: {  	[spmem:s2] =	stream.indirect.scatter.add.f32 [tilespmem:s24], [sflag:$0x4], $0x80, s0, s23, $0xb8;
	[tilespmem:$0x1D000] =	vst v63  }
0xa4: {  	_ =	swait.ge [sflag:s29], $0x4000  }
0xa5: {  	[sflag:s29] =	ssyncset.done $0x0  }
0xa6: {  	[sflag:s29] =	ssyncadd.s32 $0xFFFFC000  }
0xa7: {  	[tilespmem:s24], [sflag:$0x2] =	stream.indirect.gather [hbm4b:s4+s23], $0x80, s6, s23, $0xb8;
	[tilespmem:$0x1D000] =	vst v63  }
0xa8: {  	_ =	swait.ge [sflag:s25], $0x4000  }
0xa9: {  	[sflag:s25] =	ssyncset.done $0x0  }
0xaa: {  	[sflag:s25] =	ssyncadd.s32 $0xFFFFC000  }
0xab: {  	[spmem:s2] =	stream.indirect.scatter.add.f32 [tilespmem:s20], [sflag:$0x3], $0x80, s7, s23, $0xb8;
	[tilespmem:$0x1D000] =	vst v63  }
0xac: {  	_ =	swait.ge [sflag:s26], $0x4000  }
0xad: {  	[sflag:s26] =	ssyncset.done $0x0  }
0xae: {  	[sflag:s26] =	ssyncadd.s32 $0xFFFFC000  }
0xaf: {  	[tilespmem:s20], [sflag:$0x1] =	stream.indirect.gather [hbm4b:s4+s23], $0x80, s8, s23, $0xb8;
	[tilespmem:$0x1D000] =	vst v63  }
0xb0: {  	_ =	swait.ge [sflag:s28], $0x4000  }
0xb1: {  	[sflag:s28] =	ssyncset.done $0x0  }
0xb2: {  	[sflag:s28] =	ssyncadd.s32 $0xFFFFC000  }
0xb3: {  	[spmem:s2] =	stream.indirect.scatter.add.f32 [tilespmem:s24], [sflag:$0x4], $0x80, s9, s23, $0xb8;
	[tilespmem:$0x1D000] =	vst v63  }
0xb4: {  	_ =	swait.ge [sflag:s29], $0x4000  }
0xb5: {  	[sflag:s29] =	ssyncset.done $0x0  }
0xb6: {  	[sflag:s29] =	ssyncadd.s32 $0xFFFFC000  }
0xb7: {  	[tilespmem:s24], [sflag:$0x2] =	stream.indirect.gather [hbm4b:s4+s23], $0x80, s10, s23, $0xb8;
	[tilespmem:$0x1D000] =	vst v63  }
0xb8: {  	_ =	swait.ge [sflag:s25], $0x4000  }
0xb9: {  	[sflag:s25] =	ssyncset.done $0x0  }
0xba: {  	[sflag:s25] =	ssyncadd.s32 $0xFFFFC000  }
0xbb: {  	[spmem:s2] =	stream.indirect.scatter.add.f32 [tilespmem:s20], [sflag:$0x3], $0x80, s11, s23, $0xb8;
	[tilespmem:$0x1D000] =	vst v63  }
0xbc: {  	_ =	swait.ge [sflag:s26], $0x4000  }
0xbd: {  	[sflag:s26] =	ssyncset.done $0x0  }
0xbe: {  	[sflag:s26] =	ssyncadd.s32 $0xFFFFC000  }
0xbf: {  	[tilespmem:s20], [sflag:$0x1] =	stream.indirect.gather [hbm4b:s4+s23], $0x80, s12, s23, $0xb8;
	[tilespmem:$0x1D000] =	vst v63  }
0xc0: {  	_ =	swait.ge [sflag:s28], $0x4000  }
0xc1: {  	[sflag:s28] =	ssyncset.done $0x0  }
0xc2: {  	[sflag:s28] =	ssyncadd.s32 $0xFFFFC000  }
0xc3: {  	[spmem:s2] =	stream.indirect.scatter.add.f32 [tilespmem:s24], [sflag:$0x4], $0x80, s13, s23, $0xb8;
	[tilespmem:$0x1D000] =	vst v63  }
0xc4: {  	_ =	swait.ge [sflag:s29], $0x4000  }
0xc5: {  	[sflag:s29] =	ssyncset.done $0x0  }
0xc6: {  	[sflag:s29] =	ssyncadd.s32 $0xFFFFC000  }
0xc7: {  	[tilespmem:s24], [sflag:$0x2] =	stream.indirect.gather [hbm4b:s4+s23], $0x80, s14, s23, $0xb8;
	[tilespmem:$0x1D000] =	vst v63  }
0xc8: {  	_ =	swait.ge [sflag:s25], $0x4000  }
0xc9: {  	[sflag:s25] =	ssyncset.done $0x0  }
0xca: {  	[sflag:s25] =	ssyncadd.s32 $0xFFFFC000  }
0xcb: {  	[spmem:s2] =	stream.indirect.scatter.add.f32 [tilespmem:s20], [sflag:$0x3], $0x80, s15, s23, $0xb8;
	[tilespmem:$0x1D000] =	vst v63  }
0xcc: {  	_ =	swait.ge [sflag:s28], $0x4000  }
0xcd: {  	[sflag:s28] =	ssyncset.done $0x0  }
0xce: {  	[sflag:s28] =	ssyncadd.s32 $0xFFFFC000  }
0xcf: {  	[spmem:s2] =	stream.indirect.scatter.add.f32 [tilespmem:s24], [sflag:$0x4], $0x80, s16, s23, $0xb8;
	[tilespmem:$0x1D000] =	vst v63  }
0xd0: {  	_ =	swait.ge [sflag:s26], $0x4000  }
0xd1: {  	[sflag:s26] =	ssyncset.done $0x0  }
0xd2: {  	[sflag:s26] =	ssyncadd.s32 $0xFFFFC000  }
0xd3: {  	s18 =	simm.s32 $0x100;
	_ =	swait.ge [sflag:s29], $0x4000  }
0xd4: {  	s19 =	simm.s32 $0x200;
	s5 =	rddreg [dreg:$0x5];
	[sflag:s29] =	ssyncset.done $0x0  }
.LBB2_4:
0xd5: {  	[sflag:s29] =	ssyncadd.s32 $0xFFFFC000;
	s5 =	sadd.s32 s18, s5  }
0xd6: {  	[tilespmem:s3], [sflag:$0x5] =	stream.linear.gather [hbm4b:s5+s3], $0x800, $0x38;
	[tilespmem:$0x1D000] =	vst v63  }
0xd7: {  	_ =	swait.ge [sflag:s21], $0x800  }
0xd8: {  	s5 =	rddreg [dreg:$0x4];
	[sflag:s21] =	ssyncset.done $0x0  }
0xd9: {  	[sflag:s21] =	ssyncadd.s32 $0xFFFFF800;
	s5 =	sadd.s32 s18, s5  }
0xda: {  	[tilespmem:s22], [sflag:$0x5] =	stream.linear.gather [hbm4b:s5+s3], $0x800, $0x38;
	[tilespmem:$0x1D000] =	vst v63  }
0xdb: {  	_ =	swait.ge [sflag:s21], $0x800  }
0xdc: {  	[sflag:s21] =	ssyncset.done $0x0  }
0xdd: {  	[sflag:s21] =	ssyncadd.s32 $0xFFFFF800  }
0xde: {  	[tilespmem:s20], [sflag:$0x1] =	stream.indirect.gather [hbm4b:s4+s23], $0x80, s3, s23, $0xb8;
	[tilespmem:$0x1D000] =	vst v63  }
0xdf: {  	_ = 	snop  }
0xe0: {  	[tilespmem:s24], [sflag:$0x2] =	stream.indirect.gather [hbm4b:s4+s23], $0x80, s23, s23, $0xb8;
	[tilespmem:$0x1D000] =	vst v63  }
0xe1: {  	_ =	swait.ge [sflag:s25], $0x4000  }
0xe2: {  	[sflag:s25] =	ssyncset.done $0x0  }
0xe3: {  	[sflag:s25] =	ssyncadd.s32 $0xFFFFC000  }
0xe4: {  	[spmem:s2] =	stream.indirect.scatter.add.f32 [tilespmem:s20], [sflag:$0x3], $0x80, s22, s23, $0xb8;
	[tilespmem:$0x1D000] =	vst v63  }
0xe5: {  	_ =	swait.ge [sflag:s26], $0x4000  }
0xe6: {  	s17 =	smov.u32 s19;
	[sflag:s26] =	ssyncset.done $0x0  }
0xe7: {  	s18 =	smov.u32 s17;
	s17 =	rddreg [dreg:$0x6];
	[sflag:s26] =	ssyncadd.s32 $0xFFFFC000  }
0xe8: {  	[tilespmem:s20], [sflag:$0x1] =	stream.indirect.gather [hbm4b:s4+s23], $0x80, s17, s23, $0xb8;
	[tilespmem:$0x1D000] =	vst v63  }
0xe9: {  	_ =	swait.ge [sflag:s28], $0x4000  }
0xea: {  	[sflag:s28] =	ssyncset.done $0x0  }
0xeb: {  	s17 =	rddreg [dreg:$0x7];
	[sflag:s28] =	ssyncadd.s32 $0xFFFFC000  }
0xec: {  	[spmem:s2] =	stream.indirect.scatter.add.f32 [tilespmem:s24], [sflag:$0x4], $0x80, s17, s23, $0xb8;
	[tilespmem:$0x1D000] =	vst v63  }
0xed: {  	_ =	swait.ge [sflag:s29], $0x4000  }
0xee: {  	[sflag:s29] =	ssyncset.done $0x0  }
0xef: {  	s17 =	rddreg [dreg:$0x8];
	[sflag:s29] =	ssyncadd.s32 $0xFFFFC000  }
0xf0: {  	[tilespmem:s24], [sflag:$0x2] =	stream.indirect.gather [hbm4b:s4+s23], $0x80, s17, s23, $0xb8;
	[tilespmem:$0x1D000] =	vst v63  }
0xf1: {  	_ =	swait.ge [sflag:s25], $0x4000  }
0xf2: {  	[sflag:s25] =	ssyncset.done $0x0  }
0xf3: {  	s17 =	rddreg [dreg:$0x9];
	[sflag:s25] =	ssyncadd.s32 $0xFFFFC000  }
0xf4: {  	[spmem:s2] =	stream.indirect.scatter.add.f32 [tilespmem:s20], [sflag:$0x3], $0x80, s17, s23, $0xb8;
	[tilespmem:$0x1D000] =	vst v63  }
0xf5: {  	_ =	swait.ge [sflag:s26], $0x4000  }
0xf6: {  	[sflag:s26] =	ssyncset.done $0x0  }
0xf7: {  	s17 =	rddreg [dreg:$0xa];
	[sflag:s26] =	ssyncadd.s32 $0xFFFFC000  }
0xf8: {  	[tilespmem:s20], [sflag:$0x1] =	stream.indirect.gather [hbm4b:s4+s23], $0x80, s17, s23, $0xb8;
	[tilespmem:$0x1D000] =	vst v63  }
0xf9: {  	_ =	swait.ge [sflag:s28], $0x4000  }
0xfa: {  	[sflag:s28] =	ssyncset.done $0x0  }
0xfb: {  	s17 =	rddreg [dreg:$0xb];
	[sflag:s28] =	ssyncadd.s32 $0xFFFFC000  }
0xfc: {  	[spmem:s2] =	stream.indirect.scatter.add.f32 [tilespmem:s24], [sflag:$0x4], $0x80, s17, s23, $0xb8;
	[tilespmem:$0x1D000] =	vst v63  }
0xfd: {  	_ =	swait.ge [sflag:s29], $0x4000  }
0xfe: {  	[sflag:s29] =	ssyncset.done $0x0  }
0xff: {  	s17 =	rddreg [dreg:$0xc];
	[sflag:s29] =	ssyncadd.s32 $0xFFFFC000  }
0x100: {  	[tilespmem:s24], [sflag:$0x2] =	stream.indirect.gather [hbm4b:s4+s23], $0x80, s17, s23, $0xb8;
	[tilespmem:$0x1D000] =	vst v63  }
0x101: {  	_ =	swait.ge [sflag:s25], $0x4000  }
0x102: {  	[sflag:s25] =	ssyncset.done $0x0  }
0x103: {  	s17 =	rddreg [dreg:$0xd];
	[sflag:s25] =	ssyncadd.s32 $0xFFFFC000  }
0x104: {  	[spmem:s2] =	stream.indirect.scatter.add.f32 [tilespmem:s20], [sflag:$0x3], $0x80, s17, s23, $0xb8;
	[tilespmem:$0x1D000] =	vst v63  }
0x105: {  	_ =	swait.ge [sflag:s26], $0x4000  }
0x106: {  	[sflag:s26] =	ssyncset.done $0x0  }
0x107: {  	s17 =	rddreg [dreg:$0xe];
	[sflag:s26] =	ssyncadd.s32 $0xFFFFC000  }
0x108: {  	[tilespmem:s20], [sflag:$0x1] =	stream.indirect.gather [hbm4b:s4+s23], $0x80, s17, s23, $0xb8;
	[tilespmem:$0x1D000] =	vst v63  }
0x109: {  	_ =	swait.ge [sflag:s28], $0x4000  }
0x10a: {  	[sflag:s28] =	ssyncset.done $0x0  }
0x10b: {  	s17 =	rddreg [dreg:$0xf];
	[sflag:s28] =	ssyncadd.s32 $0xFFFFC000  }
0x10c: {  	[spmem:s2] =	stream.indirect.scatter.add.f32 [tilespmem:s24], [sflag:$0x4], $0x80, s17, s23, $0xb8;
	[tilespmem:$0x1D000] =	vst v63  }
0x10d: {  	_ =	swait.ge [sflag:s29], $0x4000  }
0x10e: {  	[sflag:s29] =	ssyncset.done $0x0  }
0x10f: {  	s17 =	rddreg [dreg:$0x10];
	[sflag:s29] =	ssyncadd.s32 $0xFFFFC000  }
0x110: {  	[tilespmem:s24], [sflag:$0x2] =	stream.indirect.gather [hbm4b:s4+s23], $0x80, s17, s23, $0xb8;
	[tilespmem:$0x1D000] =	vst v63  }
0x111: {  	_ =	swait.ge [sflag:s25], $0x4000  }
0x112: {  	[sflag:s25] =	ssyncset.done $0x0  }
0x113: {  	s17 =	rddreg [dreg:$0x11];
	[sflag:s25] =	ssyncadd.s32 $0xFFFFC000  }
0x114: {  	[spmem:s2] =	stream.indirect.scatter.add.f32 [tilespmem:s20], [sflag:$0x3], $0x80, s17, s23, $0xb8;
	[tilespmem:$0x1D000] =	vst v63  }
0x115: {  	_ =	swait.ge [sflag:s26], $0x4000  }
0x116: {  	[sflag:s26] =	ssyncset.done $0x0  }
0x117: {  	s17 =	rddreg [dreg:$0x12];
	[sflag:s26] =	ssyncadd.s32 $0xFFFFC000  }
0x118: {  	[tilespmem:s20], [sflag:$0x1] =	stream.indirect.gather [hbm4b:s4+s23], $0x80, s17, s23, $0xb8;
	[tilespmem:$0x1D000] =	vst v63  }
0x119: {  	_ =	swait.ge [sflag:s28], $0x4000  }
0x11a: {  	[sflag:s28] =	ssyncset.done $0x0  }
0x11b: {  	s17 =	rddreg [dreg:$0x13];
	[sflag:s28] =	ssyncadd.s32 $0xFFFFC000  }
0x11c: {  	[spmem:s2] =	stream.indirect.scatter.add.f32 [tilespmem:s24], [sflag:$0x4], $0x80, s17, s23, $0xb8;
	[tilespmem:$0x1D000] =	vst v63  }
0x11d: {  	_ =	swait.ge [sflag:s29], $0x4000  }
0x11e: {  	[sflag:s29] =	ssyncset.done $0x0  }
0x11f: {  	[sflag:s29] =	ssyncadd.s32 $0xFFFFC000  }
0x120: {  	[tilespmem:s24], [sflag:$0x2] =	stream.indirect.gather [hbm4b:s4+s23], $0x80, s30, s23, $0xb8;
	[tilespmem:$0x1D000] =	vst v63  }
0x121: {  	_ =	swait.ge [sflag:s25], $0x4000  }
0x122: {  	[sflag:s25] =	ssyncset.done $0x0  }
0x123: {  	[sflag:s25] =	ssyncadd.s32 $0xFFFFC000  }
0x124: {  	[spmem:s2] =	stream.indirect.scatter.add.f32 [tilespmem:s20], [sflag:$0x3], $0x80, s31, s23, $0xb8;
	[tilespmem:$0x1D000] =	vst v63  }
0x125: {  	_ =	swait.ge [sflag:s26], $0x4000  }
0x126: {  	[sflag:s26] =	ssyncset.done $0x0  }
0x127: {  	[sflag:s26] =	ssyncadd.s32 $0xFFFFC000  }
0x128: {  	[tilespmem:s20], [sflag:$0x1] =	stream.indirect.gather [hbm4b:s4+s23], $0x80, s1, s23, $0xb8;
	[tilespmem:$0x1D000] =	vst v63  }
0x129: {  	_ =	swait.ge [sflag:s28], $0x4000  }
0x12a: {  	[sflag:s28] =	ssyncset.done $0x0  }
0x12b: {  	[sflag:s28] =	ssyncadd.s32 $0xFFFFC000  }
0x12c: {  	[spmem:s2] =	stream.indirect.scatter.add.f32 [tilespmem:s24], [sflag:$0x4], $0x80, s0, s23, $0xb8;
	[tilespmem:$0x1D000] =	vst v63  }
0x12d: {  	_ =	swait.ge [sflag:s29], $0x4000  }
0x12e: {  	[sflag:s29] =	ssyncset.done $0x0  }
0x12f: {  	[sflag:s29] =	ssyncadd.s32 $0xFFFFC000  }
0x130: {  	[tilespmem:s24], [sflag:$0x2] =	stream.indirect.gather [hbm4b:s4+s23], $0x80, s6, s23, $0xb8;
	[tilespmem:$0x1D000] =	vst v63  }
0x131: {  	_ =	swait.ge [sflag:s25], $0x4000  }
0x132: {  	[sflag:s25] =	ssyncset.done $0x0  }
0x133: {  	[sflag:s25] =	ssyncadd.s32 $0xFFFFC000  }
0x134: {  	[spmem:s2] =	stream.indirect.scatter.add.f32 [tilespmem:s20], [sflag:$0x3], $0x80, s7, s23, $0xb8;
	[tilespmem:$0x1D000] =	vst v63  }
0x135: {  	_ =	swait.ge [sflag:s26], $0x4000  }
0x136: {  	[sflag:s26] =	ssyncset.done $0x0  }
0x137: {  	[sflag:s26] =	ssyncadd.s32 $0xFFFFC000  }
0x138: {  	[tilespmem:s20], [sflag:$0x1] =	stream.indirect.gather [hbm4b:s4+s23], $0x80, s8, s23, $0xb8;
	[tilespmem:$0x1D000] =	vst v63  }
0x139: {  	_ =	swait.ge [sflag:s28], $0x4000  }
0x13a: {  	[sflag:s28] =	ssyncset.done $0x0  }
0x13b: {  	[sflag:s28] =	ssyncadd.s32 $0xFFFFC000  }
0x13c: {  	[spmem:s2] =	stream.indirect.scatter.add.f32 [tilespmem:s24], [sflag:$0x4], $0x80, s9, s23, $0xb8;
	[tilespmem:$0x1D000] =	vst v63  }
0x13d: {  	_ =	swait.ge [sflag:s29], $0x4000  }
0x13e: {  	[sflag:s29] =	ssyncset.done $0x0  }
0x13f: {  	[sflag:s29] =	ssyncadd.s32 $0xFFFFC000  }
0x140: {  	[tilespmem:s24], [sflag:$0x2] =	stream.indirect.gather [hbm4b:s4+s23], $0x80, s10, s23, $0xb8;
	[tilespmem:$0x1D000] =	vst v63  }
0x141: {  	_ =	swait.ge [sflag:s25], $0x4000  }
0x142: {  	[sflag:s25] =	ssyncset.done $0x0  }
0x143: {  	[sflag:s25] =	ssyncadd.s32 $0xFFFFC000  }
0x144: {  	[spmem:s2] =	stream.indirect.scatter.add.f32 [tilespmem:s20], [sflag:$0x3], $0x80, s11, s23, $0xb8;
	[tilespmem:$0x1D000] =	vst v63  }
0x145: {  	_ =	swait.ge [sflag:s26], $0x4000  }
0x146: {  	[sflag:s26] =	ssyncset.done $0x0  }
0x147: {  	[sflag:s26] =	ssyncadd.s32 $0xFFFFC000  }
0x148: {  	[tilespmem:s20], [sflag:$0x1] =	stream.indirect.gather [hbm4b:s4+s23], $0x80, s12, s23, $0xb8;
	[tilespmem:$0x1D000] =	vst v63  }
0x149: {  	_ =	swait.ge [sflag:s28], $0x4000  }
0x14a: {  	[sflag:s28] =	ssyncset.done $0x0  }
0x14b: {  	[sflag:s28] =	ssyncadd.s32 $0xFFFFC000  }
0x14c: {  	[spmem:s2] =	stream.indirect.scatter.add.f32 [tilespmem:s24], [sflag:$0x4], $0x80, s13, s23, $0xb8;
	[tilespmem:$0x1D000] =	vst v63  }
0x14d: {  	_ =	swait.ge [sflag:s29], $0x4000  }
0x14e: {  	[sflag:s29] =	ssyncset.done $0x0  }
0x14f: {  	[sflag:s29] =	ssyncadd.s32 $0xFFFFC000  }
0x150: {  	[tilespmem:s24], [sflag:$0x2] =	stream.indirect.gather [hbm4b:s4+s23], $0x80, s14, s23, $0xb8;
	[tilespmem:$0x1D000] =	vst v63  }
0x151: {  	_ =	swait.ge [sflag:s25], $0x4000  }
0x152: {  	[sflag:s25] =	ssyncset.done $0x0  }
0x153: {  	[sflag:s25] =	ssyncadd.s32 $0xFFFFC000  }
0x154: {  	[spmem:s2] =	stream.indirect.scatter.add.f32 [tilespmem:s20], [sflag:$0x3], $0x80, s15, s23, $0xb8;
	[tilespmem:$0x1D000] =	vst v63  }
0x155: {  	_ =	swait.ge [sflag:s28], $0x4000  }
0x156: {  	[sflag:s28] =	ssyncset.done $0x0  }
0x157: {  	p0 =	sne.s32 s19, $0x400;
	[sflag:s28] =	ssyncadd.s32 $0xFFFFC000  }
0x158: {  	[spmem:s2] =	stream.indirect.scatter.add.f32 [tilespmem:s24], [sflag:$0x4], $0x80, s16, s23, $0xb8;
	[tilespmem:$0x1D000] =	vst v63  }
.Ltmp1:
0x159: {  	_ =	swait.ge [sflag:s26], $0x4000;
	(pc) =	sbr.rel @p0 .LBB2_4-.Ltmp1, $4  }
0x15a: {  	[sflag:s26] =	ssyncset.done $0x0  }
0x15b: {  	[sflag:s26] =	ssyncadd.s32 $0xFFFFC000  }
0x15c: {  	_ =	swait.ge [sflag:s29], $0x4000  }
0x15d: {  	s19 =	sadd.s32 $0x100, s19;
	s5 =	rddreg [dreg:$0x5];
	[sflag:s29] =	ssyncset.done $0x0  }
0x15e: {  	[sflag:s29] =	ssyncadd.s32 $0xFFFFC000;
	s5 =	sadd.s32 s18, s5  }
0x15f: {  	[tilespmem:s3], [sflag:$0x5] =	stream.linear.gather [hbm4b:s5+s3], $0x800, $0x38;
	[tilespmem:$0x1D000] =	vst v63  }
0x160: {  	_ =	swait.ge [sflag:s21], $0x800  }
0x161: {  	s17 =	rddreg [dreg:$0x4];
	[sflag:s21] =	ssyncset.done $0x0  }
0x162: {  	s5 =	sadd.s32 s18, s17;
	[sflag:s21] =	ssyncadd.s32 $0xFFFFF800  }
0x163: {  	[tilespmem:s22], [sflag:$0x5] =	stream.linear.gather [hbm4b:s5+s3], $0x800, $0x38;
	[tilespmem:$0x1D000] =	vst v63  }
0x164: {  	_ =	swait.ge [sflag:s21], $0x800  }
0x165: {  	[sflag:s21] =	ssyncset.done $0x0  }
0x166: {  	[sflag:s21] =	ssyncadd.s32 $0xFFFFF800  }
0x167: {  	[tilespmem:s20], [sflag:$0x1] =	stream.indirect.gather [hbm4b:s4+s23], $0x80, s3, s23, $0xb8;
	[tilespmem:$0x1D000] =	vst v63  }
0x168: {  	_ = 	snop  }
0x169: {  	[tilespmem:s24], [sflag:$0x2] =	stream.indirect.gather [hbm4b:s4+s23], $0x80, s23, s23, $0xb8;
	[tilespmem:$0x1D000] =	vst v63  }
0x16a: {  	_ =	swait.ge [sflag:s25], $0x4000  }
0x16b: {  	[sflag:s25] =	ssyncset.done $0x0  }
0x16c: {  	[sflag:s25] =	ssyncadd.s32 $0xFFFFC000  }
0x16d: {  	[spmem:s2] =	stream.indirect.scatter.add.f32 [tilespmem:s20], [sflag:$0x3], $0x80, s22, s23, $0xb8;
	[tilespmem:$0x1D000] =	vst v63  }
0x16e: {  	_ =	swait.ge [sflag:s26], $0x4000  }
0x16f: {  	[sflag:s26] =	ssyncset.done $0x0  }
0x170: {  	s19 =	rddreg [dreg:$0x6];
	[sflag:s26] =	ssyncadd.s32 $0xFFFFC000  }
0x171: {  	[tilespmem:s20], [sflag:$0x1] =	stream.indirect.gather [hbm4b:s4+s23], $0x80, s19, s23, $0xb8;
	[tilespmem:$0x1D000] =	vst v63  }
0x172: {  	_ =	swait.ge [sflag:s28], $0x4000  }
0x173: {  	[sflag:s28] =	ssyncset.done $0x0  }
0x174: {  	s17 =	rddreg [dreg:$0x7];
	[sflag:s28] =	ssyncadd.s32 $0xFFFFC000  }
0x175: {  	[spmem:s2] =	stream.indirect.scatter.add.f32 [tilespmem:s24], [sflag:$0x4], $0x80, s17, s23, $0xb8;
	[tilespmem:$0x1D000] =	vst v63  }
0x176: {  	_ =	swait.ge [sflag:s29], $0x4000  }
0x177: {  	[sflag:s29] =	ssyncset.done $0x0  }
0x178: {  	s18 =	rddreg [dreg:$0x8];
	[sflag:s29] =	ssyncadd.s32 $0xFFFFC000  }
0x179: {  	[tilespmem:s24], [sflag:$0x2] =	stream.indirect.gather [hbm4b:s4+s23], $0x80, s18, s23, $0xb8;
	[tilespmem:$0x1D000] =	vst v63  }
0x17a: {  	_ =	swait.ge [sflag:s25], $0x4000  }
0x17b: {  	[sflag:s25] =	ssyncset.done $0x0  }
0x17c: {  	s19 =	rddreg [dreg:$0x9];
	[sflag:s25] =	ssyncadd.s32 $0xFFFFC000  }
0x17d: {  	[spmem:s2] =	stream.indirect.scatter.add.f32 [tilespmem:s20], [sflag:$0x3], $0x80, s19, s23, $0xb8;
	[tilespmem:$0x1D000] =	vst v63  }
0x17e: {  	_ =	swait.ge [sflag:s26], $0x4000  }
0x17f: {  	[sflag:s26] =	ssyncset.done $0x0  }
0x180: {  	s17 =	rddreg [dreg:$0xa];
	[sflag:s26] =	ssyncadd.s32 $0xFFFFC000  }
0x181: {  	[tilespmem:s20], [sflag:$0x1] =	stream.indirect.gather [hbm4b:s4+s23], $0x80, s17, s23, $0xb8;
	[tilespmem:$0x1D000] =	vst v63  }
0x182: {  	_ =	swait.ge [sflag:s28], $0x4000  }
0x183: {  	[sflag:s28] =	ssyncset.done $0x0  }
0x184: {  	s18 =	rddreg [dreg:$0xb];
	[sflag:s28] =	ssyncadd.s32 $0xFFFFC000  }
0x185: {  	[spmem:s2] =	stream.indirect.scatter.add.f32 [tilespmem:s24], [sflag:$0x4], $0x80, s18, s23, $0xb8;
	[tilespmem:$0x1D000] =	vst v63  }
0x186: {  	_ =	swait.ge [sflag:s29], $0x4000  }
0x187: {  	[sflag:s29] =	ssyncset.done $0x0  }
0x188: {  	s19 =	rddreg [dreg:$0xc];
	[sflag:s29] =	ssyncadd.s32 $0xFFFFC000  }
0x189: {  	[tilespmem:s24], [sflag:$0x2] =	stream.indirect.gather [hbm4b:s4+s23], $0x80, s19, s23, $0xb8;
	[tilespmem:$0x1D000] =	vst v63  }
0x18a: {  	_ =	swait.ge [sflag:s25], $0x4000  }
0x18b: {  	[sflag:s25] =	ssyncset.done $0x0  }
0x18c: {  	s17 =	rddreg [dreg:$0xd];
	[sflag:s25] =	ssyncadd.s32 $0xFFFFC000  }
0x18d: {  	[spmem:s2] =	stream.indirect.scatter.add.f32 [tilespmem:s20], [sflag:$0x3], $0x80, s17, s23, $0xb8;
	[tilespmem:$0x1D000] =	vst v63  }
0x18e: {  	_ =	swait.ge [sflag:s26], $0x4000  }
0x18f: {  	[sflag:s26] =	ssyncset.done $0x0  }
0x190: {  	s18 =	rddreg [dreg:$0xe];
	[sflag:s26] =	ssyncadd.s32 $0xFFFFC000  }
0x191: {  	[tilespmem:s20], [sflag:$0x1] =	stream.indirect.gather [hbm4b:s4+s23], $0x80, s18, s23, $0xb8;
	[tilespmem:$0x1D000] =	vst v63  }
0x192: {  	_ =	swait.ge [sflag:s28], $0x4000  }
0x193: {  	[sflag:s28] =	ssyncset.done $0x0  }
0x194: {  	s19 =	rddreg [dreg:$0xf];
	[sflag:s28] =	ssyncadd.s32 $0xFFFFC000  }
0x195: {  	[spmem:s2] =	stream.indirect.scatter.add.f32 [tilespmem:s24], [sflag:$0x4], $0x80, s19, s23, $0xb8;
	[tilespmem:$0x1D000] =	vst v63  }
0x196: {  	_ =	swait.ge [sflag:s29], $0x4000  }
0x197: {  	[sflag:s29] =	ssyncset.done $0x0  }
0x198: {  	s17 =	rddreg [dreg:$0x10];
	[sflag:s29] =	ssyncadd.s32 $0xFFFFC000  }
0x199: {  	[tilespmem:s24], [sflag:$0x2] =	stream.indirect.gather [hbm4b:s4+s23], $0x80, s17, s23, $0xb8;
	[tilespmem:$0x1D000] =	vst v63  }
0x19a: {  	_ =	swait.ge [sflag:s25], $0x4000  }
0x19b: {  	[sflag:s25] =	ssyncset.done $0x0  }
0x19c: {  	s18 =	rddreg [dreg:$0x11];
	[sflag:s25] =	ssyncadd.s32 $0xFFFFC000  }
0x19d: {  	[spmem:s2] =	stream.indirect.scatter.add.f32 [tilespmem:s20], [sflag:$0x3], $0x80, s18, s23, $0xb8;
	[tilespmem:$0x1D000] =	vst v63  }
0x19e: {  	_ =	swait.ge [sflag:s26], $0x4000  }
0x19f: {  	[sflag:s26] =	ssyncset.done $0x0  }
0x1a0: {  	s19 =	rddreg [dreg:$0x12];
	[sflag:s26] =	ssyncadd.s32 $0xFFFFC000  }
0x1a1: {  	[tilespmem:s20], [sflag:$0x1] =	stream.indirect.gather [hbm4b:s4+s23], $0x80, s19, s23, $0xb8;
	[tilespmem:$0x1D000] =	vst v63  }
0x1a2: {  	_ =	swait.ge [sflag:s28], $0x4000  }
0x1a3: {  	[sflag:s28] =	ssyncset.done $0x0  }
0x1a4: {  	s17 =	rddreg [dreg:$0x13];
	[sflag:s28] =	ssyncadd.s32 $0xFFFFC000  }
0x1a5: {  	[spmem:s2] =	stream.indirect.scatter.add.f32 [tilespmem:s24], [sflag:$0x4], $0x80, s17, s23, $0xb8;
	[tilespmem:$0x1D000] =	vst v63  }
0x1a6: {  	_ =	swait.ge [sflag:s29], $0x4000  }
0x1a7: {  	[sflag:s29] =	ssyncset.done $0x0  }
0x1a8: {  	[sflag:s29] =	ssyncadd.s32 $0xFFFFC000  }
0x1a9: {  	[tilespmem:s24], [sflag:$0x2] =	stream.indirect.gather [hbm4b:s4+s23], $0x80, s30, s23, $0xb8;
	[tilespmem:$0x1D000] =	vst v63  }
0x1aa: {  	_ =	swait.ge [sflag:s25], $0x4000  }
0x1ab: {  	[sflag:s25] =	ssyncset.done $0x0  }
0x1ac: {  	[sflag:s25] =	ssyncadd.s32 $0xFFFFC000  }
0x1ad: {  	[spmem:s2] =	stream.indirect.scatter.add.f32 [tilespmem:s20], [sflag:$0x3], $0x80, s31, s23, $0xb8;
	[tilespmem:$0x1D000] =	vst v63  }
0x1ae: {  	_ =	swait.ge [sflag:s26], $0x4000  }
0x1af: {  	[sflag:s26] =	ssyncset.done $0x0  }
0x1b0: {  	[sflag:s26] =	ssyncadd.s32 $0xFFFFC000  }
0x1b1: {  	[tilespmem:s20], [sflag:$0x1] =	stream.indirect.gather [hbm4b:s4+s23], $0x80, s1, s23, $0xb8;
	[tilespmem:$0x1D000] =	vst v63  }
0x1b2: {  	_ =	swait.ge [sflag:s28], $0x4000  }
0x1b3: {  	[sflag:s28] =	ssyncset.done $0x0  }
0x1b4: {  	[sflag:s28] =	ssyncadd.s32 $0xFFFFC000  }
0x1b5: {  	[spmem:s2] =	stream.indirect.scatter.add.f32 [tilespmem:s24], [sflag:$0x4], $0x80, s0, s23, $0xb8;
	[tilespmem:$0x1D000] =	vst v63  }
0x1b6: {  	_ =	swait.ge [sflag:s29], $0x4000  }
0x1b7: {  	[sflag:s29] =	ssyncset.done $0x0  }
0x1b8: {  	[sflag:s29] =	ssyncadd.s32 $0xFFFFC000  }
0x1b9: {  	[tilespmem:s24], [sflag:$0x2] =	stream.indirect.gather [hbm4b:s4+s23], $0x80, s6, s23, $0xb8;
	[tilespmem:$0x1D000] =	vst v63  }
0x1ba: {  	_ =	swait.ge [sflag:s25], $0x4000  }
0x1bb: {  	[sflag:s25] =	ssyncset.done $0x0  }
0x1bc: {  	[sflag:s25] =	ssyncadd.s32 $0xFFFFC000  }
0x1bd: {  	[spmem:s2] =	stream.indirect.scatter.add.f32 [tilespmem:s20], [sflag:$0x3], $0x80, s7, s23, $0xb8;
	[tilespmem:$0x1D000] =	vst v63  }
0x1be: {  	_ =	swait.ge [sflag:s26], $0x4000  }
0x1bf: {  	[sflag:s26] =	ssyncset.done $0x0  }
0x1c0: {  	[sflag:s26] =	ssyncadd.s32 $0xFFFFC000  }
0x1c1: {  	[tilespmem:s20], [sflag:$0x1] =	stream.indirect.gather [hbm4b:s4+s23], $0x80, s8, s23, $0xb8;
	[tilespmem:$0x1D000] =	vst v63  }
0x1c2: {  	_ =	swait.ge [sflag:s28], $0x4000  }
0x1c3: {  	[sflag:s28] =	ssyncset.done $0x0  }
0x1c4: {  	[sflag:s28] =	ssyncadd.s32 $0xFFFFC000  }
0x1c5: {  	[spmem:s2] =	stream.indirect.scatter.add.f32 [tilespmem:s24], [sflag:$0x4], $0x80, s9, s23, $0xb8;
	[tilespmem:$0x1D000] =	vst v63  }
0x1c6: {  	_ =	swait.ge [sflag:s29], $0x4000  }
0x1c7: {  	[sflag:s29] =	ssyncset.done $0x0  }
0x1c8: {  	[sflag:s29] =	ssyncadd.s32 $0xFFFFC000  }
0x1c9: {  	[tilespmem:s24], [sflag:$0x2] =	stream.indirect.gather [hbm4b:s4+s23], $0x80, s10, s23, $0xb8;
	[tilespmem:$0x1D000] =	vst v63  }
0x1ca: {  	_ =	swait.ge [sflag:s25], $0x4000  }
0x1cb: {  	[sflag:s25] =	ssyncset.done $0x0  }
0x1cc: {  	[sflag:s25] =	ssyncadd.s32 $0xFFFFC000  }
0x1cd: {  	[spmem:s2] =	stream.indirect.scatter.add.f32 [tilespmem:s20], [sflag:$0x3], $0x80, s11, s23, $0xb8;
	[tilespmem:$0x1D000] =	vst v63  }
0x1ce: {  	_ =	swait.ge [sflag:s26], $0x4000  }
0x1cf: {  	[sflag:s26] =	ssyncset.done $0x0  }
0x1d0: {  	[sflag:s26] =	ssyncadd.s32 $0xFFFFC000  }
0x1d1: {  	[tilespmem:s20], [sflag:$0x1] =	stream.indirect.gather [hbm4b:s4+s23], $0x80, s12, s23, $0xb8;
	[tilespmem:$0x1D000] =	vst v63  }
0x1d2: {  	_ =	swait.ge [sflag:s28], $0x4000  }
0x1d3: {  	[sflag:s28] =	ssyncset.done $0x0  }
0x1d4: {  	[sflag:s28] =	ssyncadd.s32 $0xFFFFC000  }
0x1d5: {  	[spmem:s2] =	stream.indirect.scatter.add.f32 [tilespmem:s24], [sflag:$0x4], $0x80, s13, s23, $0xb8;
	[tilespmem:$0x1D000] =	vst v63  }
0x1d6: {  	_ =	swait.ge [sflag:s29], $0x4000  }
0x1d7: {  	[sflag:s29] =	ssyncset.done $0x0  }
0x1d8: {  	[sflag:s29] =	ssyncadd.s32 $0xFFFFC000  }
0x1d9: {  	[tilespmem:s24], [sflag:$0x2] =	stream.indirect.gather [hbm4b:s4+s23], $0x80, s14, s23, $0xb8;
	[tilespmem:$0x1D000] =	vst v63  }
0x1da: {  	_ =	swait.ge [sflag:s25], $0x4000  }
0x1db: {  	[sflag:s25] =	ssyncset.done $0x0  }
0x1dc: {  	[sflag:s25] =	ssyncadd.s32 $0xFFFFC000  }
0x1dd: {  	[spmem:s2] =	stream.indirect.scatter.add.f32 [tilespmem:s20], [sflag:$0x3], $0x80, s15, s23, $0xb8;
	[tilespmem:$0x1D000] =	vst v63  }
0x1de: {  	_ =	swait.ge [sflag:s28], $0x4000  }
0x1df: {  	[sflag:s28] =	ssyncset.done $0x0  }
0x1e0: {  	[sflag:s28] =	ssyncadd.s32 $0xFFFFC000  }
0x1e1: {  	[spmem:s2] =	stream.indirect.scatter.add.f32 [tilespmem:s24], [sflag:$0x4], $0x80, s16, s23, $0xb8;
	[tilespmem:$0x1D000] =	vst v63  }
0x1e2: {  	_ =	swait.ge [sflag:s26], $0x4000  }
0x1e3: {  	[sflag:s26] =	ssyncset.done $0x0  }
0x1e4: {  	[sflag:s26] =	ssyncadd.s32 $0xFFFFC000  }
0x1e5: {  	_ =	swait.ge [sflag:s29], $0x4000  }
0x1e6: {  	[sflag:s29] =	ssyncset.done $0x0  }
0x1e7: {  	[sflag:s29] =	ssyncadd.s32 $0xFFFFC000  }
0x1e8: {  	[bflag:$0x0] =	sbarrier.arrive $0xFFFF  }
0x1e9: {  	s18 =	rddreg [dreg:$0x14]  }
0x1ea: {  	[tilespmem:s20], [sflag:$0x5] =	stream.linear.gather [spmem:s18], $0x4000, $0x38;
	[tilespmem:$0x1D000] =	vst v63  }
0x1eb: {  	_ =	swait.ge [sflag:s21], $0x4000  }
0x1ec: {  	[sflag:s21] =	ssyncset.done $0x0  }
0x1ed: {  	s19 =	rddreg [dreg:$0x1a];
	[sflag:s21] =	ssyncadd.s32 $0xFFFFC000  }
0x1ee: {  	[hbm4b:s19+s3] =	stream.linear.scatter [tilespmem:s20], [sflag:$0x5], $0x4000, $0x38;
	[tilespmem:$0x1D000] =	vst v63  }
0x1ef: {  	_ =	swait.ge [sflag:s21], $0x4000  }
0x1f0: {  	[sflag:s21] =	ssyncset.done $0x0  }
0x1f1: {  	s17 =	rddreg [dreg:$0x1b];
	[sflag:s21] =	ssyncadd.s32 $0xFFFFC000  }
0x1f2: {  	[tilespmem:s20], [sflag:$0x5] =	stream.linear.gather [spmem:s17], $0x4000, $0x38;
	[tilespmem:$0x1D000] =	vst v63  }
0x1f3: {  	_ =	swait.ge [sflag:s21], $0x4000  }
0x1f4: {  	[sflag:s21] =	ssyncset.done $0x0  }
0x1f5: {  	s18 =	rddreg [dreg:$0x1c];
	[sflag:s21] =	ssyncadd.s32 $0xFFFFC000  }
0x1f6: {  	[hbm4b:s18+s3] =	stream.linear.scatter [tilespmem:s20], [sflag:$0x5], $0x4000, $0x38;
	[tilespmem:$0x1D000] =	vst v63  }
0x1f7: {  	_ =	swait.ge [sflag:s21], $0x4000  }
0x1f8: {  	[sflag:s21] =	ssyncset.done $0x0  }
0x1f9: {  	s19 =	rddreg [dreg:$0x1d];
	[sflag:s21] =	ssyncadd.s32 $0xFFFFC000  }
0x1fa: {  	[tilespmem:s20], [sflag:$0x5] =	stream.linear.gather [spmem:s19], $0x4000, $0x38;
	[tilespmem:$0x1D000] =	vst v63  }
0x1fb: {  	_ =	swait.ge [sflag:s21], $0x4000  }
0x1fc: {  	[sflag:s21] =	ssyncset.done $0x0  }
0x1fd: {  	s17 =	rddreg [dreg:$0x1e];
	[sflag:s21] =	ssyncadd.s32 $0xFFFFC000  }
0x1fe: {  	[hbm4b:s17+s3] =	stream.linear.scatter [tilespmem:s20], [sflag:$0x5], $0x4000, $0x38;
	[tilespmem:$0x1D000] =	vst v63  }
0x1ff: {  	_ =	swait.ge [sflag:s21], $0x4000  }
0x200: {  	[sflag:s21] =	ssyncset.done $0x0  }
0x201: {  	s18 =	rddreg [dreg:$0x1f];
	[sflag:s21] =	ssyncadd.s32 $0xFFFFC000  }
0x202: {  	[tilespmem:s20], [sflag:$0x5] =	stream.linear.gather [spmem:s18], $0x4000, $0x38;
	[tilespmem:$0x1D000] =	vst v63  }
0x203: {  	_ =	swait.ge [sflag:s21], $0x4000  }
0x204: {  	s19 =	sld [smem:$0x7FB]  }
0x205: {  	[sflag:s21] =	ssyncset.done $0x0  }
0x206: {  	[sflag:s21] =	ssyncadd.s32 $0xFFFFC000  }
0x207: {  	[hbm4b:s19+s3] =	stream.linear.scatter [tilespmem:s20], [sflag:$0x5], $0x4000, $0x38;
	[tilespmem:$0x1D000] =	vst v63  }
0x208: {  	_ =	swait.ge [sflag:s21], $0x4000  }
0x209: {  	s17 =	sld [smem:$0x7FC]  }
0x20a: {  	[sflag:s21] =	ssyncset.done $0x0  }
0x20b: {  	[sflag:s21] =	ssyncadd.s32 $0xFFFFC000  }
0x20c: {  	[tilespmem:s20], [sflag:$0x5] =	stream.linear.gather [spmem:s17], $0x4000, $0x38;
	[tilespmem:$0x1D000] =	vst v63  }
0x20d: {  	_ =	swait.ge [sflag:s21], $0x4000  }
0x20e: {  	s18 =	sld [smem:$0x7FD]  }
0x20f: {  	[sflag:s21] =	ssyncset.done $0x0  }
0x210: {  	[sflag:s21] =	ssyncadd.s32 $0xFFFFC000  }
0x211: {  	[hbm4b:s18+s3] =	stream.linear.scatter [tilespmem:s20], [sflag:$0x5], $0x4000, $0x38;
	[tilespmem:$0x1D000] =	vst v63  }
0x212: {  	_ =	swait.ge [sflag:s21], $0x4000  }
0x213: {  	s17 =	sld [smem:$0x7FA];
	_ =	sdelay $0x2  }
0x214: {  	s19 =	rddreg [dreg:$0x15];
	s17 =	sadd.s32 $0x1, s17  }
0x215: {  	p0 =	sne.s32 s17, s19  }
.Ltmp2:
0x216: {  	_ = 	snop;
	(pc) =	sbr.rel @p0 .LBB2_1-.Ltmp2, $3  }
0x217: {  	_ =	sdelay $0x1  }
0x218: {  	[sflag:s21] =	ssyncset.done $0x0  }
0x219: {  	[sflag:s21] =	ssyncadd.s32 $0xFFFFC000  }
0x21a: {  	_ =	sfence.sel $0x180000  }
0x21b: {  	[bflag:$0x0] =	sbarrier.arrive $0xFFFF  }
0x21c: {  	_ =	strace $0x9000004A  }
0x21d: {  	s0 =	stileid.u32;
	[bflag:$0x2] =	sbarrier.arrive $0xFFFF  }
0x21e: {  	p0 =	sne.s32 s0, $0x0;
	s0 =	rddreg [dreg:$0x3]  }
0x21f: {  	s0 =	sadd.s32 @!p0 $0x100000, s0  }
0x220: {  	[sflag:s0] =	ssyncadd.tile.s32 @!p0 $0x1;
	_ =	shalt  }
.Lfunc_end2:
_tile_overlayer_lowered:
.L_overlay_start_2:
0x221: {  	(tag) =	ssettag $0x2  }
0x222: {  	s0 =	rddreg [dreg:$0x0];
	s2 =	stileid.u32  }
0x223: {  	s1 =	rddreg [dreg:$0x1];
	p0 =	sne.s32 s2, $0x0  }
0x224: {  	s3 =	rddreg [dreg:$0x2];
	[bflag:$0x3] =	sbarrier.arrive $0xFFFF;
	s2 =	simm.s32 @!p0 $0x1C05  }
0x225: {  	[timem:s3], [sflag:s2] =	dma.local @!p0 [hbm:s0], s1  }
0x226: {  	s0 =	simm.s32 @!p0 $0x5  }
0x227: {  	_ =	swait.ge @!p0 [sflag:s0], s1  }
0x228: {  	s1 =	ssub.s32 @!p0 $0x0, s1;
	[sflag:s0] =	ssyncset.done @!p0 $0x0  }
0x229: {  	[sflag:s0] =	ssyncadd.s32 @!p0 s1  }
0x22a: {  	[bflag:$0x3] =	sbarrier.arrive $0xFFFF  }
0x22b: {  	_ =	shalt  }

// kernel: kernel.14.cloned.1.call-start
scs
__scs_entry_jumppad:
0x0: {  	(pc) =	sbr.rel $0x88, $3  }
0x1: {  	(tag) =	ssettag $0x0;
	lr =	simm.s32 $0x1  }
0x2: {  	[smem:$0x3F9B] =	sst lr;
	_ =	strace $0xD0000000  }
0x3: {  	_ = 	snop  }
0x4: {  	_ = 	snop  }
0x5: {  	_ = 	snop  }
0x6: {  	_ = 	snop  }
0x7: {  	_ = 	snop  }
__scs_overlays_trampoline_lowered:
0x8: {  	[smem:$0x3FAA] =	sst s0  }
0x9: {  	[smem:$0x3FAB] =	sst s1  }
0xa: {  	[smem:$0x3FAC] =	sst s2  }
0xb: {  	[smem:$0x3FAD] =	sst s3  }
0xc: {  	[smem:$0x3FAE] =	sst s4  }
0xd: {  	[smem:$0x3FAF] =	sst s5  }
0xe: {  	[smem:$0x3FB0] =	sst s6  }
0xf: {  	[smem:$0x3FB1] =	sst s7  }
0x10: {  	[smem:$0x3FB2] =	sst s8  }
0x11: {  	[smem:$0x3FB3] =	sst s9;
	s0 =	simm.s32 @!p0 $0x0  }
0x12: {  	s1 =	sld [smem:$0x3F99];
	s0 =	simm.s32 @p0 $0x1  }
0x13: {  	[smem:$0x3FB4] =	sst s0;
	s0 =	simm.s32 @!p1 $0x0  }
0x14: {  	s2 =	sld [smem:$0x3F98];
	s0 =	simm.s32 @p1 $0x1  }
0x15: {  	[smem:$0x3FB5] =	sst s0;
	s0 =	simm.s32 @!p2 $0x0  }
0x16: {  	s3 =	sld [smem:$0x3FDB];
	s0 =	simm.s32 @p2 $0x1  }
0x17: {  	s4 =	simm.s32 $0x1BF5;
	[smem:$0x3FB7] =	sst s0  }
0x18: {  	s0 =	sld [smem:$0x3F9A];
	_ =	swait.ge [sflag:s4], $0x0  }
0x19: {  	s7 =	sld [smem:$0x3F9B]  }
0x1a: {  	s8 =	sadd.s32 $0xFFFFE003, lr  }
0x1b: {  	s9 =	sadd.s32 $0xFFFFFEF7, lr;
	s5 =	simm.s32 $0xFFFFFFFF;
	p2 =	slt.u32 s8, $0xFFFFF086  }
0x1c: {  	p1 =	slt.u32 s9, $0xF7A;
	s5 =	simm.s32 @!p2 $0x0  }
0x1d: {  	s5 =	simm.s32 @p1 $0x1;
	p0 =	seq.s32 s7, s2  }
0x1e: {  	s7 =	smul.u32 @!p0 $0xF7A, s2;
	p2 =	seq.s32 @!p0 s5, $0x0  }
0x1f: {  	s9 =	smul.u32 $0xF7A, s1;
	s8 =	simm.s32 @!p0 $0x1BF5;
	p2 =	por !p2, p0  }
0x20: {  	[sflag:s8] =	ssyncset.s32 @!p0 $0xFFFFF086;
	s6 =	sadd.s32 @!p0 s3, s7;
	s7 =	simm.s32 @!p0 $0x108  }
0x21: {  	s3 =	sadd.s32 s3, s9;
	s6 =	sadd.s32 @!p0 $0x88, s6;
	s7 =	simm.s32 @p2 $0x1082  }
0x22: {  	[simem:s7], [sflag:s8] =	dma.local @!p0 [hbm:s6], $0xF7A  }
0x23: {  	s9 =	sor.u32 $0xD0000000, s2;
	s6 =	simm.s32 $0x108;
	_ =	swait.ge @!p0 [sflag:s8], $0x0  }
0x24: {  	s3 =	sadd.s32 $0x88, s3;
	s6 =	simm.s32 @!p1 $0x1082;
	[sflag:s4] =	ssyncset.s32 $0xFFFFF086  }
0x25: {  	[simem:s6], [sflag:s4] =	dma.local [hbm:s3], $0xF7A  }
0x26: {  	[smem:$0x3F9B] =	sst s1;
	(tag) =	ssettag s2;
	_ =	strace s9  }
0x27: {  	s1 =	sld [smem:$0x3FAB]  }
0x28: {  	s2 =	sld [smem:$0x3FAC]  }
0x29: {  	s4 =	sld [smem:$0x3FAE]  }
0x2a: {  	p0 =	seq.s32 s5, $0x0;
	s5 =	sld [smem:$0x3FAF]  }
0x2b: {  	s6 =	sld [smem:$0x3FB0]  }
0x2c: {  	s7 =	sld [smem:$0x3FB1]  }
0x2d: {  	s3 =	simm.s32 $0x108;
	s8 =	sld [smem:$0x3FB2]  }
0x2e: {  	s3 =	simm.s32 @!p0 $0x1082;
	s9 =	sld [smem:$0x3FB3]  }
0x2f: {  	lr =	sadd.s32 s0, s3;
	s0 =	sld [smem:$0x3FAA]  }
0x30: {  	s3 =	sld [smem:$0x3FAD]  }
0x31: {  	[smem:$0x3FB6] =	sst s10  }
0x32: {  	s10 =	sld [smem:$0x3FB4];
	_ =	sdelay $0x3  }
0x33: {  	p0 =	seq.s32 s10, $0x1;
	s10 =	sld [smem:$0x3FB6];
	_ =	sdelay $0x3  }
0x34: {  	[smem:$0x3FB6] =	sst s10  }
0x35: {  	s10 =	sld [smem:$0x3FB5];
	_ =	sdelay $0x3  }
0x36: {  	p1 =	seq.s32 s10, $0x1;
	s10 =	sld [smem:$0x3FB6];
	_ =	sdelay $0x3  }
0x37: {  	[smem:$0x3FB6] =	sst s10  }
0x38: {  	s10 =	sld [smem:$0x3FB7]  }
0x39: {  	_ = 	snop;
	(pc) =	sbr.ind lr, $3  }
0x3a: {  	_ = 	snop  }
0x3b: {  	_ = 	snop  }
0x3c: {  	p2 =	seq.s32 s10, $0x1;
	s10 =	sld [smem:$0x3FB6]  }
0x3d: {  	_ =	shalt  }
0x3e: {  	_ =	shalt  }
0x3f: {  	_ =	shalt  }
0x40: {  	_ =	shalt  }
0x41: {  	_ =	shalt  }
0x42: {  	_ =	shalt  }
0x43: {  	_ =	shalt  }
0x44: {  	_ =	shalt  }
0x45: {  	_ =	shalt  }
0x46: {  	_ =	shalt  }
0x47: {  	_ =	shalt  }
0x48: {  	_ =	shalt  }
0x49: {  	_ =	shalt  }
0x4a: {  	_ =	shalt  }
0x4b: {  	_ =	shalt  }
0x4c: {  	_ =	shalt  }
0x4d: {  	_ =	shalt  }
0x4e: {  	_ =	shalt  }
0x4f: {  	_ =	shalt  }
0x50: {  	_ =	shalt  }
0x51: {  	_ =	shalt  }
0x52: {  	_ =	shalt  }
0x53: {  	_ =	shalt  }
0x54: {  	_ =	shalt  }
0x55: {  	_ =	shalt  }
0x56: {  	_ =	shalt  }
0x57: {  	_ =	shalt  }
0x58: {  	_ =	shalt  }
0x59: {  	_ =	shalt  }
0x5a: {  	_ =	shalt  }
0x5b: {  	_ =	shalt  }
0x5c: {  	_ =	shalt  }
0x5d: {  	_ =	shalt  }
0x5e: {  	_ =	shalt  }
0x5f: {  	_ =	shalt  }
0x60: {  	_ =	shalt  }
0x61: {  	_ =	shalt  }
0x62: {  	_ =	shalt  }
0x63: {  	_ =	shalt  }
0x64: {  	_ =	shalt  }
0x65: {  	_ =	shalt  }
0x66: {  	_ =	shalt  }
0x67: {  	_ =	shalt  }
0x68: {  	_ =	shalt  }
0x69: {  	_ =	shalt  }
0x6a: {  	_ =	shalt  }
0x6b: {  	_ =	shalt  }
0x6c: {  	_ =	shalt  }
0x6d: {  	_ =	shalt  }
0x6e: {  	_ =	shalt  }
0x6f: {  	_ =	shalt  }
0x70: {  	_ =	shalt  }
0x71: {  	_ =	shalt  }
0x72: {  	_ =	shalt  }
0x73: {  	_ =	shalt  }
0x74: {  	_ =	shalt  }
0x75: {  	_ =	shalt  }
0x76: {  	_ =	shalt  }
0x77: {  	_ =	shalt  }
0x78: {  	_ =	shalt  }
0x79: {  	_ =	shalt  }
0x7a: {  	_ =	shalt  }
0x7b: {  	_ =	shalt  }
0x7c: {  	_ =	shalt  }
0x7d: {  	_ =	shalt  }
0x7e: {  	_ =	shalt  }
0x7f: {  	_ =	shalt  }
0x80: {  	_ =	shalt  }
0x81: {  	_ =	shalt  }
0x82: {  	_ =	shalt  }
0x83: {  	_ =	shalt  }
0x84: {  	_ =	shalt  }
0x85: {  	_ =	shalt  }
0x86: {  	_ =	shalt  }
0x87: {  	_ =	shalt  }
.Lfunc_end0:
.L_simem_size_0:
called_computation.2_lowered:
.L_overlay_start_0:
0x88: {  	s2 =	sld [smem:$0x3FD9]  }
0x89: {  	s3 =	sld [smem:$0x3FFE];
	_ =	sdelay $0x1  }
0x8a: {  	s1 =	srdreg.scid  }
0x8b: {  	s0 =	sand.u32 $0x1, s1  }
0x8c: {  	s17 =	sshll.u32 s0, $0xA;
	s2 =	sadd.s32 s3, s2  }
0x8d: {  	s2 =	sadd.s32 s2, s17  }
0x8e: {  	[smem:$0x3FC2] =	sst s2  }
0x8f: {  	_ = 	snop  }
0x90: {  	s2 =	sld [smem:$0x3FD0];
	(tm) =	ssettm $0x1  }
0x91: {  	s18 =	sld [smem:$0x3FFB];
	_ =	sdelay $0x3  }
0x92: {  	_ =	strace s18  }
0x93: {  	s3 =	sld [smem:$0x3FFC];
	_ =	sdelay $0x3  }
0x94: {  	_ =	strace s3  }
0x95: {  	s3 =	sld [smem:$0x3FFD];
	_ =	sdelay $0x3  }
0x96: {  	_ =	strace s3  }
0x97: {  	_ =	strace $0x8FFFFFFF  }
0x98: {  	s19 =	sld [smem:$0x3FDB];
	_ =	sdelay $0x1  }
0x99: {  	s4 =	simm.s32 $_scs_section_size  }
0x9a: {  	s5 =	simm.s32 $_size__tile_overlayer_lowered;
	s6 =	simm.s32 $_tile_overlayer_lowered  }
0x9b: {  	s22 =	simm.s32 $0x1BFF;
	s21 =	sshll.u32 s6, $0x1;
	s3 =	sadd.s32 s4, s19  }
0x9c: {  	s7 =	simm.s32 $0x0;
	s20 =	sshll.u32 s5, $0x1;
	s5 =	sadd.s32 s21, s3  }
0x9d: {  	[timem:s7], [sflag:s22] =	dma.local [hbm:s5], s20  }
0x9e: {  	_ =	swait.ge [sflag:s22], s20  }
0x9f: {  	s4 =	ssub.s32 $0x0, s20;
	[sflag:s22] =	ssyncset.done $0x0  }
0xa0: {  	[sflag:s22] =	ssyncadd.s32 s4;
	_ =	sdelay $0x1  }
0xa1: {  	s23 =	simm.s32 $0x1B8B  }
0xa2: {  	_ =	swait.ge [sflag:s23], $0x1  }
0xa3: {  	[sflag:s23] =	ssyncset.done $0x0  }
0xa4: {  	s25 =	simm.s32 $0x1B8E;
	s24 =	sld [smem:$0x3FFE];
	[sflag:s23] =	ssyncadd.s32 $0xFFFFFFFF  }
0xa5: {  	s26 =	simm.s32 $execute0_lowered;
	[smem:$0x3FD2] =	sst s25  }
0xa6: {  	s5 =	sshll.u32 s26, $0x1;
	_ =	strace $0x8000004C;
	[dreg:$0x1] =	wrdreg $0xFFFFFFFF  }
0xa7: {  	s28 =	simm.s32 $_size_execute0_lowered;
	s3 =	sadd.s32 s3, s5;
	[dreg:$0x0] =	wrdreg $0x0  }
0xa8: {  	s5 =	sshll.u32 s28, $0x1;
	[dreg:$0x2] =	wrdreg s3  }
0xa9: {  	[dreg:$0x3] =	wrdreg s5  }
0xaa: {  	[dreg:$0x4] =	wrdreg $0xC0  }
0xab: {  	_ =	task [dreg:s7], $0x5FFFF  }
0xac: {  	[dreg:$0x1] =	wrdreg $0xFFFFFFFF  }
0xad: {  	[dreg:$0x0] =	wrdreg $0x60  }
0xae: {  	[dreg:$0x2] =	wrdreg s2  }
0xaf: {  	[dreg:$0x3] =	wrdreg s24  }
0xb0: {  	[dreg:$0x4] =	wrdreg $0x90000  }
0xb1: {  	[dreg:$0x5] =	wrdreg $0x9  }
0xb2: {  	_ =	task.clear_ibuf [dreg:s7], $0x6FFFF;
	_ =	strace $0x9000004C  }
0xb3: {  	s29 =	simm.s32 $0x9;
	_ =	strace $0x8000004E  }
0xb4: {  	_ =	swait.ge [sflag:s29], $0x1  }
0xb5: {  	[sflag:s29] =	ssyncadd.s32 $0xFFFFFFFF  }
0xb6: {  	_ =	strace $0x9000004E  }
0xb7: {  	_ =	sfence  }
0xb8: {  	s30 =	sld [smem:$0x0];
	_ =	sdelay $0x2  }
0xb9: {  	s31 =	sshll.u32 s1, $0xD;
	s1 =	sshrl.u32 s1, $0x2  }
0xba: {  	s3 =	sand.u32 $0x4000, s31;
	s1 =	sadd.s32 s1, s30  }
0xbb: {  	s0 =	sor.u32 s3, s0;
	s1 =	sshll.u32 s1, $0x11  }
0xbc: {  	s0 =	sor.u32 s1, s0  }
0xbd: {  	s0 =	sadd.s32 $0x8F2B, s0  }
0xbe: {  	[sflag:s0] =	ssyncadd.remote.s32 $0x1  }
0xbf: {  	_ =	sfence.sel $0xFFFF  }
0xc0: {  	[dreg:$0x0] =	wrdreg $0xFFFFFFFF;
	(pc) =	sbr.abs _section_cstart, $3  }
0xc1: {  	[dreg:$0x1] =	wrdreg $0xFFFFFFFF  }
0xc2: {  	_ =	task.clear_ibuf [dreg:s7], $0x2FFFF;
	_ =	strace $0x9FFFFFFF  }
0xc3: {  	(tm) =	ssettm $0x7FFFFFFF  }
tec
execute0_lowered:
.L_overlay_start_1:
0x0: {  	(tag) =	ssettag $0x1  }
0x1: {  	s0 =	rddreg [dreg:$0x0];
	s1 =	srdreg.scid  }
0x2: {  	s5 =	rddreg [dreg:$0x1];
	s11 =	stileid.u32  }
0x3: {  	s2 =	rddreg [dreg:$0x2];
	s3 =	simm.s32 $0x0;
	s13 =	simm.s32 $0x180  }
0x4: {  	s14 =	simm.s32 $0x900;
	s28 =	simm.s32 $0x2;
	s6 =	smul.u32 $0x2800, s11  }
0x5: {  	s29 =	simm.s32 $0x4;
	s30 =	simm.s32 $0x480;
	s9 =	smul.u32 $0x50000, s11  }
0x6: {  	s1 =	sand.u32 $0x1, s1;
	[smem:$0x7FF] =	sst s3;
	s15 =	smul.u32 $0x14000, s11  }
0x7: {  	s31 =	simm.s32 $0xC00;
	s4 =	smul.u32 $0x28000, s1;
	_ =	strace $0x8000004D  }
0x8: {  	s8 =	ssub.s32 $0x2, s1;
	s1 =	smul.u32 $0x140000, s1;
	[dreg:$0x8] =	wrdreg s13  }
0x9: {  	[dreg:$0x9] =	wrdreg s14;
	s13 =	simm.s32 $0xE80;
	s14 =	simm.s32 $0x780  }
0xa: {  	s10 =	sshrl.u32 s8, $0x1;
	s9 =	sshrl.u32 s9, $0x2;
	s20 =	sadd.s32 $0x4000, s15  }
0xb: {  	s12 =	sadd.s32 $0x8000, s15;
	s26 =	sadd.s32 $0xC000, s15;
	s4 =	sadd.s32 s6, s4  }
0xc: {  	s8 =	ssub.s32 s8, s10;
	s9 =	sadd.s32 s9, s2;
	s19 =	sadd.s32 s1, s15  }
0xd: {  	s21 =	sadd.s32 s1, s20;
	s23 =	sadd.s32 s1, s12;
	s10 =	sadd.s32 s20, s2  }
0xe: {  	s25 =	sadd.s32 s12, s2;
	s11 =	sadd.s32 s1, s26;
	[dreg:$0x14] =	wrdreg s9  }
0xf: {  	s12 =	simm.s32 $0x880;
	s15 =	sadd.s32 $0x10000, s15;
	[dreg:$0x1b] =	wrdreg s10  }
0x10: {  	s20 =	simm.s32 $0xA00;
	s6 =	sshrl.u32 s4, $0x3;
	[dreg:$0x1d] =	wrdreg s25  }
0x11: {  	s4 =	sadd.s32 $0xC600, s5;
	s8 =	smax.u32 s8, $0x1;
	[dreg:$0x7] =	wrdreg s12  }
0x12: {  	s16 =	sadd.s32 $0x4000, s9;
	s17 =	sadd.s32 $0x8000, s9;
	[dreg:$0xd] =	wrdreg s20  }
0x13: {  	s18 =	sadd.s32 $0xC000, s9;
	s9 =	sadd.s32 $0x10000, s9;
	[dreg:$0x15] =	wrdreg s8  }
0x14: {  	s22 =	sshrl.u32 s21, $0x3;
	s24 =	sshrl.u32 s23, $0x3;
	[dreg:$0x16] =	wrdreg s16  }
0x15: {  	s10 =	simm.s32 $0x100;
	s1 =	sadd.s32 s1, s15;
	[dreg:$0x17] =	wrdreg s17  }
0x16: {  	s21 =	simm.s32 $0x300;
	s20 =	simm.s32 $0x1000;
	[dreg:$0x18] =	wrdreg s18  }
0x17: {  	s23 =	simm.s32 $0x380;
	s25 =	simm.s32 $0x400;
	[dreg:$0x19] =	wrdreg s9  }
0x18: {  	s12 =	simm.s32 $0x700;
	s7 =	sadd.s32 s6, s5;
	[dreg:$0x6] =	wrdreg s10  }
0x19: {  	s5 =	sadd.s32 $0x34600, s5;
	s9 =	sshrl.u32 s19, $0x3;
	[dreg:$0xe] =	wrdreg s21  }
0x1a: {  	s0 =	sadd.s32 s6, s0;
	s6 =	sshrl.u32 s11, $0x3;
	[dreg:$0x10] =	wrdreg s23  }
0x1b: {  	s16 =	simm.s32 $0x200;
	s17 =	sadd.s32 s15, s2;
	[dreg:$0x12] =	wrdreg s25  }
0x1c: {  	s18 =	simm.s32 $0x980;
	s19 =	simm.s32 $0x280;
	[dreg:$0x5] =	wrdreg s0  }
0x1d: {  	s1 =	sshrl.u32 s1, $0x3;
	s21 =	simm.s32 $0x5;
	[smem:$0x7FC] =	sst s17  }
0x1e: {  	s23 =	simm.s32 $0x80;
	s25 =	simm.s32 $0x1;
	[dreg:$0xa] =	wrdreg s16  }
0x1f: {  	s8 =	simm.s32 $0x600;
	s10 =	simm.s32 $0x680;
	[dreg:$0xb] =	wrdreg s18  }
0x20: {  	s11 =	simm.s32 $0xE00;
	s9 =	sadd.s32 s5, s9;
	[dreg:$0xc] =	wrdreg s19  }
0x21: {  	s15 =	simm.s32 $0xF00;
	s7 =	sadd.s32 $0x2600, s7;
	[dreg:$0x1a] =	wrdreg s9  }
0x22: {  	s6 =	sadd.s32 s5, s6;
	s1 =	sadd.s32 s5, s1;
	[dreg:$0x4] =	wrdreg s7  }
0x23: {  	s0 =	simm.s32 $0xC80;
	s16 =	simm.s32 $0xF80;
	[smem:$0x7FB] =	sst s6  }
0x24: {  	s17 =	simm.s32 $0x0;
	s9 =	sadd.s32 s5, s22;
	[smem:$0x7FD] =	sst s1  }
0x25: {  	s7 =	sadd.s32 s26, s2;
	s22 =	simm.s32 $0xA80;
	[dreg:$0x1c] =	wrdreg s9  }
0x26: {  	s26 =	simm.s32 $0xB80;
	s1 =	simm.s32 $0x500;
	[dreg:$0x1f] =	wrdreg s7  }
0x27: {  	s6 =	simm.s32 $0x580;
	s9 =	sadd.s32 s5, s24;
	[dreg:$0xf] =	wrdreg s22  }
0x28: {  	s22 =	simm.s32 $0x800;
	s24 =	simm.s32 $0xB00;
	[dreg:$0x13] =	wrdreg s26  }
0x29: {  	s26 =	simm.s32 $0x3;
	s7 =	simm.s32 $0xD00;
	[dreg:$0x1e] =	wrdreg s9  }
0x2a: {  	v0 =	vimm.f32 $0.0e+00;
	[dreg:$0x11] =	wrdreg s24;
	s24 =	simm.s32 $0x5000;
	s9 =	simm.s32 $0xD80  }
.LBB2_1:
0x2b: {  	s5 =	sand.u32 $0xFE00, s3  }
0x2c: {  	[smem:$0x7FA] =	sst s17;
	s19 =	sand.u32 $0x70, s3;
	s5 =	sshrl.u32 s5, $0x2  }
0x2d: {  	s18 =	simm.s32 $0x40;
	s5 =	sor.u32 s19, s5;
	s19 =	simm.s32 $0x0  }
.LBB2_2:
0x2e: {  	p0 =	sne.s32 s18, $0xFFC0  }
0x2f: {  	[tilespmem:s5+$0x1000] =	vst v0;
	s19 =	sadd.s32 $0x10, s19;
	s5 =	smov.u32 s18;
	s18 =	sadd.s32 $0x40, s18  }
.Ltmp0:
0x30: {  	(pc) =	sbr.rel @p0 .LBB2_2-.Ltmp0, $4  }
0x31: {  	_ = 	snop  }
0x32: {  	s5 =	sand.u32 $0xFE00, s5  }
0x33: {  	s17 =	sand.u32 $0x70, s19;
	s5 =	sshrl.u32 s5, $0x2  }
0x34: {  	s5 =	sor.u32 s17, s5  }
0x35: {  	[tilespmem:s5+$0x1000] =	vst v0;
	s17 =	rddreg [dreg:$0x14]  }
0x36: {  	[spmem:s17] =	stream.linear.scatter [tilespmem:s20], [sflag:$0x5], $0x4000, $0x38;
	[tilespmem:$0x1D000] =	vst v63  }
0x37: {  	_ =	swait.ge [sflag:s21], $0x4000  }
0x38: {  	[sflag:s21] =	ssyncset.done $0x0  }
0x39: {  	s18 =	rddreg [dreg:$0x16];
	[sflag:s21] =	ssyncadd.s32 $0xFFFFC000  }
0x3a: {  	[spmem:s18] =	stream.linear.scatter [tilespmem:s20], [sflag:$0x5], $0x4000, $0x38;
	[tilespmem:$0x1D000] =	vst v63  }
0x3b: {  	_ =	swait.ge [sflag:s21], $0x4000  }
0x3c: {  	[sflag:s21] =	ssyncset.done $0x0  }
0x3d: {  	s19 =	rddreg [dreg:$0x17];
	[sflag:s21] =	ssyncadd.s32 $0xFFFFC000  }
0x3e: {  	[spmem:s19] =	stream.linear.scatter [tilespmem:s20], [sflag:$0x5], $0x4000, $0x38;
	[tilespmem:$0x1D000] =	vst v63  }
0x3f: {  	_ =	swait.ge [sflag:s21], $0x4000  }
0x40: {  	[sflag:s21] =	ssyncset.done $0x0  }
0x41: {  	s17 =	rddreg [dreg:$0x18];
	[sflag:s21] =	ssyncadd.s32 $0xFFFFC000  }
0x42: {  	[spmem:s17] =	stream.linear.scatter [tilespmem:s20], [sflag:$0x5], $0x4000, $0x38;
	[tilespmem:$0x1D000] =	vst v63  }
0x43: {  	_ =	swait.ge [sflag:s21], $0x4000  }
0x44: {  	[sflag:s21] =	ssyncset.done $0x0  }
0x45: {  	s18 =	rddreg [dreg:$0x19];
	[sflag:s21] =	ssyncadd.s32 $0xFFFFC000  }
0x46: {  	[spmem:s18] =	stream.linear.scatter [tilespmem:s20], [sflag:$0x5], $0x4000, $0x38;
	[tilespmem:$0x1D000] =	vst v63  }
0x47: {  	_ =	swait.ge [sflag:s21], $0x4000  }
0x48: {  	[sflag:s21] =	ssyncset.done $0x0  }
0x49: {  	[sflag:s21] =	ssyncadd.s32 $0xFFFFC000  }
0x4a: {  	[bflag:$0x0] =	sbarrier.arrive $0xFFFF  }
0x4b: {  	s19 =	rddreg [dreg:$0x5]  }
0x4c: {  	s5 =	sadd.s32 $0x0, s19  }
0x4d: {  	[tilespmem:s3], [sflag:$0x5] =	stream.linear.gather [hbm4b:s5+s3], $0x800, $0x38;
	[tilespmem:$0x1D000] =	vst v63  }
0x4e: {  	_ =	swait.ge [sflag:s21], $0x800  }
0x4f: {  	s17 =	rddreg [dreg:$0x4];
	[sflag:s21] =	ssyncset.done $0x0  }
0x50: {  	[sflag:s21] =	ssyncadd.s32 $0xFFFFF800;
	s5 =	sadd.s32 $0x0, s17  }
0x51: {  	[tilespmem:s22], [sflag:$0x5] =	stream.linear.gather [hbm4b:s5+s3], $0x800, $0x38;
	[tilespmem:$0x1D000] =	vst v63  }
0x52: {  	_ =	swait.ge [sflag:s21], $0x800  }
0x53: {  	[sflag:s21] =	ssyncset.done $0x0  }
0x54: {  	[sflag:s21] =	ssyncadd.s32 $0xFFFFF800  }
0x55: {  	[tilespmem:s20], [sflag:$0x1] =	stream.indirect.gather [hbm4b:s4+s23], $0x80, s3, s23, $0xb8;
	[tilespmem:$0x1D000] =	vst v63  }
0x56: {  	_ = 	snop  }
0x57: {  	[tilespmem:s24], [sflag:$0x2] =	stream.indirect.gather [hbm4b:s4+s23], $0x80, s23, s23, $0xb8;
	[tilespmem:$0x1D000] =	vst v63  }
0x58: {  	_ =	swait.ge [sflag:s25], $0x4000  }
0x59: {  	[sflag:s25] =	ssyncset.done $0x0  }
0x5a: {  	[sflag:s25] =	ssyncadd.s32 $0xFFFFC000  }
0x5b: {  	[spmem:s2] =	stream.indirect.scatter.add.f32 [tilespmem:s20], [sflag:$0x3], $0x80, s22, s23, $0xb8;
	[tilespmem:$0x1D000] =	vst v63  }
0x5c: {  	_ =	swait.ge [sflag:s26], $0x4000  }
0x5d: {  	[sflag:s26] =	ssyncset.done $0x0  }
0x5e: {  	s18 =	rddreg [dreg:$0x6];
	[sflag:s26] =	ssyncadd.s32 $0xFFFFC000  }
0x5f: {  	[tilespmem:s20], [sflag:$0x1] =	stream.indirect.gather [hbm4b:s4+s23], $0x80, s18, s23, $0xb8;
	[tilespmem:$0x1D000] =	vst v63  }
0x60: {  	_ =	swait.ge [sflag:s28], $0x4000  }
0x61: {  	[sflag:s28] =	ssyncset.done $0x0  }
0x62: {  	s19 =	rddreg [dreg:$0x7];
	[sflag:s28] =	ssyncadd.s32 $0xFFFFC000  }
0x63: {  	[spmem:s2] =	stream.indirect.scatter.add.f32 [tilespmem:s24], [sflag:$0x4], $0x80, s19, s23, $0xb8;
	[tilespmem:$0x1D000] =	vst v63  }
0x64: {  	_ =	swait.ge [sflag:s29], $0x4000  }
0x65: {  	[sflag:s29] =	ssyncset.done $0x0  }
0x66: {  	s17 =	rddreg [dreg:$0x8];
	[sflag:s29] =	ssyncadd.s32 $0xFFFFC000  }
0x67: {  	[tilespmem:s24], [sflag:$0x2] =	stream.indirect.gather [hbm4b:s4+s23], $0x80, s17, s23, $0xb8;
	[tilespmem:$0x1D000] =	vst v63  }
0x68: {  	_ =	swait.ge [sflag:s25], $0x4000  }
0x69: {  	[sflag:s25] =	ssyncset.done $0x0  }
0x6a: {  	s18 =	rddreg [dreg:$0x9];
	[sflag:s25] =	ssyncadd.s32 $0xFFFFC000  }
0x6b: {  	[spmem:s2] =	stream.indirect.scatter.add.f32 [tilespmem:s20], [sflag:$0x3], $0x80, s18, s23, $0xb8;
	[tilespmem:$0x1D000] =	vst v63  }
0x6c: {  	_ =	swait.ge [sflag:s26], $0x4000  }
0x6d: {  	[sflag:s26] =	ssyncset.done $0x0  }
0x6e: {  	s19 =	rddreg [dreg:$0xa];
	[sflag:s26] =	ssyncadd.s32 $0xFFFFC000  }
0x6f: {  	[tilespmem:s20], [sflag:$0x1] =	stream.indirect.gather [hbm4b:s4+s23], $0x80, s19, s23, $0xb8;
	[tilespmem:$0x1D000] =	vst v63  }
0x70: {  	_ =	swait.ge [sflag:s28], $0x4000  }
0x71: {  	[sflag:s28] =	ssyncset.done $0x0  }
0x72: {  	s17 =	rddreg [dreg:$0xb];
	[sflag:s28] =	ssyncadd.s32 $0xFFFFC000  }
0x73: {  	[spmem:s2] =	stream.indirect.scatter.add.f32 [tilespmem:s24], [sflag:$0x4], $0x80, s17, s23, $0xb8;
	[tilespmem:$0x1D000] =	vst v63  }
0x74: {  	_ =	swait.ge [sflag:s29], $0x4000  }
0x75: {  	[sflag:s29] =	ssyncset.done $0x0  }
0x76: {  	s18 =	rddreg [dreg:$0xc];
	[sflag:s29] =	ssyncadd.s32 $0xFFFFC000  }
0x77: {  	[tilespmem:s24], [sflag:$0x2] =	stream.indirect.gather [hbm4b:s4+s23], $0x80, s18, s23, $0xb8;
	[tilespmem:$0x1D000] =	vst v63  }
0x78: {  	_ =	swait.ge [sflag:s25], $0x4000  }
0x79: {  	[sflag:s25] =	ssyncset.done $0x0  }
0x7a: {  	s19 =	rddreg [dreg:$0xd];
	[sflag:s25] =	ssyncadd.s32 $0xFFFFC000  }
0x7b: {  	[spmem:s2] =	stream.indirect.scatter.add.f32 [tilespmem:s20], [sflag:$0x3], $0x80, s19, s23, $0xb8;
	[tilespmem:$0x1D000] =	vst v63  }
0x7c: {  	_ =	swait.ge [sflag:s26], $0x4000  }
0x7d: {  	[sflag:s26] =	ssyncset.done $0x0  }
0x7e: {  	s17 =	rddreg [dreg:$0xe];
	[sflag:s26] =	ssyncadd.s32 $0xFFFFC000  }
0x7f: {  	[tilespmem:s20], [sflag:$0x1] =	stream.indirect.gather [hbm4b:s4+s23], $0x80, s17, s23, $0xb8;
	[tilespmem:$0x1D000] =	vst v63  }
0x80: {  	_ =	swait.ge [sflag:s28], $0x4000  }
0x81: {  	[sflag:s28] =	ssyncset.done $0x0  }
0x82: {  	s18 =	rddreg [dreg:$0xf];
	[sflag:s28] =	ssyncadd.s32 $0xFFFFC000  }
0x83: {  	[spmem:s2] =	stream.indirect.scatter.add.f32 [tilespmem:s24], [sflag:$0x4], $0x80, s18, s23, $0xb8;
	[tilespmem:$0x1D000] =	vst v63  }
0x84: {  	_ =	swait.ge [sflag:s29], $0x4000  }
0x85: {  	[sflag:s29] =	ssyncset.done $0x0  }
0x86: {  	s19 =	rddreg [dreg:$0x10];
	[sflag:s29] =	ssyncadd.s32 $0xFFFFC000  }
0x87: {  	[tilespmem:s24], [sflag:$0x2] =	stream.indirect.gather [hbm4b:s4+s23], $0x80, s19, s23, $0xb8;
	[tilespmem:$0x1D000] =	vst v63  }
0x88: {  	_ =	swait.ge [sflag:s25], $0x4000  }
0x89: {  	[sflag:s25] =	ssyncset.done $0x0  }
0x8a: {  	s17 =	rddreg [dreg:$0x11];
	[sflag:s25] =	ssyncadd.s32 $0xFFFFC000  }
0x8b: {  	[spmem:s2] =	stream.indirect.scatter.add.f32 [tilespmem:s20], [sflag:$0x3], $0x80, s17, s23, $0xb8;
	[tilespmem:$0x1D000] =	vst v63  }
0x8c: {  	_ =	swait.ge [sflag:s26], $0x4000  }
0x8d: {  	[sflag:s26] =	ssyncset.done $0x0  }
0x8e: {  	s18 =	rddreg [dreg:$0x12];
	[sflag:s26] =	ssyncadd.s32 $0xFFFFC000  }
0x8f: {  	[tilespmem:s20], [sflag:$0x1] =	stream.indirect.gather [hbm4b:s4+s23], $0x80, s18, s23, $0xb8;
	[tilespmem:$0x1D000] =	vst v63  }
0x90: {  	_ =	swait.ge [sflag:s28], $0x4000  }
0x91: {  	[sflag:s28] =	ssyncset.done $0x0  }
0x92: {  	s19 =	rddreg [dreg:$0x13];
	[sflag:s28] =	ssyncadd.s32 $0xFFFFC000  }
0x93: {  	[spmem:s2] =	stream.indirect.scatter.add.f32 [tilespmem:s24], [sflag:$0x4], $0x80, s19, s23, $0xb8;
	[tilespmem:$0x1D000] =	vst v63  }
0x94: {  	_ =	swait.ge [sflag:s29], $0x4000  }
0x95: {  	[sflag:s29] =	ssyncset.done $0x0  }
0x96: {  	[sflag:s29] =	ssyncadd.s32 $0xFFFFC000  }
0x97: {  	[tilespmem:s24], [sflag:$0x2] =	stream.indirect.gather [hbm4b:s4+s23], $0x80, s30, s23, $0xb8;
	[tilespmem:$0x1D000] =	vst v63  }
0x98: {  	_ =	swait.ge [sflag:s25], $0x4000  }
0x99: {  	[sflag:s25] =	ssyncset.done $0x0  }
0x9a: {  	[sflag:s25] =	ssyncadd.s32 $0xFFFFC000  }
0x9b: {  	[spmem:s2] =	stream.indirect.scatter.add.f32 [tilespmem:s20], [sflag:$0x3], $0x80, s31, s23, $0xb8;
	[tilespmem:$0x1D000] =	vst v63  }
0x9c: {  	_ =	swait.ge [sflag:s26], $0x4000  }
0x9d: {  	[sflag:s26] =	ssyncset.done $0x0  }
0x9e: {  	[sflag:s26] =	ssyncadd.s32 $0xFFFFC000  }
0x9f: {  	[tilespmem:s20], [sflag:$0x1] =	stream.indirect.gather [hbm4b:s4+s23], $0x80, s1, s23, $0xb8;
	[tilespmem:$0x1D000] =	vst v63  }
0xa0: {  	_ =	swait.ge [sflag:s28], $0x4000  }
0xa1: {  	[sflag:s28] =	ssyncset.done $0x0  }
0xa2: {  	[sflag:s28] =	ssyncadd.s32 $0xFFFFC000  }
0xa3: {  	[spmem:s2] =	stream.indirect.scatter.add.f32 [tilespmem:s24], [sflag:$0x4], $0x80, s0, s23, $0xb8;
	[tilespmem:$0x1D000] =	vst v63  }
0xa4: {  	_ =	swait.ge [sflag:s29], $0x4000  }
0xa5: {  	[sflag:s29] =	ssyncset.done $0x0  }
0xa6: {  	[sflag:s29] =	ssyncadd.s32 $0xFFFFC000  }
0xa7: {  	[tilespmem:s24], [sflag:$0x2] =	stream.indirect.gather [hbm4b:s4+s23], $0x80, s6, s23, $0xb8;
	[tilespmem:$0x1D000] =	vst v63  }
0xa8: {  	_ =	swait.ge [sflag:s25], $0x4000  }
0xa9: {  	[sflag:s25] =	ssyncset.done $0x0  }
0xaa: {  	[sflag:s25] =	ssyncadd.s32 $0xFFFFC000  }
0xab: {  	[spmem:s2] =	stream.indirect.scatter.add.f32 [tilespmem:s20], [sflag:$0x3], $0x80, s7, s23, $0xb8;
	[tilespmem:$0x1D000] =	vst v63  }
0xac: {  	_ =	swait.ge [sflag:s26], $0x4000  }
0xad: {  	[sflag:s26] =	ssyncset.done $0x0  }
0xae: {  	[sflag:s26] =	ssyncadd.s32 $0xFFFFC000  }
0xaf: {  	[tilespmem:s20], [sflag:$0x1] =	stream.indirect.gather [hbm4b:s4+s23], $0x80, s8, s23, $0xb8;
	[tilespmem:$0x1D000] =	vst v63  }
0xb0: {  	_ =	swait.ge [sflag:s28], $0x4000  }
0xb1: {  	[sflag:s28] =	ssyncset.done $0x0  }
0xb2: {  	[sflag:s28] =	ssyncadd.s32 $0xFFFFC000  }
0xb3: {  	[spmem:s2] =	stream.indirect.scatter.add.f32 [tilespmem:s24], [sflag:$0x4], $0x80, s9, s23, $0xb8;
	[tilespmem:$0x1D000] =	vst v63  }
0xb4: {  	_ =	swait.ge [sflag:s29], $0x4000  }
0xb5: {  	[sflag:s29] =	ssyncset.done $0x0  }
0xb6: {  	[sflag:s29] =	ssyncadd.s32 $0xFFFFC000  }
0xb7: {  	[tilespmem:s24], [sflag:$0x2] =	stream.indirect.gather [hbm4b:s4+s23], $0x80, s10, s23, $0xb8;
	[tilespmem:$0x1D000] =	vst v63  }
0xb8: {  	_ =	swait.ge [sflag:s25], $0x4000  }
0xb9: {  	[sflag:s25] =	ssyncset.done $0x0  }
0xba: {  	[sflag:s25] =	ssyncadd.s32 $0xFFFFC000  }
0xbb: {  	[spmem:s2] =	stream.indirect.scatter.add.f32 [tilespmem:s20], [sflag:$0x3], $0x80, s11, s23, $0xb8;
	[tilespmem:$0x1D000] =	vst v63  }
0xbc: {  	_ =	swait.ge [sflag:s26], $0x4000  }
0xbd: {  	[sflag:s26] =	ssyncset.done $0x0  }
0xbe: {  	[sflag:s26] =	ssyncadd.s32 $0xFFFFC000  }
0xbf: {  	[tilespmem:s20], [sflag:$0x1] =	stream.indirect.gather [hbm4b:s4+s23], $0x80, s12, s23, $0xb8;
	[tilespmem:$0x1D000] =	vst v63  }
0xc0: {  	_ =	swait.ge [sflag:s28], $0x4000  }
0xc1: {  	[sflag:s28] =	ssyncset.done $0x0  }
0xc2: {  	[sflag:s28] =	ssyncadd.s32 $0xFFFFC000  }
0xc3: {  	[spmem:s2] =	stream.indirect.scatter.add.f32 [tilespmem:s24], [sflag:$0x4], $0x80, s13, s23, $0xb8;
	[tilespmem:$0x1D000] =	vst v63  }
0xc4: {  	_ =	swait.ge [sflag:s29], $0x4000  }
0xc5: {  	[sflag:s29] =	ssyncset.done $0x0  }
0xc6: {  	[sflag:s29] =	ssyncadd.s32 $0xFFFFC000  }
0xc7: {  	[tilespmem:s24], [sflag:$0x2] =	stream.indirect.gather [hbm4b:s4+s23], $0x80, s14, s23, $0xb8;
	[tilespmem:$0x1D000] =	vst v63  }
0xc8: {  	_ =	swait.ge [sflag:s25], $0x4000  }
0xc9: {  	[sflag:s25] =	ssyncset.done $0x0  }
0xca: {  	[sflag:s25] =	ssyncadd.s32 $0xFFFFC000  }
0xcb: {  	[spmem:s2] =	stream.indirect.scatter.add.f32 [tilespmem:s20], [sflag:$0x3], $0x80, s15, s23, $0xb8;
	[tilespmem:$0x1D000] =	vst v63  }
0xcc: {  	_ =	swait.ge [sflag:s28], $0x4000  }
0xcd: {  	[sflag:s28] =	ssyncset.done $0x0  }
0xce: {  	[sflag:s28] =	ssyncadd.s32 $0xFFFFC000  }
0xcf: {  	[spmem:s2] =	stream.indirect.scatter.add.f32 [tilespmem:s24], [sflag:$0x4], $0x80, s16, s23, $0xb8;
	[tilespmem:$0x1D000] =	vst v63  }
0xd0: {  	_ =	swait.ge [sflag:s26], $0x4000  }
0xd1: {  	[sflag:s26] =	ssyncset.done $0x0  }
0xd2: {  	[sflag:s26] =	ssyncadd.s32 $0xFFFFC000  }
0xd3: {  	s18 =	simm.s32 $0x100;
	_ =	swait.ge [sflag:s29], $0x4000  }
0xd4: {  	s19 =	simm.s32 $0x200;
	s5 =	rddreg [dreg:$0x5];
	[sflag:s29] =	ssyncset.done $0x0  }
.LBB2_4:
0xd5: {  	[sflag:s29] =	ssyncadd.s32 $0xFFFFC000;
	s5 =	sadd.s32 s18, s5  }
0xd6: {  	[tilespmem:s3], [sflag:$0x5] =	stream.linear.gather [hbm4b:s5+s3], $0x800, $0x38;
	[tilespmem:$0x1D000] =	vst v63  }
0xd7: {  	_ =	swait.ge [sflag:s21], $0x800  }
0xd8: {  	s5 =	rddreg [dreg:$0x4];
	[sflag:s21] =	ssyncset.done $0x0  }
0xd9: {  	[sflag:s21] =	ssyncadd.s32 $0xFFFFF800;
	s5 =	sadd.s32 s18, s5  }
0xda: {  	[tilespmem:s22], [sflag:$0x5] =	stream.linear.gather [hbm4b:s5+s3], $0x800, $0x38;
	[tilespmem:$0x1D000] =	vst v63  }
0xdb: {  	_ =	swait.ge [sflag:s21], $0x800  }
0xdc: {  	[sflag:s21] =	ssyncset.done $0x0  }
0xdd: {  	[sflag:s21] =	ssyncadd.s32 $0xFFFFF800  }
0xde: {  	[tilespmem:s20], [sflag:$0x1] =	stream.indirect.gather [hbm4b:s4+s23], $0x80, s3, s23, $0xb8;
	[tilespmem:$0x1D000] =	vst v63  }
0xdf: {  	_ = 	snop  }
0xe0: {  	[tilespmem:s24], [sflag:$0x2] =	stream.indirect.gather [hbm4b:s4+s23], $0x80, s23, s23, $0xb8;
	[tilespmem:$0x1D000] =	vst v63  }
0xe1: {  	_ =	swait.ge [sflag:s25], $0x4000  }
0xe2: {  	[sflag:s25] =	ssyncset.done $0x0  }
0xe3: {  	[sflag:s25] =	ssyncadd.s32 $0xFFFFC000  }
0xe4: {  	[spmem:s2] =	stream.indirect.scatter.add.f32 [tilespmem:s20], [sflag:$0x3], $0x80, s22, s23, $0xb8;
	[tilespmem:$0x1D000] =	vst v63  }
0xe5: {  	_ =	swait.ge [sflag:s26], $0x4000  }
0xe6: {  	s17 =	smov.u32 s19;
	[sflag:s26] =	ssyncset.done $0x0  }
0xe7: {  	s18 =	smov.u32 s17;
	s17 =	rddreg [dreg:$0x6];
	[sflag:s26] =	ssyncadd.s32 $0xFFFFC000  }
0xe8: {  	[tilespmem:s20], [sflag:$0x1] =	stream.indirect.gather [hbm4b:s4+s23], $0x80, s17, s23, $0xb8;
	[tilespmem:$0x1D000] =	vst v63  }
0xe9: {  	_ =	swait.ge [sflag:s28], $0x4000  }
0xea: {  	[sflag:s28] =	ssyncset.done $0x0  }
0xeb: {  	s17 =	rddreg [dreg:$0x7];
	[sflag:s28] =	ssyncadd.s32 $0xFFFFC000  }
0xec: {  	[spmem:s2] =	stream.indirect.scatter.add.f32 [tilespmem:s24], [sflag:$0x4], $0x80, s17, s23, $0xb8;
	[tilespmem:$0x1D000] =	vst v63  }
0xed: {  	_ =	swait.ge [sflag:s29], $0x4000  }
0xee: {  	[sflag:s29] =	ssyncset.done $0x0  }
0xef: {  	s17 =	rddreg [dreg:$0x8];
	[sflag:s29] =	ssyncadd.s32 $0xFFFFC000  }
0xf0: {  	[tilespmem:s24], [sflag:$0x2] =	stream.indirect.gather [hbm4b:s4+s23], $0x80, s17, s23, $0xb8;
	[tilespmem:$0x1D000] =	vst v63  }
0xf1: {  	_ =	swait.ge [sflag:s25], $0x4000  }
0xf2: {  	[sflag:s25] =	ssyncset.done $0x0  }
0xf3: {  	s17 =	rddreg [dreg:$0x9];
	[sflag:s25] =	ssyncadd.s32 $0xFFFFC000  }
0xf4: {  	[spmem:s2] =	stream.indirect.scatter.add.f32 [tilespmem:s20], [sflag:$0x3], $0x80, s17, s23, $0xb8;
	[tilespmem:$0x1D000] =	vst v63  }
0xf5: {  	_ =	swait.ge [sflag:s26], $0x4000  }
0xf6: {  	[sflag:s26] =	ssyncset.done $0x0  }
0xf7: {  	s17 =	rddreg [dreg:$0xa];
	[sflag:s26] =	ssyncadd.s32 $0xFFFFC000  }
0xf8: {  	[tilespmem:s20], [sflag:$0x1] =	stream.indirect.gather [hbm4b:s4+s23], $0x80, s17, s23, $0xb8;
	[tilespmem:$0x1D000] =	vst v63  }
0xf9: {  	_ =	swait.ge [sflag:s28], $0x4000  }
0xfa: {  	[sflag:s28] =	ssyncset.done $0x0  }
0xfb: {  	s17 =	rddreg [dreg:$0xb];
	[sflag:s28] =	ssyncadd.s32 $0xFFFFC000  }
0xfc: {  	[spmem:s2] =	stream.indirect.scatter.add.f32 [tilespmem:s24], [sflag:$0x4], $0x80, s17, s23, $0xb8;
	[tilespmem:$0x1D000] =	vst v63  }
0xfd: {  	_ =	swait.ge [sflag:s29], $0x4000  }
0xfe: {  	[sflag:s29] =	ssyncset.done $0x0  }
0xff: {  	s17 =	rddreg [dreg:$0xc];
	[sflag:s29] =	ssyncadd.s32 $0xFFFFC000  }
0x100: {  	[tilespmem:s24], [sflag:$0x2] =	stream.indirect.gather [hbm4b:s4+s23], $0x80, s17, s23, $0xb8;
	[tilespmem:$0x1D000] =	vst v63  }
0x101: {  	_ =	swait.ge [sflag:s25], $0x4000  }
0x102: {  	[sflag:s25] =	ssyncset.done $0x0  }
0x103: {  	s17 =	rddreg [dreg:$0xd];
	[sflag:s25] =	ssyncadd.s32 $0xFFFFC000  }
0x104: {  	[spmem:s2] =	stream.indirect.scatter.add.f32 [tilespmem:s20], [sflag:$0x3], $0x80, s17, s23, $0xb8;
	[tilespmem:$0x1D000] =	vst v63  }
0x105: {  	_ =	swait.ge [sflag:s26], $0x4000  }
0x106: {  	[sflag:s26] =	ssyncset.done $0x0  }
0x107: {  	s17 =	rddreg [dreg:$0xe];
	[sflag:s26] =	ssyncadd.s32 $0xFFFFC000  }
0x108: {  	[tilespmem:s20], [sflag:$0x1] =	stream.indirect.gather [hbm4b:s4+s23], $0x80, s17, s23, $0xb8;
	[tilespmem:$0x1D000] =	vst v63  }
0x109: {  	_ =	swait.ge [sflag:s28], $0x4000  }
0x10a: {  	[sflag:s28] =	ssyncset.done $0x0  }
0x10b: {  	s17 =	rddreg [dreg:$0xf];
	[sflag:s28] =	ssyncadd.s32 $0xFFFFC000  }
0x10c: {  	[spmem:s2] =	stream.indirect.scatter.add.f32 [tilespmem:s24], [sflag:$0x4], $0x80, s17, s23, $0xb8;
	[tilespmem:$0x1D000] =	vst v63  }
0x10d: {  	_ =	swait.ge [sflag:s29], $0x4000  }
0x10e: {  	[sflag:s29] =	ssyncset.done $0x0  }
0x10f: {  	s17 =	rddreg [dreg:$0x10];
	[sflag:s29] =	ssyncadd.s32 $0xFFFFC000  }
0x110: {  	[tilespmem:s24], [sflag:$0x2] =	stream.indirect.gather [hbm4b:s4+s23], $0x80, s17, s23, $0xb8;
	[tilespmem:$0x1D000] =	vst v63  }
0x111: {  	_ =	swait.ge [sflag:s25], $0x4000  }
0x112: {  	[sflag:s25] =	ssyncset.done $0x0  }
0x113: {  	s17 =	rddreg [dreg:$0x11];
	[sflag:s25] =	ssyncadd.s32 $0xFFFFC000  }
0x114: {  	[spmem:s2] =	stream.indirect.scatter.add.f32 [tilespmem:s20], [sflag:$0x3], $0x80, s17, s23, $0xb8;
	[tilespmem:$0x1D000] =	vst v63  }
0x115: {  	_ =	swait.ge [sflag:s26], $0x4000  }
0x116: {  	[sflag:s26] =	ssyncset.done $0x0  }
0x117: {  	s17 =	rddreg [dreg:$0x12];
	[sflag:s26] =	ssyncadd.s32 $0xFFFFC000  }
0x118: {  	[tilespmem:s20], [sflag:$0x1] =	stream.indirect.gather [hbm4b:s4+s23], $0x80, s17, s23, $0xb8;
	[tilespmem:$0x1D000] =	vst v63  }
0x119: {  	_ =	swait.ge [sflag:s28], $0x4000  }
0x11a: {  	[sflag:s28] =	ssyncset.done $0x0  }
0x11b: {  	s17 =	rddreg [dreg:$0x13];
	[sflag:s28] =	ssyncadd.s32 $0xFFFFC000  }
0x11c: {  	[spmem:s2] =	stream.indirect.scatter.add.f32 [tilespmem:s24], [sflag:$0x4], $0x80, s17, s23, $0xb8;
	[tilespmem:$0x1D000] =	vst v63  }
0x11d: {  	_ =	swait.ge [sflag:s29], $0x4000  }
0x11e: {  	[sflag:s29] =	ssyncset.done $0x0  }
0x11f: {  	[sflag:s29] =	ssyncadd.s32 $0xFFFFC000  }
0x120: {  	[tilespmem:s24], [sflag:$0x2] =	stream.indirect.gather [hbm4b:s4+s23], $0x80, s30, s23, $0xb8;
	[tilespmem:$0x1D000] =	vst v63  }
0x121: {  	_ =	swait.ge [sflag:s25], $0x4000  }
0x122: {  	[sflag:s25] =	ssyncset.done $0x0  }
0x123: {  	[sflag:s25] =	ssyncadd.s32 $0xFFFFC000  }
0x124: {  	[spmem:s2] =	stream.indirect.scatter.add.f32 [tilespmem:s20], [sflag:$0x3], $0x80, s31, s23, $0xb8;
	[tilespmem:$0x1D000] =	vst v63  }
0x125: {  	_ =	swait.ge [sflag:s26], $0x4000  }
0x126: {  	[sflag:s26] =	ssyncset.done $0x0  }
0x127: {  	[sflag:s26] =	ssyncadd.s32 $0xFFFFC000  }
0x128: {  	[tilespmem:s20], [sflag:$0x1] =	stream.indirect.gather [hbm4b:s4+s23], $0x80, s1, s23, $0xb8;
	[tilespmem:$0x1D000] =	vst v63  }
0x129: {  	_ =	swait.ge [sflag:s28], $0x4000  }
0x12a: {  	[sflag:s28] =	ssyncset.done $0x0  }
0x12b: {  	[sflag:s28] =	ssyncadd.s32 $0xFFFFC000  }
0x12c: {  	[spmem:s2] =	stream.indirect.scatter.add.f32 [tilespmem:s24], [sflag:$0x4], $0x80, s0, s23, $0xb8;
	[tilespmem:$0x1D000] =	vst v63  }
0x12d: {  	_ =	swait.ge [sflag:s29], $0x4000  }
0x12e: {  	[sflag:s29] =	ssyncset.done $0x0  }
0x12f: {  	[sflag:s29] =	ssyncadd.s32 $0xFFFFC000  }
0x130: {  	[tilespmem:s24], [sflag:$0x2] =	stream.indirect.gather [hbm4b:s4+s23], $0x80, s6, s23, $0xb8;
	[tilespmem:$0x1D000] =	vst v63  }
0x131: {  	_ =	swait.ge [sflag:s25], $0x4000  }
0x132: {  	[sflag:s25] =	ssyncset.done $0x0  }
0x133: {  	[sflag:s25] =	ssyncadd.s32 $0xFFFFC000  }
0x134: {  	[spmem:s2] =	stream.indirect.scatter.add.f32 [tilespmem:s20], [sflag:$0x3], $0x80, s7, s23, $0xb8;
	[tilespmem:$0x1D000] =	vst v63  }
0x135: {  	_ =	swait.ge [sflag:s26], $0x4000  }
0x136: {  	[sflag:s26] =	ssyncset.done $0x0  }
0x137: {  	[sflag:s26] =	ssyncadd.s32 $0xFFFFC000  }
0x138: {  	[tilespmem:s20], [sflag:$0x1] =	stream.indirect.gather [hbm4b:s4+s23], $0x80, s8, s23, $0xb8;
	[tilespmem:$0x1D000] =	vst v63  }
0x139: {  	_ =	swait.ge [sflag:s28], $0x4000  }
0x13a: {  	[sflag:s28] =	ssyncset.done $0x0  }
0x13b: {  	[sflag:s28] =	ssyncadd.s32 $0xFFFFC000  }
0x13c: {  	[spmem:s2] =	stream.indirect.scatter.add.f32 [tilespmem:s24], [sflag:$0x4], $0x80, s9, s23, $0xb8;
	[tilespmem:$0x1D000] =	vst v63  }
0x13d: {  	_ =	swait.ge [sflag:s29], $0x4000  }
0x13e: {  	[sflag:s29] =	ssyncset.done $0x0  }
0x13f: {  	[sflag:s29] =	ssyncadd.s32 $0xFFFFC000  }
0x140: {  	[tilespmem:s24], [sflag:$0x2] =	stream.indirect.gather [hbm4b:s4+s23], $0x80, s10, s23, $0xb8;
	[tilespmem:$0x1D000] =	vst v63  }
0x141: {  	_ =	swait.ge [sflag:s25], $0x4000  }
0x142: {  	[sflag:s25] =	ssyncset.done $0x0  }
0x143: {  	[sflag:s25] =	ssyncadd.s32 $0xFFFFC000  }
0x144: {  	[spmem:s2] =	stream.indirect.scatter.add.f32 [tilespmem:s20], [sflag:$0x3], $0x80, s11, s23, $0xb8;
	[tilespmem:$0x1D000] =	vst v63  }
0x145: {  	_ =	swait.ge [sflag:s26], $0x4000  }
0x146: {  	[sflag:s26] =	ssyncset.done $0x0  }
0x147: {  	[sflag:s26] =	ssyncadd.s32 $0xFFFFC000  }
0x148: {  	[tilespmem:s20], [sflag:$0x1] =	stream.indirect.gather [hbm4b:s4+s23], $0x80, s12, s23, $0xb8;
	[tilespmem:$0x1D000] =	vst v63  }
0x149: {  	_ =	swait.ge [sflag:s28], $0x4000  }
0x14a: {  	[sflag:s28] =	ssyncset.done $0x0  }
0x14b: {  	[sflag:s28] =	ssyncadd.s32 $0xFFFFC000  }
0x14c: {  	[spmem:s2] =	stream.indirect.scatter.add.f32 [tilespmem:s24], [sflag:$0x4], $0x80, s13, s23, $0xb8;
	[tilespmem:$0x1D000] =	vst v63  }
0x14d: {  	_ =	swait.ge [sflag:s29], $0x4000  }
0x14e: {  	[sflag:s29] =	ssyncset.done $0x0  }
0x14f: {  	[sflag:s29] =	ssyncadd.s32 $0xFFFFC000  }
0x150: {  	[tilespmem:s24], [sflag:$0x2] =	stream.indirect.gather [hbm4b:s4+s23], $0x80, s14, s23, $0xb8;
	[tilespmem:$0x1D000] =	vst v63  }
0x151: {  	_ =	swait.ge [sflag:s25], $0x4000  }
0x152: {  	[sflag:s25] =	ssyncset.done $0x0  }
0x153: {  	[sflag:s25] =	ssyncadd.s32 $0xFFFFC000  }
0x154: {  	[spmem:s2] =	stream.indirect.scatter.add.f32 [tilespmem:s20], [sflag:$0x3], $0x80, s15, s23, $0xb8;
	[tilespmem:$0x1D000] =	vst v63  }
0x155: {  	_ =	swait.ge [sflag:s28], $0x4000  }
0x156: {  	[sflag:s28] =	ssyncset.done $0x0  }
0x157: {  	p0 =	sne.s32 s19, $0x400;
	[sflag:s28] =	ssyncadd.s32 $0xFFFFC000  }
0x158: {  	[spmem:s2] =	stream.indirect.scatter.add.f32 [tilespmem:s24], [sflag:$0x4], $0x80, s16, s23, $0xb8;
	[tilespmem:$0x1D000] =	vst v63  }
.Ltmp1:
0x159: {  	_ =	swait.ge [sflag:s26], $0x4000;
	(pc) =	sbr.rel @p0 .LBB2_4-.Ltmp1, $4  }
0x15a: {  	[sflag:s26] =	ssyncset.done $0x0  }
0x15b: {  	[sflag:s26] =	ssyncadd.s32 $0xFFFFC000  }
0x15c: {  	_ =	swait.ge [sflag:s29], $0x4000  }
0x15d: {  	s19 =	sadd.s32 $0x100, s19;
	s5 =	rddreg [dreg:$0x5];
	[sflag:s29] =	ssyncset.done $0x0  }
0x15e: {  	[sflag:s29] =	ssyncadd.s32 $0xFFFFC000;
	s5 =	sadd.s32 s18, s5  }
0x15f: {  	[tilespmem:s3], [sflag:$0x5] =	stream.linear.gather [hbm4b:s5+s3], $0x800, $0x38;
	[tilespmem:$0x1D000] =	vst v63  }
0x160: {  	_ =	swait.ge [sflag:s21], $0x800  }
0x161: {  	s17 =	rddreg [dreg:$0x4];
	[sflag:s21] =	ssyncset.done $0x0  }
0x162: {  	s5 =	sadd.s32 s18, s17;
	[sflag:s21] =	ssyncadd.s32 $0xFFFFF800  }
0x163: {  	[tilespmem:s22], [sflag:$0x5] =	stream.linear.gather [hbm4b:s5+s3], $0x800, $0x38;
	[tilespmem:$0x1D000] =	vst v63  }
0x164: {  	_ =	swait.ge [sflag:s21], $0x800  }
0x165: {  	[sflag:s21] =	ssyncset.done $0x0  }
0x166: {  	[sflag:s21] =	ssyncadd.s32 $0xFFFFF800  }
0x167: {  	[tilespmem:s20], [sflag:$0x1] =	stream.indirect.gather [hbm4b:s4+s23], $0x80, s3, s23, $0xb8;
	[tilespmem:$0x1D000] =	vst v63  }
0x168: {  	_ = 	snop  }
0x169: {  	[tilespmem:s24], [sflag:$0x2] =	stream.indirect.gather [hbm4b:s4+s23], $0x80, s23, s23, $0xb8;
	[tilespmem:$0x1D000] =	vst v63  }
0x16a: {  	_ =	swait.ge [sflag:s25], $0x4000  }
0x16b: {  	[sflag:s25] =	ssyncset.done $0x0  }
0x16c: {  	[sflag:s25] =	ssyncadd.s32 $0xFFFFC000  }
0x16d: {  	[spmem:s2] =	stream.indirect.scatter.add.f32 [tilespmem:s20], [sflag:$0x3], $0x80, s22, s23, $0xb8;
	[tilespmem:$0x1D000] =	vst v63  }
0x16e: {  	_ =	swait.ge [sflag:s26], $0x4000  }
0x16f: {  	[sflag:s26] =	ssyncset.done $0x0  }
0x170: {  	s19 =	rddreg [dreg:$0x6];
	[sflag:s26] =	ssyncadd.s32 $0xFFFFC000  }
0x171: {  	[tilespmem:s20], [sflag:$0x1] =	stream.indirect.gather [hbm4b:s4+s23], $0x80, s19, s23, $0xb8;
	[tilespmem:$0x1D000] =	vst v63  }
0x172: {  	_ =	swait.ge [sflag:s28], $0x4000  }
0x173: {  	[sflag:s28] =	ssyncset.done $0x0  }
0x174: {  	s17 =	rddreg [dreg:$0x7];
	[sflag:s28] =	ssyncadd.s32 $0xFFFFC000  }
0x175: {  	[spmem:s2] =	stream.indirect.scatter.add.f32 [tilespmem:s24], [sflag:$0x4], $0x80, s17, s23, $0xb8;
	[tilespmem:$0x1D000] =	vst v63  }
0x176: {  	_ =	swait.ge [sflag:s29], $0x4000  }
0x177: {  	[sflag:s29] =	ssyncset.done $0x0  }
0x178: {  	s18 =	rddreg [dreg:$0x8];
	[sflag:s29] =	ssyncadd.s32 $0xFFFFC000  }
0x179: {  	[tilespmem:s24], [sflag:$0x2] =	stream.indirect.gather [hbm4b:s4+s23], $0x80, s18, s23, $0xb8;
	[tilespmem:$0x1D000] =	vst v63  }
0x17a: {  	_ =	swait.ge [sflag:s25], $0x4000  }
0x17b: {  	[sflag:s25] =	ssyncset.done $0x0  }
0x17c: {  	s19 =	rddreg [dreg:$0x9];
	[sflag:s25] =	ssyncadd.s32 $0xFFFFC000  }
0x17d: {  	[spmem:s2] =	stream.indirect.scatter.add.f32 [tilespmem:s20], [sflag:$0x3], $0x80, s19, s23, $0xb8;
	[tilespmem:$0x1D000] =	vst v63  }
0x17e: {  	_ =	swait.ge [sflag:s26], $0x4000  }
0x17f: {  	[sflag:s26] =	ssyncset.done $0x0  }
0x180: {  	s17 =	rddreg [dreg:$0xa];
	[sflag:s26] =	ssyncadd.s32 $0xFFFFC000  }
0x181: {  	[tilespmem:s20], [sflag:$0x1] =	stream.indirect.gather [hbm4b:s4+s23], $0x80, s17, s23, $0xb8;
	[tilespmem:$0x1D000] =	vst v63  }
0x182: {  	_ =	swait.ge [sflag:s28], $0x4000  }
0x183: {  	[sflag:s28] =	ssyncset.done $0x0  }
0x184: {  	s18 =	rddreg [dreg:$0xb];
	[sflag:s28] =	ssyncadd.s32 $0xFFFFC000  }
0x185: {  	[spmem:s2] =	stream.indirect.scatter.add.f32 [tilespmem:s24], [sflag:$0x4], $0x80, s18, s23, $0xb8;
	[tilespmem:$0x1D000] =	vst v63  }
0x186: {  	_ =	swait.ge [sflag:s29], $0x4000  }
0x187: {  	[sflag:s29] =	ssyncset.done $0x0  }
0x188: {  	s19 =	rddreg [dreg:$0xc];
	[sflag:s29] =	ssyncadd.s32 $0xFFFFC000  }
0x189: {  	[tilespmem:s24], [sflag:$0x2] =	stream.indirect.gather [hbm4b:s4+s23], $0x80, s19, s23, $0xb8;
	[tilespmem:$0x1D000] =	vst v63  }
0x18a: {  	_ =	swait.ge [sflag:s25], $0x4000  }
0x18b: {  	[sflag:s25] =	ssyncset.done $0x0  }
0x18c: {  	s17 =	rddreg [dreg:$0xd];
	[sflag:s25] =	ssyncadd.s32 $0xFFFFC000  }
0x18d: {  	[spmem:s2] =	stream.indirect.scatter.add.f32 [tilespmem:s20], [sflag:$0x3], $0x80, s17, s23, $0xb8;
	[tilespmem:$0x1D000] =	vst v63  }
0x18e: {  	_ =	swait.ge [sflag:s26], $0x4000  }
0x18f: {  	[sflag:s26] =	ssyncset.done $0x0  }
0x190: {  	s18 =	rddreg [dreg:$0xe];
	[sflag:s26] =	ssyncadd.s32 $0xFFFFC000  }
0x191: {  	[tilespmem:s20], [sflag:$0x1] =	stream.indirect.gather [hbm4b:s4+s23], $0x80, s18, s23, $0xb8;
	[tilespmem:$0x1D000] =	vst v63  }
0x192: {  	_ =	swait.ge [sflag:s28], $0x4000  }
0x193: {  	[sflag:s28] =	ssyncset.done $0x0  }
0x194: {  	s19 =	rddreg [dreg:$0xf];
	[sflag:s28] =	ssyncadd.s32 $0xFFFFC000  }
0x195: {  	[spmem:s2] =	stream.indirect.scatter.add.f32 [tilespmem:s24], [sflag:$0x4], $0x80, s19, s23, $0xb8;
	[tilespmem:$0x1D000] =	vst v63  }
0x196: {  	_ =	swait.ge [sflag:s29], $0x4000  }
0x197: {  	[sflag:s29] =	ssyncset.done $0x0  }
0x198: {  	s17 =	rddreg [dreg:$0x10];
	[sflag:s29] =	ssyncadd.s32 $0xFFFFC000  }
0x199: {  	[tilespmem:s24], [sflag:$0x2] =	stream.indirect.gather [hbm4b:s4+s23], $0x80, s17, s23, $0xb8;
	[tilespmem:$0x1D000] =	vst v63  }
0x19a: {  	_ =	swait.ge [sflag:s25], $0x4000  }
0x19b: {  	[sflag:s25] =	ssyncset.done $0x0  }
0x19c: {  	s18 =	rddreg [dreg:$0x11];
	[sflag:s25] =	ssyncadd.s32 $0xFFFFC000  }
0x19d: {  	[spmem:s2] =	stream.indirect.scatter.add.f32 [tilespmem:s20], [sflag:$0x3], $0x80, s18, s23, $0xb8;
	[tilespmem:$0x1D000] =	vst v63  }
0x19e: {  	_ =	swait.ge [sflag:s26], $0x4000  }
0x19f: {  	[sflag:s26] =	ssyncset.done $0x0  }
0x1a0: {  	s19 =	rddreg [dreg:$0x12];
	[sflag:s26] =	ssyncadd.s32 $0xFFFFC000  }
0x1a1: {  	[tilespmem:s20], [sflag:$0x1] =	stream.indirect.gather [hbm4b:s4+s23], $0x80, s19, s23, $0xb8;
	[tilespmem:$0x1D000] =	vst v63  }
0x1a2: {  	_ =	swait.ge [sflag:s28], $0x4000  }
0x1a3: {  	[sflag:s28] =	ssyncset.done $0x0  }
0x1a4: {  	s17 =	rddreg [dreg:$0x13];
	[sflag:s28] =	ssyncadd.s32 $0xFFFFC000  }
0x1a5: {  	[spmem:s2] =	stream.indirect.scatter.add.f32 [tilespmem:s24], [sflag:$0x4], $0x80, s17, s23, $0xb8;
	[tilespmem:$0x1D000] =	vst v63  }
0x1a6: {  	_ =	swait.ge [sflag:s29], $0x4000  }
0x1a7: {  	[sflag:s29] =	ssyncset.done $0x0  }
0x1a8: {  	[sflag:s29] =	ssyncadd.s32 $0xFFFFC000  }
0x1a9: {  	[tilespmem:s24], [sflag:$0x2] =	stream.indirect.gather [hbm4b:s4+s23], $0x80, s30, s23, $0xb8;
	[tilespmem:$0x1D000] =	vst v63  }
0x1aa: {  	_ =	swait.ge [sflag:s25], $0x4000  }
0x1ab: {  	[sflag:s25] =	ssyncset.done $0x0  }
0x1ac: {  	[sflag:s25] =	ssyncadd.s32 $0xFFFFC000  }
0x1ad: {  	[spmem:s2] =	stream.indirect.scatter.add.f32 [tilespmem:s20], [sflag:$0x3], $0x80, s31, s23, $0xb8;
	[tilespmem:$0x1D000] =	vst v63  }
0x1ae: {  	_ =	swait.ge [sflag:s26], $0x4000  }
0x1af: {  	[sflag:s26] =	ssyncset.done $0x0  }
0x1b0: {  	[sflag:s26] =	ssyncadd.s32 $0xFFFFC000  }
0x1b1: {  	[tilespmem:s20], [sflag:$0x1] =	stream.indirect.gather [hbm4b:s4+s23], $0x80, s1, s23, $0xb8;
	[tilespmem:$0x1D000] =	vst v63  }
0x1b2: {  	_ =	swait.ge [sflag:s28], $0x4000  }
0x1b3: {  	[sflag:s28] =	ssyncset.done $0x0  }
0x1b4: {  	[sflag:s28] =	ssyncadd.s32 $0xFFFFC000  }
0x1b5: {  	[spmem:s2] =	stream.indirect.scatter.add.f32 [tilespmem:s24], [sflag:$0x4], $0x80, s0, s23, $0xb8;
	[tilespmem:$0x1D000] =	vst v63  }
0x1b6: {  	_ =	swait.ge [sflag:s29], $0x4000  }
0x1b7: {  	[sflag:s29] =	ssyncset.done $0x0  }
0x1b8: {  	[sflag:s29] =	ssyncadd.s32 $0xFFFFC000  }
0x1b9: {  	[tilespmem:s24], [sflag:$0x2] =	stream.indirect.gather [hbm4b:s4+s23], $0x80, s6, s23, $0xb8;
	[tilespmem:$0x1D000] =	vst v63  }
0x1ba: {  	_ =	swait.ge [sflag:s25], $0x4000  }
0x1bb: {  	[sflag:s25] =	ssyncset.done $0x0  }
0x1bc: {  	[sflag:s25] =	ssyncadd.s32 $0xFFFFC000  }
0x1bd: {  	[spmem:s2] =	stream.indirect.scatter.add.f32 [tilespmem:s20], [sflag:$0x3], $0x80, s7, s23, $0xb8;
	[tilespmem:$0x1D000] =	vst v63  }
0x1be: {  	_ =	swait.ge [sflag:s26], $0x4000  }
0x1bf: {  	[sflag:s26] =	ssyncset.done $0x0  }
0x1c0: {  	[sflag:s26] =	ssyncadd.s32 $0xFFFFC000  }
0x1c1: {  	[tilespmem:s20], [sflag:$0x1] =	stream.indirect.gather [hbm4b:s4+s23], $0x80, s8, s23, $0xb8;
	[tilespmem:$0x1D000] =	vst v63  }
0x1c2: {  	_ =	swait.ge [sflag:s28], $0x4000  }
0x1c3: {  	[sflag:s28] =	ssyncset.done $0x0  }
0x1c4: {  	[sflag:s28] =	ssyncadd.s32 $0xFFFFC000  }
0x1c5: {  	[spmem:s2] =	stream.indirect.scatter.add.f32 [tilespmem:s24], [sflag:$0x4], $0x80, s9, s23, $0xb8;
	[tilespmem:$0x1D000] =	vst v63  }
0x1c6: {  	_ =	swait.ge [sflag:s29], $0x4000  }
0x1c7: {  	[sflag:s29] =	ssyncset.done $0x0  }
0x1c8: {  	[sflag:s29] =	ssyncadd.s32 $0xFFFFC000  }
0x1c9: {  	[tilespmem:s24], [sflag:$0x2] =	stream.indirect.gather [hbm4b:s4+s23], $0x80, s10, s23, $0xb8;
	[tilespmem:$0x1D000] =	vst v63  }
0x1ca: {  	_ =	swait.ge [sflag:s25], $0x4000  }
0x1cb: {  	[sflag:s25] =	ssyncset.done $0x0  }
0x1cc: {  	[sflag:s25] =	ssyncadd.s32 $0xFFFFC000  }
0x1cd: {  	[spmem:s2] =	stream.indirect.scatter.add.f32 [tilespmem:s20], [sflag:$0x3], $0x80, s11, s23, $0xb8;
	[tilespmem:$0x1D000] =	vst v63  }
0x1ce: {  	_ =	swait.ge [sflag:s26], $0x4000  }
0x1cf: {  	[sflag:s26] =	ssyncset.done $0x0  }
0x1d0: {  	[sflag:s26] =	ssyncadd.s32 $0xFFFFC000  }
0x1d1: {  	[tilespmem:s20], [sflag:$0x1] =	stream.indirect.gather [hbm4b:s4+s23], $0x80, s12, s23, $0xb8;
	[tilespmem:$0x1D000] =	vst v63  }
0x1d2: {  	_ =	swait.ge [sflag:s28], $0x4000  }
0x1d3: {  	[sflag:s28] =	ssyncset.done $0x0  }
0x1d4: {  	[sflag:s28] =	ssyncadd.s32 $0xFFFFC000  }
0x1d5: {  	[spmem:s2] =	stream.indirect.scatter.add.f32 [tilespmem:s24], [sflag:$0x4], $0x80, s13, s23, $0xb8;
	[tilespmem:$0x1D000] =	vst v63  }
0x1d6: {  	_ =	swait.ge [sflag:s29], $0x4000  }
0x1d7: {  	[sflag:s29] =	ssyncset.done $0x0  }
0x1d8: {  	[sflag:s29] =	ssyncadd.s32 $0xFFFFC000  }
0x1d9: {  	[tilespmem:s24], [sflag:$0x2] =	stream.indirect.gather [hbm4b:s4+s23], $0x80, s14, s23, $0xb8;
	[tilespmem:$0x1D000] =	vst v63  }
0x1da: {  	_ =	swait.ge [sflag:s25], $0x4000  }
0x1db: {  	[sflag:s25] =	ssyncset.done $0x0  }
0x1dc: {  	[sflag:s25] =	ssyncadd.s32 $0xFFFFC000  }
0x1dd: {  	[spmem:s2] =	stream.indirect.scatter.add.f32 [tilespmem:s20], [sflag:$0x3], $0x80, s15, s23, $0xb8;
	[tilespmem:$0x1D000] =	vst v63  }
0x1de: {  	_ =	swait.ge [sflag:s28], $0x4000  }
0x1df: {  	[sflag:s28] =	ssyncset.done $0x0  }
0x1e0: {  	[sflag:s28] =	ssyncadd.s32 $0xFFFFC000  }
0x1e1: {  	[spmem:s2] =	stream.indirect.scatter.add.f32 [tilespmem:s24], [sflag:$0x4], $0x80, s16, s23, $0xb8;
	[tilespmem:$0x1D000] =	vst v63  }
0x1e2: {  	_ =	swait.ge [sflag:s26], $0x4000  }
0x1e3: {  	[sflag:s26] =	ssyncset.done $0x0  }
0x1e4: {  	[sflag:s26] =	ssyncadd.s32 $0xFFFFC000  }
0x1e5: {  	_ =	swait.ge [sflag:s29], $0x4000  }
0x1e6: {  	[sflag:s29] =	ssyncset.done $0x0  }
0x1e7: {  	[sflag:s29] =	ssyncadd.s32 $0xFFFFC000  }
0x1e8: {  	[bflag:$0x0] =	sbarrier.arrive $0xFFFF  }
0x1e9: {  	s18 =	rddreg [dreg:$0x14]  }
0x1ea: {  	[tilespmem:s20], [sflag:$0x5] =	stream.linear.gather [spmem:s18], $0x4000, $0x38;
	[tilespmem:$0x1D000] =	vst v63  }
0x1eb: {  	_ =	swait.ge [sflag:s21], $0x4000  }
0x1ec: {  	[sflag:s21] =	ssyncset.done $0x0  }
0x1ed: {  	s19 =	rddreg [dreg:$0x1a];
	[sflag:s21] =	ssyncadd.s32 $0xFFFFC000  }
0x1ee: {  	[hbm4b:s19+s3] =	stream.linear.scatter [tilespmem:s20], [sflag:$0x5], $0x4000, $0x38;
	[tilespmem:$0x1D000] =	vst v63  }
0x1ef: {  	_ =	swait.ge [sflag:s21], $0x4000  }
0x1f0: {  	[sflag:s21] =	ssyncset.done $0x0  }
0x1f1: {  	s17 =	rddreg [dreg:$0x1b];
	[sflag:s21] =	ssyncadd.s32 $0xFFFFC000  }
0x1f2: {  	[tilespmem:s20], [sflag:$0x5] =	stream.linear.gather [spmem:s17], $0x4000, $0x38;
	[tilespmem:$0x1D000] =	vst v63  }
0x1f3: {  	_ =	swait.ge [sflag:s21], $0x4000  }
0x1f4: {  	[sflag:s21] =	ssyncset.done $0x0  }
0x1f5: {  	s18 =	rddreg [dreg:$0x1c];
	[sflag:s21] =	ssyncadd.s32 $0xFFFFC000  }
0x1f6: {  	[hbm4b:s18+s3] =	stream.linear.scatter [tilespmem:s20], [sflag:$0x5], $0x4000, $0x38;
	[tilespmem:$0x1D000] =	vst v63  }
0x1f7: {  	_ =	swait.ge [sflag:s21], $0x4000  }
0x1f8: {  	[sflag:s21] =	ssyncset.done $0x0  }
0x1f9: {  	s19 =	rddreg [dreg:$0x1d];
	[sflag:s21] =	ssyncadd.s32 $0xFFFFC000  }
0x1fa: {  	[tilespmem:s20], [sflag:$0x5] =	stream.linear.gather [spmem:s19], $0x4000, $0x38;
	[tilespmem:$0x1D000] =	vst v63  }
0x1fb: {  	_ =	swait.ge [sflag:s21], $0x4000  }
0x1fc: {  	[sflag:s21] =	ssyncset.done $0x0  }
0x1fd: {  	s17 =	rddreg [dreg:$0x1e];
	[sflag:s21] =	ssyncadd.s32 $0xFFFFC000  }
0x1fe: {  	[hbm4b:s17+s3] =	stream.linear.scatter [tilespmem:s20], [sflag:$0x5], $0x4000, $0x38;
	[tilespmem:$0x1D000] =	vst v63  }
0x1ff: {  	_ =	swait.ge [sflag:s21], $0x4000  }
0x200: {  	[sflag:s21] =	ssyncset.done $0x0  }
0x201: {  	s18 =	rddreg [dreg:$0x1f];
	[sflag:s21] =	ssyncadd.s32 $0xFFFFC000  }
0x202: {  	[tilespmem:s20], [sflag:$0x5] =	stream.linear.gather [spmem:s18], $0x4000, $0x38;
	[tilespmem:$0x1D000] =	vst v63  }
0x203: {  	_ =	swait.ge [sflag:s21], $0x4000  }
0x204: {  	s19 =	sld [smem:$0x7FB]  }
0x205: {  	[sflag:s21] =	ssyncset.done $0x0  }
0x206: {  	[sflag:s21] =	ssyncadd.s32 $0xFFFFC000  }
0x207: {  	[hbm4b:s19+s3] =	stream.linear.scatter [tilespmem:s20], [sflag:$0x5], $0x4000, $0x38;
	[tilespmem:$0x1D000] =	vst v63  }
0x208: {  	_ =	swait.ge [sflag:s21], $0x4000  }
0x209: {  	s17 =	sld [smem:$0x7FC]  }
0x20a: {  	[sflag:s21] =	ssyncset.done $0x0  }
0x20b: {  	[sflag:s21] =	ssyncadd.s32 $0xFFFFC000  }
0x20c: {  	[tilespmem:s20], [sflag:$0x5] =	stream.linear.gather [spmem:s17], $0x4000, $0x38;
	[tilespmem:$0x1D000] =	vst v63  }
0x20d: {  	_ =	swait.ge [sflag:s21], $0x4000  }
0x20e: {  	s18 =	sld [smem:$0x7FD]  }
0x20f: {  	[sflag:s21] =	ssyncset.done $0x0  }
0x210: {  	[sflag:s21] =	ssyncadd.s32 $0xFFFFC000  }
0x211: {  	[hbm4b:s18+s3] =	stream.linear.scatter [tilespmem:s20], [sflag:$0x5], $0x4000, $0x38;
	[tilespmem:$0x1D000] =	vst v63  }
0x212: {  	_ =	swait.ge [sflag:s21], $0x4000  }
0x213: {  	s17 =	sld [smem:$0x7FA];
	_ =	sdelay $0x2  }
0x214: {  	s19 =	rddreg [dreg:$0x15];
	s17 =	sadd.s32 $0x1, s17  }
0x215: {  	p0 =	sne.s32 s17, s19  }
.Ltmp2:
0x216: {  	_ = 	snop;
	(pc) =	sbr.rel @p0 .LBB2_1-.Ltmp2, $3  }
0x217: {  	_ =	sdelay $0x1  }
0x218: {  	[sflag:s21] =	ssyncset.done $0x0  }
0x219: {  	[sflag:s21] =	ssyncadd.s32 $0xFFFFC000  }
0x21a: {  	_ =	sfence.sel $0x180000  }
0x21b: {  	[bflag:$0x0] =	sbarrier.arrive $0xFFFF  }
0x21c: {  	_ =	strace $0x9000004D  }
0x21d: {  	s0 =	stileid.u32;
	[bflag:$0x2] =	sbarrier.arrive $0xFFFF  }
0x21e: {  	p0 =	sne.s32 s0, $0x0;
	s0 =	rddreg [dreg:$0x3]  }
0x21f: {  	s0 =	sadd.s32 @!p0 $0x100000, s0  }
0x220: {  	[sflag:s0] =	ssyncadd.tile.s32 @!p0 $0x1;
	_ =	shalt  }
.Lfunc_end2:
_tile_overlayer_lowered:
.L_overlay_start_2:
0x221: {  	(tag) =	ssettag $0x2  }
0x222: {  	s0 =	rddreg [dreg:$0x0];
	s2 =	stileid.u32  }
0x223: {  	s1 =	rddreg [dreg:$0x1];
	p0 =	sne.s32 s2, $0x0  }
0x224: {  	s3 =	rddreg [dreg:$0x2];
	[bflag:$0x3] =	sbarrier.arrive $0xFFFF;
	s2 =	simm.s32 @!p0 $0x1C05  }
0x225: {  	[timem:s3], [sflag:s2] =	dma.local @!p0 [hbm:s0], s1  }
0x226: {  	s0 =	simm.s32 @!p0 $0x5  }
0x227: {  	_ =	swait.ge @!p0 [sflag:s0], s1  }
0x228: {  	s1 =	ssub.s32 @!p0 $0x0, s1;
	[sflag:s0] =	ssyncset.done @!p0 $0x0  }
0x229: {  	[sflag:s0] =	ssyncadd.s32 @!p0 s1  }
0x22a: {  	[bflag:$0x3] =	sbarrier.arrive $0xFFFF  }
0x22b: {  	_ =	shalt  }

// kernel: kernel.8.cloned.1.call-start
scs
__scs_entry_jumppad:
0x0: {  	(pc) =	sbr.rel $0x88, $3  }
0x1: {  	(tag) =	ssettag $0x0;
	lr =	simm.s32 $0x1  }
0x2: {  	[smem:$0x3F9B] =	sst lr;
	_ =	strace $0xD0000000  }
0x3: {  	_ = 	snop  }
0x4: {  	_ = 	snop  }
0x5: {  	_ = 	snop  }
0x6: {  	_ = 	snop  }
0x7: {  	_ = 	snop  }
__scs_overlays_trampoline_lowered:
0x8: {  	[smem:$0x3FAA] =	sst s0  }
0x9: {  	[smem:$0x3FAB] =	sst s1  }
0xa: {  	[smem:$0x3FAC] =	sst s2  }
0xb: {  	[smem:$0x3FAD] =	sst s3  }
0xc: {  	[smem:$0x3FAE] =	sst s4  }
0xd: {  	[smem:$0x3FAF] =	sst s5  }
0xe: {  	[smem:$0x3FB0] =	sst s6  }
0xf: {  	[smem:$0x3FB1] =	sst s7  }
0x10: {  	[smem:$0x3FB2] =	sst s8  }
0x11: {  	[smem:$0x3FB3] =	sst s9;
	s0 =	simm.s32 @!p0 $0x0  }
0x12: {  	s1 =	sld [smem:$0x3F99];
	s0 =	simm.s32 @p0 $0x1  }
0x13: {  	[smem:$0x3FB4] =	sst s0;
	s0 =	simm.s32 @!p1 $0x0  }
0x14: {  	s2 =	sld [smem:$0x3F98];
	s0 =	simm.s32 @p1 $0x1  }
0x15: {  	[smem:$0x3FB5] =	sst s0;
	s0 =	simm.s32 @!p2 $0x0  }
0x16: {  	s3 =	sld [smem:$0x3FDB];
	s0 =	simm.s32 @p2 $0x1  }
0x17: {  	s4 =	simm.s32 $0x1BF5;
	[smem:$0x3FB7] =	sst s0  }
0x18: {  	s0 =	sld [smem:$0x3F9A];
	_ =	swait.ge [sflag:s4], $0x0  }
0x19: {  	s7 =	sld [smem:$0x3F9B]  }
0x1a: {  	s8 =	sadd.s32 $0xFFFFE003, lr  }
0x1b: {  	s9 =	sadd.s32 $0xFFFFFEF7, lr;
	s5 =	simm.s32 $0xFFFFFFFF;
	p2 =	slt.u32 s8, $0xFFFFF086  }
0x1c: {  	p1 =	slt.u32 s9, $0xF7A;
	s5 =	simm.s32 @!p2 $0x0  }
0x1d: {  	s5 =	simm.s32 @p1 $0x1;
	p0 =	seq.s32 s7, s2  }
0x1e: {  	s7 =	smul.u32 @!p0 $0xF7A, s2;
	p2 =	seq.s32 @!p0 s5, $0x0  }
0x1f: {  	s9 =	smul.u32 $0xF7A, s1;
	s8 =	simm.s32 @!p0 $0x1BF5;
	p2 =	por !p2, p0  }
0x20: {  	[sflag:s8] =	ssyncset.s32 @!p0 $0xFFFFF086;
	s6 =	sadd.s32 @!p0 s3, s7;
	s7 =	simm.s32 @!p0 $0x108  }
0x21: {  	s3 =	sadd.s32 s3, s9;
	s6 =	sadd.s32 @!p0 $0x88, s6;
	s7 =	simm.s32 @p2 $0x1082  }
0x22: {  	[simem:s7], [sflag:s8] =	dma.local @!p0 [hbm:s6], $0xF7A  }
0x23: {  	s9 =	sor.u32 $0xD0000000, s2;
	s6 =	simm.s32 $0x108;
	_ =	swait.ge @!p0 [sflag:s8], $0x0  }
0x24: {  	s3 =	sadd.s32 $0x88, s3;
	s6 =	simm.s32 @!p1 $0x1082;
	[sflag:s4] =	ssyncset.s32 $0xFFFFF086  }
0x25: {  	[simem:s6], [sflag:s4] =	dma.local [hbm:s3], $0xF7A  }
0x26: {  	[smem:$0x3F9B] =	sst s1;
	(tag) =	ssettag s2;
	_ =	strace s9  }
0x27: {  	s1 =	sld [smem:$0x3FAB]  }
0x28: {  	s2 =	sld [smem:$0x3FAC]  }
0x29: {  	s4 =	sld [smem:$0x3FAE]  }
0x2a: {  	p0 =	seq.s32 s5, $0x0;
	s5 =	sld [smem:$0x3FAF]  }
0x2b: {  	s6 =	sld [smem:$0x3FB0]  }
0x2c: {  	s7 =	sld [smem:$0x3FB1]  }
0x2d: {  	s3 =	simm.s32 $0x108;
	s8 =	sld [smem:$0x3FB2]  }
0x2e: {  	s3 =	simm.s32 @!p0 $0x1082;
	s9 =	sld [smem:$0x3FB3]  }
0x2f: {  	lr =	sadd.s32 s0, s3;
	s0 =	sld [smem:$0x3FAA]  }
0x30: {  	s3 =	sld [smem:$0x3FAD]  }
0x31: {  	[smem:$0x3FB6] =	sst s10  }
0x32: {  	s10 =	sld [smem:$0x3FB4];
	_ =	sdelay $0x3  }
0x33: {  	p0 =	seq.s32 s10, $0x1;
	s10 =	sld [smem:$0x3FB6];
	_ =	sdelay $0x3  }
0x34: {  	[smem:$0x3FB6] =	sst s10  }
0x35: {  	s10 =	sld [smem:$0x3FB5];
	_ =	sdelay $0x3  }
0x36: {  	p1 =	seq.s32 s10, $0x1;
	s10 =	sld [smem:$0x3FB6];
	_ =	sdelay $0x3  }
0x37: {  	[smem:$0x3FB6] =	sst s10  }
0x38: {  	s10 =	sld [smem:$0x3FB7]  }
0x39: {  	_ = 	snop;
	(pc) =	sbr.ind lr, $3  }
0x3a: {  	_ = 	snop  }
0x3b: {  	_ = 	snop  }
0x3c: {  	p2 =	seq.s32 s10, $0x1;
	s10 =	sld [smem:$0x3FB6]  }
0x3d: {  	_ =	shalt  }
0x3e: {  	_ =	shalt  }
0x3f: {  	_ =	shalt  }
0x40: {  	_ =	shalt  }
0x41: {  	_ =	shalt  }
0x42: {  	_ =	shalt  }
0x43: {  	_ =	shalt  }
0x44: {  	_ =	shalt  }
0x45: {  	_ =	shalt  }
0x46: {  	_ =	shalt  }
0x47: {  	_ =	shalt  }
0x48: {  	_ =	shalt  }
0x49: {  	_ =	shalt  }
0x4a: {  	_ =	shalt  }
0x4b: {  	_ =	shalt  }
0x4c: {  	_ =	shalt  }
0x4d: {  	_ =	shalt  }
0x4e: {  	_ =	shalt  }
0x4f: {  	_ =	shalt  }
0x50: {  	_ =	shalt  }
0x51: {  	_ =	shalt  }
0x52: {  	_ =	shalt  }
0x53: {  	_ =	shalt  }
0x54: {  	_ =	shalt  }
0x55: {  	_ =	shalt  }
0x56: {  	_ =	shalt  }
0x57: {  	_ =	shalt  }
0x58: {  	_ =	shalt  }
0x59: {  	_ =	shalt  }
0x5a: {  	_ =	shalt  }
0x5b: {  	_ =	shalt  }
0x5c: {  	_ =	shalt  }
0x5d: {  	_ =	shalt  }
0x5e: {  	_ =	shalt  }
0x5f: {  	_ =	shalt  }
0x60: {  	_ =	shalt  }
0x61: {  	_ =	shalt  }
0x62: {  	_ =	shalt  }
0x63: {  	_ =	shalt  }
0x64: {  	_ =	shalt  }
0x65: {  	_ =	shalt  }
0x66: {  	_ =	shalt  }
0x67: {  	_ =	shalt  }
0x68: {  	_ =	shalt  }
0x69: {  	_ =	shalt  }
0x6a: {  	_ =	shalt  }
0x6b: {  	_ =	shalt  }
0x6c: {  	_ =	shalt  }
0x6d: {  	_ =	shalt  }
0x6e: {  	_ =	shalt  }
0x6f: {  	_ =	shalt  }
0x70: {  	_ =	shalt  }
0x71: {  	_ =	shalt  }
0x72: {  	_ =	shalt  }
0x73: {  	_ =	shalt  }
0x74: {  	_ =	shalt  }
0x75: {  	_ =	shalt  }
0x76: {  	_ =	shalt  }
0x77: {  	_ =	shalt  }
0x78: {  	_ =	shalt  }
0x79: {  	_ =	shalt  }
0x7a: {  	_ =	shalt  }
0x7b: {  	_ =	shalt  }
0x7c: {  	_ =	shalt  }
0x7d: {  	_ =	shalt  }
0x7e: {  	_ =	shalt  }
0x7f: {  	_ =	shalt  }
0x80: {  	_ =	shalt  }
0x81: {  	_ =	shalt  }
0x82: {  	_ =	shalt  }
0x83: {  	_ =	shalt  }
0x84: {  	_ =	shalt  }
0x85: {  	_ =	shalt  }
0x86: {  	_ =	shalt  }
0x87: {  	_ =	shalt  }
.Lfunc_end0:
.L_simem_size_0:
called_computation_lowered:
.L_overlay_start_0:
0x88: {  	s2 =	sld [smem:$0x3FD9]  }
0x89: {  	s3 =	sld [smem:$0x3FFE];
	_ =	sdelay $0x1  }
0x8a: {  	s1 =	srdreg.scid  }
0x8b: {  	s0 =	sand.u32 $0x1, s1  }
0x8c: {  	s16 =	sshll.u32 s0, $0xA;
	s2 =	sadd.s32 s3, s2  }
0x8d: {  	s2 =	sadd.s32 s2, s16  }
0x8e: {  	[smem:$0x3FC2] =	sst s2  }
0x8f: {  	_ = 	snop  }
0x90: {  	(tm) =	ssettm $0x1  }
0x91: {  	s17 =	sld [smem:$0x3FFB];
	_ =	sdelay $0x3  }
0x92: {  	_ =	strace s17  }
0x93: {  	s2 =	sld [smem:$0x3FFC];
	_ =	sdelay $0x3  }
0x94: {  	_ =	strace s2  }
0x95: {  	s2 =	sld [smem:$0x3FFD];
	_ =	sdelay $0x3  }
0x96: {  	_ =	strace s2  }
0x97: {  	_ =	strace $0x8FFFFFFF  }
0x98: {  	s18 =	sld [smem:$0x3FDB];
	_ =	sdelay $0x1  }
0x99: {  	s19 =	simm.s32 $_scs_section_size  }
0x9a: {  	s4 =	simm.s32 $_size__tile_overlayer_lowered;
	s5 =	simm.s32 $_tile_overlayer_lowered  }
0x9b: {  	s22 =	simm.s32 $0x1BFF;
	s21 =	sshll.u32 s5, $0x1;
	s2 =	sadd.s32 s19, s18  }
0x9c: {  	s6 =	simm.s32 $0x0;
	s20 =	sshll.u32 s4, $0x1;
	s4 =	sadd.s32 s21, s2  }
0x9d: {  	[timem:s6], [sflag:s22] =	dma.local [hbm:s4], s20  }
0x9e: {  	_ =	swait.ge [sflag:s22], s20  }
0x9f: {  	s3 =	ssub.s32 $0x0, s20;
	[sflag:s22] =	ssyncset.done $0x0  }
0xa0: {  	[sflag:s22] =	ssyncadd.s32 s3;
	_ =	sdelay $0x1  }
0xa1: {  	s23 =	simm.s32 $0x1B8B  }
0xa2: {  	_ =	swait.ge [sflag:s23], $0x1  }
0xa3: {  	[sflag:s23] =	ssyncset.done $0x0  }
0xa4: {  	s25 =	simm.s32 $0x1B8E;
	s24 =	sld [smem:$0x3FFE];
	[sflag:s23] =	ssyncadd.s32 $0xFFFFFFFF  }
0xa5: {  	s26 =	simm.s32 $execute0_lowered;
	[smem:$0x3FD2] =	sst s25  }
0xa6: {  	s4 =	sshll.u32 s26, $0x1;
	_ =	strace $0x80000046;
	[dreg:$0x1] =	wrdreg $0xFFFFFFFF  }
0xa7: {  	s28 =	simm.s32 $_size_execute0_lowered;
	s2 =	sadd.s32 s2, s4;
	[dreg:$0x0] =	wrdreg $0x0  }
0xa8: {  	s4 =	sshll.u32 s28, $0x1;
	[dreg:$0x2] =	wrdreg s2  }
0xa9: {  	[dreg:$0x3] =	wrdreg s4  }
0xaa: {  	[dreg:$0x4] =	wrdreg $0xC0  }
0xab: {  	_ =	task [dreg:s6], $0x5FFFF  }
0xac: {  	[dreg:$0x1] =	wrdreg $0xFFFFFFFF  }
0xad: {  	[dreg:$0x0] =	wrdreg $0x60  }
0xae: {  	[dreg:$0x2] =	wrdreg s24  }
0xaf: {  	[dreg:$0x3] =	wrdreg $0x48000  }
0xb0: {  	[dreg:$0x4] =	wrdreg $0x9  }
0xb1: {  	_ =	task.clear_ibuf [dreg:s6], $0x5FFFF;
	_ =	strace $0x90000046  }
0xb2: {  	s29 =	simm.s32 $0x9;
	_ =	strace $0x80000048  }
0xb3: {  	_ =	swait.ge [sflag:s29], $0x1  }
0xb4: {  	[sflag:s29] =	ssyncadd.s32 $0xFFFFFFFF  }
0xb5: {  	_ =	strace $0x90000048  }
0xb6: {  	_ =	sfence  }
0xb7: {  	s30 =	sld [smem:$0x0];
	_ =	sdelay $0x2  }
0xb8: {  	s31 =	sshll.u32 s1, $0xD;
	s1 =	sshrl.u32 s1, $0x2  }
0xb9: {  	s3 =	sand.u32 $0x4000, s31;
	s1 =	sadd.s32 s1, s30  }
0xba: {  	s0 =	sor.u32 s3, s0;
	s1 =	sshll.u32 s1, $0x11  }
0xbb: {  	s0 =	sor.u32 s1, s0  }
0xbc: {  	s0 =	sadd.s32 $0x8F2B, s0  }
0xbd: {  	[sflag:s0] =	ssyncadd.remote.s32 $0x1  }
0xbe: {  	_ =	sfence.sel $0xFFFF  }
0xbf: {  	[dreg:$0x0] =	wrdreg $0xFFFFFFFF;
	(pc) =	sbr.abs _section_cstart, $3  }
0xc0: {  	[dreg:$0x1] =	wrdreg $0xFFFFFFFF  }
0xc1: {  	_ =	task.clear_ibuf [dreg:s6], $0x2FFFF;
	_ =	strace $0x9FFFFFFF  }
0xc2: {  	(tm) =	ssettm $0x7FFFFFFF  }
0xc3: {  	_ =	shalt  }
tec
execute0_lowered:
.L_overlay_start_1:
0x0: {  	(tag) =	ssettag $0x1  }
0x1: {  	s0 =	srdreg.scid  }
0x2: {  	s8 =	stileid.u32;
	s5 =	rddreg [dreg:$0x0]  }
0x3: {  	s2 =	rddreg [dreg:$0x1];
	s3 =	simm.s32 $0x0;
	s4 =	smul.u32 $0x2800, s8  }
0x4: {  	s28 =	simm.s32 $0x300;
	s29 =	simm.s32 $0x380;
	s15 =	smul.u32 $0x50000, s8  }
0x5: {  	s30 =	simm.s32 $0x400;
	s0 =	sand.u32 $0x1, s0;
	s16 =	smul.u32 $0x14000, s8  }
0x6: {  	s31 =	simm.s32 $0x480;
	[smem:$0x7FF] =	sst s3;
	s1 =	smul.u32 $0x28000, s0  }
0x7: {  	_ =	strace $0x80000047;
	s6 =	ssub.s32 $0x2, s0;
	s0 =	smul.u32 $0x140000, s0  }
0x8: {  	s7 =	sshrl.u32 s6, $0x1;
	s8 =	sadd.s32 $0x4000, s16;
	s22 =	sadd.s32 $0x8000, s16  }
0x9: {  	s24 =	sadd.s32 $0xC000, s16;
	s1 =	sadd.s32 s4, s1;
	s4 =	sshrl.u32 s15, $0x2  }
0xa: {  	s6 =	ssub.s32 s6, s7;
	s19 =	sadd.s32 s0, s16;
	s20 =	sadd.s32 s0, s8  }
0xb: {  	s8 =	sadd.s32 s8, s2;
	s23 =	sadd.s32 s22, s2;
	s25 =	sadd.s32 s0, s24  }
0xc: {  	s7 =	sadd.s32 $0x10000, s16;
	s15 =	sadd.s32 s24, s2;
	s24 =	simm.s32 $0x180  }
0xd: {  	s1 =	sshrl.u32 s1, $0x3;
	s4 =	sadd.s32 s4, s2;
	[dreg:$0x9] =	wrdreg s8  }
0xe: {  	s6 =	smax.u32 s6, $0x1;
	s21 =	sshrl.u32 s20, $0x3;
	[dreg:$0xb] =	wrdreg s23  }
0xf: {  	s26 =	sshrl.u32 s25, $0x3;
	s20 =	simm.s32 $0x800;
	s23 =	simm.s32 $0x100  }
0x10: {  	s25 =	simm.s32 $0x200;
	[dreg:$0x3] =	wrdreg s6;
	s17 =	sadd.s32 $0x4000, s4  }
0x11: {  	s1 =	sadd.s32 s1, s5;
	s18 =	sadd.s32 $0x8000, s4;
	[dreg:$0x4] =	wrdreg s17  }
0x12: {  	s5 =	sadd.s32 $0xC600, s5;
	s9 =	sadd.s32 $0xC000, s4;
	[dreg:$0x5] =	wrdreg s18  }
0x13: {  	s6 =	sshrl.u32 s19, $0x3;
	s10 =	sadd.s32 $0x10000, s4;
	[dreg:$0x6] =	wrdreg s9  }
0x14: {  	s8 =	simm.s32 $0x780;
	[dreg:$0x7] =	wrdreg s10;
	s6 =	sadd.s32 s5, s6  }
0x15: {  	s16 =	sadd.s32 s5, s26;
	s17 =	sadd.s32 s7, s2;
	s19 =	sadd.s32 $0x2600, s1  }
0x16: {  	s26 =	simm.s32 $0x280;
	s1 =	simm.s32 $0x500;
	s9 =	simm.s32 $0x0  }
0x17: {  	[dreg:$0x8] =	wrdreg s6;
	s6 =	sadd.s32 s5, s21;
	s21 =	simm.s32 $0x1  }
0x18: {  	[dreg:$0xa] =	wrdreg s6;
	s6 =	sadd.s32 s0, s22;
	s0 =	sadd.s32 s0, s7  }
0x19: {  	s22 =	simm.s32 $0x80;
	s6 =	sshrl.u32 s6, $0x3;
	s0 =	sshrl.u32 s0, $0x3  }
0x1a: {  	s7 =	simm.s32 $0x700;
	s14 =	sadd.s32 s5, s6;
	s18 =	sadd.s32 s5, s0  }
0x1b: {  	v0 =	vimm.f32 $0.0e+00;
	v1 =	vimm.f32 $1.000000000e+00;
	s0 =	simm.s32 $0x580;
	s5 =	simm.s32 $0x600;
	s6 =	simm.s32 $0x680  }
.LBB2_1:
0x1c: {  	s10 =	sand.u32 $0xFE00, s3  }
0x1d: {  	s11 =	sand.u32 $0x70, s3;
	s12 =	sshrl.u32 s10, $0x2  }
0x1e: {  	s10 =	simm.s32 $0x40;
	s12 =	sor.u32 s11, s12;
	s11 =	simm.s32 $0x0  }
.LBB2_2:
0x1f: {  	p0 =	sne.s32 s10, $0xFFC0  }
0x20: {  	[tilespmem:s12+$0x800] =	vst v0;
	s11 =	sadd.s32 $0x10, s11;
	s12 =	smov.u32 s10;
	s10 =	sadd.s32 $0x40, s10  }
.Ltmp0:
0x21: {  	(pc) =	sbr.rel @p0 .LBB2_2-.Ltmp0, $4  }
0x22: {  	_ = 	snop  }
0x23: {  	s12 =	sand.u32 $0xFE00, s12  }
0x24: {  	s13 =	sand.u32 $0x70, s11;
	s12 =	sshrl.u32 s12, $0x2  }
0x25: {  	s12 =	sor.u32 s13, s12  }
0x26: {  	[tilespmem:s12+$0x800] =	vst v0  }
0x27: {  	[spmem:s4] =	stream.linear.scatter [tilespmem:s20], [sflag:$0x1], $0x4000, $0x38;
	[tilespmem:$0x18800] =	vst v63  }
0x28: {  	_ =	swait.ge [sflag:s21], $0x4000  }
0x29: {  	[sflag:s21] =	ssyncset.done $0x0  }
0x2a: {  	s10 =	rddreg [dreg:$0x4];
	[sflag:s21] =	ssyncadd.s32 $0xFFFFC000  }
0x2b: {  	[spmem:s10] =	stream.linear.scatter [tilespmem:s20], [sflag:$0x1], $0x4000, $0x38;
	[tilespmem:$0x18800] =	vst v63  }
0x2c: {  	_ =	swait.ge [sflag:s21], $0x4000  }
0x2d: {  	[sflag:s21] =	ssyncset.done $0x0  }
0x2e: {  	s11 =	rddreg [dreg:$0x5];
	[sflag:s21] =	ssyncadd.s32 $0xFFFFC000  }
0x2f: {  	[spmem:s11] =	stream.linear.scatter [tilespmem:s20], [sflag:$0x1], $0x4000, $0x38;
	[tilespmem:$0x18800] =	vst v63  }
0x30: {  	_ =	swait.ge [sflag:s21], $0x4000  }
0x31: {  	[sflag:s21] =	ssyncset.done $0x0  }
0x32: {  	s12 =	rddreg [dreg:$0x6];
	[sflag:s21] =	ssyncadd.s32 $0xFFFFC000  }
0x33: {  	[spmem:s12] =	stream.linear.scatter [tilespmem:s20], [sflag:$0x1], $0x4000, $0x38;
	[tilespmem:$0x18800] =	vst v63  }
0x34: {  	_ =	swait.ge [sflag:s21], $0x4000  }
0x35: {  	[sflag:s21] =	ssyncset.done $0x0  }
0x36: {  	s10 =	simm.s32 $0x0;
	s13 =	rddreg [dreg:$0x7];
	[sflag:s21] =	ssyncadd.s32 $0xFFFFC000  }
0x37: {  	[spmem:s13] =	stream.linear.scatter [tilespmem:s20], [sflag:$0x1], $0x4000, $0x38;
	[tilespmem:$0x18800] =	vst v63  }
0x38: {  	s11 =	sand.u32 $0xFE00, s10;
	_ =	swait.ge [sflag:s21], $0x4000  }
0x39: {  	s12 =	sand.u32 $0x70, s10;
	s13 =	sshrl.u32 s11, $0x2;
	[sflag:s21] =	ssyncset.done $0x0  }
0x3a: {  	s11 =	simm.s32 $0x40;
	s12 =	sor.u32 s12, s13;
	[sflag:s21] =	ssyncadd.s32 $0xFFFFC000  }
.LBB2_4:
0x3b: {  	p0 =	sne.s32 s11, $0xFFC0  }
0x3c: {  	[tilespmem:s12+$0x800] =	vst v1;
	s10 =	sadd.s32 $0x10, s10;
	s12 =	smov.u32 s11;
	s11 =	sadd.s32 $0x40, s11  }
.Ltmp1:
0x3d: {  	(pc) =	sbr.rel @p0 .LBB2_4-.Ltmp1, $4  }
0x3e: {  	_ = 	snop  }
0x3f: {  	s12 =	sand.u32 $0xFE00, s12  }
0x40: {  	s13 =	sand.u32 $0x70, s10;
	s12 =	sshrl.u32 s12, $0x2  }
0x41: {  	s12 =	sor.u32 s13, s12  }
0x42: {  	[tilespmem:s12+$0x800] =	vst v1  }
0x43: {  	s10 =	sadd.s32 $0x0, s19;
	[bflag:$0x0] =	sbarrier.arrive $0xFFFF  }
0x44: {  	[tilespmem:s3], [sflag:$0x1] =	stream.linear.gather [hbm4b:s10+s3], $0x800, $0x38;
	[tilespmem:$0x18800] =	vst v63  }
0x45: {  	_ =	swait.ge [sflag:s21], $0x800  }
0x46: {  	[sflag:s21] =	ssyncset.done $0x0  }
0x47: {  	[sflag:s21] =	ssyncadd.s32 $0xFFFFF800  }
0x48: {  	[spmem:s2] =	stream.indirect.scatter.add.f32 [tilespmem:s20], [sflag:$0x1], $0x80, s3, s22, $0xb8;
	[tilespmem:$0x18800] =	vst v63  }
0x49: {  	_ =	swait.ge [sflag:s21], $0x4000  }
0x4a: {  	[sflag:s21] =	ssyncset.done $0x0  }
0x4b: {  	[sflag:s21] =	ssyncadd.s32 $0xFFFFC000  }
0x4c: {  	[spmem:s2] =	stream.indirect.scatter.add.f32 [tilespmem:s20], [sflag:$0x1], $0x80, s22, s22, $0xb8;
	[tilespmem:$0x18800] =	vst v63  }
0x4d: {  	_ =	swait.ge [sflag:s21], $0x4000  }
0x4e: {  	[sflag:s21] =	ssyncset.done $0x0  }
0x4f: {  	[sflag:s21] =	ssyncadd.s32 $0xFFFFC000  }
0x50: {  	[spmem:s2] =	stream.indirect.scatter.add.f32 [tilespmem:s20], [sflag:$0x1], $0x80, s23, s22, $0xb8;
	[tilespmem:$0x18800] =	vst v63  }
0x51: {  	_ =	swait.ge [sflag:s21], $0x4000  }
0x52: {  	[sflag:s21] =	ssyncset.done $0x0  }
0x53: {  	[sflag:s21] =	ssyncadd.s32 $0xFFFFC000  }
0x54: {  	[spmem:s2] =	stream.indirect.scatter.add.f32 [tilespmem:s20], [sflag:$0x1], $0x80, s24, s22, $0xb8;
	[tilespmem:$0x18800] =	vst v63  }
0x55: {  	_ =	swait.ge [sflag:s21], $0x4000  }
0x56: {  	[sflag:s21] =	ssyncset.done $0x0  }
0x57: {  	[sflag:s21] =	ssyncadd.s32 $0xFFFFC000  }
0x58: {  	[spmem:s2] =	stream.indirect.scatter.add.f32 [tilespmem:s20], [sflag:$0x1], $0x80, s25, s22, $0xb8;
	[tilespmem:$0x18800] =	vst v63  }
0x59: {  	_ =	swait.ge [sflag:s21], $0x4000  }
0x5a: {  	[sflag:s21] =	ssyncset.done $0x0  }
0x5b: {  	[sflag:s21] =	ssyncadd.s32 $0xFFFFC000  }
0x5c: {  	[spmem:s2] =	stream.indirect.scatter.add.f32 [tilespmem:s20], [sflag:$0x1], $0x80, s26, s22, $0xb8;
	[tilespmem:$0x18800] =	vst v63  }
0x5d: {  	_ =	swait.ge [sflag:s21], $0x4000  }
0x5e: {  	[sflag:s21] =	ssyncset.done $0x0  }
0x5f: {  	[sflag:s21] =	ssyncadd.s32 $0xFFFFC000  }
0x60: {  	[spmem:s2] =	stream.indirect.scatter.add.f32 [tilespmem:s20], [sflag:$0x1], $0x80, s28, s22, $0xb8;
	[tilespmem:$0x18800] =	vst v63  }
0x61: {  	_ =	swait.ge [sflag:s21], $0x4000  }
0x62: {  	[sflag:s21] =	ssyncset.done $0x0  }
0x63: {  	[sflag:s21] =	ssyncadd.s32 $0xFFFFC000  }
0x64: {  	[spmem:s2] =	stream.indirect.scatter.add.f32 [tilespmem:s20], [sflag:$0x1], $0x80, s29, s22, $0xb8;
	[tilespmem:$0x18800] =	vst v63  }
0x65: {  	_ =	swait.ge [sflag:s21], $0x4000  }
0x66: {  	[sflag:s21] =	ssyncset.done $0x0  }
0x67: {  	[sflag:s21] =	ssyncadd.s32 $0xFFFFC000  }
0x68: {  	[spmem:s2] =	stream.indirect.scatter.add.f32 [tilespmem:s20], [sflag:$0x1], $0x80, s30, s22, $0xb8;
	[tilespmem:$0x18800] =	vst v63  }
0x69: {  	_ =	swait.ge [sflag:s21], $0x4000  }
0x6a: {  	[sflag:s21] =	ssyncset.done $0x0  }
0x6b: {  	[sflag:s21] =	ssyncadd.s32 $0xFFFFC000  }
0x6c: {  	[spmem:s2] =	stream.indirect.scatter.add.f32 [tilespmem:s20], [sflag:$0x1], $0x80, s31, s22, $0xb8;
	[tilespmem:$0x18800] =	vst v63  }
0x6d: {  	_ =	swait.ge [sflag:s21], $0x4000  }
0x6e: {  	[sflag:s21] =	ssyncset.done $0x0  }
0x6f: {  	[sflag:s21] =	ssyncadd.s32 $0xFFFFC000  }
0x70: {  	[spmem:s2] =	stream.indirect.scatter.add.f32 [tilespmem:s20], [sflag:$0x1], $0x80, s1, s22, $0xb8;
	[tilespmem:$0x18800] =	vst v63  }
0x71: {  	_ =	swait.ge [sflag:s21], $0x4000  }
0x72: {  	[sflag:s21] =	ssyncset.done $0x0  }
0x73: {  	[sflag:s21] =	ssyncadd.s32 $0xFFFFC000  }
0x74: {  	[spmem:s2] =	stream.indirect.scatter.add.f32 [tilespmem:s20], [sflag:$0x1], $0x80, s0, s22, $0xb8;
	[tilespmem:$0x18800] =	vst v63  }
0x75: {  	_ =	swait.ge [sflag:s21], $0x4000  }
0x76: {  	[sflag:s21] =	ssyncset.done $0x0  }
0x77: {  	[sflag:s21] =	ssyncadd.s32 $0xFFFFC000  }
0x78: {  	[spmem:s2] =	stream.indirect.scatter.add.f32 [tilespmem:s20], [sflag:$0x1], $0x80, s5, s22, $0xb8;
	[tilespmem:$0x18800] =	vst v63  }
0x79: {  	_ =	swait.ge [sflag:s21], $0x4000  }
0x7a: {  	[sflag:s21] =	ssyncset.done $0x0  }
0x7b: {  	[sflag:s21] =	ssyncadd.s32 $0xFFFFC000  }
0x7c: {  	[spmem:s2] =	stream.indirect.scatter.add.f32 [tilespmem:s20], [sflag:$0x1], $0x80, s6, s22, $0xb8;
	[tilespmem:$0x18800] =	vst v63  }
0x7d: {  	_ =	swait.ge [sflag:s21], $0x4000  }
0x7e: {  	[sflag:s21] =	ssyncset.done $0x0  }
0x7f: {  	[sflag:s21] =	ssyncadd.s32 $0xFFFFC000  }
0x80: {  	[spmem:s2] =	stream.indirect.scatter.add.f32 [tilespmem:s20], [sflag:$0x1], $0x80, s7, s22, $0xb8;
	[tilespmem:$0x18800] =	vst v63  }
0x81: {  	_ =	swait.ge [sflag:s21], $0x4000  }
0x82: {  	[sflag:s21] =	ssyncset.done $0x0  }
0x83: {  	[sflag:s21] =	ssyncadd.s32 $0xFFFFC000  }
0x84: {  	[spmem:s2] =	stream.indirect.scatter.add.f32 [tilespmem:s20], [sflag:$0x1], $0x80, s8, s22, $0xb8;
	[tilespmem:$0x18800] =	vst v63  }
0x85: {  	_ =	swait.ge [sflag:s21], $0x4000  }
0x86: {  	s11 =	simm.s32 $0x200;
	s10 =	simm.s32 $0x100;
	[sflag:s21] =	ssyncset.done $0x0  }
.LBB2_6:
0x87: {  	s13 =	sadd.s32 s10, s19  }
0x88: {  	[sflag:s21] =	ssyncadd.s32 $0xFFFFC000;
	s10 =	smov.u32 s11;
	s12 =	sadd.s32 $0x100, s11  }
0x89: {  	[tilespmem:s3], [sflag:$0x1] =	stream.linear.gather [hbm4b:s13+s3], $0x800, $0x38;
	[tilespmem:$0x18800] =	vst v63  }
0x8a: {  	p0 =	sne.s32 s11, $0x400;
	_ =	swait.ge [sflag:s21], $0x800  }
0x8b: {  	[sflag:s21] =	ssyncset.done $0x0  }
0x8c: {  	[sflag:s21] =	ssyncadd.s32 $0xFFFFF800  }
0x8d: {  	[spmem:s2] =	stream.indirect.scatter.add.f32 [tilespmem:s20], [sflag:$0x1], $0x80, s3, s22, $0xb8;
	[tilespmem:$0x18800] =	vst v63  }
0x8e: {  	_ =	swait.ge [sflag:s21], $0x4000  }
0x8f: {  	[sflag:s21] =	ssyncset.done $0x0  }
0x90: {  	[sflag:s21] =	ssyncadd.s32 $0xFFFFC000  }
0x91: {  	[spmem:s2] =	stream.indirect.scatter.add.f32 [tilespmem:s20], [sflag:$0x1], $0x80, s22, s22, $0xb8;
	[tilespmem:$0x18800] =	vst v63  }
0x92: {  	_ =	swait.ge [sflag:s21], $0x4000  }
0x93: {  	[sflag:s21] =	ssyncset.done $0x0  }
0x94: {  	[sflag:s21] =	ssyncadd.s32 $0xFFFFC000  }
0x95: {  	[spmem:s2] =	stream.indirect.scatter.add.f32 [tilespmem:s20], [sflag:$0x1], $0x80, s23, s22, $0xb8;
	[tilespmem:$0x18800] =	vst v63  }
0x96: {  	_ =	swait.ge [sflag:s21], $0x4000  }
0x97: {  	[sflag:s21] =	ssyncset.done $0x0  }
0x98: {  	[sflag:s21] =	ssyncadd.s32 $0xFFFFC000  }
0x99: {  	[spmem:s2] =	stream.indirect.scatter.add.f32 [tilespmem:s20], [sflag:$0x1], $0x80, s24, s22, $0xb8;
	[tilespmem:$0x18800] =	vst v63  }
0x9a: {  	_ =	swait.ge [sflag:s21], $0x4000  }
0x9b: {  	[sflag:s21] =	ssyncset.done $0x0  }
0x9c: {  	[sflag:s21] =	ssyncadd.s32 $0xFFFFC000  }
0x9d: {  	[spmem:s2] =	stream.indirect.scatter.add.f32 [tilespmem:s20], [sflag:$0x1], $0x80, s25, s22, $0xb8;
	[tilespmem:$0x18800] =	vst v63  }
0x9e: {  	_ =	swait.ge [sflag:s21], $0x4000  }
0x9f: {  	[sflag:s21] =	ssyncset.done $0x0  }
0xa0: {  	[sflag:s21] =	ssyncadd.s32 $0xFFFFC000  }
0xa1: {  	[spmem:s2] =	stream.indirect.scatter.add.f32 [tilespmem:s20], [sflag:$0x1], $0x80, s26, s22, $0xb8;
	[tilespmem:$0x18800] =	vst v63  }
0xa2: {  	_ =	swait.ge [sflag:s21], $0x4000  }
0xa3: {  	[sflag:s21] =	ssyncset.done $0x0  }
0xa4: {  	[sflag:s21] =	ssyncadd.s32 $0xFFFFC000  }
0xa5: {  	[spmem:s2] =	stream.indirect.scatter.add.f32 [tilespmem:s20], [sflag:$0x1], $0x80, s28, s22, $0xb8;
	[tilespmem:$0x18800] =	vst v63  }
0xa6: {  	_ =	swait.ge [sflag:s21], $0x4000  }
0xa7: {  	[sflag:s21] =	ssyncset.done $0x0  }
0xa8: {  	[sflag:s21] =	ssyncadd.s32 $0xFFFFC000  }
0xa9: {  	[spmem:s2] =	stream.indirect.scatter.add.f32 [tilespmem:s20], [sflag:$0x1], $0x80, s29, s22, $0xb8;
	[tilespmem:$0x18800] =	vst v63  }
0xaa: {  	_ =	swait.ge [sflag:s21], $0x4000  }
0xab: {  	[sflag:s21] =	ssyncset.done $0x0  }
0xac: {  	[sflag:s21] =	ssyncadd.s32 $0xFFFFC000  }
0xad: {  	[spmem:s2] =	stream.indirect.scatter.add.f32 [tilespmem:s20], [sflag:$0x1], $0x80, s30, s22, $0xb8;
	[tilespmem:$0x18800] =	vst v63  }
0xae: {  	_ =	swait.ge [sflag:s21], $0x4000  }
0xaf: {  	[sflag:s21] =	ssyncset.done $0x0  }
0xb0: {  	[sflag:s21] =	ssyncadd.s32 $0xFFFFC000  }
0xb1: {  	[spmem:s2] =	stream.indirect.scatter.add.f32 [tilespmem:s20], [sflag:$0x1], $0x80, s31, s22, $0xb8;
	[tilespmem:$0x18800] =	vst v63  }
0xb2: {  	_ =	swait.ge [sflag:s21], $0x4000  }
0xb3: {  	[sflag:s21] =	ssyncset.done $0x0  }
0xb4: {  	[sflag:s21] =	ssyncadd.s32 $0xFFFFC000  }
0xb5: {  	[spmem:s2] =	stream.indirect.scatter.add.f32 [tilespmem:s20], [sflag:$0x1], $0x80, s1, s22, $0xb8;
	[tilespmem:$0x18800] =	vst v63  }
0xb6: {  	_ =	swait.ge [sflag:s21], $0x4000  }
0xb7: {  	[sflag:s21] =	ssyncset.done $0x0  }
0xb8: {  	[sflag:s21] =	ssyncadd.s32 $0xFFFFC000  }
0xb9: {  	[spmem:s2] =	stream.indirect.scatter.add.f32 [tilespmem:s20], [sflag:$0x1], $0x80, s0, s22, $0xb8;
	[tilespmem:$0x18800] =	vst v63  }
0xba: {  	_ =	swait.ge [sflag:s21], $0x4000  }
0xbb: {  	[sflag:s21] =	ssyncset.done $0x0  }
0xbc: {  	[sflag:s21] =	ssyncadd.s32 $0xFFFFC000  }
0xbd: {  	[spmem:s2] =	stream.indirect.scatter.add.f32 [tilespmem:s20], [sflag:$0x1], $0x80, s5, s22, $0xb8;
	[tilespmem:$0x18800] =	vst v63  }
0xbe: {  	_ =	swait.ge [sflag:s21], $0x4000  }
0xbf: {  	[sflag:s21] =	ssyncset.done $0x0  }
0xc0: {  	[sflag:s21] =	ssyncadd.s32 $0xFFFFC000  }
0xc1: {  	[spmem:s2] =	stream.indirect.scatter.add.f32 [tilespmem:s20], [sflag:$0x1], $0x80, s6, s22, $0xb8;
	[tilespmem:$0x18800] =	vst v63  }
0xc2: {  	_ =	swait.ge [sflag:s21], $0x4000  }
0xc3: {  	[sflag:s21] =	ssyncset.done $0x0  }
0xc4: {  	[sflag:s21] =	ssyncadd.s32 $0xFFFFC000  }
0xc5: {  	[spmem:s2] =	stream.indirect.scatter.add.f32 [tilespmem:s20], [sflag:$0x1], $0x80, s7, s22, $0xb8;
	[tilespmem:$0x18800] =	vst v63  }
0xc6: {  	_ =	swait.ge [sflag:s21], $0x4000  }
.Ltmp2:
0xc7: {  	[sflag:s21] =	ssyncset.done $0x0;
	(pc) =	sbr.rel @p0 .LBB2_6-.Ltmp2, $4  }
0xc8: {  	[sflag:s21] =	ssyncadd.s32 $0xFFFFC000  }
0xc9: {  	[spmem:s2] =	stream.indirect.scatter.add.f32 [tilespmem:s20], [sflag:$0x1], $0x80, s8, s22, $0xb8;
	[tilespmem:$0x18800] =	vst v63  }
0xca: {  	_ =	swait.ge [sflag:s21], $0x4000  }
0xcb: {  	s11 =	smov.u32 s12;
	[sflag:s21] =	ssyncset.done $0x0  }
0xcc: {  	s10 =	sadd.s32 s10, s19;
	[sflag:s21] =	ssyncadd.s32 $0xFFFFC000  }
0xcd: {  	[tilespmem:s3], [sflag:$0x1] =	stream.linear.gather [hbm4b:s10+s3], $0x800, $0x38;
	[tilespmem:$0x18800] =	vst v63  }
0xce: {  	_ =	swait.ge [sflag:s21], $0x800  }
0xcf: {  	[sflag:s21] =	ssyncset.done $0x0  }
0xd0: {  	[sflag:s21] =	ssyncadd.s32 $0xFFFFF800  }
0xd1: {  	[spmem:s2] =	stream.indirect.scatter.add.f32 [tilespmem:s20], [sflag:$0x1], $0x80, s3, s22, $0xb8;
	[tilespmem:$0x18800] =	vst v63  }
0xd2: {  	_ =	swait.ge [sflag:s21], $0x4000  }
0xd3: {  	[sflag:s21] =	ssyncset.done $0x0  }
0xd4: {  	[sflag:s21] =	ssyncadd.s32 $0xFFFFC000  }
0xd5: {  	[spmem:s2] =	stream.indirect.scatter.add.f32 [tilespmem:s20], [sflag:$0x1], $0x80, s22, s22, $0xb8;
	[tilespmem:$0x18800] =	vst v63  }
0xd6: {  	_ =	swait.ge [sflag:s21], $0x4000  }
0xd7: {  	[sflag:s21] =	ssyncset.done $0x0  }
0xd8: {  	[sflag:s21] =	ssyncadd.s32 $0xFFFFC000  }
0xd9: {  	[spmem:s2] =	stream.indirect.scatter.add.f32 [tilespmem:s20], [sflag:$0x1], $0x80, s23, s22, $0xb8;
	[tilespmem:$0x18800] =	vst v63  }
0xda: {  	_ =	swait.ge [sflag:s21], $0x4000  }
0xdb: {  	[sflag:s21] =	ssyncset.done $0x0  }
0xdc: {  	[sflag:s21] =	ssyncadd.s32 $0xFFFFC000  }
0xdd: {  	[spmem:s2] =	stream.indirect.scatter.add.f32 [tilespmem:s20], [sflag:$0x1], $0x80, s24, s22, $0xb8;
	[tilespmem:$0x18800] =	vst v63  }
0xde: {  	_ =	swait.ge [sflag:s21], $0x4000  }
0xdf: {  	[sflag:s21] =	ssyncset.done $0x0  }
0xe0: {  	[sflag:s21] =	ssyncadd.s32 $0xFFFFC000  }
0xe1: {  	[spmem:s2] =	stream.indirect.scatter.add.f32 [tilespmem:s20], [sflag:$0x1], $0x80, s25, s22, $0xb8;
	[tilespmem:$0x18800] =	vst v63  }
0xe2: {  	_ =	swait.ge [sflag:s21], $0x4000  }
0xe3: {  	[sflag:s21] =	ssyncset.done $0x0  }
0xe4: {  	[sflag:s21] =	ssyncadd.s32 $0xFFFFC000  }
0xe5: {  	[spmem:s2] =	stream.indirect.scatter.add.f32 [tilespmem:s20], [sflag:$0x1], $0x80, s26, s22, $0xb8;
	[tilespmem:$0x18800] =	vst v63  }
0xe6: {  	_ =	swait.ge [sflag:s21], $0x4000  }
0xe7: {  	[sflag:s21] =	ssyncset.done $0x0  }
0xe8: {  	[sflag:s21] =	ssyncadd.s32 $0xFFFFC000  }
0xe9: {  	[spmem:s2] =	stream.indirect.scatter.add.f32 [tilespmem:s20], [sflag:$0x1], $0x80, s28, s22, $0xb8;
	[tilespmem:$0x18800] =	vst v63  }
0xea: {  	_ =	swait.ge [sflag:s21], $0x4000  }
0xeb: {  	[sflag:s21] =	ssyncset.done $0x0  }
0xec: {  	[sflag:s21] =	ssyncadd.s32 $0xFFFFC000  }
0xed: {  	[spmem:s2] =	stream.indirect.scatter.add.f32 [tilespmem:s20], [sflag:$0x1], $0x80, s29, s22, $0xb8;
	[tilespmem:$0x18800] =	vst v63  }
0xee: {  	_ =	swait.ge [sflag:s21], $0x4000  }
0xef: {  	[sflag:s21] =	ssyncset.done $0x0  }
0xf0: {  	[sflag:s21] =	ssyncadd.s32 $0xFFFFC000  }
0xf1: {  	[spmem:s2] =	stream.indirect.scatter.add.f32 [tilespmem:s20], [sflag:$0x1], $0x80, s30, s22, $0xb8;
	[tilespmem:$0x18800] =	vst v63  }
0xf2: {  	_ =	swait.ge [sflag:s21], $0x4000  }
0xf3: {  	[sflag:s21] =	ssyncset.done $0x0  }
0xf4: {  	[sflag:s21] =	ssyncadd.s32 $0xFFFFC000  }
0xf5: {  	[spmem:s2] =	stream.indirect.scatter.add.f32 [tilespmem:s20], [sflag:$0x1], $0x80, s31, s22, $0xb8;
	[tilespmem:$0x18800] =	vst v63  }
0xf6: {  	_ =	swait.ge [sflag:s21], $0x4000  }
0xf7: {  	[sflag:s21] =	ssyncset.done $0x0  }
0xf8: {  	[sflag:s21] =	ssyncadd.s32 $0xFFFFC000  }
0xf9: {  	[spmem:s2] =	stream.indirect.scatter.add.f32 [tilespmem:s20], [sflag:$0x1], $0x80, s1, s22, $0xb8;
	[tilespmem:$0x18800] =	vst v63  }
0xfa: {  	_ =	swait.ge [sflag:s21], $0x4000  }
0xfb: {  	[sflag:s21] =	ssyncset.done $0x0  }
0xfc: {  	[sflag:s21] =	ssyncadd.s32 $0xFFFFC000  }
0xfd: {  	[spmem:s2] =	stream.indirect.scatter.add.f32 [tilespmem:s20], [sflag:$0x1], $0x80, s0, s22, $0xb8;
	[tilespmem:$0x18800] =	vst v63  }
0xfe: {  	_ =	swait.ge [sflag:s21], $0x4000  }
0xff: {  	[sflag:s21] =	ssyncset.done $0x0  }
0x100: {  	[sflag:s21] =	ssyncadd.s32 $0xFFFFC000  }
0x101: {  	[spmem:s2] =	stream.indirect.scatter.add.f32 [tilespmem:s20], [sflag:$0x1], $0x80, s5, s22, $0xb8;
	[tilespmem:$0x18800] =	vst v63  }
0x102: {  	_ =	swait.ge [sflag:s21], $0x4000  }
0x103: {  	[sflag:s21] =	ssyncset.done $0x0  }
0x104: {  	[sflag:s21] =	ssyncadd.s32 $0xFFFFC000  }
0x105: {  	[spmem:s2] =	stream.indirect.scatter.add.f32 [tilespmem:s20], [sflag:$0x1], $0x80, s6, s22, $0xb8;
	[tilespmem:$0x18800] =	vst v63  }
0x106: {  	_ =	swait.ge [sflag:s21], $0x4000  }
0x107: {  	[sflag:s21] =	ssyncset.done $0x0  }
0x108: {  	[sflag:s21] =	ssyncadd.s32 $0xFFFFC000  }
0x109: {  	[spmem:s2] =	stream.indirect.scatter.add.f32 [tilespmem:s20], [sflag:$0x1], $0x80, s7, s22, $0xb8;
	[tilespmem:$0x18800] =	vst v63  }
0x10a: {  	_ =	swait.ge [sflag:s21], $0x4000  }
0x10b: {  	[sflag:s21] =	ssyncset.done $0x0  }
0x10c: {  	[sflag:s21] =	ssyncadd.s32 $0xFFFFC000  }
0x10d: {  	[spmem:s2] =	stream.indirect.scatter.add.f32 [tilespmem:s20], [sflag:$0x1], $0x80, s8, s22, $0xb8;
	[tilespmem:$0x18800] =	vst v63  }
0x10e: {  	_ =	swait.ge [sflag:s21], $0x4000  }
0x10f: {  	[sflag:s21] =	ssyncset.done $0x0  }
0x110: {  	[sflag:s21] =	ssyncadd.s32 $0xFFFFC000  }
0x111: {  	[bflag:$0x0] =	sbarrier.arrive $0xFFFF  }
0x112: {  	[tilespmem:s20], [sflag:$0x1] =	stream.linear.gather [spmem:s4], $0x4000, $0x38;
	[tilespmem:$0x18800] =	vst v63  }
0x113: {  	_ =	swait.ge [sflag:s21], $0x4000  }
0x114: {  	[sflag:s21] =	ssyncset.done $0x0  }
0x115: {  	s12 =	rddreg [dreg:$0x8];
	[sflag:s21] =	ssyncadd.s32 $0xFFFFC000  }
0x116: {  	[hbm4b:s12+s3] =	stream.linear.scatter [tilespmem:s20], [sflag:$0x1], $0x4000, $0x38;
	[tilespmem:$0x18800] =	vst v63  }
0x117: {  	_ =	swait.ge [sflag:s21], $0x4000  }
0x118: {  	[sflag:s21] =	ssyncset.done $0x0  }
0x119: {  	s13 =	rddreg [dreg:$0x9];
	[sflag:s21] =	ssyncadd.s32 $0xFFFFC000  }
0x11a: {  	[tilespmem:s20], [sflag:$0x1] =	stream.linear.gather [spmem:s13], $0x4000, $0x38;
	[tilespmem:$0x18800] =	vst v63  }
0x11b: {  	_ =	swait.ge [sflag:s21], $0x4000  }
0x11c: {  	[sflag:s21] =	ssyncset.done $0x0  }
0x11d: {  	s11 =	rddreg [dreg:$0xa];
	[sflag:s21] =	ssyncadd.s32 $0xFFFFC000  }
0x11e: {  	[hbm4b:s11+s3] =	stream.linear.scatter [tilespmem:s20], [sflag:$0x1], $0x4000, $0x38;
	[tilespmem:$0x18800] =	vst v63  }
0x11f: {  	_ =	swait.ge [sflag:s21], $0x4000  }
0x120: {  	[sflag:s21] =	ssyncset.done $0x0  }
0x121: {  	s12 =	rddreg [dreg:$0xb];
	[sflag:s21] =	ssyncadd.s32 $0xFFFFC000  }
0x122: {  	[tilespmem:s20], [sflag:$0x1] =	stream.linear.gather [spmem:s12], $0x4000, $0x38;
	[tilespmem:$0x18800] =	vst v63  }
0x123: {  	_ =	swait.ge [sflag:s21], $0x4000  }
0x124: {  	[sflag:s21] =	ssyncset.done $0x0  }
0x125: {  	[sflag:s21] =	ssyncadd.s32 $0xFFFFC000  }
0x126: {  	[hbm4b:s14+s3] =	stream.linear.scatter [tilespmem:s20], [sflag:$0x1], $0x4000, $0x38;
	[tilespmem:$0x18800] =	vst v63  }
0x127: {  	_ =	swait.ge [sflag:s21], $0x4000  }
0x128: {  	[sflag:s21] =	ssyncset.done $0x0  }
0x129: {  	[sflag:s21] =	ssyncadd.s32 $0xFFFFC000  }
0x12a: {  	[tilespmem:s20], [sflag:$0x1] =	stream.linear.gather [spmem:s15], $0x4000, $0x38;
	[tilespmem:$0x18800] =	vst v63  }
0x12b: {  	_ =	swait.ge [sflag:s21], $0x4000  }
0x12c: {  	[sflag:s21] =	ssyncset.done $0x0  }
0x12d: {  	[sflag:s21] =	ssyncadd.s32 $0xFFFFC000  }
0x12e: {  	[hbm4b:s16+s3] =	stream.linear.scatter [tilespmem:s20], [sflag:$0x1], $0x4000, $0x38;
	[tilespmem:$0x18800] =	vst v63  }
0x12f: {  	_ =	swait.ge [sflag:s21], $0x4000  }
0x130: {  	[sflag:s21] =	ssyncset.done $0x0  }
0x131: {  	[sflag:s21] =	ssyncadd.s32 $0xFFFFC000  }
0x132: {  	[tilespmem:s20], [sflag:$0x1] =	stream.linear.gather [spmem:s17], $0x4000, $0x38;
	[tilespmem:$0x18800] =	vst v63  }
0x133: {  	_ =	swait.ge [sflag:s21], $0x4000  }
0x134: {  	[sflag:s21] =	ssyncset.done $0x0  }
0x135: {  	[sflag:s21] =	ssyncadd.s32 $0xFFFFC000  }
0x136: {  	[hbm4b:s18+s3] =	stream.linear.scatter [tilespmem:s20], [sflag:$0x1], $0x4000, $0x38;
	[tilespmem:$0x18800] =	vst v63  }
0x137: {  	_ =	swait.ge [sflag:s21], $0x4000  }
0x138: {  	s9 =	sadd.s32 $0x1, s9;
	s13 =	rddreg [dreg:$0x3]  }
0x139: {  	p0 =	sne.s32 s9, s13  }
.Ltmp3:
0x13a: {  	_ = 	snop;
	(pc) =	sbr.rel @p0 .LBB2_1-.Ltmp3, $3  }
0x13b: {  	_ =	sdelay $0x1  }
0x13c: {  	[sflag:s21] =	ssyncset.done $0x0  }
0x13d: {  	[sflag:s21] =	ssyncadd.s32 $0xFFFFC000  }
0x13e: {  	_ =	sfence.sel $0x180000  }
0x13f: {  	[bflag:$0x0] =	sbarrier.arrive $0xFFFF  }
0x140: {  	_ =	strace $0x90000047  }
0x141: {  	s0 =	stileid.u32;
	[bflag:$0x2] =	sbarrier.arrive $0xFFFF  }
0x142: {  	p0 =	sne.s32 s0, $0x0;
	s0 =	rddreg [dreg:$0x2]  }
0x143: {  	s0 =	sadd.s32 @!p0 $0x100000, s0  }
0x144: {  	[sflag:s0] =	ssyncadd.tile.s32 @!p0 $0x1;
	_ =	shalt  }
.Lfunc_end2:
_tile_overlayer_lowered:
.L_overlay_start_2:
0x145: {  	(tag) =	ssettag $0x2  }
0x146: {  	s0 =	rddreg [dreg:$0x0];
	s2 =	stileid.u32  }
0x147: {  	s1 =	rddreg [dreg:$0x1];
	p0 =	sne.s32 s2, $0x0  }
0x148: {  	s3 =	rddreg [dreg:$0x2];
	[bflag:$0x3] =	sbarrier.arrive $0xFFFF;
	s2 =	simm.s32 @!p0 $0x1C01  }
0x149: {  	[timem:s3], [sflag:s2] =	dma.local @!p0 [hbm:s0], s1  }
0x14a: {  	s0 =	simm.s32 @!p0 $0x1  }
0x14b: {  	_ =	swait.ge @!p0 [sflag:s0], s1  }
0x14c: {  	s1 =	ssub.s32 @!p0 $0x0, s1;
	[sflag:s0] =	ssyncset.done @!p0 $0x0  }
0x14d: {  	[sflag:s0] =	ssyncadd.s32 @!p0 s1  }
0x14e: {  	[bflag:$0x3] =	sbarrier.arrive $0xFFFF  }
0x14f: {  	_ =	shalt  }

</sc_bundles>
